<compile_context>
chip_gen: v7x
topology: tpu7x:2x2x1
jax: 0.10.2.dev20260603
libtpu: 0.0.44.dev20260713+nightly
codegen_flags: <defaults>
</compile_context>

<pallas_src>
import functools

import jax
import jax.numpy as jnp
from jax import lax
from jax.experimental import pallas as pl
from jax.experimental.pallas import tpu as pltpu
from jax.experimental.pallas import tpu_sc as plsc

_B = 16384
_D = 128
_L = 16
_NC, _NS = 2, 16
_NW = _NC * _NS
_BPW = _B // _NW
_IDXC = 128
_NIDX = _BPW // _IDXC
_SUB = 32
_NSUB = _BPW // _SUB
_NSLOT = 8
_EPS = 1e-8
_MAGIC = 0x5F3759DF


def _shuf(v, sh):
    dnums = lax.GatherDimensionNumbers(
        offset_dims=(), collapsed_slice_dims=(0,), start_index_map=(0,))
    perm = (lax.iota(jnp.int32, _L) ^ sh).reshape(_L, 1)
    return lax.gather(v, perm, dnums, (1,),
                      mode=lax.GatherScatterMode.PROMISE_IN_BOUNDS)


def _fold_merge(ta, tb, sh, mask):
    return tuple(jnp.where(mask, a + _shuf(a, sh), b + _shuf(b, sh))
                 for a, b in zip(ta, tb))


def _rsqrt(p):
    bits = lax.bitcast_convert_type(p, jnp.int32)
    y = lax.bitcast_convert_type(_MAGIC - (bits >> 1), jnp.float32)
    for _ in range(3):
        y = y * (1.5 - 0.5 * p * y * y)
    return y


def _sc_body(users_h, items_h, ut_h, it_h, out_h,
             idx_u, idx_i, ub, ib, outb, sem_idx, semu, semi, sem_out):
    wid = lax.axis_index("s") * _NC + lax.axis_index("c")
    base = wid * _BPW
    lane = lax.iota(jnp.int32, _L)
    masks = {sh: (lane & sh) == 0 for sh in (8, 4, 2, 1)}

    idx_copies = []
    for q in range(_NIDX):
        idx_copies.append(pltpu.make_async_copy(
            users_h.at[pl.ds(base + q * _IDXC, _IDXC)], idx_u.at[q],
            sem_idx.at[q]))
        idx_copies.append(pltpu.make_async_copy(
            items_h.at[pl.ds(base + q * _IDXC, _IDXC)], idx_i.at[q],
            sem_idx.at[q]))
    for h in idx_copies:
        h.start()

    def gather(c, slot):
        q = c // (_IDXC // _SUB)
        r = (c % (_IDXC // _SUB)) * _SUB
        sl = pl.ds(slot * _SUB, _SUB)
        return (pltpu.make_async_copy(
                    ut_h.at[idx_u.at[q, pl.ds(r, _SUB)]], ub.at[sl],
                    semu.at[slot]),
                pltpu.make_async_copy(
                    it_h.at[idx_i.at[q, pl.ds(r, _SUB)]], ib.at[sl],
                    semi.at[slot]))

    subs_per_idx = _IDXC // _SUB
    for c in range(_NSLOT):
        if c % subs_per_idx == 0:
            q = c // subs_per_idx
            idx_copies[2 * q].wait()
            idx_copies[2 * q + 1].wait()
        for h in gather(c, c):
            h.start()
    for q in range(_NSLOT // subs_per_idx, _NIDX):
        idx_copies[2 * q].wait()
        idx_copies[2 * q + 1].wait()

    def row_acc(r):
        an = jnp.zeros((_L,), jnp.float32)
        au = jnp.zeros((_L,), jnp.float32)
        ai = jnp.zeros((_L,), jnp.float32)
        for j in range(_D // _L):
            u = ub[r, pl.ds(j * _L, _L)]
            v = ib[r, pl.ds(j * _L, _L)]
            an = an + u * v
            au = au + u * u
            ai = ai + v * v
        return an, au, ai

    def chunk(c, _):
        slot = lax.rem(c, _NSLOT)
        rb = slot * _SUB
        for h in gather(c, slot):
            h.wait()

        def group(g, _):
            r0 = rb + g * _L
            pairs = [_fold_merge(row_acc(r0 + r), row_acc(r0 + r + 8),
                                 8, masks[8]) for r in range(8)]
            quads = [_fold_merge(pairs[r], pairs[r + 4], 4, masks[4])
                     for r in range(4)]
            duos = [_fold_merge(quads[r], quads[r + 2], 2, masks[2])
                    for r in range(2)]
            nv, au, ai = _fold_merge(duos[0], duos[1], 1, masks[1])
            pv = au * ai
            recip = jnp.where(pv >= _EPS * _EPS, _rsqrt(pv),
                              jnp.float32(1.0 / _EPS))
            outb[pl.ds(c * _SUB + g * _L, _L)] = nv * recip
            return 0

        lax.fori_loop(0, _SUB // _L, group, 0)

        @pl.when(c + _NSLOT < _NSUB)
        def _():
            for h in gather(c + _NSLOT, slot):
                h.start()

        return 0

    lax.fori_loop(0, _NSUB, chunk, 0)
    out_copy = pltpu.make_async_copy(
        outb, out_h.at[pl.ds(base, _BPW)], sem_out)
    out_copy.start()
    out_copy.wait()


@jax.jit
def kernel(users, items, user_table, item_table):
    mesh = plsc.VectorSubcoreMesh(core_axis_name="c", subcore_axis_name="s")
    f = functools.partial(
        pl.kernel,
        mesh=mesh,
        out_type=jax.ShapeDtypeStruct((_B,), jnp.float32),
        scratch_types=[
            pltpu.VMEM((_NIDX, _IDXC), jnp.int32),
            pltpu.VMEM((_NIDX, _IDXC), jnp.int32),
            pltpu.VMEM((_NSLOT * _SUB, _D), jnp.float32),
            pltpu.VMEM((_NSLOT * _SUB, _D), jnp.float32),
            pltpu.VMEM((_BPW,), jnp.float32),
            pltpu.SemaphoreType.DMA((_NIDX,)),
            pltpu.SemaphoreType.DMA((_NSLOT,)),
            pltpu.SemaphoreType.DMA((_NSLOT,)),
            pltpu.SemaphoreType.DMA,
        ],
    )(_sc_body)
    return f(users, items, user_table, item_table)

# --- scband reference (transcript-rebuilt; emitter-appended) ---
"""Pipeline reference for scband-base-model-29205777613565 (READ-ONLY COPY).

The authoritative reference and input builder live on the scoring server;
editing this copy changes nothing except your own understanding.
"""

import jax, jax.numpy as jnp
import numpy as np

USERS = 100000
ITEMS = 100000
D = 128
B = 16384
EPS = 1e-8


def setup_inputs(seed: int = 0) -> dict:
    key = jax.random.key(seed)
    k1, k2, k3, k4 = jax.random.split(key, 4)
    users = jax.random.randint(k1, (B,), 0, USERS, dtype=jnp.int64 if jax.config.jax_enable_x64 else jnp.int32).astype(jnp.int32)
    items = jax.random.randint(k2, (B,), 0, ITEMS, dtype=jnp.int64 if jax.config.jax_enable_x64 else jnp.int32).astype(jnp.int32)
    # Learned embedding tables, initialized like torch.nn.init.normal_(std=0.001)
    user_table = jax.random.normal(k3, (USERS, D), dtype=jnp.float32) * 0.001
    item_table = jax.random.normal(k4, (ITEMS, D), dtype=jnp.float32) * 0.001
    return {"users": users, "items": items, "user_table": user_table, "item_table": item_table}


def reference(users, items, user_table, item_table):
    # Eval-mode forward of BaseModel (self.training=False, so no negative sampling branch):
    #   uv = user_embeds(users); iv = item_embeds(items); return cosine_similarity(uv, iv)
    uv = jnp.take(user_table, users, axis=0)  # embedding gather [B, D]
    iv = jnp.take(item_table, items, axis=0)  # embedding gather [B, D]
    num = jnp.sum(uv * iv, axis=1)
    denom = jnp.maximum(jnp.linalg.norm(uv, axis=1) * jnp.linalg.norm(iv, axis=1), EPS)
    return num / denom

if __name__ == "__main__":
    import jax
    _d = setup_inputs()
    print(jax.jit(kernel)(*tuple(_d.values())))

</pallas_src>

<mosaic_0001>
#map = affine_map<(d0, d1) -> (0)>
#map1 = affine_map<(d0, d1) -> (0, 0)>
module attributes {stable_mosaic.version = 14 : i64} {
  func.func @_sc_body(%arg0: i32, %arg1: i32, %arg2: memref<16384xi32, #tpu.memory_space<hbm>>, %arg3: memref<16384xi32, #tpu.memory_space<hbm>>, %arg4: memref<100000x128xf32, #tpu.memory_space<hbm>>, %arg5: memref<100000x128xf32, #tpu.memory_space<hbm>>, %arg6: memref<16384xf32, #tpu.memory_space<hbm>>, %arg7: memref<4x128xi32, #tpu.memory_space<vmem>>, %arg8: memref<4x128xi32, #tpu.memory_space<vmem>>, %arg9: memref<256x128xf32, #tpu.memory_space<vmem>>, %arg10: memref<256x128xf32, #tpu.memory_space<vmem>>, %arg11: memref<512xf32, #tpu.memory_space<vmem>>, %arg12: memref<4x!tpu.dma_semaphore, #tpu.memory_space<semaphore_mem>>, %arg13: memref<8x!tpu.dma_semaphore, #tpu.memory_space<semaphore_mem>>, %arg14: memref<8x!tpu.dma_semaphore, #tpu.memory_space<semaphore_mem>>, %arg15: memref<!tpu.dma_semaphore, #tpu.memory_space<semaphore_mem>>) attributes {dimension_semantics = [#tpu.dimension_semantics<core_parallel>, #tpu.dimension_semantics<subcore_parallel>], iteration_bounds = array<i64: 2, 16>, scalar_prefetch = 0 : i64, scratch_operands = 9 : i64, tpu.core_type = #tpu.core_type<sc_vector_subcore>, window_params = [{transform_indices = #map}, {transform_indices = #map}, {transform_indices = #map1}, {transform_indices = #map1}, {transform_indices = #map}]} {
    %mul3A = arith.constant 2 : i32
    %mul3A_0 = arith.muli %arg1, %mul3A : i32
    %add3A = arith.addi %mul3A_0, %arg0 : i32
    %mul3A_1 = arith.constant 512 : i32
    %mul3A_2 = arith.muli %add3A, %mul3A_1 : i32
    %iota3A = tpu.iota {dimensions = array<i32: 0>} : vector<16xi32>
    %and3A = arith.constant 8 : i32
    %and3A_3 = vector.broadcast %and3A : i32 to vector<16xi32>
    %and3A_4 = arith.andi %iota3A, %and3A_3 : vector<16xi32>
    %eq3A = arith.constant 0 : i32
    %eq3A_5 = vector.broadcast %eq3A : i32 to vector<16xi32>
    %eq3A_6 = arith.cmpi eq, %and3A_4, %eq3A_5 : vector<16xi32>
    %and3A_7 = arith.constant 4 : i32
    %and3A_8 = vector.broadcast %and3A_7 : i32 to vector<16xi32>
    %and3A_9 = arith.andi %iota3A, %and3A_8 : vector<16xi32>
    %eq3A_10 = arith.constant 0 : i32
    %eq3A_11 = vector.broadcast %eq3A_10 : i32 to vector<16xi32>
    %eq3A_12 = arith.cmpi eq, %and3A_9, %eq3A_11 : vector<16xi32>
    %and3A_13 = arith.constant 2 : i32
    %and3A_14 = vector.broadcast %and3A_13 : i32 to vector<16xi32>
    %and3A_15 = arith.andi %iota3A, %and3A_14 : vector<16xi32>
    %eq3A_16 = arith.constant 0 : i32
    %eq3A_17 = vector.broadcast %eq3A_16 : i32 to vector<16xi32>
    %eq3A_18 = arith.cmpi eq, %and3A_15, %eq3A_17 : vector<16xi32>
    %and3A_19 = arith.constant 1 : i32
    %and3A_20 = vector.broadcast %and3A_19 : i32 to vector<16xi32>
    %and3A_21 = arith.andi %iota3A, %and3A_20 : vector<16xi32>
    %eq3A_22 = arith.constant 0 : i32
    %eq3A_23 = vector.broadcast %eq3A_22 : i32 to vector<16xi32>
    %eq3A_24 = arith.cmpi eq, %and3A_21, %eq3A_23 : vector<16xi32>
    %add3A_25 = arith.constant 0 : i32
    %add3A_26 = arith.addi %mul3A_2, %add3A_25 : i32
    %add3A_27 = arith.constant 0 : i32
    %add3A_28 = arith.addi %mul3A_2, %add3A_27 : i32
    %add3A_29 = arith.constant 128 : i32
    %add3A_30 = arith.addi %mul3A_2, %add3A_29 : i32
    %add3A_31 = arith.constant 128 : i32
    %add3A_32 = arith.addi %mul3A_2, %add3A_31 : i32
    %add3A_33 = arith.constant 256 : i32
    %add3A_34 = arith.addi %mul3A_2, %add3A_33 : i32
    %add3A_35 = arith.constant 256 : i32
    %add3A_36 = arith.addi %mul3A_2, %add3A_35 : i32
    %add3A_37 = arith.constant 384 : i32
    %add3A_38 = arith.addi %mul3A_2, %add3A_37 : i32
    %add3A_39 = arith.constant 384 : i32
    %add3A_40 = arith.addi %mul3A_2, %add3A_39 : i32
    %dma_start3A = arith.constant 0 : i32
    %dma_start3A_41 = arith.constant 0 : i32
    %dma_start3A_42 = arith.constant 0 : i32
    %dma_start3A_43 = tpu.memref_slice %arg7[%dma_start3A, %dma_start3A_42] : memref<4x128xi32, #tpu.memory_space<vmem>> -> memref<1x128xi32, #tpu.memory_space<vmem>>
    %dma_start3A_44 = tpu.memref_squeeze %dma_start3A_43 : memref<1x128xi32, #tpu.memory_space<vmem>> -> memref<128xi32, #tpu.memory_space<vmem>>
    %dma_start3A_45 = tpu.memref_slice %arg2[%add3A_26] : memref<16384xi32, #tpu.memory_space<hbm>> -> memref<128xi32, #tpu.memory_space<hbm>>
    %dma_start3A_46 = tpu.memref_slice %arg12[%dma_start3A_41] : memref<4x!tpu.dma_semaphore, #tpu.memory_space<semaphore_mem>> -> memref<1x!tpu.dma_semaphore, #tpu.memory_space<semaphore_mem>>
    %dma_start3A_47 = tpu.memref_squeeze %dma_start3A_46 : memref<1x!tpu.dma_semaphore, #tpu.memory_space<semaphore_mem>> -> memref<!tpu.dma_semaphore, #tpu.memory_space<semaphore_mem>>
    %dma_start3A_48 = arith.constant 0 : i32
    %dma_start3A_49 = tpu.memref_slice %arg7[%dma_start3A, %dma_start3A_48] : memref<4x128xi32, #tpu.memory_space<vmem>> -> memref<1x128xi32, #tpu.memory_space<vmem>>
    %dma_start3A_50 = tpu.memref_squeeze %dma_start3A_49 : memref<1x128xi32, #tpu.memory_space<vmem>> -> memref<128xi32, #tpu.memory_space<vmem>>
    %dma_start3A_51 = tpu.memref_slice %arg2[%add3A_26] : memref<16384xi32, #tpu.memory_space<hbm>> -> memref<128xi32, #tpu.memory_space<hbm>>
    tpu.enqueue_dma source(%dma_start3A_51 : memref<128xi32, #tpu.memory_space<hbm>>) target(%dma_start3A_50 : memref<128xi32, #tpu.memory_space<vmem>>) target_semaphore(%dma_start3A_47 : memref<!tpu.dma_semaphore, #tpu.memory_space<semaphore_mem>>)
    %dma_start3A_52 = arith.constant 0 : i32
    %dma_start3A_53 = arith.constant 0 : i32
    %dma_start3A_54 = arith.constant 0 : i32
    %dma_start3A_55 = tpu.memref_slice %arg8[%dma_start3A_52, %dma_start3A_54] : memref<4x128xi32, #tpu.memory_space<vmem>> -> memref<1x128xi32, #tpu.memory_space<vmem>>
    %dma_start3A_56 = tpu.memref_squeeze %dma_start3A_55 : memref<1x128xi32, #tpu.memory_space<vmem>> -> memref<128xi32, #tpu.memory_space<vmem>>
    %dma_start3A_57 = tpu.memref_slice %arg3[%add3A_28] : memref<16384xi32, #tpu.memory_space<hbm>> -> memref<128xi32, #tpu.memory_space<hbm>>
    %dma_start3A_58 = tpu.memref_slice %arg12[%dma_start3A_53] : memref<4x!tpu.dma_semaphore, #tpu.memory_space<semaphore_mem>> -> memref<1x!tpu.dma_semaphore, #tpu.memory_space<semaphore_mem>>
    %dma_start3A_59 = tpu.memref_squeeze %dma_start3A_58 : memref<1x!tpu.dma_semaphore, #tpu.memory_space<semaphore_mem>> -> memref<!tpu.dma_semaphore, #tpu.memory_space<semaphore_mem>>
    %dma_start3A_60 = arith.constant 0 : i32
    %dma_start3A_61 = tpu.memref_slice %arg8[%dma_start3A_52, %dma_start3A_60] : memref<4x128xi32, #tpu.memory_space<vmem>> -> memref<1x128xi32, #tpu.memory_space<vmem>>
    %dma_start3A_62 = tpu.memref_squeeze %dma_start3A_61 : memref<1x128xi32, #tpu.memory_space<vmem>> -> memref<128xi32, #tpu.memory_space<vmem>>
    %dma_start3A_63 = tpu.memref_slice %arg3[%add3A_28] : memref<16384xi32, #tpu.memory_space<hbm>> -> memref<128xi32, #tpu.memory_space<hbm>>
    tpu.enqueue_dma source(%dma_start3A_63 : memref<128xi32, #tpu.memory_space<hbm>>) target(%dma_start3A_62 : memref<128xi32, #tpu.memory_space<vmem>>) target_semaphore(%dma_start3A_59 : memref<!tpu.dma_semaphore, #tpu.memory_space<semaphore_mem>>)
    %dma_start3A_64 = arith.constant 1 : i32
    %dma_start3A_65 = arith.constant 1 : i32
    %dma_start3A_66 = arith.constant 0 : i32
    %dma_start3A_67 = tpu.memref_slice %arg7[%dma_start3A_64, %dma_start3A_66] : memref<4x128xi32, #tpu.memory_space<vmem>> -> memref<1x128xi32, #tpu.memory_space<vmem>>
    %dma_start3A_68 = tpu.memref_squeeze %dma_start3A_67 : memref<1x128xi32, #tpu.memory_space<vmem>> -> memref<128xi32, #tpu.memory_space<vmem>>
    %dma_start3A_69 = tpu.memref_slice %arg2[%add3A_30] : memref<16384xi32, #tpu.memory_space<hbm>> -> memref<128xi32, #tpu.memory_space<hbm>>
    %dma_start3A_70 = tpu.memref_slice %arg12[%dma_start3A_65] : memref<4x!tpu.dma_semaphore, #tpu.memory_space<semaphore_mem>> -> memref<1x!tpu.dma_semaphore, #tpu.memory_space<semaphore_mem>>
    %dma_start3A_71 = tpu.memref_squeeze %dma_start3A_70 : memref<1x!tpu.dma_semaphore, #tpu.memory_space<semaphore_mem>> -> memref<!tpu.dma_semaphore, #tpu.memory_space<semaphore_mem>>
    %dma_start3A_72 = arith.constant 0 : i32
    %dma_start3A_73 = tpu.memref_slice %arg7[%dma_start3A_64, %dma_start3A_72] : memref<4x128xi32, #tpu.memory_space<vmem>> -> memref<1x128xi32, #tpu.memory_space<vmem>>
    %dma_start3A_74 = tpu.memref_squeeze %dma_start3A_73 : memref<1x128xi32, #tpu.memory_space<vmem>> -> memref<128xi32, #tpu.memory_space<vmem>>
    %dma_start3A_75 = tpu.memref_slice %arg2[%add3A_30] : memref<16384xi32, #tpu.memory_space<hbm>> -> memref<128xi32, #tpu.memory_space<hbm>>
    tpu.enqueue_dma source(%dma_start3A_75 : memref<128xi32, #tpu.memory_space<hbm>>) target(%dma_start3A_74 : memref<128xi32, #tpu.memory_space<vmem>>) target_semaphore(%dma_start3A_71 : memref<!tpu.dma_semaphore, #tpu.memory_space<semaphore_mem>>)
    %dma_start3A_76 = arith.constant 1 : i32
    %dma_start3A_77 = arith.constant 1 : i32
    %dma_start3A_78 = arith.constant 0 : i32
    %dma_start3A_79 = tpu.memref_slice %arg8[%dma_start3A_76, %dma_start3A_78] : memref<4x128xi32, #tpu.memory_space<vmem>> -> memref<1x128xi32, #tpu.memory_space<vmem>>
    %dma_start3A_80 = tpu.memref_squeeze %dma_start3A_79 : memref<1x128xi32, #tpu.memory_space<vmem>> -> memref<128xi32, #tpu.memory_space<vmem>>
    %dma_start3A_81 = tpu.memref_slice %arg3[%add3A_32] : memref<16384xi32, #tpu.memory_space<hbm>> -> memref<128xi32, #tpu.memory_space<hbm>>
    %dma_start3A_82 = tpu.memref_slice %arg12[%dma_start3A_77] : memref<4x!tpu.dma_semaphore, #tpu.memory_space<semaphore_mem>> -> memref<1x!tpu.dma_semaphore, #tpu.memory_space<semaphore_mem>>
    %dma_start3A_83 = tpu.memref_squeeze %dma_start3A_82 : memref<1x!tpu.dma_semaphore, #tpu.memory_space<semaphore_mem>> -> memref<!tpu.dma_semaphore, #tpu.memory_space<semaphore_mem>>
    %dma_start3A_84 = arith.constant 0 : i32
    %dma_start3A_85 = tpu.memref_slice %arg8[%dma_start3A_76, %dma_start3A_84] : memref<4x128xi32, #tpu.memory_space<vmem>> -> memref<1x128xi32, #tpu.memory_space<vmem>>
    %dma_start3A_86 = tpu.memref_squeeze %dma_start3A_85 : memref<1x128xi32, #tpu.memory_space<vmem>> -> memref<128xi32, #tpu.memory_space<vmem>>
    %dma_start3A_87 = tpu.memref_slice %arg3[%add3A_32] : memref<16384xi32, #tpu.memory_space<hbm>> -> memref<128xi32, #tpu.memory_space<hbm>>
    tpu.enqueue_dma source(%dma_start3A_87 : memref<128xi32, #tpu.memory_space<hbm>>) target(%dma_start3A_86 : memref<128xi32, #tpu.memory_space<vmem>>) target_semaphore(%dma_start3A_83 : memref<!tpu.dma_semaphore, #tpu.memory_space<semaphore_mem>>)
    %dma_start3A_88 = arith.constant 2 : i32
    %dma_start3A_89 = arith.constant 2 : i32
    %dma_start3A_90 = arith.constant 0 : i32
    %dma_start3A_91 = tpu.memref_slice %arg7[%dma_start3A_88, %dma_start3A_90] : memref<4x128xi32, #tpu.memory_space<vmem>> -> memref<1x128xi32, #tpu.memory_space<vmem>>
    %dma_start3A_92 = tpu.memref_squeeze %dma_start3A_91 : memref<1x128xi32, #tpu.memory_space<vmem>> -> memref<128xi32, #tpu.memory_space<vmem>>
    %dma_start3A_93 = tpu.memref_slice %arg2[%add3A_34] : memref<16384xi32, #tpu.memory_space<hbm>> -> memref<128xi32, #tpu.memory_space<hbm>>
    %dma_start3A_94 = tpu.memref_slice %arg12[%dma_start3A_89] : memref<4x!tpu.dma_semaphore, #tpu.memory_space<semaphore_mem>> -> memref<1x!tpu.dma_semaphore, #tpu.memory_space<semaphore_mem>>
    %dma_start3A_95 = tpu.memref_squeeze %dma_start3A_94 : memref<1x!tpu.dma_semaphore, #tpu.memory_space<semaphore_mem>> -> memref<!tpu.dma_semaphore, #tpu.memory_space<semaphore_mem>>
    %dma_start3A_96 = arith.constant 0 : i32
    %dma_start3A_97 = tpu.memref_slice %arg7[%dma_start3A_88, %dma_start3A_96] : memref<4x128xi32, #tpu.memory_space<vmem>> -> memref<1x128xi32, #tpu.memory_space<vmem>>
    %dma_start3A_98 = tpu.memref_squeeze %dma_start3A_97 : memref<1x128xi32, #tpu.memory_space<vmem>> -> memref<128xi32, #tpu.memory_space<vmem>>
    %dma_start3A_99 = tpu.memref_slice %arg2[%add3A_34] : memref<16384xi32, #tpu.memory_space<hbm>> -> memref<128xi32, #tpu.memory_space<hbm>>
    tpu.enqueue_dma source(%dma_start3A_99 : memref<128xi32, #tpu.memory_space<hbm>>) target(%dma_start3A_98 : memref<128xi32, #tpu.memory_space<vmem>>) target_semaphore(%dma_start3A_95 : memref<!tpu.dma_semaphore, #tpu.memory_space<semaphore_mem>>)
    %dma_start3A_100 = arith.constant 2 : i32
    %dma_start3A_101 = arith.constant 2 : i32
    %dma_start3A_102 = arith.constant 0 : i32
    %dma_start3A_103 = tpu.memref_slice %arg8[%dma_start3A_100, %dma_start3A_102] : memref<4x128xi32, #tpu.memory_space<vmem>> -> memref<1x128xi32, #tpu.memory_space<vmem>>
    %dma_start3A_104 = tpu.memref_squeeze %dma_start3A_103 : memref<1x128xi32, #tpu.memory_space<vmem>> -> memref<128xi32, #tpu.memory_space<vmem>>
    %dma_start3A_105 = tpu.memref_slice %arg3[%add3A_36] : memref<16384xi32, #tpu.memory_space<hbm>> -> memref<128xi32, #tpu.memory_space<hbm>>
    %dma_start3A_106 = tpu.memref_slice %arg12[%dma_start3A_101] : memref<4x!tpu.dma_semaphore, #tpu.memory_space<semaphore_mem>> -> memref<1x!tpu.dma_semaphore, #tpu.memory_space<semaphore_mem>>
    %dma_start3A_107 = tpu.memref_squeeze %dma_start3A_106 : memref<1x!tpu.dma_semaphore, #tpu.memory_space<semaphore_mem>> -> memref<!tpu.dma_semaphore, #tpu.memory_space<semaphore_mem>>
    %dma_start3A_108 = arith.constant 0 : i32
    %dma_start3A_109 = tpu.memref_slice %arg8[%dma_start3A_100, %dma_start3A_108] : memref<4x128xi32, #tpu.memory_space<vmem>> -> memref<1x128xi32, #tpu.memory_space<vmem>>
    %dma_start3A_110 = tpu.memref_squeeze %dma_start3A_109 : memref<1x128xi32, #tpu.memory_space<vmem>> -> memref<128xi32, #tpu.memory_space<vmem>>
    %dma_start3A_111 = tpu.memref_slice %arg3[%add3A_36] : memref<16384xi32, #tpu.memory_space<hbm>> -> memref<128xi32, #tpu.memory_space<hbm>>
    tpu.enqueue_dma source(%dma_start3A_111 : memref<128xi32, #tpu.memory_space<hbm>>) target(%dma_start3A_110 : memref<128xi32, #tpu.memory_space<vmem>>) target_semaphore(%dma_start3A_107 : memref<!tpu.dma_semaphore, #tpu.memory_space<semaphore_mem>>)
    %dma_start3A_112 = arith.constant 3 : i32
    %dma_start3A_113 = arith.constant 3 : i32
    %dma_start3A_114 = arith.constant 0 : i32
    %dma_start3A_115 = tpu.memref_slice %arg7[%dma_start3A_112, %dma_start3A_114] : memref<4x128xi32, #tpu.memory_space<vmem>> -> memref<1x128xi32, #tpu.memory_space<vmem>>
    %dma_start3A_116 = tpu.memref_squeeze %dma_start3A_115 : memref<1x128xi32, #tpu.memory_space<vmem>> -> memref<128xi32, #tpu.memory_space<vmem>>
    %dma_start3A_117 = tpu.memref_slice %arg2[%add3A_38] : memref<16384xi32, #tpu.memory_space<hbm>> -> memref<128xi32, #tpu.memory_space<hbm>>
    %dma_start3A_118 = tpu.memref_slice %arg12[%dma_start3A_113] : memref<4x!tpu.dma_semaphore, #tpu.memory_space<semaphore_mem>> -> memref<1x!tpu.dma_semaphore, #tpu.memory_space<semaphore_mem>>
    %dma_start3A_119 = tpu.memref_squeeze %dma_start3A_118 : memref<1x!tpu.dma_semaphore, #tpu.memory_space<semaphore_mem>> -> memref<!tpu.dma_semaphore, #tpu.memory_space<semaphore_mem>>
    %dma_start3A_120 = arith.constant 0 : i32
    %dma_start3A_121 = tpu.memref_slice %arg7[%dma_start3A_112, %dma_start3A_120] : memref<4x128xi32, #tpu.memory_space<vmem>> -> memref<1x128xi32, #tpu.memory_space<vmem>>
    %dma_start3A_122 = tpu.memref_squeeze %dma_start3A_121 : memref<1x128xi32, #tpu.memory_space<vmem>> -> memref<128xi32, #tpu.memory_space<vmem>>
    %dma_start3A_123 = tpu.memref_slice %arg2[%add3A_38] : memref<16384xi32, #tpu.memory_space<hbm>> -> memref<128xi32, #tpu.memory_space<hbm>>
    tpu.enqueue_dma source(%dma_start3A_123 : memref<128xi32, #tpu.memory_space<hbm>>) target(%dma_start3A_122 : memref<128xi32, #tpu.memory_space<vmem>>) target_semaphore(%dma_start3A_119 : memref<!tpu.dma_semaphore, #tpu.memory_space<semaphore_mem>>)
    %dma_start3A_124 = arith.constant 3 : i32
    %dma_start3A_125 = arith.constant 3 : i32
    %dma_start3A_126 = arith.constant 0 : i32
    %dma_start3A_127 = tpu.memref_slice %arg8[%dma_start3A_124, %dma_start3A_126] : memref<4x128xi32, #tpu.memory_space<vmem>> -> memref<1x128xi32, #tpu.memory_space<vmem>>
    %dma_start3A_128 = tpu.memref_squeeze %dma_start3A_127 : memref<1x128xi32, #tpu.memory_space<vmem>> -> memref<128xi32, #tpu.memory_space<vmem>>
    %dma_start3A_129 = tpu.memref_slice %arg3[%add3A_40] : memref<16384xi32, #tpu.memory_space<hbm>> -> memref<128xi32, #tpu.memory_space<hbm>>
    %dma_start3A_130 = tpu.memref_slice %arg12[%dma_start3A_125] : memref<4x!tpu.dma_semaphore, #tpu.memory_space<semaphore_mem>> -> memref<1x!tpu.dma_semaphore, #tpu.memory_space<semaphore_mem>>
    %dma_start3A_131 = tpu.memref_squeeze %dma_start3A_130 : memref<1x!tpu.dma_semaphore, #tpu.memory_space<semaphore_mem>> -> memref<!tpu.dma_semaphore, #tpu.memory_space<semaphore_mem>>
    %dma_start3A_132 = arith.constant 0 : i32
    %dma_start3A_133 = tpu.memref_slice %arg8[%dma_start3A_124, %dma_start3A_132] : memref<4x128xi32, #tpu.memory_space<vmem>> -> memref<1x128xi32, #tpu.memory_space<vmem>>
    %dma_start3A_134 = tpu.memref_squeeze %dma_start3A_133 : memref<1x128xi32, #tpu.memory_space<vmem>> -> memref<128xi32, #tpu.memory_space<vmem>>
    %dma_start3A_135 = tpu.memref_slice %arg3[%add3A_40] : memref<16384xi32, #tpu.memory_space<hbm>> -> memref<128xi32, #tpu.memory_space<hbm>>
    tpu.enqueue_dma source(%dma_start3A_135 : memref<128xi32, #tpu.memory_space<hbm>>) target(%dma_start3A_134 : memref<128xi32, #tpu.memory_space<vmem>>) target_semaphore(%dma_start3A_131 : memref<!tpu.dma_semaphore, #tpu.memory_space<semaphore_mem>>)
    %dma_wait3A = arith.constant 0 : i32
    %dma_wait3A_136 = arith.constant 0 : i32
    %dma_wait3A_137 = arith.constant 0 : i32
    %dma_wait3A_138 = tpu.memref_slice %arg7[%dma_wait3A, %dma_wait3A_137] : memref<4x128xi32, #tpu.memory_space<vmem>> -> memref<1x128xi32, #tpu.memory_space<vmem>>
    %dma_wait3A_139 = tpu.memref_squeeze %dma_wait3A_138 : memref<1x128xi32, #tpu.memory_space<vmem>> -> memref<128xi32, #tpu.memory_space<vmem>>
    %dma_wait3A_140 = tpu.memref_slice %arg2[%add3A_26] : memref<16384xi32, #tpu.memory_space<hbm>> -> memref<128xi32, #tpu.memory_space<hbm>>
    %dma_wait3A_141 = tpu.memref_slice %arg12[%dma_wait3A_136] : memref<4x!tpu.dma_semaphore, #tpu.memory_space<semaphore_mem>> -> memref<1x!tpu.dma_semaphore, #tpu.memory_space<semaphore_mem>>
    %dma_wait3A_142 = tpu.memref_squeeze %dma_wait3A_141 : memref<1x!tpu.dma_semaphore, #tpu.memory_space<semaphore_mem>> -> memref<!tpu.dma_semaphore, #tpu.memory_space<semaphore_mem>>
    %dma_wait3A_143 = arith.constant 0 : i32
    %dma_wait3A_144 = tpu.memref_slice %arg7[%dma_wait3A, %dma_wait3A_143] : memref<4x128xi32, #tpu.memory_space<vmem>> -> memref<1x128xi32, #tpu.memory_space<vmem>>
    %dma_wait3A_145 = tpu.memref_squeeze %dma_wait3A_144 : memref<1x128xi32, #tpu.memory_space<vmem>> -> memref<128xi32, #tpu.memory_space<vmem>>
    %dma_wait3A_146 = tpu.memref_slice %arg2[%add3A_26] : memref<16384xi32, #tpu.memory_space<hbm>> -> memref<128xi32, #tpu.memory_space<hbm>>
    tpu.wait_dma2 semaphore(%dma_wait3A_142 : memref<!tpu.dma_semaphore, #tpu.memory_space<semaphore_mem>>) src(%dma_wait3A_146 : memref<128xi32, #tpu.memory_space<hbm>>) dst(%dma_wait3A_145 : memref<128xi32, #tpu.memory_space<vmem>>)
    %dma_wait3A_147 = arith.constant 0 : i32
    %dma_wait3A_148 = arith.constant 0 : i32
    %dma_wait3A_149 = arith.constant 0 : i32
    %dma_wait3A_150 = tpu.memref_slice %arg8[%dma_wait3A_147, %dma_wait3A_149] : memref<4x128xi32, #tpu.memory_space<vmem>> -> memref<1x128xi32, #tpu.memory_space<vmem>>
    %dma_wait3A_151 = tpu.memref_squeeze %dma_wait3A_150 : memref<1x128xi32, #tpu.memory_space<vmem>> -> memref<128xi32, #tpu.memory_space<vmem>>
    %dma_wait3A_152 = tpu.memref_slice %arg3[%add3A_28] : memref<16384xi32, #tpu.memory_space<hbm>> -> memref<128xi32, #tpu.memory_space<hbm>>
    %dma_wait3A_153 = tpu.memref_slice %arg12[%dma_wait3A_148] : memref<4x!tpu.dma_semaphore, #tpu.memory_space<semaphore_mem>> -> memref<1x!tpu.dma_semaphore, #tpu.memory_space<semaphore_mem>>
    %dma_wait3A_154 = tpu.memref_squeeze %dma_wait3A_153 : memref<1x!tpu.dma_semaphore, #tpu.memory_space<semaphore_mem>> -> memref<!tpu.dma_semaphore, #tpu.memory_space<semaphore_mem>>
    %dma_wait3A_155 = arith.constant 0 : i32
    %dma_wait3A_156 = tpu.memref_slice %arg8[%dma_wait3A_147, %dma_wait3A_155] : memref<4x128xi32, #tpu.memory_space<vmem>> -> memref<1x128xi32, #tpu.memory_space<vmem>>
    %dma_wait3A_157 = tpu.memref_squeeze %dma_wait3A_156 : memref<1x128xi32, #tpu.memory_space<vmem>> -> memref<128xi32, #tpu.memory_space<vmem>>
    %dma_wait3A_158 = tpu.memref_slice %arg3[%add3A_28] : memref<16384xi32, #tpu.memory_space<hbm>> -> memref<128xi32, #tpu.memory_space<hbm>>
    tpu.wait_dma2 semaphore(%dma_wait3A_154 : memref<!tpu.dma_semaphore, #tpu.memory_space<semaphore_mem>>) src(%dma_wait3A_158 : memref<128xi32, #tpu.memory_space<hbm>>) dst(%dma_wait3A_157 : memref<128xi32, #tpu.memory_space<vmem>>)
    %dma_start3A_159 = arith.constant 0 : i32
    %dma_start3A_160 = arith.constant 0 : i32
    %dma_start3A_161 = arith.constant 0 : i32
    %dma_start3A_162 = arith.constant 0 : i32
    %dma_start3A_163 = tpu.memref_slice %arg9[%dma_start3A_161, %dma_start3A_162] : memref<256x128xf32, #tpu.memory_space<vmem>> -> memref<32x128xf32, #tpu.memory_space<vmem>>
    %dma_start3A_164 = arith.constant 0 : i32
    %dma_start3A_165 = tpu.memref_slice %arg7[%dma_start3A_159, %dma_start3A_164] : memref<4x128xi32, #tpu.memory_space<vmem>> -> memref<1x32xi32, #tpu.memory_space<vmem>>
    %dma_start3A_166 = tpu.memref_squeeze %dma_start3A_165 : memref<1x32xi32, #tpu.memory_space<vmem>> -> memref<32xi32, #tpu.memory_space<vmem>>
    %dma_start3A_167 = arith.constant 0 : i32
    %dma_start3A_168 = arith.constant 0 : i32
    %dma_start3A_169 = tpu.memref_slice %arg4[%dma_start3A_167, %dma_start3A_168] : memref<100000x128xf32, #tpu.memory_space<hbm>> -> memref<100000x128xf32, #tpu.memory_space<hbm>>
    %dma_start3A_170 = tpu.memref_slice %arg13[%dma_start3A_160] : memref<8x!tpu.dma_semaphore, #tpu.memory_space<semaphore_mem>> -> memref<1x!tpu.dma_semaphore, #tpu.memory_space<semaphore_mem>>
    %dma_start3A_171 = tpu.memref_squeeze %dma_start3A_170 : memref<1x!tpu.dma_semaphore, #tpu.memory_space<semaphore_mem>> -> memref<!tpu.dma_semaphore, #tpu.memory_space<semaphore_mem>>
    tpu.enqueue_indirect_dma source(%dma_start3A_169 : memref<100000x128xf32, #tpu.memory_space<hbm>>) target(%dma_start3A_163 : memref<32x128xf32, #tpu.memory_space<vmem>>) offsets(%dma_start3A_166 : memref<32xi32, #tpu.memory_space<vmem>>) semaphore(%dma_start3A_171 : memref<!tpu.dma_semaphore, #tpu.memory_space<semaphore_mem>>)
    %dma_start3A_172 = arith.constant 0 : i32
    %dma_start3A_173 = arith.constant 0 : i32
    %dma_start3A_174 = arith.constant 0 : i32
    %dma_start3A_175 = arith.constant 0 : i32
    %dma_start3A_176 = tpu.memref_slice %arg10[%dma_start3A_174, %dma_start3A_175] : memref<256x128xf32, #tpu.memory_space<vmem>> -> memref<32x128xf32, #tpu.memory_space<vmem>>
    %dma_start3A_177 = arith.constant 0 : i32
    %dma_start3A_178 = tpu.memref_slice %arg8[%dma_start3A_172, %dma_start3A_177] : memref<4x128xi32, #tpu.memory_space<vmem>> -> memref<1x32xi32, #tpu.memory_space<vmem>>
    %dma_start3A_179 = tpu.memref_squeeze %dma_start3A_178 : memref<1x32xi32, #tpu.memory_space<vmem>> -> memref<32xi32, #tpu.memory_space<vmem>>
    %dma_start3A_180 = arith.constant 0 : i32
    %dma_start3A_181 = arith.constant 0 : i32
    %dma_start3A_182 = tpu.memref_slice %arg5[%dma_start3A_180, %dma_start3A_181] : memref<100000x128xf32, #tpu.memory_space<hbm>> -> memref<100000x128xf32, #tpu.memory_space<hbm>>
    %dma_start3A_183 = tpu.memref_slice %arg14[%dma_start3A_173] : memref<8x!tpu.dma_semaphore, #tpu.memory_space<semaphore_mem>> -> memref<1x!tpu.dma_semaphore, #tpu.memory_space<semaphore_mem>>
    %dma_start3A_184 = tpu.memref_squeeze %dma_start3A_183 : memref<1x!tpu.dma_semaphore, #tpu.memory_space<semaphore_mem>> -> memref<!tpu.dma_semaphore, #tpu.memory_space<semaphore_mem>>
    tpu.enqueue_indirect_dma source(%dma_start3A_182 : memref<100000x128xf32, #tpu.memory_space<hbm>>) target(%dma_start3A_176 : memref<32x128xf32, #tpu.memory_space<vmem>>) offsets(%dma_start3A_179 : memref<32xi32, #tpu.memory_space<vmem>>) semaphore(%dma_start3A_184 : memref<!tpu.dma_semaphore, #tpu.memory_space<semaphore_mem>>)
    %dma_start3A_185 = arith.constant 0 : i32
    %dma_start3A_186 = arith.constant 1 : i32
    %dma_start3A_187 = arith.constant 32 : i32
    %dma_start3A_188 = arith.constant 0 : i32
    %dma_start3A_189 = tpu.memref_slice %arg9[%dma_start3A_187, %dma_start3A_188] : memref<256x128xf32, #tpu.memory_space<vmem>> -> memref<32x128xf32, #tpu.memory_space<vmem>>
    %dma_start3A_190 = arith.constant 32 : i32
    %dma_start3A_191 = tpu.memref_slice %arg7[%dma_start3A_185, %dma_start3A_190] : memref<4x128xi32, #tpu.memory_space<vmem>> -> memref<1x32xi32, #tpu.memory_space<vmem>>
    %dma_start3A_192 = tpu.memref_squeeze %dma_start3A_191 : memref<1x32xi32, #tpu.memory_space<vmem>> -> memref<32xi32, #tpu.memory_space<vmem>>
    %dma_start3A_193 = arith.constant 0 : i32
    %dma_start3A_194 = arith.constant 0 : i32
    %dma_start3A_195 = tpu.memref_slice %arg4[%dma_start3A_193, %dma_start3A_194] : memref<100000x128xf32, #tpu.memory_space<hbm>> -> memref<100000x128xf32, #tpu.memory_space<hbm>>
    %dma_start3A_196 = tpu.memref_slice %arg13[%dma_start3A_186] : memref<8x!tpu.dma_semaphore, #tpu.memory_space<semaphore_mem>> -> memref<1x!tpu.dma_semaphore, #tpu.memory_space<semaphore_mem>>
    %dma_start3A_197 = tpu.memref_squeeze %dma_start3A_196 : memref<1x!tpu.dma_semaphore, #tpu.memory_space<semaphore_mem>> -> memref<!tpu.dma_semaphore, #tpu.memory_space<semaphore_mem>>
    tpu.enqueue_indirect_dma source(%dma_start3A_195 : memref<100000x128xf32, #tpu.memory_space<hbm>>) target(%dma_start3A_189 : memref<32x128xf32, #tpu.memory_space<vmem>>) offsets(%dma_start3A_192 : memref<32xi32, #tpu.memory_space<vmem>>) semaphore(%dma_start3A_197 : memref<!tpu.dma_semaphore, #tpu.memory_space<semaphore_mem>>)
    %dma_start3A_198 = arith.constant 0 : i32
    %dma_start3A_199 = arith.constant 1 : i32
    %dma_start3A_200 = arith.constant 32 : i32
    %dma_start3A_201 = arith.constant 0 : i32
    %dma_start3A_202 = tpu.memref_slice %arg10[%dma_start3A_200, %dma_start3A_201] : memref<256x128xf32, #tpu.memory_space<vmem>> -> memref<32x128xf32, #tpu.memory_space<vmem>>
    %dma_start3A_203 = arith.constant 32 : i32
    %dma_start3A_204 = tpu.memref_slice %arg8[%dma_start3A_198, %dma_start3A_203] : memref<4x128xi32, #tpu.memory_space<vmem>> -> memref<1x32xi32, #tpu.memory_space<vmem>>
    %dma_start3A_205 = tpu.memref_squeeze %dma_start3A_204 : memref<1x32xi32, #tpu.memory_space<vmem>> -> memref<32xi32, #tpu.memory_space<vmem>>
    %dma_start3A_206 = arith.constant 0 : i32
    %dma_start3A_207 = arith.constant 0 : i32
    %dma_start3A_208 = tpu.memref_slice %arg5[%dma_start3A_206, %dma_start3A_207] : memref<100000x128xf32, #tpu.memory_space<hbm>> -> memref<100000x128xf32, #tpu.memory_space<hbm>>
    %dma_start3A_209 = tpu.memref_slice %arg14[%dma_start3A_199] : memref<8x!tpu.dma_semaphore, #tpu.memory_space<semaphore_mem>> -> memref<1x!tpu.dma_semaphore, #tpu.memory_space<semaphore_mem>>
    %dma_start3A_210 = tpu.memref_squeeze %dma_start3A_209 : memref<1x!tpu.dma_semaphore, #tpu.memory_space<semaphore_mem>> -> memref<!tpu.dma_semaphore, #tpu.memory_space<semaphore_mem>>
    tpu.enqueue_indirect_dma source(%dma_start3A_208 : memref<100000x128xf32, #tpu.memory_space<hbm>>) target(%dma_start3A_202 : memref<32x128xf32, #tpu.memory_space<vmem>>) offsets(%dma_start3A_205 : memref<32xi32, #tpu.memory_space<vmem>>) semaphore(%dma_start3A_210 : memref<!tpu.dma_semaphore, #tpu.memory_space<semaphore_mem>>)
    %dma_start3A_211 = arith.constant 0 : i32
    %dma_start3A_212 = arith.constant 2 : i32
    %dma_start3A_213 = arith.constant 64 : i32
    %dma_start3A_214 = arith.constant 0 : i32
    %dma_start3A_215 = tpu.memref_slice %arg9[%dma_start3A_213, %dma_start3A_214] : memref<256x128xf32, #tpu.memory_space<vmem>> -> memref<32x128xf32, #tpu.memory_space<vmem>>
    %dma_start3A_216 = arith.constant 64 : i32
    %dma_start3A_217 = tpu.memref_slice %arg7[%dma_start3A_211, %dma_start3A_216] : memref<4x128xi32, #tpu.memory_space<vmem>> -> memref<1x32xi32, #tpu.memory_space<vmem>>
    %dma_start3A_218 = tpu.memref_squeeze %dma_start3A_217 : memref<1x32xi32, #tpu.memory_space<vmem>> -> memref<32xi32, #tpu.memory_space<vmem>>
    %dma_start3A_219 = arith.constant 0 : i32
    %dma_start3A_220 = arith.constant 0 : i32
    %dma_start3A_221 = tpu.memref_slice %arg4[%dma_start3A_219, %dma_start3A_220] : memref<100000x128xf32, #tpu.memory_space<hbm>> -> memref<100000x128xf32, #tpu.memory_space<hbm>>
    %dma_start3A_222 = tpu.memref_slice %arg13[%dma_start3A_212] : memref<8x!tpu.dma_semaphore, #tpu.memory_space<semaphore_mem>> -> memref<1x!tpu.dma_semaphore, #tpu.memory_space<semaphore_mem>>
    %dma_start3A_223 = tpu.memref_squeeze %dma_start3A_222 : memref<1x!tpu.dma_semaphore, #tpu.memory_space<semaphore_mem>> -> memref<!tpu.dma_semaphore, #tpu.memory_space<semaphore_mem>>
    tpu.enqueue_indirect_dma source(%dma_start3A_221 : memref<100000x128xf32, #tpu.memory_space<hbm>>) target(%dma_start3A_215 : memref<32x128xf32, #tpu.memory_space<vmem>>) offsets(%dma_start3A_218 : memref<32xi32, #tpu.memory_space<vmem>>) semaphore(%dma_start3A_223 : memref<!tpu.dma_semaphore, #tpu.memory_space<semaphore_mem>>)
    %dma_start3A_224 = arith.constant 0 : i32
    %dma_start3A_225 = arith.constant 2 : i32
    %dma_start3A_226 = arith.constant 64 : i32
    %dma_start3A_227 = arith.constant 0 : i32
    %dma_start3A_228 = tpu.memref_slice %arg10[%dma_start3A_226, %dma_start3A_227] : memref<256x128xf32, #tpu.memory_space<vmem>> -> memref<32x128xf32, #tpu.memory_space<vmem>>
    %dma_start3A_229 = arith.constant 64 : i32
    %dma_start3A_230 = tpu.memref_slice %arg8[%dma_start3A_224, %dma_start3A_229] : memref<4x128xi32, #tpu.memory_space<vmem>> -> memref<1x32xi32, #tpu.memory_space<vmem>>
    %dma_start3A_231 = tpu.memref_squeeze %dma_start3A_230 : memref<1x32xi32, #tpu.memory_space<vmem>> -> memref<32xi32, #tpu.memory_space<vmem>>
    %dma_start3A_232 = arith.constant 0 : i32
    %dma_start3A_233 = arith.constant 0 : i32
    %dma_start3A_234 = tpu.memref_slice %arg5[%dma_start3A_232, %dma_start3A_233] : memref<100000x128xf32, #tpu.memory_space<hbm>> -> memref<100000x128xf32, #tpu.memory_space<hbm>>
    %dma_start3A_235 = tpu.memref_slice %arg14[%dma_start3A_225] : memref<8x!tpu.dma_semaphore, #tpu.memory_space<semaphore_mem>> -> memref<1x!tpu.dma_semaphore, #tpu.memory_space<semaphore_mem>>
    %dma_start3A_236 = tpu.memref_squeeze %dma_start3A_235 : memref<1x!tpu.dma_semaphore, #tpu.memory_space<semaphore_mem>> -> memref<!tpu.dma_semaphore, #tpu.memory_space<semaphore_mem>>
    tpu.enqueue_indirect_dma source(%dma_start3A_234 : memref<100000x128xf32, #tpu.memory_space<hbm>>) target(%dma_start3A_228 : memref<32x128xf32, #tpu.memory_space<vmem>>) offsets(%dma_start3A_231 : memref<32xi32, #tpu.memory_space<vmem>>) semaphore(%dma_start3A_236 : memref<!tpu.dma_semaphore, #tpu.memory_space<semaphore_mem>>)
    %dma_start3A_237 = arith.constant 0 : i32
    %dma_start3A_238 = arith.constant 3 : i32
    %dma_start3A_239 = arith.constant 96 : i32
    %dma_start3A_240 = arith.constant 0 : i32
    %dma_start3A_241 = tpu.memref_slice %arg9[%dma_start3A_239, %dma_start3A_240] : memref<256x128xf32, #tpu.memory_space<vmem>> -> memref<32x128xf32, #tpu.memory_space<vmem>>
    %dma_start3A_242 = arith.constant 96 : i32
    %dma_start3A_243 = tpu.memref_slice %arg7[%dma_start3A_237, %dma_start3A_242] : memref<4x128xi32, #tpu.memory_space<vmem>> -> memref<1x32xi32, #tpu.memory_space<vmem>>
    %dma_start3A_244 = tpu.memref_squeeze %dma_start3A_243 : memref<1x32xi32, #tpu.memory_space<vmem>> -> memref<32xi32, #tpu.memory_space<vmem>>
    %dma_start3A_245 = arith.constant 0 : i32
    %dma_start3A_246 = arith.constant 0 : i32
    %dma_start3A_247 = tpu.memref_slice %arg4[%dma_start3A_245, %dma_start3A_246] : memref<100000x128xf32, #tpu.memory_space<hbm>> -> memref<100000x128xf32, #tpu.memory_space<hbm>>
    %dma_start3A_248 = tpu.memref_slice %arg13[%dma_start3A_238] : memref<8x!tpu.dma_semaphore, #tpu.memory_space<semaphore_mem>> -> memref<1x!tpu.dma_semaphore, #tpu.memory_space<semaphore_mem>>
    %dma_start3A_249 = tpu.memref_squeeze %dma_start3A_248 : memref<1x!tpu.dma_semaphore, #tpu.memory_space<semaphore_mem>> -> memref<!tpu.dma_semaphore, #tpu.memory_space<semaphore_mem>>
    tpu.enqueue_indirect_dma source(%dma_start3A_247 : memref<100000x128xf32, #tpu.memory_space<hbm>>) target(%dma_start3A_241 : memref<32x128xf32, #tpu.memory_space<vmem>>) offsets(%dma_start3A_244 : memref<32xi32, #tpu.memory_space<vmem>>) semaphore(%dma_start3A_249 : memref<!tpu.dma_semaphore, #tpu.memory_space<semaphore_mem>>)
    %dma_start3A_250 = arith.constant 0 : i32
    %dma_start3A_251 = arith.constant 3 : i32
    %dma_start3A_252 = arith.constant 96 : i32
    %dma_start3A_253 = arith.constant 0 : i32
    %dma_start3A_254 = tpu.memref_slice %arg10[%dma_start3A_252, %dma_start3A_253] : memref<256x128xf32, #tpu.memory_space<vmem>> -> memref<32x128xf32, #tpu.memory_space<vmem>>
    %dma_start3A_255 = arith.constant 96 : i32
    %dma_start3A_256 = tpu.memref_slice %arg8[%dma_start3A_250, %dma_start3A_255] : memref<4x128xi32, #tpu.memory_space<vmem>> -> memref<1x32xi32, #tpu.memory_space<vmem>>
    %dma_start3A_257 = tpu.memref_squeeze %dma_start3A_256 : memref<1x32xi32, #tpu.memory_space<vmem>> -> memref<32xi32, #tpu.memory_space<vmem>>
    %dma_start3A_258 = arith.constant 0 : i32
    %dma_start3A_259 = arith.constant 0 : i32
    %dma_start3A_260 = tpu.memref_slice %arg5[%dma_start3A_258, %dma_start3A_259] : memref<100000x128xf32, #tpu.memory_space<hbm>> -> memref<100000x128xf32, #tpu.memory_space<hbm>>
    %dma_start3A_261 = tpu.memref_slice %arg14[%dma_start3A_251] : memref<8x!tpu.dma_semaphore, #tpu.memory_space<semaphore_mem>> -> memref<1x!tpu.dma_semaphore, #tpu.memory_space<semaphore_mem>>
    %dma_start3A_262 = tpu.memref_squeeze %dma_start3A_261 : memref<1x!tpu.dma_semaphore, #tpu.memory_space<semaphore_mem>> -> memref<!tpu.dma_semaphore, #tpu.memory_space<semaphore_mem>>
    tpu.enqueue_indirect_dma source(%dma_start3A_260 : memref<100000x128xf32, #tpu.memory_space<hbm>>) target(%dma_start3A_254 : memref<32x128xf32, #tpu.memory_space<vmem>>) offsets(%dma_start3A_257 : memref<32xi32, #tpu.memory_space<vmem>>) semaphore(%dma_start3A_262 : memref<!tpu.dma_semaphore, #tpu.memory_space<semaphore_mem>>)
    %dma_wait3A_263 = arith.constant 1 : i32
    %dma_wait3A_264 = arith.constant 1 : i32
    %dma_wait3A_265 = arith.constant 0 : i32
    %dma_wait3A_266 = tpu.memref_slice %arg7[%dma_wait3A_263, %dma_wait3A_265] : memref<4x128xi32, #tpu.memory_space<vmem>> -> memref<1x128xi32, #tpu.memory_space<vmem>>
    %dma_wait3A_267 = tpu.memref_squeeze %dma_wait3A_266 : memref<1x128xi32, #tpu.memory_space<vmem>> -> memref<128xi32, #tpu.memory_space<vmem>>
    %dma_wait3A_268 = tpu.memref_slice %arg2[%add3A_30] : memref<16384xi32, #tpu.memory_space<hbm>> -> memref<128xi32, #tpu.memory_space<hbm>>
    %dma_wait3A_269 = tpu.memref_slice %arg12[%dma_wait3A_264] : memref<4x!tpu.dma_semaphore, #tpu.memory_space<semaphore_mem>> -> memref<1x!tpu.dma_semaphore, #tpu.memory_space<semaphore_mem>>
    %dma_wait3A_270 = tpu.memref_squeeze %dma_wait3A_269 : memref<1x!tpu.dma_semaphore, #tpu.memory_space<semaphore_mem>> -> memref<!tpu.dma_semaphore, #tpu.memory_space<semaphore_mem>>
    %dma_wait3A_271 = arith.constant 0 : i32
    %dma_wait3A_272 = tpu.memref_slice %arg7[%dma_wait3A_263, %dma_wait3A_271] : memref<4x128xi32, #tpu.memory_space<vmem>> -> memref<1x128xi32, #tpu.memory_space<vmem>>
    %dma_wait3A_273 = tpu.memref_squeeze %dma_wait3A_272 : memref<1x128xi32, #tpu.memory_space<vmem>> -> memref<128xi32, #tpu.memory_space<vmem>>
    %dma_wait3A_274 = tpu.memref_slice %arg2[%add3A_30] : memref<16384xi32, #tpu.memory_space<hbm>> -> memref<128xi32, #tpu.memory_space<hbm>>
    tpu.wait_dma2 semaphore(%dma_wait3A_270 : memref<!tpu.dma_semaphore, #tpu.memory_space<semaphore_mem>>) src(%dma_wait3A_274 : memref<128xi32, #tpu.memory_space<hbm>>) dst(%dma_wait3A_273 : memref<128xi32, #tpu.memory_space<vmem>>)
    %dma_wait3A_275 = arith.constant 1 : i32
    %dma_wait3A_276 = arith.constant 1 : i32
    %dma_wait3A_277 = arith.constant 0 : i32
    %dma_wait3A_278 = tpu.memref_slice %arg8[%dma_wait3A_275, %dma_wait3A_277] : memref<4x128xi32, #tpu.memory_space<vmem>> -> memref<1x128xi32, #tpu.memory_space<vmem>>
    %dma_wait3A_279 = tpu.memref_squeeze %dma_wait3A_278 : memref<1x128xi32, #tpu.memory_space<vmem>> -> memref<128xi32, #tpu.memory_space<vmem>>
    %dma_wait3A_280 = tpu.memref_slice %arg3[%add3A_32] : memref<16384xi32, #tpu.memory_space<hbm>> -> memref<128xi32, #tpu.memory_space<hbm>>
    %dma_wait3A_281 = tpu.memref_slice %arg12[%dma_wait3A_276] : memref<4x!tpu.dma_semaphore, #tpu.memory_space<semaphore_mem>> -> memref<1x!tpu.dma_semaphore, #tpu.memory_space<semaphore_mem>>
    %dma_wait3A_282 = tpu.memref_squeeze %dma_wait3A_281 : memref<1x!tpu.dma_semaphore, #tpu.memory_space<semaphore_mem>> -> memref<!tpu.dma_semaphore, #tpu.memory_space<semaphore_mem>>
    %dma_wait3A_283 = arith.constant 0 : i32
    %dma_wait3A_284 = tpu.memref_slice %arg8[%dma_wait3A_275, %dma_wait3A_283] : memref<4x128xi32, #tpu.memory_space<vmem>> -> memref<1x128xi32, #tpu.memory_space<vmem>>
    %dma_wait3A_285 = tpu.memref_squeeze %dma_wait3A_284 : memref<1x128xi32, #tpu.memory_space<vmem>> -> memref<128xi32, #tpu.memory_space<vmem>>
    %dma_wait3A_286 = tpu.memref_slice %arg3[%add3A_32] : memref<16384xi32, #tpu.memory_space<hbm>> -> memref<128xi32, #tpu.memory_space<hbm>>
    tpu.wait_dma2 semaphore(%dma_wait3A_282 : memref<!tpu.dma_semaphore, #tpu.memory_space<semaphore_mem>>) src(%dma_wait3A_286 : memref<128xi32, #tpu.memory_space<hbm>>) dst(%dma_wait3A_285 : memref<128xi32, #tpu.memory_space<vmem>>)
    %dma_start3A_287 = arith.constant 1 : i32
    %dma_start3A_288 = arith.constant 4 : i32
    %dma_start3A_289 = arith.constant 128 : i32
    %dma_start3A_290 = arith.constant 0 : i32
    %dma_start3A_291 = tpu.memref_slice %arg9[%dma_start3A_289, %dma_start3A_290] : memref<256x128xf32, #tpu.memory_space<vmem>> -> memref<32x128xf32, #tpu.memory_space<vmem>>
    %dma_start3A_292 = arith.constant 0 : i32
    %dma_start3A_293 = tpu.memref_slice %arg7[%dma_start3A_287, %dma_start3A_292] : memref<4x128xi32, #tpu.memory_space<vmem>> -> memref<1x32xi32, #tpu.memory_space<vmem>>
    %dma_start3A_294 = tpu.memref_squeeze %dma_start3A_293 : memref<1x32xi32, #tpu.memory_space<vmem>> -> memref<32xi32, #tpu.memory_space<vmem>>
    %dma_start3A_295 = arith.constant 0 : i32
    %dma_start3A_296 = arith.constant 0 : i32
    %dma_start3A_297 = tpu.memref_slice %arg4[%dma_start3A_295, %dma_start3A_296] : memref<100000x128xf32, #tpu.memory_space<hbm>> -> memref<100000x128xf32, #tpu.memory_space<hbm>>
    %dma_start3A_298 = tpu.memref_slice %arg13[%dma_start3A_288] : memref<8x!tpu.dma_semaphore, #tpu.memory_space<semaphore_mem>> -> memref<1x!tpu.dma_semaphore, #tpu.memory_space<semaphore_mem>>
    %dma_start3A_299 = tpu.memref_squeeze %dma_start3A_298 : memref<1x!tpu.dma_semaphore, #tpu.memory_space<semaphore_mem>> -> memref<!tpu.dma_semaphore, #tpu.memory_space<semaphore_mem>>
    tpu.enqueue_indirect_dma source(%dma_start3A_297 : memref<100000x128xf32, #tpu.memory_space<hbm>>) target(%dma_start3A_291 : memref<32x128xf32, #tpu.memory_space<vmem>>) offsets(%dma_start3A_294 : memref<32xi32, #tpu.memory_space<vmem>>) semaphore(%dma_start3A_299 : memref<!tpu.dma_semaphore, #tpu.memory_space<semaphore_mem>>)
    %dma_start3A_300 = arith.constant 1 : i32
    %dma_start3A_301 = arith.constant 4 : i32
    %dma_start3A_302 = arith.constant 128 : i32
    %dma_start3A_303 = arith.constant 0 : i32
    %dma_start3A_304 = tpu.memref_slice %arg10[%dma_start3A_302, %dma_start3A_303] : memref<256x128xf32, #tpu.memory_space<vmem>> -> memref<32x128xf32, #tpu.memory_space<vmem>>
    %dma_start3A_305 = arith.constant 0 : i32
    %dma_start3A_306 = tpu.memref_slice %arg8[%dma_start3A_300, %dma_start3A_305] : memref<4x128xi32, #tpu.memory_space<vmem>> -> memref<1x32xi32, #tpu.memory_space<vmem>>
    %dma_start3A_307 = tpu.memref_squeeze %dma_start3A_306 : memref<1x32xi32, #tpu.memory_space<vmem>> -> memref<32xi32, #tpu.memory_space<vmem>>
    %dma_start3A_308 = arith.constant 0 : i32
    %dma_start3A_309 = arith.constant 0 : i32
    %dma_start3A_310 = tpu.memref_slice %arg5[%dma_start3A_308, %dma_start3A_309] : memref<100000x128xf32, #tpu.memory_space<hbm>> -> memref<100000x128xf32, #tpu.memory_space<hbm>>
    %dma_start3A_311 = tpu.memref_slice %arg14[%dma_start3A_301] : memref<8x!tpu.dma_semaphore, #tpu.memory_space<semaphore_mem>> -> memref<1x!tpu.dma_semaphore, #tpu.memory_space<semaphore_mem>>
    %dma_start3A_312 = tpu.memref_squeeze %dma_start3A_311 : memref<1x!tpu.dma_semaphore, #tpu.memory_space<semaphore_mem>> -> memref<!tpu.dma_semaphore, #tpu.memory_space<semaphore_mem>>
    tpu.enqueue_indirect_dma source(%dma_start3A_310 : memref<100000x128xf32, #tpu.memory_space<hbm>>) target(%dma_start3A_304 : memref<32x128xf32, #tpu.memory_space<vmem>>) offsets(%dma_start3A_307 : memref<32xi32, #tpu.memory_space<vmem>>) semaphore(%dma_start3A_312 : memref<!tpu.dma_semaphore, #tpu.memory_space<semaphore_mem>>)
    %dma_start3A_313 = arith.constant 1 : i32
    %dma_start3A_314 = arith.constant 5 : i32
    %dma_start3A_315 = arith.constant 160 : i32
    %dma_start3A_316 = arith.constant 0 : i32
    %dma_start3A_317 = tpu.memref_slice %arg9[%dma_start3A_315, %dma_start3A_316] : memref<256x128xf32, #tpu.memory_space<vmem>> -> memref<32x128xf32, #tpu.memory_space<vmem>>
    %dma_start3A_318 = arith.constant 32 : i32
    %dma_start3A_319 = tpu.memref_slice %arg7[%dma_start3A_313, %dma_start3A_318] : memref<4x128xi32, #tpu.memory_space<vmem>> -> memref<1x32xi32, #tpu.memory_space<vmem>>
    %dma_start3A_320 = tpu.memref_squeeze %dma_start3A_319 : memref<1x32xi32, #tpu.memory_space<vmem>> -> memref<32xi32, #tpu.memory_space<vmem>>
    %dma_start3A_321 = arith.constant 0 : i32
    %dma_start3A_322 = arith.constant 0 : i32
    %dma_start3A_323 = tpu.memref_slice %arg4[%dma_start3A_321, %dma_start3A_322] : memref<100000x128xf32, #tpu.memory_space<hbm>> -> memref<100000x128xf32, #tpu.memory_space<hbm>>
    %dma_start3A_324 = tpu.memref_slice %arg13[%dma_start3A_314] : memref<8x!tpu.dma_semaphore, #tpu.memory_space<semaphore_mem>> -> memref<1x!tpu.dma_semaphore, #tpu.memory_space<semaphore_mem>>
    %dma_start3A_325 = tpu.memref_squeeze %dma_start3A_324 : memref<1x!tpu.dma_semaphore, #tpu.memory_space<semaphore_mem>> -> memref<!tpu.dma_semaphore, #tpu.memory_space<semaphore_mem>>
    tpu.enqueue_indirect_dma source(%dma_start3A_323 : memref<100000x128xf32, #tpu.memory_space<hbm>>) target(%dma_start3A_317 : memref<32x128xf32, #tpu.memory_space<vmem>>) offsets(%dma_start3A_320 : memref<32xi32, #tpu.memory_space<vmem>>) semaphore(%dma_start3A_325 : memref<!tpu.dma_semaphore, #tpu.memory_space<semaphore_mem>>)
    %dma_start3A_326 = arith.constant 1 : i32
    %dma_start3A_327 = arith.constant 5 : i32
    %dma_start3A_328 = arith.constant 160 : i32
    %dma_start3A_329 = arith.constant 0 : i32
    %dma_start3A_330 = tpu.memref_slice %arg10[%dma_start3A_328, %dma_start3A_329] : memref<256x128xf32, #tpu.memory_space<vmem>> -> memref<32x128xf32, #tpu.memory_space<vmem>>
    %dma_start3A_331 = arith.constant 32 : i32
    %dma_start3A_332 = tpu.memref_slice %arg8[%dma_start3A_326, %dma_start3A_331] : memref<4x128xi32, #tpu.memory_space<vmem>> -> memref<1x32xi32, #tpu.memory_space<vmem>>
    %dma_start3A_333 = tpu.memref_squeeze %dma_start3A_332 : memref<1x32xi32, #tpu.memory_space<vmem>> -> memref<32xi32, #tpu.memory_space<vmem>>
    %dma_start3A_334 = arith.constant 0 : i32
    %dma_start3A_335 = arith.constant 0 : i32
    %dma_start3A_336 = tpu.memref_slice %arg5[%dma_start3A_334, %dma_start3A_335] : memref<100000x128xf32, #tpu.memory_space<hbm>> -> memref<100000x128xf32, #tpu.memory_space<hbm>>
    %dma_start3A_337 = tpu.memref_slice %arg14[%dma_start3A_327] : memref<8x!tpu.dma_semaphore, #tpu.memory_space<semaphore_mem>> -> memref<1x!tpu.dma_semaphore, #tpu.memory_space<semaphore_mem>>
    %dma_start3A_338 = tpu.memref_squeeze %dma_start3A_337 : memref<1x!tpu.dma_semaphore, #tpu.memory_space<semaphore_mem>> -> memref<!tpu.dma_semaphore, #tpu.memory_space<semaphore_mem>>
    tpu.enqueue_indirect_dma source(%dma_start3A_336 : memref<100000x128xf32, #tpu.memory_space<hbm>>) target(%dma_start3A_330 : memref<32x128xf32, #tpu.memory_space<vmem>>) offsets(%dma_start3A_333 : memref<32xi32, #tpu.memory_space<vmem>>) semaphore(%dma_start3A_338 : memref<!tpu.dma_semaphore, #tpu.memory_space<semaphore_mem>>)
    %dma_start3A_339 = arith.constant 1 : i32
    %dma_start3A_340 = arith.constant 6 : i32
    %dma_start3A_341 = arith.constant 192 : i32
    %dma_start3A_342 = arith.constant 0 : i32
    %dma_start3A_343 = tpu.memref_slice %arg9[%dma_start3A_341, %dma_start3A_342] : memref<256x128xf32, #tpu.memory_space<vmem>> -> memref<32x128xf32, #tpu.memory_space<vmem>>
    %dma_start3A_344 = arith.constant 64 : i32
    %dma_start3A_345 = tpu.memref_slice %arg7[%dma_start3A_339, %dma_start3A_344] : memref<4x128xi32, #tpu.memory_space<vmem>> -> memref<1x32xi32, #tpu.memory_space<vmem>>
    %dma_start3A_346 = tpu.memref_squeeze %dma_start3A_345 : memref<1x32xi32, #tpu.memory_space<vmem>> -> memref<32xi32, #tpu.memory_space<vmem>>
    %dma_start3A_347 = arith.constant 0 : i32
    %dma_start3A_348 = arith.constant 0 : i32
    %dma_start3A_349 = tpu.memref_slice %arg4[%dma_start3A_347, %dma_start3A_348] : memref<100000x128xf32, #tpu.memory_space<hbm>> -> memref<100000x128xf32, #tpu.memory_space<hbm>>
    %dma_start3A_350 = tpu.memref_slice %arg13[%dma_start3A_340] : memref<8x!tpu.dma_semaphore, #tpu.memory_space<semaphore_mem>> -> memref<1x!tpu.dma_semaphore, #tpu.memory_space<semaphore_mem>>
    %dma_start3A_351 = tpu.memref_squeeze %dma_start3A_350 : memref<1x!tpu.dma_semaphore, #tpu.memory_space<semaphore_mem>> -> memref<!tpu.dma_semaphore, #tpu.memory_space<semaphore_mem>>
    tpu.enqueue_indirect_dma source(%dma_start3A_349 : memref<100000x128xf32, #tpu.memory_space<hbm>>) target(%dma_start3A_343 : memref<32x128xf32, #tpu.memory_space<vmem>>) offsets(%dma_start3A_346 : memref<32xi32, #tpu.memory_space<vmem>>) semaphore(%dma_start3A_351 : memref<!tpu.dma_semaphore, #tpu.memory_space<semaphore_mem>>)
    %dma_start3A_352 = arith.constant 1 : i32
    %dma_start3A_353 = arith.constant 6 : i32
    %dma_start3A_354 = arith.constant 192 : i32
    %dma_start3A_355 = arith.constant 0 : i32
    %dma_start3A_356 = tpu.memref_slice %arg10[%dma_start3A_354, %dma_start3A_355] : memref<256x128xf32, #tpu.memory_space<vmem>> -> memref<32x128xf32, #tpu.memory_space<vmem>>
    %dma_start3A_357 = arith.constant 64 : i32
    %dma_start3A_358 = tpu.memref_slice %arg8[%dma_start3A_352, %dma_start3A_357] : memref<4x128xi32, #tpu.memory_space<vmem>> -> memref<1x32xi32, #tpu.memory_space<vmem>>
    %dma_start3A_359 = tpu.memref_squeeze %dma_start3A_358 : memref<1x32xi32, #tpu.memory_space<vmem>> -> memref<32xi32, #tpu.memory_space<vmem>>
    %dma_start3A_360 = arith.constant 0 : i32
    %dma_start3A_361 = arith.constant 0 : i32
    %dma_start3A_362 = tpu.memref_slice %arg5[%dma_start3A_360, %dma_start3A_361] : memref<100000x128xf32, #tpu.memory_space<hbm>> -> memref<100000x128xf32, #tpu.memory_space<hbm>>
    %dma_start3A_363 = tpu.memref_slice %arg14[%dma_start3A_353] : memref<8x!tpu.dma_semaphore, #tpu.memory_space<semaphore_mem>> -> memref<1x!tpu.dma_semaphore, #tpu.memory_space<semaphore_mem>>
    %dma_start3A_364 = tpu.memref_squeeze %dma_start3A_363 : memref<1x!tpu.dma_semaphore, #tpu.memory_space<semaphore_mem>> -> memref<!tpu.dma_semaphore, #tpu.memory_space<semaphore_mem>>
    tpu.enqueue_indirect_dma source(%dma_start3A_362 : memref<100000x128xf32, #tpu.memory_space<hbm>>) target(%dma_start3A_356 : memref<32x128xf32, #tpu.memory_space<vmem>>) offsets(%dma_start3A_359 : memref<32xi32, #tpu.memory_space<vmem>>) semaphore(%dma_start3A_364 : memref<!tpu.dma_semaphore, #tpu.memory_space<semaphore_mem>>)
    %dma_start3A_365 = arith.constant 1 : i32
    %dma_start3A_366 = arith.constant 7 : i32
    %dma_start3A_367 = arith.constant 224 : i32
    %dma_start3A_368 = arith.constant 0 : i32
    %dma_start3A_369 = tpu.memref_slice %arg9[%dma_start3A_367, %dma_start3A_368] : memref<256x128xf32, #tpu.memory_space<vmem>> -> memref<32x128xf32, #tpu.memory_space<vmem>>
    %dma_start3A_370 = arith.constant 96 : i32
    %dma_start3A_371 = tpu.memref_slice %arg7[%dma_start3A_365, %dma_start3A_370] : memref<4x128xi32, #tpu.memory_space<vmem>> -> memref<1x32xi32, #tpu.memory_space<vmem>>
    %dma_start3A_372 = tpu.memref_squeeze %dma_start3A_371 : memref<1x32xi32, #tpu.memory_space<vmem>> -> memref<32xi32, #tpu.memory_space<vmem>>
    %dma_start3A_373 = arith.constant 0 : i32
    %dma_start3A_374 = arith.constant 0 : i32
    %dma_start3A_375 = tpu.memref_slice %arg4[%dma_start3A_373, %dma_start3A_374] : memref<100000x128xf32, #tpu.memory_space<hbm>> -> memref<100000x128xf32, #tpu.memory_space<hbm>>
    %dma_start3A_376 = tpu.memref_slice %arg13[%dma_start3A_366] : memref<8x!tpu.dma_semaphore, #tpu.memory_space<semaphore_mem>> -> memref<1x!tpu.dma_semaphore, #tpu.memory_space<semaphore_mem>>
    %dma_start3A_377 = tpu.memref_squeeze %dma_start3A_376 : memref<1x!tpu.dma_semaphore, #tpu.memory_space<semaphore_mem>> -> memref<!tpu.dma_semaphore, #tpu.memory_space<semaphore_mem>>
    tpu.enqueue_indirect_dma source(%dma_start3A_375 : memref<100000x128xf32, #tpu.memory_space<hbm>>) target(%dma_start3A_369 : memref<32x128xf32, #tpu.memory_space<vmem>>) offsets(%dma_start3A_372 : memref<32xi32, #tpu.memory_space<vmem>>) semaphore(%dma_start3A_377 : memref<!tpu.dma_semaphore, #tpu.memory_space<semaphore_mem>>)
    %dma_start3A_378 = arith.constant 1 : i32
    %dma_start3A_379 = arith.constant 7 : i32
    %dma_start3A_380 = arith.constant 224 : i32
    %dma_start3A_381 = arith.constant 0 : i32
    %dma_start3A_382 = tpu.memref_slice %arg10[%dma_start3A_380, %dma_start3A_381] : memref<256x128xf32, #tpu.memory_space<vmem>> -> memref<32x128xf32, #tpu.memory_space<vmem>>
    %dma_start3A_383 = arith.constant 96 : i32
    %dma_start3A_384 = tpu.memref_slice %arg8[%dma_start3A_378, %dma_start3A_383] : memref<4x128xi32, #tpu.memory_space<vmem>> -> memref<1x32xi32, #tpu.memory_space<vmem>>
    %dma_start3A_385 = tpu.memref_squeeze %dma_start3A_384 : memref<1x32xi32, #tpu.memory_space<vmem>> -> memref<32xi32, #tpu.memory_space<vmem>>
    %dma_start3A_386 = arith.constant 0 : i32
    %dma_start3A_387 = arith.constant 0 : i32
    %dma_start3A_388 = tpu.memref_slice %arg5[%dma_start3A_386, %dma_start3A_387] : memref<100000x128xf32, #tpu.memory_space<hbm>> -> memref<100000x128xf32, #tpu.memory_space<hbm>>
    %dma_start3A_389 = tpu.memref_slice %arg14[%dma_start3A_379] : memref<8x!tpu.dma_semaphore, #tpu.memory_space<semaphore_mem>> -> memref<1x!tpu.dma_semaphore, #tpu.memory_space<semaphore_mem>>
    %dma_start3A_390 = tpu.memref_squeeze %dma_start3A_389 : memref<1x!tpu.dma_semaphore, #tpu.memory_space<semaphore_mem>> -> memref<!tpu.dma_semaphore, #tpu.memory_space<semaphore_mem>>
    tpu.enqueue_indirect_dma source(%dma_start3A_388 : memref<100000x128xf32, #tpu.memory_space<hbm>>) target(%dma_start3A_382 : memref<32x128xf32, #tpu.memory_space<vmem>>) offsets(%dma_start3A_385 : memref<32xi32, #tpu.memory_space<vmem>>) semaphore(%dma_start3A_390 : memref<!tpu.dma_semaphore, #tpu.memory_space<semaphore_mem>>)
    %dma_wait3A_391 = arith.constant 2 : i32
    %dma_wait3A_392 = arith.constant 2 : i32
    %dma_wait3A_393 = arith.constant 0 : i32
    %dma_wait3A_394 = tpu.memref_slice %arg7[%dma_wait3A_391, %dma_wait3A_393] : memref<4x128xi32, #tpu.memory_space<vmem>> -> memref<1x128xi32, #tpu.memory_space<vmem>>
    %dma_wait3A_395 = tpu.memref_squeeze %dma_wait3A_394 : memref<1x128xi32, #tpu.memory_space<vmem>> -> memref<128xi32, #tpu.memory_space<vmem>>
    %dma_wait3A_396 = tpu.memref_slice %arg2[%add3A_34] : memref<16384xi32, #tpu.memory_space<hbm>> -> memref<128xi32, #tpu.memory_space<hbm>>
    %dma_wait3A_397 = tpu.memref_slice %arg12[%dma_wait3A_392] : memref<4x!tpu.dma_semaphore, #tpu.memory_space<semaphore_mem>> -> memref<1x!tpu.dma_semaphore, #tpu.memory_space<semaphore_mem>>
    %dma_wait3A_398 = tpu.memref_squeeze %dma_wait3A_397 : memref<1x!tpu.dma_semaphore, #tpu.memory_space<semaphore_mem>> -> memref<!tpu.dma_semaphore, #tpu.memory_space<semaphore_mem>>
    %dma_wait3A_399 = arith.constant 0 : i32
    %dma_wait3A_400 = tpu.memref_slice %arg7[%dma_wait3A_391, %dma_wait3A_399] : memref<4x128xi32, #tpu.memory_space<vmem>> -> memref<1x128xi32, #tpu.memory_space<vmem>>
    %dma_wait3A_401 = tpu.memref_squeeze %dma_wait3A_400 : memref<1x128xi32, #tpu.memory_space<vmem>> -> memref<128xi32, #tpu.memory_space<vmem>>
    %dma_wait3A_402 = tpu.memref_slice %arg2[%add3A_34] : memref<16384xi32, #tpu.memory_space<hbm>> -> memref<128xi32, #tpu.memory_space<hbm>>
    tpu.wait_dma2 semaphore(%dma_wait3A_398 : memref<!tpu.dma_semaphore, #tpu.memory_space<semaphore_mem>>) src(%dma_wait3A_402 : memref<128xi32, #tpu.memory_space<hbm>>) dst(%dma_wait3A_401 : memref<128xi32, #tpu.memory_space<vmem>>)
    %dma_wait3A_403 = arith.constant 2 : i32
    %dma_wait3A_404 = arith.constant 2 : i32
    %dma_wait3A_405 = arith.constant 0 : i32
    %dma_wait3A_406 = tpu.memref_slice %arg8[%dma_wait3A_403, %dma_wait3A_405] : memref<4x128xi32, #tpu.memory_space<vmem>> -> memref<1x128xi32, #tpu.memory_space<vmem>>
    %dma_wait3A_407 = tpu.memref_squeeze %dma_wait3A_406 : memref<1x128xi32, #tpu.memory_space<vmem>> -> memref<128xi32, #tpu.memory_space<vmem>>
    %dma_wait3A_408 = tpu.memref_slice %arg3[%add3A_36] : memref<16384xi32, #tpu.memory_space<hbm>> -> memref<128xi32, #tpu.memory_space<hbm>>
    %dma_wait3A_409 = tpu.memref_slice %arg12[%dma_wait3A_404] : memref<4x!tpu.dma_semaphore, #tpu.memory_space<semaphore_mem>> -> memref<1x!tpu.dma_semaphore, #tpu.memory_space<semaphore_mem>>
    %dma_wait3A_410 = tpu.memref_squeeze %dma_wait3A_409 : memref<1x!tpu.dma_semaphore, #tpu.memory_space<semaphore_mem>> -> memref<!tpu.dma_semaphore, #tpu.memory_space<semaphore_mem>>
    %dma_wait3A_411 = arith.constant 0 : i32
    %dma_wait3A_412 = tpu.memref_slice %arg8[%dma_wait3A_403, %dma_wait3A_411] : memref<4x128xi32, #tpu.memory_space<vmem>> -> memref<1x128xi32, #tpu.memory_space<vmem>>
    %dma_wait3A_413 = tpu.memref_squeeze %dma_wait3A_412 : memref<1x128xi32, #tpu.memory_space<vmem>> -> memref<128xi32, #tpu.memory_space<vmem>>
    %dma_wait3A_414 = tpu.memref_slice %arg3[%add3A_36] : memref<16384xi32, #tpu.memory_space<hbm>> -> memref<128xi32, #tpu.memory_space<hbm>>
    tpu.wait_dma2 semaphore(%dma_wait3A_410 : memref<!tpu.dma_semaphore, #tpu.memory_space<semaphore_mem>>) src(%dma_wait3A_414 : memref<128xi32, #tpu.memory_space<hbm>>) dst(%dma_wait3A_413 : memref<128xi32, #tpu.memory_space<vmem>>)
    %dma_wait3A_415 = arith.constant 3 : i32
    %dma_wait3A_416 = arith.constant 3 : i32
    %dma_wait3A_417 = arith.constant 0 : i32
    %dma_wait3A_418 = tpu.memref_slice %arg7[%dma_wait3A_415, %dma_wait3A_417] : memref<4x128xi32, #tpu.memory_space<vmem>> -> memref<1x128xi32, #tpu.memory_space<vmem>>
    %dma_wait3A_419 = tpu.memref_squeeze %dma_wait3A_418 : memref<1x128xi32, #tpu.memory_space<vmem>> -> memref<128xi32, #tpu.memory_space<vmem>>
    %dma_wait3A_420 = tpu.memref_slice %arg2[%add3A_38] : memref<16384xi32, #tpu.memory_space<hbm>> -> memref<128xi32, #tpu.memory_space<hbm>>
    %dma_wait3A_421 = tpu.memref_slice %arg12[%dma_wait3A_416] : memref<4x!tpu.dma_semaphore, #tpu.memory_space<semaphore_mem>> -> memref<1x!tpu.dma_semaphore, #tpu.memory_space<semaphore_mem>>
    %dma_wait3A_422 = tpu.memref_squeeze %dma_wait3A_421 : memref<1x!tpu.dma_semaphore, #tpu.memory_space<semaphore_mem>> -> memref<!tpu.dma_semaphore, #tpu.memory_space<semaphore_mem>>
    %dma_wait3A_423 = arith.constant 0 : i32
    %dma_wait3A_424 = tpu.memref_slice %arg7[%dma_wait3A_415, %dma_wait3A_423] : memref<4x128xi32, #tpu.memory_space<vmem>> -> memref<1x128xi32, #tpu.memory_space<vmem>>
    %dma_wait3A_425 = tpu.memref_squeeze %dma_wait3A_424 : memref<1x128xi32, #tpu.memory_space<vmem>> -> memref<128xi32, #tpu.memory_space<vmem>>
    %dma_wait3A_426 = tpu.memref_slice %arg2[%add3A_38] : memref<16384xi32, #tpu.memory_space<hbm>> -> memref<128xi32, #tpu.memory_space<hbm>>
    tpu.wait_dma2 semaphore(%dma_wait3A_422 : memref<!tpu.dma_semaphore, #tpu.memory_space<semaphore_mem>>) src(%dma_wait3A_426 : memref<128xi32, #tpu.memory_space<hbm>>) dst(%dma_wait3A_425 : memref<128xi32, #tpu.memory_space<vmem>>)
    %dma_wait3A_427 = arith.constant 3 : i32
    %dma_wait3A_428 = arith.constant 3 : i32
    %dma_wait3A_429 = arith.constant 0 : i32
    %dma_wait3A_430 = tpu.memref_slice %arg8[%dma_wait3A_427, %dma_wait3A_429] : memref<4x128xi32, #tpu.memory_space<vmem>> -> memref<1x128xi32, #tpu.memory_space<vmem>>
    %dma_wait3A_431 = tpu.memref_squeeze %dma_wait3A_430 : memref<1x128xi32, #tpu.memory_space<vmem>> -> memref<128xi32, #tpu.memory_space<vmem>>
    %dma_wait3A_432 = tpu.memref_slice %arg3[%add3A_40] : memref<16384xi32, #tpu.memory_space<hbm>> -> memref<128xi32, #tpu.memory_space<hbm>>
    %dma_wait3A_433 = tpu.memref_slice %arg12[%dma_wait3A_428] : memref<4x!tpu.dma_semaphore, #tpu.memory_space<semaphore_mem>> -> memref<1x!tpu.dma_semaphore, #tpu.memory_space<semaphore_mem>>
    %dma_wait3A_434 = tpu.memref_squeeze %dma_wait3A_433 : memref<1x!tpu.dma_semaphore, #tpu.memory_space<semaphore_mem>> -> memref<!tpu.dma_semaphore, #tpu.memory_space<semaphore_mem>>
    %dma_wait3A_435 = arith.constant 0 : i32
    %dma_wait3A_436 = tpu.memref_slice %arg8[%dma_wait3A_427, %dma_wait3A_435] : memref<4x128xi32, #tpu.memory_space<vmem>> -> memref<1x128xi32, #tpu.memory_space<vmem>>
    %dma_wait3A_437 = tpu.memref_squeeze %dma_wait3A_436 : memref<1x128xi32, #tpu.memory_space<vmem>> -> memref<128xi32, #tpu.memory_space<vmem>>
    %dma_wait3A_438 = tpu.memref_slice %arg3[%add3A_40] : memref<16384xi32, #tpu.memory_space<hbm>> -> memref<128xi32, #tpu.memory_space<hbm>>
    tpu.wait_dma2 semaphore(%dma_wait3A_434 : memref<!tpu.dma_semaphore, #tpu.memory_space<semaphore_mem>>) src(%dma_wait3A_438 : memref<128xi32, #tpu.memory_space<hbm>>) dst(%dma_wait3A_437 : memref<128xi32, #tpu.memory_space<vmem>>)
    %scan3A = arith.constant 0 : i32
    %scan3A_439 = arith.constant 0 : i32
    %scan3A_440 = arith.constant 16 : i32
    %scan3A_441 = arith.addi %scan3A_439, %scan3A_440 : i32
    %scan3A_442 = arith.constant 1 : i32
    %scan3A_443 = scf.for %scan3A_449 = %scan3A_439 to %scan3A_441 step %scan3A_442 iter_args(%scan3A_450 = %scan3A) -> (i32)  : i32 {
      %rem3A = arith.constant 8 : i32
      %rem3A_451 = arith.remsi %scan3A_449, %rem3A : i32
      %mul3A_452 = arith.constant 32 : i32
      %mul3A_453 = arith.muli %rem3A_451, %mul3A_452 : i32
      %jit3A = arith.constant 4 : i32
      %div3A = arith.divsi %scan3A_449, %jit3A : i32
      %sign3A = arith.constant 0 : i32
      %sign3A_454 = arith.cmpi sgt, %scan3A_449, %sign3A : i32
      %sign3A_455 = arith.extui %sign3A_454 : i1 to i32
      %sign3A_456 = arith.constant 0 : i32
      %sign3A_457 = arith.cmpi slt, %scan3A_449, %sign3A_456 : i32
      %sign3A_458 = arith.extui %sign3A_457 : i1 to i32
      %sign3A_459 = arith.subi %sign3A_455, %sign3A_458 : i32
      %sign3A_460 = arith.constant 0 : i32
      %sign3A_461 = arith.cmpi sgt, %jit3A, %sign3A_460 : i32
      %sign3A_462 = arith.extui %sign3A_461 : i1 to i32
      %sign3A_463 = arith.constant 0 : i32
      %sign3A_464 = arith.cmpi slt, %jit3A, %sign3A_463 : i32
      %sign3A_465 = arith.extui %sign3A_464 : i1 to i32
      %sign3A_466 = arith.subi %sign3A_462, %sign3A_465 : i32
      %ne3A = arith.cmpi ne, %sign3A_459, %sign3A_466 : i32
      %rem3A_467 = arith.remsi %scan3A_449, %jit3A : i32
      %ne3A_468 = arith.constant 0 : i32
      %ne3A_469 = arith.cmpi ne, %rem3A_467, %ne3A_468 : i32
      %and3A_470 = arith.andi %ne3A, %ne3A_469 : i1
      %sub3A = arith.constant 1 : i32
      %sub3A_471 = arith.subi %div3A, %sub3A : i32
      %select_n3A = arith.select %and3A_470, %sub3A_471, %div3A : i32
      %jit3A_472 = arith.constant 4 : i32
      %eq3A_473 = arith.constant 0 : i32
      %eq3A_474 = arith.cmpi eq, %jit3A_472, %eq3A_473 : i32
      %jit3A_475 = arith.constant 1 : i32
      %select_n3A_476 = arith.select %eq3A_474, %jit3A_475, %jit3A_472 : i32
      %rem3A_477 = arith.remsi %scan3A_449, %select_n3A_476 : i32
      %ne3A_478 = arith.constant 0 : i32
      %ne3A_479 = arith.cmpi ne, %rem3A_477, %ne3A_478 : i32
      %lt3A = arith.constant 0 : i32
      %lt3A_480 = arith.cmpi slt, %rem3A_477, %lt3A : i32
      %lt3A_481 = arith.constant 0 : i32
      %lt3A_482 = arith.cmpi slt, %select_n3A_476, %lt3A_481 : i32
      %ne3A_483 = arith.xori %lt3A_480, %lt3A_482 : i1
      %and3A_484 = arith.andi %ne3A_483, %ne3A_479 : i1
      %add3A_485 = arith.addi %rem3A_477, %select_n3A_476 : i32
      %select_n3A_486 = arith.select %and3A_484, %add3A_485, %rem3A_477 : i32
      %mul3A_487 = arith.constant 32 : i32
      %mul3A_488 = arith.muli %select_n3A_486, %mul3A_487 : i32
      %mul3A_489 = arith.constant 32 : i32
      %mul3A_490 = arith.muli %rem3A_451, %mul3A_489 : i32
      %dma_wait3A_491 = arith.constant 0 : i32
      %dma_wait3A_492 = tpu.memref_slice %arg9[%mul3A_490, %dma_wait3A_491] : memref<256x128xf32, #tpu.memory_space<vmem>> -> memref<32x128xf32, #tpu.memory_space<vmem>>
      %dma_wait3A_493 = tpu.memref_slice %arg7[%select_n3A, %mul3A_488] : memref<4x128xi32, #tpu.memory_space<vmem>> -> memref<1x32xi32, #tpu.memory_space<vmem>>
      %dma_wait3A_494 = tpu.memref_squeeze %dma_wait3A_493 : memref<1x32xi32, #tpu.memory_space<vmem>> -> memref<32xi32, #tpu.memory_space<vmem>>
      %dma_wait3A_495 = arith.constant 0 : i32
      %dma_wait3A_496 = arith.constant 0 : i32
      %dma_wait3A_497 = tpu.memref_slice %arg4[%dma_wait3A_495, %dma_wait3A_496] : memref<100000x128xf32, #tpu.memory_space<hbm>> -> memref<100000x128xf32, #tpu.memory_space<hbm>>
      %dma_wait3A_498 = tpu.memref_slice %arg13[%rem3A_451] : memref<8x!tpu.dma_semaphore, #tpu.memory_space<semaphore_mem>> -> memref<1x!tpu.dma_semaphore, #tpu.memory_space<semaphore_mem>>
      %dma_wait3A_499 = tpu.memref_squeeze %dma_wait3A_498 : memref<1x!tpu.dma_semaphore, #tpu.memory_space<semaphore_mem>> -> memref<!tpu.dma_semaphore, #tpu.memory_space<semaphore_mem>>
      tpu.wait_indirect_dma semaphore(%dma_wait3A_499 : memref<!tpu.dma_semaphore, #tpu.memory_space<semaphore_mem>>) src(%dma_wait3A_497 : memref<100000x128xf32, #tpu.memory_space<hbm>>) dst(%dma_wait3A_492 : memref<32x128xf32, #tpu.memory_space<vmem>>)
      %dma_wait3A_500 = arith.constant 0 : i32
      %dma_wait3A_501 = tpu.memref_slice %arg10[%mul3A_490, %dma_wait3A_500] : memref<256x128xf32, #tpu.memory_space<vmem>> -> memref<32x128xf32, #tpu.memory_space<vmem>>
      %dma_wait3A_502 = tpu.memref_slice %arg8[%select_n3A, %mul3A_488] : memref<4x128xi32, #tpu.memory_space<vmem>> -> memref<1x32xi32, #tpu.memory_space<vmem>>
      %dma_wait3A_503 = tpu.memref_squeeze %dma_wait3A_502 : memref<1x32xi32, #tpu.memory_space<vmem>> -> memref<32xi32, #tpu.memory_space<vmem>>
      %dma_wait3A_504 = arith.constant 0 : i32
      %dma_wait3A_505 = arith.constant 0 : i32
      %dma_wait3A_506 = tpu.memref_slice %arg5[%dma_wait3A_504, %dma_wait3A_505] : memref<100000x128xf32, #tpu.memory_space<hbm>> -> memref<100000x128xf32, #tpu.memory_space<hbm>>
      %dma_wait3A_507 = tpu.memref_slice %arg14[%rem3A_451] : memref<8x!tpu.dma_semaphore, #tpu.memory_space<semaphore_mem>> -> memref<1x!tpu.dma_semaphore, #tpu.memory_space<semaphore_mem>>
      %dma_wait3A_508 = tpu.memref_squeeze %dma_wait3A_507 : memref<1x!tpu.dma_semaphore, #tpu.memory_space<semaphore_mem>> -> memref<!tpu.dma_semaphore, #tpu.memory_space<semaphore_mem>>
      tpu.wait_indirect_dma semaphore(%dma_wait3A_508 : memref<!tpu.dma_semaphore, #tpu.memory_space<semaphore_mem>>) src(%dma_wait3A_506 : memref<100000x128xf32, #tpu.memory_space<hbm>>) dst(%dma_wait3A_501 : memref<32x128xf32, #tpu.memory_space<vmem>>)
      %scan3A_509 = arith.constant 0 : i32
      %scan3A_510 = arith.constant 0 : i32
      %scan3A_511 = arith.constant 2 : i32
      %scan3A_512 = arith.addi %scan3A_510, %scan3A_511 : i32
      %scan3A_513 = arith.constant 1 : i32
      %scan3A_514 = scf.for %scan3A_522 = %scan3A_510 to %scan3A_512 step %scan3A_513 iter_args(%scan3A_523 = %scan3A_509) -> (i32)  : i32 {
        %mul3A_524 = arith.constant 16 : i32
        %mul3A_525 = arith.muli %scan3A_522, %mul3A_524 : i32
        %add3A_526 = arith.addi %mul3A_453, %mul3A_525 : i32
        %add3A_527 = arith.constant 0 : i32
        %add3A_528 = arith.addi %add3A_526, %add3A_527 : i32
        %broadcast_in_dim3A = arith.constant 0.000000e+00 : f32
        %broadcast_in_dim3A_529 = vector.broadcast %broadcast_in_dim3A : f32 to vector<16xf32>
        %broadcast_in_dim3A_530 = arith.constant 0.000000e+00 : f32
        %broadcast_in_dim3A_531 = vector.broadcast %broadcast_in_dim3A_530 : f32 to vector<16xf32>
        %broadcast_in_dim3A_532 = arith.constant 0.000000e+00 : f32
        %broadcast_in_dim3A_533 = vector.broadcast %broadcast_in_dim3A_532 : f32 to vector<16xf32>
        %get3A = arith.index_cast %add3A_528 : i32 to index
        %get3A_534 = arith.constant 0 : index
        %get3A_535 = tpu.vector_load %arg9[%get3A, %get3A_534] {strides = array<i32>} : memref<256x128xf32, #tpu.memory_space<vmem>>, vector<1x16xf32>,
        %get3A_536 = vector.shape_cast %get3A_535 : vector<1x16xf32> to vector<16xf32>
        %get3A_537 = arith.index_cast %add3A_528 : i32 to index
        %get3A_538 = arith.constant 0 : index
        %get3A_539 = tpu.vector_load %arg10[%get3A_537, %get3A_538] {strides = array<i32>} : memref<256x128xf32, #tpu.memory_space<vmem>>, vector<1x16xf32>,
        %get3A_540 = vector.shape_cast %get3A_539 : vector<1x16xf32> to vector<16xf32>
        %mul3A_541 = arith.mulf %get3A_536, %get3A_540 : vector<16xf32>
        %add3A_542 = arith.addf %broadcast_in_dim3A_529, %mul3A_541 : vector<16xf32>
        %mul3A_543 = arith.mulf %get3A_536, %get3A_536 : vector<16xf32>
        %add3A_544 = arith.addf %broadcast_in_dim3A_531, %mul3A_543 : vector<16xf32>
        %mul3A_545 = arith.mulf %get3A_540, %get3A_540 : vector<16xf32>
        %add3A_546 = arith.addf %broadcast_in_dim3A_533, %mul3A_545 : vector<16xf32>
        %get3A_547 = arith.index_cast %add3A_528 : i32 to index
        %get3A_548 = arith.constant 16 : index
        %get3A_549 = tpu.vector_load %arg9[%get3A_547, %get3A_548] {strides = array<i32>} : memref<256x128xf32, #tpu.memory_space<vmem>>, vector<1x16xf32>,
        %get3A_550 = vector.shape_cast %get3A_549 : vector<1x16xf32> to vector<16xf32>
        %get3A_551 = arith.index_cast %add3A_528 : i32 to index
        %get3A_552 = arith.constant 16 : index
        %get3A_553 = tpu.vector_load %arg10[%get3A_551, %get3A_552] {strides = array<i32>} : memref<256x128xf32, #tpu.memory_space<vmem>>, vector<1x16xf32>,
        %get3A_554 = vector.shape_cast %get3A_553 : vector<1x16xf32> to vector<16xf32>
        %mul3A_555 = arith.mulf %get3A_550, %get3A_554 : vector<16xf32>
        %add3A_556 = arith.addf %add3A_542, %mul3A_555 : vector<16xf32>
        %mul3A_557 = arith.mulf %get3A_550, %get3A_550 : vector<16xf32>
        %add3A_558 = arith.addf %add3A_544, %mul3A_557 : vector<16xf32>
        %mul3A_559 = arith.mulf %get3A_554, %get3A_554 : vector<16xf32>
        %add3A_560 = arith.addf %add3A_546, %mul3A_559 : vector<16xf32>
        %get3A_561 = arith.index_cast %add3A_528 : i32 to index
        %get3A_562 = arith.constant 32 : index
        %get3A_563 = tpu.vector_load %arg9[%get3A_561, %get3A_562] {strides = array<i32>} : memref<256x128xf32, #tpu.memory_space<vmem>>, vector<1x16xf32>,
        %get3A_564 = vector.shape_cast %get3A_563 : vector<1x16xf32> to vector<16xf32>
        %get3A_565 = arith.index_cast %add3A_528 : i32 to index
        %get3A_566 = arith.constant 32 : index
        %get3A_567 = tpu.vector_load %arg10[%get3A_565, %get3A_566] {strides = array<i32>} : memref<256x128xf32, #tpu.memory_space<vmem>>, vector<1x16xf32>,
        %get3A_568 = vector.shape_cast %get3A_567 : vector<1x16xf32> to vector<16xf32>
        %mul3A_569 = arith.mulf %get3A_564, %get3A_568 : vector<16xf32>
        %add3A_570 = arith.addf %add3A_556, %mul3A_569 : vector<16xf32>
        %mul3A_571 = arith.mulf %get3A_564, %get3A_564 : vector<16xf32>
        %add3A_572 = arith.addf %add3A_558, %mul3A_571 : vector<16xf32>
        %mul3A_573 = arith.mulf %get3A_568, %get3A_568 : vector<16xf32>
        %add3A_574 = arith.addf %add3A_560, %mul3A_573 : vector<16xf32>
        %get3A_575 = arith.index_cast %add3A_528 : i32 to index
        %get3A_576 = arith.constant 48 : index
        %get3A_577 = tpu.vector_load %arg9[%get3A_575, %get3A_576] {strides = array<i32>} : memref<256x128xf32, #tpu.memory_space<vmem>>, vector<1x16xf32>,
        %get3A_578 = vector.shape_cast %get3A_577 : vector<1x16xf32> to vector<16xf32>
        %get3A_579 = arith.index_cast %add3A_528 : i32 to index
        %get3A_580 = arith.constant 48 : index
        %get3A_581 = tpu.vector_load %arg10[%get3A_579, %get3A_580] {strides = array<i32>} : memref<256x128xf32, #tpu.memory_space<vmem>>, vector<1x16xf32>,
        %get3A_582 = vector.shape_cast %get3A_581 : vector<1x16xf32> to vector<16xf32>
        %mul3A_583 = arith.mulf %get3A_578, %get3A_582 : vector<16xf32>
        %add3A_584 = arith.addf %add3A_570, %mul3A_583 : vector<16xf32>
        %mul3A_585 = arith.mulf %get3A_578, %get3A_578 : vector<16xf32>
        %add3A_586 = arith.addf %add3A_572, %mul3A_585 : vector<16xf32>
        %mul3A_587 = arith.mulf %get3A_582, %get3A_582 : vector<16xf32>
        %add3A_588 = arith.addf %add3A_574, %mul3A_587 : vector<16xf32>
        %get3A_589 = arith.index_cast %add3A_528 : i32 to index
        %get3A_590 = arith.constant 64 : index
        %get3A_591 = tpu.vector_load %arg9[%get3A_589, %get3A_590] {strides = array<i32>} : memref<256x128xf32, #tpu.memory_space<vmem>>, vector<1x16xf32>,
        %get3A_592 = vector.shape_cast %get3A_591 : vector<1x16xf32> to vector<16xf32>
        %get3A_593 = arith.index_cast %add3A_528 : i32 to index
        %get3A_594 = arith.constant 64 : index
        %get3A_595 = tpu.vector_load %arg10[%get3A_593, %get3A_594] {strides = array<i32>} : memref<256x128xf32, #tpu.memory_space<vmem>>, vector<1x16xf32>,
        %get3A_596 = vector.shape_cast %get3A_595 : vector<1x16xf32> to vector<16xf32>
        %mul3A_597 = arith.mulf %get3A_592, %get3A_596 : vector<16xf32>
        %add3A_598 = arith.addf %add3A_584, %mul3A_597 : vector<16xf32>
        %mul3A_599 = arith.mulf %get3A_592, %get3A_592 : vector<16xf32>
        %add3A_600 = arith.addf %add3A_586, %mul3A_599 : vector<16xf32>
        %mul3A_601 = arith.mulf %get3A_596, %get3A_596 : vector<16xf32>
        %add3A_602 = arith.addf %add3A_588, %mul3A_601 : vector<16xf32>
        %get3A_603 = arith.index_cast %add3A_528 : i32 to index
        %get3A_604 = arith.constant 80 : index
        %get3A_605 = tpu.vector_load %arg9[%get3A_603, %get3A_604] {strides = array<i32>} : memref<256x128xf32, #tpu.memory_space<vmem>>, vector<1x16xf32>,
        %get3A_606 = vector.shape_cast %get3A_605 : vector<1x16xf32> to vector<16xf32>
        %get3A_607 = arith.index_cast %add3A_528 : i32 to index
        %get3A_608 = arith.constant 80 : index
        %get3A_609 = tpu.vector_load %arg10[%get3A_607, %get3A_608] {strides = array<i32>} : memref<256x128xf32, #tpu.memory_space<vmem>>, vector<1x16xf32>,
        %get3A_610 = vector.shape_cast %get3A_609 : vector<1x16xf32> to vector<16xf32>
        %mul3A_611 = arith.mulf %get3A_606, %get3A_610 : vector<16xf32>
        %add3A_612 = arith.addf %add3A_598, %mul3A_611 : vector<16xf32>
        %mul3A_613 = arith.mulf %get3A_606, %get3A_606 : vector<16xf32>
        %add3A_614 = arith.addf %add3A_600, %mul3A_613 : vector<16xf32>
        %mul3A_615 = arith.mulf %get3A_610, %get3A_610 : vector<16xf32>
        %add3A_616 = arith.addf %add3A_602, %mul3A_615 : vector<16xf32>
        %get3A_617 = arith.index_cast %add3A_528 : i32 to index
        %get3A_618 = arith.constant 96 : index
        %get3A_619 = tpu.vector_load %arg9[%get3A_617, %get3A_618] {strides = array<i32>} : memref<256x128xf32, #tpu.memory_space<vmem>>, vector<1x16xf32>,
        %get3A_620 = vector.shape_cast %get3A_619 : vector<1x16xf32> to vector<16xf32>
        %get3A_621 = arith.index_cast %add3A_528 : i32 to index
        %get3A_622 = arith.constant 96 : index
        %get3A_623 = tpu.vector_load %arg10[%get3A_621, %get3A_622] {strides = array<i32>} : memref<256x128xf32, #tpu.memory_space<vmem>>, vector<1x16xf32>,
        %get3A_624 = vector.shape_cast %get3A_623 : vector<1x16xf32> to vector<16xf32>
        %mul3A_625 = arith.mulf %get3A_620, %get3A_624 : vector<16xf32>
        %add3A_626 = arith.addf %add3A_612, %mul3A_625 : vector<16xf32>
        %mul3A_627 = arith.mulf %get3A_620, %get3A_620 : vector<16xf32>
        %add3A_628 = arith.addf %add3A_614, %mul3A_627 : vector<16xf32>
        %mul3A_629 = arith.mulf %get3A_624, %get3A_624 : vector<16xf32>
        %add3A_630 = arith.addf %add3A_616, %mul3A_629 : vector<16xf32>
        %get3A_631 = arith.index_cast %add3A_528 : i32 to index
        %get3A_632 = arith.constant 112 : index
        %get3A_633 = tpu.vector_load %arg9[%get3A_631, %get3A_632] {strides = array<i32>} : memref<256x128xf32, #tpu.memory_space<vmem>>, vector<1x16xf32>,
        %get3A_634 = vector.shape_cast %get3A_633 : vector<1x16xf32> to vector<16xf32>
        %get3A_635 = arith.index_cast %add3A_528 : i32 to index
        %get3A_636 = arith.constant 112 : index
        %get3A_637 = tpu.vector_load %arg10[%get3A_635, %get3A_636] {strides = array<i32>} : memref<256x128xf32, #tpu.memory_space<vmem>>, vector<1x16xf32>,
        %get3A_638 = vector.shape_cast %get3A_637 : vector<1x16xf32> to vector<16xf32>
        %mul3A_639 = arith.mulf %get3A_634, %get3A_638 : vector<16xf32>
        %add3A_640 = arith.addf %add3A_626, %mul3A_639 : vector<16xf32>
        %mul3A_641 = arith.mulf %get3A_634, %get3A_634 : vector<16xf32>
        %add3A_642 = arith.addf %add3A_628, %mul3A_641 : vector<16xf32>
        %mul3A_643 = arith.mulf %get3A_638, %get3A_638 : vector<16xf32>
        %add3A_644 = arith.addf %add3A_630, %mul3A_643 : vector<16xf32>
        %add3A_645 = arith.constant 0 : i32
        %add3A_646 = arith.addi %add3A_526, %add3A_645 : i32
        %add3A_647 = arith.constant 8 : i32
        %add3A_648 = arith.addi %add3A_646, %add3A_647 : i32
        %broadcast_in_dim3A_649 = arith.constant 0.000000e+00 : f32
        %broadcast_in_dim3A_650 = vector.broadcast %broadcast_in_dim3A_649 : f32 to vector<16xf32>
        %broadcast_in_dim3A_651 = arith.constant 0.000000e+00 : f32
        %broadcast_in_dim3A_652 = vector.broadcast %broadcast_in_dim3A_651 : f32 to vector<16xf32>
        %broadcast_in_dim3A_653 = arith.constant 0.000000e+00 : f32
        %broadcast_in_dim3A_654 = vector.broadcast %broadcast_in_dim3A_653 : f32 to vector<16xf32>
        %get3A_655 = arith.index_cast %add3A_648 : i32 to index
        %get3A_656 = arith.constant 0 : index
        %get3A_657 = tpu.vector_load %arg9[%get3A_655, %get3A_656] {strides = array<i32>} : memref<256x128xf32, #tpu.memory_space<vmem>>, vector<1x16xf32>,
        %get3A_658 = vector.shape_cast %get3A_657 : vector<1x16xf32> to vector<16xf32>
        %get3A_659 = arith.index_cast %add3A_648 : i32 to index
        %get3A_660 = arith.constant 0 : index
        %get3A_661 = tpu.vector_load %arg10[%get3A_659, %get3A_660] {strides = array<i32>} : memref<256x128xf32, #tpu.memory_space<vmem>>, vector<1x16xf32>,
        %get3A_662 = vector.shape_cast %get3A_661 : vector<1x16xf32> to vector<16xf32>
        %mul3A_663 = arith.mulf %get3A_658, %get3A_662 : vector<16xf32>
        %add3A_664 = arith.addf %broadcast_in_dim3A_650, %mul3A_663 : vector<16xf32>
        %mul3A_665 = arith.mulf %get3A_658, %get3A_658 : vector<16xf32>
        %add3A_666 = arith.addf %broadcast_in_dim3A_652, %mul3A_665 : vector<16xf32>
        %mul3A_667 = arith.mulf %get3A_662, %get3A_662 : vector<16xf32>
        %add3A_668 = arith.addf %broadcast_in_dim3A_654, %mul3A_667 : vector<16xf32>
        %get3A_669 = arith.index_cast %add3A_648 : i32 to index
        %get3A_670 = arith.constant 16 : index
        %get3A_671 = tpu.vector_load %arg9[%get3A_669, %get3A_670] {strides = array<i32>} : memref<256x128xf32, #tpu.memory_space<vmem>>, vector<1x16xf32>,
        %get3A_672 = vector.shape_cast %get3A_671 : vector<1x16xf32> to vector<16xf32>
        %get3A_673 = arith.index_cast %add3A_648 : i32 to index
        %get3A_674 = arith.constant 16 : index
        %get3A_675 = tpu.vector_load %arg10[%get3A_673, %get3A_674] {strides = array<i32>} : memref<256x128xf32, #tpu.memory_space<vmem>>, vector<1x16xf32>,
        %get3A_676 = vector.shape_cast %get3A_675 : vector<1x16xf32> to vector<16xf32>
        %mul3A_677 = arith.mulf %get3A_672, %get3A_676 : vector<16xf32>
        %add3A_678 = arith.addf %add3A_664, %mul3A_677 : vector<16xf32>
        %mul3A_679 = arith.mulf %get3A_672, %get3A_672 : vector<16xf32>
        %add3A_680 = arith.addf %add3A_666, %mul3A_679 : vector<16xf32>
        %mul3A_681 = arith.mulf %get3A_676, %get3A_676 : vector<16xf32>
        %add3A_682 = arith.addf %add3A_668, %mul3A_681 : vector<16xf32>
        %get3A_683 = arith.index_cast %add3A_648 : i32 to index
        %get3A_684 = arith.constant 32 : index
        %get3A_685 = tpu.vector_load %arg9[%get3A_683, %get3A_684] {strides = array<i32>} : memref<256x128xf32, #tpu.memory_space<vmem>>, vector<1x16xf32>,
        %get3A_686 = vector.shape_cast %get3A_685 : vector<1x16xf32> to vector<16xf32>
        %get3A_687 = arith.index_cast %add3A_648 : i32 to index
        %get3A_688 = arith.constant 32 : index
        %get3A_689 = tpu.vector_load %arg10[%get3A_687, %get3A_688] {strides = array<i32>} : memref<256x128xf32, #tpu.memory_space<vmem>>, vector<1x16xf32>,
        %get3A_690 = vector.shape_cast %get3A_689 : vector<1x16xf32> to vector<16xf32>
        %mul3A_691 = arith.mulf %get3A_686, %get3A_690 : vector<16xf32>
        %add3A_692 = arith.addf %add3A_678, %mul3A_691 : vector<16xf32>
        %mul3A_693 = arith.mulf %get3A_686, %get3A_686 : vector<16xf32>
        %add3A_694 = arith.addf %add3A_680, %mul3A_693 : vector<16xf32>
        %mul3A_695 = arith.mulf %get3A_690, %get3A_690 : vector<16xf32>
        %add3A_696 = arith.addf %add3A_682, %mul3A_695 : vector<16xf32>
        %get3A_697 = arith.index_cast %add3A_648 : i32 to index
        %get3A_698 = arith.constant 48 : index
        %get3A_699 = tpu.vector_load %arg9[%get3A_697, %get3A_698] {strides = array<i32>} : memref<256x128xf32, #tpu.memory_space<vmem>>, vector<1x16xf32>,
        %get3A_700 = vector.shape_cast %get3A_699 : vector<1x16xf32> to vector<16xf32>
        %get3A_701 = arith.index_cast %add3A_648 : i32 to index
        %get3A_702 = arith.constant 48 : index
        %get3A_703 = tpu.vector_load %arg10[%get3A_701, %get3A_702] {strides = array<i32>} : memref<256x128xf32, #tpu.memory_space<vmem>>, vector<1x16xf32>,
        %get3A_704 = vector.shape_cast %get3A_703 : vector<1x16xf32> to vector<16xf32>
        %mul3A_705 = arith.mulf %get3A_700, %get3A_704 : vector<16xf32>
        %add3A_706 = arith.addf %add3A_692, %mul3A_705 : vector<16xf32>
        %mul3A_707 = arith.mulf %get3A_700, %get3A_700 : vector<16xf32>
        %add3A_708 = arith.addf %add3A_694, %mul3A_707 : vector<16xf32>
        %mul3A_709 = arith.mulf %get3A_704, %get3A_704 : vector<16xf32>
        %add3A_710 = arith.addf %add3A_696, %mul3A_709 : vector<16xf32>
        %get3A_711 = arith.index_cast %add3A_648 : i32 to index
        %get3A_712 = arith.constant 64 : index
        %get3A_713 = tpu.vector_load %arg9[%get3A_711, %get3A_712] {strides = array<i32>} : memref<256x128xf32, #tpu.memory_space<vmem>>, vector<1x16xf32>,
        %get3A_714 = vector.shape_cast %get3A_713 : vector<1x16xf32> to vector<16xf32>
        %get3A_715 = arith.index_cast %add3A_648 : i32 to index
        %get3A_716 = arith.constant 64 : index
        %get3A_717 = tpu.vector_load %arg10[%get3A_715, %get3A_716] {strides = array<i32>} : memref<256x128xf32, #tpu.memory_space<vmem>>, vector<1x16xf32>,
        %get3A_718 = vector.shape_cast %get3A_717 : vector<1x16xf32> to vector<16xf32>
        %mul3A_719 = arith.mulf %get3A_714, %get3A_718 : vector<16xf32>
        %add3A_720 = arith.addf %add3A_706, %mul3A_719 : vector<16xf32>
        %mul3A_721 = arith.mulf %get3A_714, %get3A_714 : vector<16xf32>
        %add3A_722 = arith.addf %add3A_708, %mul3A_721 : vector<16xf32>
        %mul3A_723 = arith.mulf %get3A_718, %get3A_718 : vector<16xf32>
        %add3A_724 = arith.addf %add3A_710, %mul3A_723 : vector<16xf32>
        %get3A_725 = arith.index_cast %add3A_648 : i32 to index
        %get3A_726 = arith.constant 80 : index
        %get3A_727 = tpu.vector_load %arg9[%get3A_725, %get3A_726] {strides = array<i32>} : memref<256x128xf32, #tpu.memory_space<vmem>>, vector<1x16xf32>,
        %get3A_728 = vector.shape_cast %get3A_727 : vector<1x16xf32> to vector<16xf32>
        %get3A_729 = arith.index_cast %add3A_648 : i32 to index
        %get3A_730 = arith.constant 80 : index
        %get3A_731 = tpu.vector_load %arg10[%get3A_729, %get3A_730] {strides = array<i32>} : memref<256x128xf32, #tpu.memory_space<vmem>>, vector<1x16xf32>,
        %get3A_732 = vector.shape_cast %get3A_731 : vector<1x16xf32> to vector<16xf32>
        %mul3A_733 = arith.mulf %get3A_728, %get3A_732 : vector<16xf32>
        %add3A_734 = arith.addf %add3A_720, %mul3A_733 : vector<16xf32>
        %mul3A_735 = arith.mulf %get3A_728, %get3A_728 : vector<16xf32>
        %add3A_736 = arith.addf %add3A_722, %mul3A_735 : vector<16xf32>
        %mul3A_737 = arith.mulf %get3A_732, %get3A_732 : vector<16xf32>
        %add3A_738 = arith.addf %add3A_724, %mul3A_737 : vector<16xf32>
        %get3A_739 = arith.index_cast %add3A_648 : i32 to index
        %get3A_740 = arith.constant 96 : index
        %get3A_741 = tpu.vector_load %arg9[%get3A_739, %get3A_740] {strides = array<i32>} : memref<256x128xf32, #tpu.memory_space<vmem>>, vector<1x16xf32>,
        %get3A_742 = vector.shape_cast %get3A_741 : vector<1x16xf32> to vector<16xf32>
        %get3A_743 = arith.index_cast %add3A_648 : i32 to index
        %get3A_744 = arith.constant 96 : index
        %get3A_745 = tpu.vector_load %arg10[%get3A_743, %get3A_744] {strides = array<i32>} : memref<256x128xf32, #tpu.memory_space<vmem>>, vector<1x16xf32>,
        %get3A_746 = vector.shape_cast %get3A_745 : vector<1x16xf32> to vector<16xf32>
        %mul3A_747 = arith.mulf %get3A_742, %get3A_746 : vector<16xf32>
        %add3A_748 = arith.addf %add3A_734, %mul3A_747 : vector<16xf32>
        %mul3A_749 = arith.mulf %get3A_742, %get3A_742 : vector<16xf32>
        %add3A_750 = arith.addf %add3A_736, %mul3A_749 : vector<16xf32>
        %mul3A_751 = arith.mulf %get3A_746, %get3A_746 : vector<16xf32>
        %add3A_752 = arith.addf %add3A_738, %mul3A_751 : vector<16xf32>
        %get3A_753 = arith.index_cast %add3A_648 : i32 to index
        %get3A_754 = arith.constant 112 : index
        %get3A_755 = tpu.vector_load %arg9[%get3A_753, %get3A_754] {strides = array<i32>} : memref<256x128xf32, #tpu.memory_space<vmem>>, vector<1x16xf32>,
        %get3A_756 = vector.shape_cast %get3A_755 : vector<1x16xf32> to vector<16xf32>
        %get3A_757 = arith.index_cast %add3A_648 : i32 to index
        %get3A_758 = arith.constant 112 : index
        %get3A_759 = tpu.vector_load %arg10[%get3A_757, %get3A_758] {strides = array<i32>} : memref<256x128xf32, #tpu.memory_space<vmem>>, vector<1x16xf32>,
        %get3A_760 = vector.shape_cast %get3A_759 : vector<1x16xf32> to vector<16xf32>
        %mul3A_761 = arith.mulf %get3A_756, %get3A_760 : vector<16xf32>
        %add3A_762 = arith.addf %add3A_748, %mul3A_761 : vector<16xf32>
        %mul3A_763 = arith.mulf %get3A_756, %get3A_756 : vector<16xf32>
        %add3A_764 = arith.addf %add3A_750, %mul3A_763 : vector<16xf32>
        %mul3A_765 = arith.mulf %get3A_760, %get3A_760 : vector<16xf32>
        %add3A_766 = arith.addf %add3A_752, %mul3A_765 : vector<16xf32>
        %iota3A_767 = tpu.iota {dimensions = array<i32: 0>} : vector<16xi32>
        %xor3A = arith.constant 8 : i32
        %xor3A_768 = vector.broadcast %xor3A : i32 to vector<16xi32>
        %xor3A_769 = arith.xori %iota3A_767, %xor3A_768 : vector<16xi32>
        %reshape3A = vector.shape_cast %xor3A_769 : vector<16xi32> to vector<16x1xi32>
        %gather3A = vector.shape_cast %reshape3A : vector<16x1xi32> to vector<16xi32>
        %gather3A_770 = tpu.dynamic_gather %add3A_640[%gather3A] in [0] : vector<16xf32>, vector<16xi32> -> vector<16xf32>
        %add3A_771 = arith.addf %add3A_640, %gather3A_770 : vector<16xf32>
        %iota3A_772 = tpu.iota {dimensions = array<i32: 0>} : vector<16xi32>
        %xor3A_773 = arith.constant 8 : i32
        %xor3A_774 = vector.broadcast %xor3A_773 : i32 to vector<16xi32>
        %xor3A_775 = arith.xori %iota3A_772, %xor3A_774 : vector<16xi32>
        %reshape3A_776 = vector.shape_cast %xor3A_775 : vector<16xi32> to vector<16x1xi32>
        %gather3A_777 = vector.shape_cast %reshape3A_776 : vector<16x1xi32> to vector<16xi32>
        %gather3A_778 = tpu.dynamic_gather %add3A_762[%gather3A_777] in [0] : vector<16xf32>, vector<16xi32> -> vector<16xf32>
        %add3A_779 = arith.addf %add3A_762, %gather3A_778 : vector<16xf32>
        %select_n3A_780 = arith.select %eq3A_6, %add3A_771, %add3A_779 : vector<16xi1>, vector<16xf32>
        %iota3A_781 = tpu.iota {dimensions = array<i32: 0>} : vector<16xi32>
        %xor3A_782 = arith.constant 8 : i32
        %xor3A_783 = vector.broadcast %xor3A_782 : i32 to vector<16xi32>
        %xor3A_784 = arith.xori %iota3A_781, %xor3A_783 : vector<16xi32>
        %reshape3A_785 = vector.shape_cast %xor3A_784 : vector<16xi32> to vector<16x1xi32>
        %gather3A_786 = vector.shape_cast %reshape3A_785 : vector<16x1xi32> to vector<16xi32>
        %gather3A_787 = tpu.dynamic_gather %add3A_642[%gather3A_786] in [0] : vector<16xf32>, vector<16xi32> -> vector<16xf32>
        %add3A_788 = arith.addf %add3A_642, %gather3A_787 : vector<16xf32>
        %iota3A_789 = tpu.iota {dimensions = array<i32: 0>} : vector<16xi32>
        %xor3A_790 = arith.constant 8 : i32
        %xor3A_791 = vector.broadcast %xor3A_790 : i32 to vector<16xi32>
        %xor3A_792 = arith.xori %iota3A_789, %xor3A_791 : vector<16xi32>
        %reshape3A_793 = vector.shape_cast %xor3A_792 : vector<16xi32> to vector<16x1xi32>
        %gather3A_794 = vector.shape_cast %reshape3A_793 : vector<16x1xi32> to vector<16xi32>
        %gather3A_795 = tpu.dynamic_gather %add3A_764[%gather3A_794] in [0] : vector<16xf32>, vector<16xi32> -> vector<16xf32>
        %add3A_796 = arith.addf %add3A_764, %gather3A_795 : vector<16xf32>
        %select_n3A_797 = arith.select %eq3A_6, %add3A_788, %add3A_796 : vector<16xi1>, vector<16xf32>
        %iota3A_798 = tpu.iota {dimensions = array<i32: 0>} : vector<16xi32>
        %xor3A_799 = arith.constant 8 : i32
        %xor3A_800 = vector.broadcast %xor3A_799 : i32 to vector<16xi32>
        %xor3A_801 = arith.xori %iota3A_798, %xor3A_800 : vector<16xi32>
        %reshape3A_802 = vector.shape_cast %xor3A_801 : vector<16xi32> to vector<16x1xi32>
        %gather3A_803 = vector.shape_cast %reshape3A_802 : vector<16x1xi32> to vector<16xi32>
        %gather3A_804 = tpu.dynamic_gather %add3A_644[%gather3A_803] in [0] : vector<16xf32>, vector<16xi32> -> vector<16xf32>
        %add3A_805 = arith.addf %add3A_644, %gather3A_804 : vector<16xf32>
        %iota3A_806 = tpu.iota {dimensions = array<i32: 0>} : vector<16xi32>
        %xor3A_807 = arith.constant 8 : i32
        %xor3A_808 = vector.broadcast %xor3A_807 : i32 to vector<16xi32>
        %xor3A_809 = arith.xori %iota3A_806, %xor3A_808 : vector<16xi32>
        %reshape3A_810 = vector.shape_cast %xor3A_809 : vector<16xi32> to vector<16x1xi32>
        %gather3A_811 = vector.shape_cast %reshape3A_810 : vector<16x1xi32> to vector<16xi32>
        %gather3A_812 = tpu.dynamic_gather %add3A_766[%gather3A_811] in [0] : vector<16xf32>, vector<16xi32> -> vector<16xf32>
        %add3A_813 = arith.addf %add3A_766, %gather3A_812 : vector<16xf32>
        %select_n3A_814 = arith.select %eq3A_6, %add3A_805, %add3A_813 : vector<16xi1>, vector<16xf32>
        %add3A_815 = arith.constant 1 : i32
        %add3A_816 = arith.addi %add3A_526, %add3A_815 : i32
        %broadcast_in_dim3A_817 = arith.constant 0.000000e+00 : f32
        %broadcast_in_dim3A_818 = vector.broadcast %broadcast_in_dim3A_817 : f32 to vector<16xf32>
        %broadcast_in_dim3A_819 = arith.constant 0.000000e+00 : f32
        %broadcast_in_dim3A_820 = vector.broadcast %broadcast_in_dim3A_819 : f32 to vector<16xf32>
        %broadcast_in_dim3A_821 = arith.constant 0.000000e+00 : f32
        %broadcast_in_dim3A_822 = vector.broadcast %broadcast_in_dim3A_821 : f32 to vector<16xf32>
        %get3A_823 = arith.index_cast %add3A_816 : i32 to index
        %get3A_824 = arith.constant 0 : index
        %get3A_825 = tpu.vector_load %arg9[%get3A_823, %get3A_824] {strides = array<i32>} : memref<256x128xf32, #tpu.memory_space<vmem>>, vector<1x16xf32>,
        %get3A_826 = vector.shape_cast %get3A_825 : vector<1x16xf32> to vector<16xf32>
        %get3A_827 = arith.index_cast %add3A_816 : i32 to index
        %get3A_828 = arith.constant 0 : index
        %get3A_829 = tpu.vector_load %arg10[%get3A_827, %get3A_828] {strides = array<i32>} : memref<256x128xf32, #tpu.memory_space<vmem>>, vector<1x16xf32>,
        %get3A_830 = vector.shape_cast %get3A_829 : vector<1x16xf32> to vector<16xf32>
        %mul3A_831 = arith.mulf %get3A_826, %get3A_830 : vector<16xf32>
        %add3A_832 = arith.addf %broadcast_in_dim3A_818, %mul3A_831 : vector<16xf32>
        %mul3A_833 = arith.mulf %get3A_826, %get3A_826 : vector<16xf32>
        %add3A_834 = arith.addf %broadcast_in_dim3A_820, %mul3A_833 : vector<16xf32>
        %mul3A_835 = arith.mulf %get3A_830, %get3A_830 : vector<16xf32>
        %add3A_836 = arith.addf %broadcast_in_dim3A_822, %mul3A_835 : vector<16xf32>
        %get3A_837 = arith.index_cast %add3A_816 : i32 to index
        %get3A_838 = arith.constant 16 : index
        %get3A_839 = tpu.vector_load %arg9[%get3A_837, %get3A_838] {strides = array<i32>} : memref<256x128xf32, #tpu.memory_space<vmem>>, vector<1x16xf32>,
        %get3A_840 = vector.shape_cast %get3A_839 : vector<1x16xf32> to vector<16xf32>
        %get3A_841 = arith.index_cast %add3A_816 : i32 to index
        %get3A_842 = arith.constant 16 : index
        %get3A_843 = tpu.vector_load %arg10[%get3A_841, %get3A_842] {strides = array<i32>} : memref<256x128xf32, #tpu.memory_space<vmem>>, vector<1x16xf32>,
        %get3A_844 = vector.shape_cast %get3A_843 : vector<1x16xf32> to vector<16xf32>
        %mul3A_845 = arith.mulf %get3A_840, %get3A_844 : vector<16xf32>
        %add3A_846 = arith.addf %add3A_832, %mul3A_845 : vector<16xf32>
        %mul3A_847 = arith.mulf %get3A_840, %get3A_840 : vector<16xf32>
        %add3A_848 = arith.addf %add3A_834, %mul3A_847 : vector<16xf32>
        %mul3A_849 = arith.mulf %get3A_844, %get3A_844 : vector<16xf32>
        %add3A_850 = arith.addf %add3A_836, %mul3A_849 : vector<16xf32>
        %get3A_851 = arith.index_cast %add3A_816 : i32 to index
        %get3A_852 = arith.constant 32 : index
        %get3A_853 = tpu.vector_load %arg9[%get3A_851, %get3A_852] {strides = array<i32>} : memref<256x128xf32, #tpu.memory_space<vmem>>, vector<1x16xf32>,
        %get3A_854 = vector.shape_cast %get3A_853 : vector<1x16xf32> to vector<16xf32>
        %get3A_855 = arith.index_cast %add3A_816 : i32 to index
        %get3A_856 = arith.constant 32 : index
        %get3A_857 = tpu.vector_load %arg10[%get3A_855, %get3A_856] {strides = array<i32>} : memref<256x128xf32, #tpu.memory_space<vmem>>, vector<1x16xf32>,
        %get3A_858 = vector.shape_cast %get3A_857 : vector<1x16xf32> to vector<16xf32>
        %mul3A_859 = arith.mulf %get3A_854, %get3A_858 : vector<16xf32>
        %add3A_860 = arith.addf %add3A_846, %mul3A_859 : vector<16xf32>
        %mul3A_861 = arith.mulf %get3A_854, %get3A_854 : vector<16xf32>
        %add3A_862 = arith.addf %add3A_848, %mul3A_861 : vector<16xf32>
        %mul3A_863 = arith.mulf %get3A_858, %get3A_858 : vector<16xf32>
        %add3A_864 = arith.addf %add3A_850, %mul3A_863 : vector<16xf32>
        %get3A_865 = arith.index_cast %add3A_816 : i32 to index
        %get3A_866 = arith.constant 48 : index
        %get3A_867 = tpu.vector_load %arg9[%get3A_865, %get3A_866] {strides = array<i32>} : memref<256x128xf32, #tpu.memory_space<vmem>>, vector<1x16xf32>,
        %get3A_868 = vector.shape_cast %get3A_867 : vector<1x16xf32> to vector<16xf32>
        %get3A_869 = arith.index_cast %add3A_816 : i32 to index
        %get3A_870 = arith.constant 48 : index
        %get3A_871 = tpu.vector_load %arg10[%get3A_869, %get3A_870] {strides = array<i32>} : memref<256x128xf32, #tpu.memory_space<vmem>>, vector<1x16xf32>,
        %get3A_872 = vector.shape_cast %get3A_871 : vector<1x16xf32> to vector<16xf32>
        %mul3A_873 = arith.mulf %get3A_868, %get3A_872 : vector<16xf32>
        %add3A_874 = arith.addf %add3A_860, %mul3A_873 : vector<16xf32>
        %mul3A_875 = arith.mulf %get3A_868, %get3A_868 : vector<16xf32>
        %add3A_876 = arith.addf %add3A_862, %mul3A_875 : vector<16xf32>
        %mul3A_877 = arith.mulf %get3A_872, %get3A_872 : vector<16xf32>
        %add3A_878 = arith.addf %add3A_864, %mul3A_877 : vector<16xf32>
        %get3A_879 = arith.index_cast %add3A_816 : i32 to index
        %get3A_880 = arith.constant 64 : index
        %get3A_881 = tpu.vector_load %arg9[%get3A_879, %get3A_880] {strides = array<i32>} : memref<256x128xf32, #tpu.memory_space<vmem>>, vector<1x16xf32>,
        %get3A_882 = vector.shape_cast %get3A_881 : vector<1x16xf32> to vector<16xf32>
        %get3A_883 = arith.index_cast %add3A_816 : i32 to index
        %get3A_884 = arith.constant 64 : index
        %get3A_885 = tpu.vector_load %arg10[%get3A_883, %get3A_884] {strides = array<i32>} : memref<256x128xf32, #tpu.memory_space<vmem>>, vector<1x16xf32>,
        %get3A_886 = vector.shape_cast %get3A_885 : vector<1x16xf32> to vector<16xf32>
        %mul3A_887 = arith.mulf %get3A_882, %get3A_886 : vector<16xf32>
        %add3A_888 = arith.addf %add3A_874, %mul3A_887 : vector<16xf32>
        %mul3A_889 = arith.mulf %get3A_882, %get3A_882 : vector<16xf32>
        %add3A_890 = arith.addf %add3A_876, %mul3A_889 : vector<16xf32>
        %mul3A_891 = arith.mulf %get3A_886, %get3A_886 : vector<16xf32>
        %add3A_892 = arith.addf %add3A_878, %mul3A_891 : vector<16xf32>
        %get3A_893 = arith.index_cast %add3A_816 : i32 to index
        %get3A_894 = arith.constant 80 : index
        %get3A_895 = tpu.vector_load %arg9[%get3A_893, %get3A_894] {strides = array<i32>} : memref<256x128xf32, #tpu.memory_space<vmem>>, vector<1x16xf32>,
        %get3A_896 = vector.shape_cast %get3A_895 : vector<1x16xf32> to vector<16xf32>
        %get3A_897 = arith.index_cast %add3A_816 : i32 to index
        %get3A_898 = arith.constant 80 : index
        %get3A_899 = tpu.vector_load %arg10[%get3A_897, %get3A_898] {strides = array<i32>} : memref<256x128xf32, #tpu.memory_space<vmem>>, vector<1x16xf32>,
        %get3A_900 = vector.shape_cast %get3A_899 : vector<1x16xf32> to vector<16xf32>
        %mul3A_901 = arith.mulf %get3A_896, %get3A_900 : vector<16xf32>
        %add3A_902 = arith.addf %add3A_888, %mul3A_901 : vector<16xf32>
        %mul3A_903 = arith.mulf %get3A_896, %get3A_896 : vector<16xf32>
        %add3A_904 = arith.addf %add3A_890, %mul3A_903 : vector<16xf32>
        %mul3A_905 = arith.mulf %get3A_900, %get3A_900 : vector<16xf32>
        %add3A_906 = arith.addf %add3A_892, %mul3A_905 : vector<16xf32>
        %get3A_907 = arith.index_cast %add3A_816 : i32 to index
        %get3A_908 = arith.constant 96 : index
        %get3A_909 = tpu.vector_load %arg9[%get3A_907, %get3A_908] {strides = array<i32>} : memref<256x128xf32, #tpu.memory_space<vmem>>, vector<1x16xf32>,
        %get3A_910 = vector.shape_cast %get3A_909 : vector<1x16xf32> to vector<16xf32>
        %get3A_911 = arith.index_cast %add3A_816 : i32 to index
        %get3A_912 = arith.constant 96 : index
        %get3A_913 = tpu.vector_load %arg10[%get3A_911, %get3A_912] {strides = array<i32>} : memref<256x128xf32, #tpu.memory_space<vmem>>, vector<1x16xf32>,
        %get3A_914 = vector.shape_cast %get3A_913 : vector<1x16xf32> to vector<16xf32>
        %mul3A_915 = arith.mulf %get3A_910, %get3A_914 : vector<16xf32>
        %add3A_916 = arith.addf %add3A_902, %mul3A_915 : vector<16xf32>
        %mul3A_917 = arith.mulf %get3A_910, %get3A_910 : vector<16xf32>
        %add3A_918 = arith.addf %add3A_904, %mul3A_917 : vector<16xf32>
        %mul3A_919 = arith.mulf %get3A_914, %get3A_914 : vector<16xf32>
        %add3A_920 = arith.addf %add3A_906, %mul3A_919 : vector<16xf32>
        %get3A_921 = arith.index_cast %add3A_816 : i32 to index
        %get3A_922 = arith.constant 112 : index
        %get3A_923 = tpu.vector_load %arg9[%get3A_921, %get3A_922] {strides = array<i32>} : memref<256x128xf32, #tpu.memory_space<vmem>>, vector<1x16xf32>,
        %get3A_924 = vector.shape_cast %get3A_923 : vector<1x16xf32> to vector<16xf32>
        %get3A_925 = arith.index_cast %add3A_816 : i32 to index
        %get3A_926 = arith.constant 112 : index
        %get3A_927 = tpu.vector_load %arg10[%get3A_925, %get3A_926] {strides = array<i32>} : memref<256x128xf32, #tpu.memory_space<vmem>>, vector<1x16xf32>,
        %get3A_928 = vector.shape_cast %get3A_927 : vector<1x16xf32> to vector<16xf32>
        %mul3A_929 = arith.mulf %get3A_924, %get3A_928 : vector<16xf32>
        %add3A_930 = arith.addf %add3A_916, %mul3A_929 : vector<16xf32>
        %mul3A_931 = arith.mulf %get3A_924, %get3A_924 : vector<16xf32>
        %add3A_932 = arith.addf %add3A_918, %mul3A_931 : vector<16xf32>
        %mul3A_933 = arith.mulf %get3A_928, %get3A_928 : vector<16xf32>
        %add3A_934 = arith.addf %add3A_920, %mul3A_933 : vector<16xf32>
        %add3A_935 = arith.constant 1 : i32
        %add3A_936 = arith.addi %add3A_526, %add3A_935 : i32
        %add3A_937 = arith.constant 8 : i32
        %add3A_938 = arith.addi %add3A_936, %add3A_937 : i32
        %broadcast_in_dim3A_939 = arith.constant 0.000000e+00 : f32
        %broadcast_in_dim3A_940 = vector.broadcast %broadcast_in_dim3A_939 : f32 to vector<16xf32>
        %broadcast_in_dim3A_941 = arith.constant 0.000000e+00 : f32
        %broadcast_in_dim3A_942 = vector.broadcast %broadcast_in_dim3A_941 : f32 to vector<16xf32>
        %broadcast_in_dim3A_943 = arith.constant 0.000000e+00 : f32
        %broadcast_in_dim3A_944 = vector.broadcast %broadcast_in_dim3A_943 : f32 to vector<16xf32>
        %get3A_945 = arith.index_cast %add3A_938 : i32 to index
        %get3A_946 = arith.constant 0 : index
        %get3A_947 = tpu.vector_load %arg9[%get3A_945, %get3A_946] {strides = array<i32>} : memref<256x128xf32, #tpu.memory_space<vmem>>, vector<1x16xf32>,
        %get3A_948 = vector.shape_cast %get3A_947 : vector<1x16xf32> to vector<16xf32>
        %get3A_949 = arith.index_cast %add3A_938 : i32 to index
        %get3A_950 = arith.constant 0 : index
        %get3A_951 = tpu.vector_load %arg10[%get3A_949, %get3A_950] {strides = array<i32>} : memref<256x128xf32, #tpu.memory_space<vmem>>, vector<1x16xf32>,
        %get3A_952 = vector.shape_cast %get3A_951 : vector<1x16xf32> to vector<16xf32>
        %mul3A_953 = arith.mulf %get3A_948, %get3A_952 : vector<16xf32>
        %add3A_954 = arith.addf %broadcast_in_dim3A_940, %mul3A_953 : vector<16xf32>
        %mul3A_955 = arith.mulf %get3A_948, %get3A_948 : vector<16xf32>
        %add3A_956 = arith.addf %broadcast_in_dim3A_942, %mul3A_955 : vector<16xf32>
        %mul3A_957 = arith.mulf %get3A_952, %get3A_952 : vector<16xf32>
        %add3A_958 = arith.addf %broadcast_in_dim3A_944, %mul3A_957 : vector<16xf32>
        %get3A_959 = arith.index_cast %add3A_938 : i32 to index
        %get3A_960 = arith.constant 16 : index
        %get3A_961 = tpu.vector_load %arg9[%get3A_959, %get3A_960] {strides = array<i32>} : memref<256x128xf32, #tpu.memory_space<vmem>>, vector<1x16xf32>,
        %get3A_962 = vector.shape_cast %get3A_961 : vector<1x16xf32> to vector<16xf32>
        %get3A_963 = arith.index_cast %add3A_938 : i32 to index
        %get3A_964 = arith.constant 16 : index
        %get3A_965 = tpu.vector_load %arg10[%get3A_963, %get3A_964] {strides = array<i32>} : memref<256x128xf32, #tpu.memory_space<vmem>>, vector<1x16xf32>,
        %get3A_966 = vector.shape_cast %get3A_965 : vector<1x16xf32> to vector<16xf32>
        %mul3A_967 = arith.mulf %get3A_962, %get3A_966 : vector<16xf32>
        %add3A_968 = arith.addf %add3A_954, %mul3A_967 : vector<16xf32>
        %mul3A_969 = arith.mulf %get3A_962, %get3A_962 : vector<16xf32>
        %add3A_970 = arith.addf %add3A_956, %mul3A_969 : vector<16xf32>
        %mul3A_971 = arith.mulf %get3A_966, %get3A_966 : vector<16xf32>
        %add3A_972 = arith.addf %add3A_958, %mul3A_971 : vector<16xf32>
        %get3A_973 = arith.index_cast %add3A_938 : i32 to index
        %get3A_974 = arith.constant 32 : index
        %get3A_975 = tpu.vector_load %arg9[%get3A_973, %get3A_974] {strides = array<i32>} : memref<256x128xf32, #tpu.memory_space<vmem>>, vector<1x16xf32>,
        %get3A_976 = vector.shape_cast %get3A_975 : vector<1x16xf32> to vector<16xf32>
        %get3A_977 = arith.index_cast %add3A_938 : i32 to index
        %get3A_978 = arith.constant 32 : index
        %get3A_979 = tpu.vector_load %arg10[%get3A_977, %get3A_978] {strides = array<i32>} : memref<256x128xf32, #tpu.memory_space<vmem>>, vector<1x16xf32>,
        %get3A_980 = vector.shape_cast %get3A_979 : vector<1x16xf32> to vector<16xf32>
        %mul3A_981 = arith.mulf %get3A_976, %get3A_980 : vector<16xf32>
        %add3A_982 = arith.addf %add3A_968, %mul3A_981 : vector<16xf32>
        %mul3A_983 = arith.mulf %get3A_976, %get3A_976 : vector<16xf32>
        %add3A_984 = arith.addf %add3A_970, %mul3A_983 : vector<16xf32>
        %mul3A_985 = arith.mulf %get3A_980, %get3A_980 : vector<16xf32>
        %add3A_986 = arith.addf %add3A_972, %mul3A_985 : vector<16xf32>
        %get3A_987 = arith.index_cast %add3A_938 : i32 to index
        %get3A_988 = arith.constant 48 : index
        %get3A_989 = tpu.vector_load %arg9[%get3A_987, %get3A_988] {strides = array<i32>} : memref<256x128xf32, #tpu.memory_space<vmem>>, vector<1x16xf32>,
        %get3A_990 = vector.shape_cast %get3A_989 : vector<1x16xf32> to vector<16xf32>
        %get3A_991 = arith.index_cast %add3A_938 : i32 to index
        %get3A_992 = arith.constant 48 : index
        %get3A_993 = tpu.vector_load %arg10[%get3A_991, %get3A_992] {strides = array<i32>} : memref<256x128xf32, #tpu.memory_space<vmem>>, vector<1x16xf32>,
        %get3A_994 = vector.shape_cast %get3A_993 : vector<1x16xf32> to vector<16xf32>
        %mul3A_995 = arith.mulf %get3A_990, %get3A_994 : vector<16xf32>
        %add3A_996 = arith.addf %add3A_982, %mul3A_995 : vector<16xf32>
        %mul3A_997 = arith.mulf %get3A_990, %get3A_990 : vector<16xf32>
        %add3A_998 = arith.addf %add3A_984, %mul3A_997 : vector<16xf32>
        %mul3A_999 = arith.mulf %get3A_994, %get3A_994 : vector<16xf32>
        %add3A_1000 = arith.addf %add3A_986, %mul3A_999 : vector<16xf32>
        %get3A_1001 = arith.index_cast %add3A_938 : i32 to index
        %get3A_1002 = arith.constant 64 : index
        %get3A_1003 = tpu.vector_load %arg9[%get3A_1001, %get3A_1002] {strides = array<i32>} : memref<256x128xf32, #tpu.memory_space<vmem>>, vector<1x16xf32>,
        %get3A_1004 = vector.shape_cast %get3A_1003 : vector<1x16xf32> to vector<16xf32>
        %get3A_1005 = arith.index_cast %add3A_938 : i32 to index
        %get3A_1006 = arith.constant 64 : index
        %get3A_1007 = tpu.vector_load %arg10[%get3A_1005, %get3A_1006] {strides = array<i32>} : memref<256x128xf32, #tpu.memory_space<vmem>>, vector<1x16xf32>,
        %get3A_1008 = vector.shape_cast %get3A_1007 : vector<1x16xf32> to vector<16xf32>
        %mul3A_1009 = arith.mulf %get3A_1004, %get3A_1008 : vector<16xf32>
        %add3A_1010 = arith.addf %add3A_996, %mul3A_1009 : vector<16xf32>
        %mul3A_1011 = arith.mulf %get3A_1004, %get3A_1004 : vector<16xf32>
        %add3A_1012 = arith.addf %add3A_998, %mul3A_1011 : vector<16xf32>
        %mul3A_1013 = arith.mulf %get3A_1008, %get3A_1008 : vector<16xf32>
        %add3A_1014 = arith.addf %add3A_1000, %mul3A_1013 : vector<16xf32>
        %get3A_1015 = arith.index_cast %add3A_938 : i32 to index
        %get3A_1016 = arith.constant 80 : index
        %get3A_1017 = tpu.vector_load %arg9[%get3A_1015, %get3A_1016] {strides = array<i32>} : memref<256x128xf32, #tpu.memory_space<vmem>>, vector<1x16xf32>,
        %get3A_1018 = vector.shape_cast %get3A_1017 : vector<1x16xf32> to vector<16xf32>
        %get3A_1019 = arith.index_cast %add3A_938 : i32 to index
        %get3A_1020 = arith.constant 80 : index
        %get3A_1021 = tpu.vector_load %arg10[%get3A_1019, %get3A_1020] {strides = array<i32>} : memref<256x128xf32, #tpu.memory_space<vmem>>, vector<1x16xf32>,
        %get3A_1022 = vector.shape_cast %get3A_1021 : vector<1x16xf32> to vector<16xf32>
        %mul3A_1023 = arith.mulf %get3A_1018, %get3A_1022 : vector<16xf32>
        %add3A_1024 = arith.addf %add3A_1010, %mul3A_1023 : vector<16xf32>
        %mul3A_1025 = arith.mulf %get3A_1018, %get3A_1018 : vector<16xf32>
        %add3A_1026 = arith.addf %add3A_1012, %mul3A_1025 : vector<16xf32>
        %mul3A_1027 = arith.mulf %get3A_1022, %get3A_1022 : vector<16xf32>
        %add3A_1028 = arith.addf %add3A_1014, %mul3A_1027 : vector<16xf32>
        %get3A_1029 = arith.index_cast %add3A_938 : i32 to index
        %get3A_1030 = arith.constant 96 : index
        %get3A_1031 = tpu.vector_load %arg9[%get3A_1029, %get3A_1030] {strides = array<i32>} : memref<256x128xf32, #tpu.memory_space<vmem>>, vector<1x16xf32>,
        %get3A_1032 = vector.shape_cast %get3A_1031 : vector<1x16xf32> to vector<16xf32>
        %get3A_1033 = arith.index_cast %add3A_938 : i32 to index
        %get3A_1034 = arith.constant 96 : index
        %get3A_1035 = tpu.vector_load %arg10[%get3A_1033, %get3A_1034] {strides = array<i32>} : memref<256x128xf32, #tpu.memory_space<vmem>>, vector<1x16xf32>,
        %get3A_1036 = vector.shape_cast %get3A_1035 : vector<1x16xf32> to vector<16xf32>
        %mul3A_1037 = arith.mulf %get3A_1032, %get3A_1036 : vector<16xf32>
        %add3A_1038 = arith.addf %add3A_1024, %mul3A_1037 : vector<16xf32>
        %mul3A_1039 = arith.mulf %get3A_1032, %get3A_1032 : vector<16xf32>
        %add3A_1040 = arith.addf %add3A_1026, %mul3A_1039 : vector<16xf32>
        %mul3A_1041 = arith.mulf %get3A_1036, %get3A_1036 : vector<16xf32>
        %add3A_1042 = arith.addf %add3A_1028, %mul3A_1041 : vector<16xf32>
        %get3A_1043 = arith.index_cast %add3A_938 : i32 to index
        %get3A_1044 = arith.constant 112 : index
        %get3A_1045 = tpu.vector_load %arg9[%get3A_1043, %get3A_1044] {strides = array<i32>} : memref<256x128xf32, #tpu.memory_space<vmem>>, vector<1x16xf32>,
        %get3A_1046 = vector.shape_cast %get3A_1045 : vector<1x16xf32> to vector<16xf32>
        %get3A_1047 = arith.index_cast %add3A_938 : i32 to index
        %get3A_1048 = arith.constant 112 : index
        %get3A_1049 = tpu.vector_load %arg10[%get3A_1047, %get3A_1048] {strides = array<i32>} : memref<256x128xf32, #tpu.memory_space<vmem>>, vector<1x16xf32>,
        %get3A_1050 = vector.shape_cast %get3A_1049 : vector<1x16xf32> to vector<16xf32>
        %mul3A_1051 = arith.mulf %get3A_1046, %get3A_1050 : vector<16xf32>
        %add3A_1052 = arith.addf %add3A_1038, %mul3A_1051 : vector<16xf32>
        %mul3A_1053 = arith.mulf %get3A_1046, %get3A_1046 : vector<16xf32>
        %add3A_1054 = arith.addf %add3A_1040, %mul3A_1053 : vector<16xf32>
        %mul3A_1055 = arith.mulf %get3A_1050, %get3A_1050 : vector<16xf32>
        %add3A_1056 = arith.addf %add3A_1042, %mul3A_1055 : vector<16xf32>
        %iota3A_1057 = tpu.iota {dimensions = array<i32: 0>} : vector<16xi32>
        %xor3A_1058 = arith.constant 8 : i32
        %xor3A_1059 = vector.broadcast %xor3A_1058 : i32 to vector<16xi32>
        %xor3A_1060 = arith.xori %iota3A_1057, %xor3A_1059 : vector<16xi32>
        %reshape3A_1061 = vector.shape_cast %xor3A_1060 : vector<16xi32> to vector<16x1xi32>
        %gather3A_1062 = vector.shape_cast %reshape3A_1061 : vector<16x1xi32> to vector<16xi32>
        %gather3A_1063 = tpu.dynamic_gather %add3A_930[%gather3A_1062] in [0] : vector<16xf32>, vector<16xi32> -> vector<16xf32>
        %add3A_1064 = arith.addf %add3A_930, %gather3A_1063 : vector<16xf32>
        %iota3A_1065 = tpu.iota {dimensions = array<i32: 0>} : vector<16xi32>
        %xor3A_1066 = arith.constant 8 : i32
        %xor3A_1067 = vector.broadcast %xor3A_1066 : i32 to vector<16xi32>
        %xor3A_1068 = arith.xori %iota3A_1065, %xor3A_1067 : vector<16xi32>
        %reshape3A_1069 = vector.shape_cast %xor3A_1068 : vector<16xi32> to vector<16x1xi32>
        %gather3A_1070 = vector.shape_cast %reshape3A_1069 : vector<16x1xi32> to vector<16xi32>
        %gather3A_1071 = tpu.dynamic_gather %add3A_1052[%gather3A_1070] in [0] : vector<16xf32>, vector<16xi32> -> vector<16xf32>
        %add3A_1072 = arith.addf %add3A_1052, %gather3A_1071 : vector<16xf32>
        %select_n3A_1073 = arith.select %eq3A_6, %add3A_1064, %add3A_1072 : vector<16xi1>, vector<16xf32>
        %iota3A_1074 = tpu.iota {dimensions = array<i32: 0>} : vector<16xi32>
        %xor3A_1075 = arith.constant 8 : i32
        %xor3A_1076 = vector.broadcast %xor3A_1075 : i32 to vector<16xi32>
        %xor3A_1077 = arith.xori %iota3A_1074, %xor3A_1076 : vector<16xi32>
        %reshape3A_1078 = vector.shape_cast %xor3A_1077 : vector<16xi32> to vector<16x1xi32>
        %gather3A_1079 = vector.shape_cast %reshape3A_1078 : vector<16x1xi32> to vector<16xi32>
        %gather3A_1080 = tpu.dynamic_gather %add3A_932[%gather3A_1079] in [0] : vector<16xf32>, vector<16xi32> -> vector<16xf32>
        %add3A_1081 = arith.addf %add3A_932, %gather3A_1080 : vector<16xf32>
        %iota3A_1082 = tpu.iota {dimensions = array<i32: 0>} : vector<16xi32>
        %xor3A_1083 = arith.constant 8 : i32
        %xor3A_1084 = vector.broadcast %xor3A_1083 : i32 to vector<16xi32>
        %xor3A_1085 = arith.xori %iota3A_1082, %xor3A_1084 : vector<16xi32>
        %reshape3A_1086 = vector.shape_cast %xor3A_1085 : vector<16xi32> to vector<16x1xi32>
        %gather3A_1087 = vector.shape_cast %reshape3A_1086 : vector<16x1xi32> to vector<16xi32>
        %gather3A_1088 = tpu.dynamic_gather %add3A_1054[%gather3A_1087] in [0] : vector<16xf32>, vector<16xi32> -> vector<16xf32>
        %add3A_1089 = arith.addf %add3A_1054, %gather3A_1088 : vector<16xf32>
        %select_n3A_1090 = arith.select %eq3A_6, %add3A_1081, %add3A_1089 : vector<16xi1>, vector<16xf32>
        %iota3A_1091 = tpu.iota {dimensions = array<i32: 0>} : vector<16xi32>
        %xor3A_1092 = arith.constant 8 : i32
        %xor3A_1093 = vector.broadcast %xor3A_1092 : i32 to vector<16xi32>
        %xor3A_1094 = arith.xori %iota3A_1091, %xor3A_1093 : vector<16xi32>
        %reshape3A_1095 = vector.shape_cast %xor3A_1094 : vector<16xi32> to vector<16x1xi32>
        %gather3A_1096 = vector.shape_cast %reshape3A_1095 : vector<16x1xi32> to vector<16xi32>
        %gather3A_1097 = tpu.dynamic_gather %add3A_934[%gather3A_1096] in [0] : vector<16xf32>, vector<16xi32> -> vector<16xf32>
        %add3A_1098 = arith.addf %add3A_934, %gather3A_1097 : vector<16xf32>
        %iota3A_1099 = tpu.iota {dimensions = array<i32: 0>} : vector<16xi32>
        %xor3A_1100 = arith.constant 8 : i32
        %xor3A_1101 = vector.broadcast %xor3A_1100 : i32 to vector<16xi32>
        %xor3A_1102 = arith.xori %iota3A_1099, %xor3A_1101 : vector<16xi32>
        %reshape3A_1103 = vector.shape_cast %xor3A_1102 : vector<16xi32> to vector<16x1xi32>
        %gather3A_1104 = vector.shape_cast %reshape3A_1103 : vector<16x1xi32> to vector<16xi32>
        %gather3A_1105 = tpu.dynamic_gather %add3A_1056[%gather3A_1104] in [0] : vector<16xf32>, vector<16xi32> -> vector<16xf32>
        %add3A_1106 = arith.addf %add3A_1056, %gather3A_1105 : vector<16xf32>
        %select_n3A_1107 = arith.select %eq3A_6, %add3A_1098, %add3A_1106 : vector<16xi1>, vector<16xf32>
        %add3A_1108 = arith.constant 2 : i32
        %add3A_1109 = arith.addi %add3A_526, %add3A_1108 : i32
        %broadcast_in_dim3A_1110 = arith.constant 0.000000e+00 : f32
        %broadcast_in_dim3A_1111 = vector.broadcast %broadcast_in_dim3A_1110 : f32 to vector<16xf32>
        %broadcast_in_dim3A_1112 = arith.constant 0.000000e+00 : f32
        %broadcast_in_dim3A_1113 = vector.broadcast %broadcast_in_dim3A_1112 : f32 to vector<16xf32>
        %broadcast_in_dim3A_1114 = arith.constant 0.000000e+00 : f32
        %broadcast_in_dim3A_1115 = vector.broadcast %broadcast_in_dim3A_1114 : f32 to vector<16xf32>
        %get3A_1116 = arith.index_cast %add3A_1109 : i32 to index
        %get3A_1117 = arith.constant 0 : index
        %get3A_1118 = tpu.vector_load %arg9[%get3A_1116, %get3A_1117] {strides = array<i32>} : memref<256x128xf32, #tpu.memory_space<vmem>>, vector<1x16xf32>,
        %get3A_1119 = vector.shape_cast %get3A_1118 : vector<1x16xf32> to vector<16xf32>
        %get3A_1120 = arith.index_cast %add3A_1109 : i32 to index
        %get3A_1121 = arith.constant 0 : index
        %get3A_1122 = tpu.vector_load %arg10[%get3A_1120, %get3A_1121] {strides = array<i32>} : memref<256x128xf32, #tpu.memory_space<vmem>>, vector<1x16xf32>,
        %get3A_1123 = vector.shape_cast %get3A_1122 : vector<1x16xf32> to vector<16xf32>
        %mul3A_1124 = arith.mulf %get3A_1119, %get3A_1123 : vector<16xf32>
        %add3A_1125 = arith.addf %broadcast_in_dim3A_1111, %mul3A_1124 : vector<16xf32>
        %mul3A_1126 = arith.mulf %get3A_1119, %get3A_1119 : vector<16xf32>
        %add3A_1127 = arith.addf %broadcast_in_dim3A_1113, %mul3A_1126 : vector<16xf32>
        %mul3A_1128 = arith.mulf %get3A_1123, %get3A_1123 : vector<16xf32>
        %add3A_1129 = arith.addf %broadcast_in_dim3A_1115, %mul3A_1128 : vector<16xf32>
        %get3A_1130 = arith.index_cast %add3A_1109 : i32 to index
        %get3A_1131 = arith.constant 16 : index
        %get3A_1132 = tpu.vector_load %arg9[%get3A_1130, %get3A_1131] {strides = array<i32>} : memref<256x128xf32, #tpu.memory_space<vmem>>, vector<1x16xf32>,
        %get3A_1133 = vector.shape_cast %get3A_1132 : vector<1x16xf32> to vector<16xf32>
        %get3A_1134 = arith.index_cast %add3A_1109 : i32 to index
        %get3A_1135 = arith.constant 16 : index
        %get3A_1136 = tpu.vector_load %arg10[%get3A_1134, %get3A_1135] {strides = array<i32>} : memref<256x128xf32, #tpu.memory_space<vmem>>, vector<1x16xf32>,
        %get3A_1137 = vector.shape_cast %get3A_1136 : vector<1x16xf32> to vector<16xf32>
        %mul3A_1138 = arith.mulf %get3A_1133, %get3A_1137 : vector<16xf32>
        %add3A_1139 = arith.addf %add3A_1125, %mul3A_1138 : vector<16xf32>
        %mul3A_1140 = arith.mulf %get3A_1133, %get3A_1133 : vector<16xf32>
        %add3A_1141 = arith.addf %add3A_1127, %mul3A_1140 : vector<16xf32>
        %mul3A_1142 = arith.mulf %get3A_1137, %get3A_1137 : vector<16xf32>
        %add3A_1143 = arith.addf %add3A_1129, %mul3A_1142 : vector<16xf32>
        %get3A_1144 = arith.index_cast %add3A_1109 : i32 to index
        %get3A_1145 = arith.constant 32 : index
        %get3A_1146 = tpu.vector_load %arg9[%get3A_1144, %get3A_1145] {strides = array<i32>} : memref<256x128xf32, #tpu.memory_space<vmem>>, vector<1x16xf32>,
        %get3A_1147 = vector.shape_cast %get3A_1146 : vector<1x16xf32> to vector<16xf32>
        %get3A_1148 = arith.index_cast %add3A_1109 : i32 to index
        %get3A_1149 = arith.constant 32 : index
        %get3A_1150 = tpu.vector_load %arg10[%get3A_1148, %get3A_1149] {strides = array<i32>} : memref<256x128xf32, #tpu.memory_space<vmem>>, vector<1x16xf32>,
        %get3A_1151 = vector.shape_cast %get3A_1150 : vector<1x16xf32> to vector<16xf32>
        %mul3A_1152 = arith.mulf %get3A_1147, %get3A_1151 : vector<16xf32>
        %add3A_1153 = arith.addf %add3A_1139, %mul3A_1152 : vector<16xf32>
        %mul3A_1154 = arith.mulf %get3A_1147, %get3A_1147 : vector<16xf32>
        %add3A_1155 = arith.addf %add3A_1141, %mul3A_1154 : vector<16xf32>
        %mul3A_1156 = arith.mulf %get3A_1151, %get3A_1151 : vector<16xf32>
        %add3A_1157 = arith.addf %add3A_1143, %mul3A_1156 : vector<16xf32>
        %get3A_1158 = arith.index_cast %add3A_1109 : i32 to index
        %get3A_1159 = arith.constant 48 : index
        %get3A_1160 = tpu.vector_load %arg9[%get3A_1158, %get3A_1159] {strides = array<i32>} : memref<256x128xf32, #tpu.memory_space<vmem>>, vector<1x16xf32>,
        %get3A_1161 = vector.shape_cast %get3A_1160 : vector<1x16xf32> to vector<16xf32>
        %get3A_1162 = arith.index_cast %add3A_1109 : i32 to index
        %get3A_1163 = arith.constant 48 : index
        %get3A_1164 = tpu.vector_load %arg10[%get3A_1162, %get3A_1163] {strides = array<i32>} : memref<256x128xf32, #tpu.memory_space<vmem>>, vector<1x16xf32>,
        %get3A_1165 = vector.shape_cast %get3A_1164 : vector<1x16xf32> to vector<16xf32>
        %mul3A_1166 = arith.mulf %get3A_1161, %get3A_1165 : vector<16xf32>
        %add3A_1167 = arith.addf %add3A_1153, %mul3A_1166 : vector<16xf32>
        %mul3A_1168 = arith.mulf %get3A_1161, %get3A_1161 : vector<16xf32>
        %add3A_1169 = arith.addf %add3A_1155, %mul3A_1168 : vector<16xf32>
        %mul3A_1170 = arith.mulf %get3A_1165, %get3A_1165 : vector<16xf32>
        %add3A_1171 = arith.addf %add3A_1157, %mul3A_1170 : vector<16xf32>
        %get3A_1172 = arith.index_cast %add3A_1109 : i32 to index
        %get3A_1173 = arith.constant 64 : index
        %get3A_1174 = tpu.vector_load %arg9[%get3A_1172, %get3A_1173] {strides = array<i32>} : memref<256x128xf32, #tpu.memory_space<vmem>>, vector<1x16xf32>,
        %get3A_1175 = vector.shape_cast %get3A_1174 : vector<1x16xf32> to vector<16xf32>
        %get3A_1176 = arith.index_cast %add3A_1109 : i32 to index
        %get3A_1177 = arith.constant 64 : index
        %get3A_1178 = tpu.vector_load %arg10[%get3A_1176, %get3A_1177] {strides = array<i32>} : memref<256x128xf32, #tpu.memory_space<vmem>>, vector<1x16xf32>,
        %get3A_1179 = vector.shape_cast %get3A_1178 : vector<1x16xf32> to vector<16xf32>
        %mul3A_1180 = arith.mulf %get3A_1175, %get3A_1179 : vector<16xf32>
        %add3A_1181 = arith.addf %add3A_1167, %mul3A_1180 : vector<16xf32>
        %mul3A_1182 = arith.mulf %get3A_1175, %get3A_1175 : vector<16xf32>
        %add3A_1183 = arith.addf %add3A_1169, %mul3A_1182 : vector<16xf32>
        %mul3A_1184 = arith.mulf %get3A_1179, %get3A_1179 : vector<16xf32>
        %add3A_1185 = arith.addf %add3A_1171, %mul3A_1184 : vector<16xf32>
        %get3A_1186 = arith.index_cast %add3A_1109 : i32 to index
        %get3A_1187 = arith.constant 80 : index
        %get3A_1188 = tpu.vector_load %arg9[%get3A_1186, %get3A_1187] {strides = array<i32>} : memref<256x128xf32, #tpu.memory_space<vmem>>, vector<1x16xf32>,
        %get3A_1189 = vector.shape_cast %get3A_1188 : vector<1x16xf32> to vector<16xf32>
        %get3A_1190 = arith.index_cast %add3A_1109 : i32 to index
        %get3A_1191 = arith.constant 80 : index
        %get3A_1192 = tpu.vector_load %arg10[%get3A_1190, %get3A_1191] {strides = array<i32>} : memref<256x128xf32, #tpu.memory_space<vmem>>, vector<1x16xf32>,
        %get3A_1193 = vector.shape_cast %get3A_1192 : vector<1x16xf32> to vector<16xf32>
        %mul3A_1194 = arith.mulf %get3A_1189, %get3A_1193 : vector<16xf32>
        %add3A_1195 = arith.addf %add3A_1181, %mul3A_1194 : vector<16xf32>
        %mul3A_1196 = arith.mulf %get3A_1189, %get3A_1189 : vector<16xf32>
        %add3A_1197 = arith.addf %add3A_1183, %mul3A_1196 : vector<16xf32>
        %mul3A_1198 = arith.mulf %get3A_1193, %get3A_1193 : vector<16xf32>
        %add3A_1199 = arith.addf %add3A_1185, %mul3A_1198 : vector<16xf32>
        %get3A_1200 = arith.index_cast %add3A_1109 : i32 to index
        %get3A_1201 = arith.constant 96 : index
        %get3A_1202 = tpu.vector_load %arg9[%get3A_1200, %get3A_1201] {strides = array<i32>} : memref<256x128xf32, #tpu.memory_space<vmem>>, vector<1x16xf32>,
        %get3A_1203 = vector.shape_cast %get3A_1202 : vector<1x16xf32> to vector<16xf32>
        %get3A_1204 = arith.index_cast %add3A_1109 : i32 to index
        %get3A_1205 = arith.constant 96 : index
        %get3A_1206 = tpu.vector_load %arg10[%get3A_1204, %get3A_1205] {strides = array<i32>} : memref<256x128xf32, #tpu.memory_space<vmem>>, vector<1x16xf32>,
        %get3A_1207 = vector.shape_cast %get3A_1206 : vector<1x16xf32> to vector<16xf32>
        %mul3A_1208 = arith.mulf %get3A_1203, %get3A_1207 : vector<16xf32>
        %add3A_1209 = arith.addf %add3A_1195, %mul3A_1208 : vector<16xf32>
        %mul3A_1210 = arith.mulf %get3A_1203, %get3A_1203 : vector<16xf32>
        %add3A_1211 = arith.addf %add3A_1197, %mul3A_1210 : vector<16xf32>
        %mul3A_1212 = arith.mulf %get3A_1207, %get3A_1207 : vector<16xf32>
        %add3A_1213 = arith.addf %add3A_1199, %mul3A_1212 : vector<16xf32>
        %get3A_1214 = arith.index_cast %add3A_1109 : i32 to index
        %get3A_1215 = arith.constant 112 : index
        %get3A_1216 = tpu.vector_load %arg9[%get3A_1214, %get3A_1215] {strides = array<i32>} : memref<256x128xf32, #tpu.memory_space<vmem>>, vector<1x16xf32>,
        %get3A_1217 = vector.shape_cast %get3A_1216 : vector<1x16xf32> to vector<16xf32>
        %get3A_1218 = arith.index_cast %add3A_1109 : i32 to index
        %get3A_1219 = arith.constant 112 : index
        %get3A_1220 = tpu.vector_load %arg10[%get3A_1218, %get3A_1219] {strides = array<i32>} : memref<256x128xf32, #tpu.memory_space<vmem>>, vector<1x16xf32>,
        %get3A_1221 = vector.shape_cast %get3A_1220 : vector<1x16xf32> to vector<16xf32>
        %mul3A_1222 = arith.mulf %get3A_1217, %get3A_1221 : vector<16xf32>
        %add3A_1223 = arith.addf %add3A_1209, %mul3A_1222 : vector<16xf32>
        %mul3A_1224 = arith.mulf %get3A_1217, %get3A_1217 : vector<16xf32>
        %add3A_1225 = arith.addf %add3A_1211, %mul3A_1224 : vector<16xf32>
        %mul3A_1226 = arith.mulf %get3A_1221, %get3A_1221 : vector<16xf32>
        %add3A_1227 = arith.addf %add3A_1213, %mul3A_1226 : vector<16xf32>
        %add3A_1228 = arith.constant 2 : i32
        %add3A_1229 = arith.addi %add3A_526, %add3A_1228 : i32
        %add3A_1230 = arith.constant 8 : i32
        %add3A_1231 = arith.addi %add3A_1229, %add3A_1230 : i32
        %broadcast_in_dim3A_1232 = arith.constant 0.000000e+00 : f32
        %broadcast_in_dim3A_1233 = vector.broadcast %broadcast_in_dim3A_1232 : f32 to vector<16xf32>
        %broadcast_in_dim3A_1234 = arith.constant 0.000000e+00 : f32
        %broadcast_in_dim3A_1235 = vector.broadcast %broadcast_in_dim3A_1234 : f32 to vector<16xf32>
        %broadcast_in_dim3A_1236 = arith.constant 0.000000e+00 : f32
        %broadcast_in_dim3A_1237 = vector.broadcast %broadcast_in_dim3A_1236 : f32 to vector<16xf32>
        %get3A_1238 = arith.index_cast %add3A_1231 : i32 to index
        %get3A_1239 = arith.constant 0 : index
        %get3A_1240 = tpu.vector_load %arg9[%get3A_1238, %get3A_1239] {strides = array<i32>} : memref<256x128xf32, #tpu.memory_space<vmem>>, vector<1x16xf32>,
        %get3A_1241 = vector.shape_cast %get3A_1240 : vector<1x16xf32> to vector<16xf32>
        %get3A_1242 = arith.index_cast %add3A_1231 : i32 to index
        %get3A_1243 = arith.constant 0 : index
        %get3A_1244 = tpu.vector_load %arg10[%get3A_1242, %get3A_1243] {strides = array<i32>} : memref<256x128xf32, #tpu.memory_space<vmem>>, vector<1x16xf32>,
        %get3A_1245 = vector.shape_cast %get3A_1244 : vector<1x16xf32> to vector<16xf32>
        %mul3A_1246 = arith.mulf %get3A_1241, %get3A_1245 : vector<16xf32>
        %add3A_1247 = arith.addf %broadcast_in_dim3A_1233, %mul3A_1246 : vector<16xf32>
        %mul3A_1248 = arith.mulf %get3A_1241, %get3A_1241 : vector<16xf32>
        %add3A_1249 = arith.addf %broadcast_in_dim3A_1235, %mul3A_1248 : vector<16xf32>
        %mul3A_1250 = arith.mulf %get3A_1245, %get3A_1245 : vector<16xf32>
        %add3A_1251 = arith.addf %broadcast_in_dim3A_1237, %mul3A_1250 : vector<16xf32>
        %get3A_1252 = arith.index_cast %add3A_1231 : i32 to index
        %get3A_1253 = arith.constant 16 : index
        %get3A_1254 = tpu.vector_load %arg9[%get3A_1252, %get3A_1253] {strides = array<i32>} : memref<256x128xf32, #tpu.memory_space<vmem>>, vector<1x16xf32>,
        %get3A_1255 = vector.shape_cast %get3A_1254 : vector<1x16xf32> to vector<16xf32>
        %get3A_1256 = arith.index_cast %add3A_1231 : i32 to index
        %get3A_1257 = arith.constant 16 : index
        %get3A_1258 = tpu.vector_load %arg10[%get3A_1256, %get3A_1257] {strides = array<i32>} : memref<256x128xf32, #tpu.memory_space<vmem>>, vector<1x16xf32>,
        %get3A_1259 = vector.shape_cast %get3A_1258 : vector<1x16xf32> to vector<16xf32>
        %mul3A_1260 = arith.mulf %get3A_1255, %get3A_1259 : vector<16xf32>
        %add3A_1261 = arith.addf %add3A_1247, %mul3A_1260 : vector<16xf32>
        %mul3A_1262 = arith.mulf %get3A_1255, %get3A_1255 : vector<16xf32>
        %add3A_1263 = arith.addf %add3A_1249, %mul3A_1262 : vector<16xf32>
        %mul3A_1264 = arith.mulf %get3A_1259, %get3A_1259 : vector<16xf32>
        %add3A_1265 = arith.addf %add3A_1251, %mul3A_1264 : vector<16xf32>
        %get3A_1266 = arith.index_cast %add3A_1231 : i32 to index
        %get3A_1267 = arith.constant 32 : index
        %get3A_1268 = tpu.vector_load %arg9[%get3A_1266, %get3A_1267] {strides = array<i32>} : memref<256x128xf32, #tpu.memory_space<vmem>>, vector<1x16xf32>,
        %get3A_1269 = vector.shape_cast %get3A_1268 : vector<1x16xf32> to vector<16xf32>
        %get3A_1270 = arith.index_cast %add3A_1231 : i32 to index
        %get3A_1271 = arith.constant 32 : index
        %get3A_1272 = tpu.vector_load %arg10[%get3A_1270, %get3A_1271] {strides = array<i32>} : memref<256x128xf32, #tpu.memory_space<vmem>>, vector<1x16xf32>,
        %get3A_1273 = vector.shape_cast %get3A_1272 : vector<1x16xf32> to vector<16xf32>
        %mul3A_1274 = arith.mulf %get3A_1269, %get3A_1273 : vector<16xf32>
        %add3A_1275 = arith.addf %add3A_1261, %mul3A_1274 : vector<16xf32>
        %mul3A_1276 = arith.mulf %get3A_1269, %get3A_1269 : vector<16xf32>
        %add3A_1277 = arith.addf %add3A_1263, %mul3A_1276 : vector<16xf32>
        %mul3A_1278 = arith.mulf %get3A_1273, %get3A_1273 : vector<16xf32>
        %add3A_1279 = arith.addf %add3A_1265, %mul3A_1278 : vector<16xf32>
        %get3A_1280 = arith.index_cast %add3A_1231 : i32 to index
        %get3A_1281 = arith.constant 48 : index
        %get3A_1282 = tpu.vector_load %arg9[%get3A_1280, %get3A_1281] {strides = array<i32>} : memref<256x128xf32, #tpu.memory_space<vmem>>, vector<1x16xf32>,
        %get3A_1283 = vector.shape_cast %get3A_1282 : vector<1x16xf32> to vector<16xf32>
        %get3A_1284 = arith.index_cast %add3A_1231 : i32 to index
        %get3A_1285 = arith.constant 48 : index
        %get3A_1286 = tpu.vector_load %arg10[%get3A_1284, %get3A_1285] {strides = array<i32>} : memref<256x128xf32, #tpu.memory_space<vmem>>, vector<1x16xf32>,
        %get3A_1287 = vector.shape_cast %get3A_1286 : vector<1x16xf32> to vector<16xf32>
        %mul3A_1288 = arith.mulf %get3A_1283, %get3A_1287 : vector<16xf32>
        %add3A_1289 = arith.addf %add3A_1275, %mul3A_1288 : vector<16xf32>
        %mul3A_1290 = arith.mulf %get3A_1283, %get3A_1283 : vector<16xf32>
        %add3A_1291 = arith.addf %add3A_1277, %mul3A_1290 : vector<16xf32>
        %mul3A_1292 = arith.mulf %get3A_1287, %get3A_1287 : vector<16xf32>
        %add3A_1293 = arith.addf %add3A_1279, %mul3A_1292 : vector<16xf32>
        %get3A_1294 = arith.index_cast %add3A_1231 : i32 to index
        %get3A_1295 = arith.constant 64 : index
        %get3A_1296 = tpu.vector_load %arg9[%get3A_1294, %get3A_1295] {strides = array<i32>} : memref<256x128xf32, #tpu.memory_space<vmem>>, vector<1x16xf32>,
        %get3A_1297 = vector.shape_cast %get3A_1296 : vector<1x16xf32> to vector<16xf32>
        %get3A_1298 = arith.index_cast %add3A_1231 : i32 to index
        %get3A_1299 = arith.constant 64 : index
        %get3A_1300 = tpu.vector_load %arg10[%get3A_1298, %get3A_1299] {strides = array<i32>} : memref<256x128xf32, #tpu.memory_space<vmem>>, vector<1x16xf32>,
        %get3A_1301 = vector.shape_cast %get3A_1300 : vector<1x16xf32> to vector<16xf32>
        %mul3A_1302 = arith.mulf %get3A_1297, %get3A_1301 : vector<16xf32>
        %add3A_1303 = arith.addf %add3A_1289, %mul3A_1302 : vector<16xf32>
        %mul3A_1304 = arith.mulf %get3A_1297, %get3A_1297 : vector<16xf32>
        %add3A_1305 = arith.addf %add3A_1291, %mul3A_1304 : vector<16xf32>
        %mul3A_1306 = arith.mulf %get3A_1301, %get3A_1301 : vector<16xf32>
        %add3A_1307 = arith.addf %add3A_1293, %mul3A_1306 : vector<16xf32>
        %get3A_1308 = arith.index_cast %add3A_1231 : i32 to index
        %get3A_1309 = arith.constant 80 : index
        %get3A_1310 = tpu.vector_load %arg9[%get3A_1308, %get3A_1309] {strides = array<i32>} : memref<256x128xf32, #tpu.memory_space<vmem>>, vector<1x16xf32>,
        %get3A_1311 = vector.shape_cast %get3A_1310 : vector<1x16xf32> to vector<16xf32>
        %get3A_1312 = arith.index_cast %add3A_1231 : i32 to index
        %get3A_1313 = arith.constant 80 : index
        %get3A_1314 = tpu.vector_load %arg10[%get3A_1312, %get3A_1313] {strides = array<i32>} : memref<256x128xf32, #tpu.memory_space<vmem>>, vector<1x16xf32>,
        %get3A_1315 = vector.shape_cast %get3A_1314 : vector<1x16xf32> to vector<16xf32>
        %mul3A_1316 = arith.mulf %get3A_1311, %get3A_1315 : vector<16xf32>
        %add3A_1317 = arith.addf %add3A_1303, %mul3A_1316 : vector<16xf32>
        %mul3A_1318 = arith.mulf %get3A_1311, %get3A_1311 : vector<16xf32>
        %add3A_1319 = arith.addf %add3A_1305, %mul3A_1318 : vector<16xf32>
        %mul3A_1320 = arith.mulf %get3A_1315, %get3A_1315 : vector<16xf32>
        %add3A_1321 = arith.addf %add3A_1307, %mul3A_1320 : vector<16xf32>
        %get3A_1322 = arith.index_cast %add3A_1231 : i32 to index
        %get3A_1323 = arith.constant 96 : index
        %get3A_1324 = tpu.vector_load %arg9[%get3A_1322, %get3A_1323] {strides = array<i32>} : memref<256x128xf32, #tpu.memory_space<vmem>>, vector<1x16xf32>,
        %get3A_1325 = vector.shape_cast %get3A_1324 : vector<1x16xf32> to vector<16xf32>
        %get3A_1326 = arith.index_cast %add3A_1231 : i32 to index
        %get3A_1327 = arith.constant 96 : index
        %get3A_1328 = tpu.vector_load %arg10[%get3A_1326, %get3A_1327] {strides = array<i32>} : memref<256x128xf32, #tpu.memory_space<vmem>>, vector<1x16xf32>,
        %get3A_1329 = vector.shape_cast %get3A_1328 : vector<1x16xf32> to vector<16xf32>
        %mul3A_1330 = arith.mulf %get3A_1325, %get3A_1329 : vector<16xf32>
        %add3A_1331 = arith.addf %add3A_1317, %mul3A_1330 : vector<16xf32>
        %mul3A_1332 = arith.mulf %get3A_1325, %get3A_1325 : vector<16xf32>
        %add3A_1333 = arith.addf %add3A_1319, %mul3A_1332 : vector<16xf32>
        %mul3A_1334 = arith.mulf %get3A_1329, %get3A_1329 : vector<16xf32>
        %add3A_1335 = arith.addf %add3A_1321, %mul3A_1334 : vector<16xf32>
        %get3A_1336 = arith.index_cast %add3A_1231 : i32 to index
        %get3A_1337 = arith.constant 112 : index
        %get3A_1338 = tpu.vector_load %arg9[%get3A_1336, %get3A_1337] {strides = array<i32>} : memref<256x128xf32, #tpu.memory_space<vmem>>, vector<1x16xf32>,
        %get3A_1339 = vector.shape_cast %get3A_1338 : vector<1x16xf32> to vector<16xf32>
        %get3A_1340 = arith.index_cast %add3A_1231 : i32 to index
        %get3A_1341 = arith.constant 112 : index
        %get3A_1342 = tpu.vector_load %arg10[%get3A_1340, %get3A_1341] {strides = array<i32>} : memref<256x128xf32, #tpu.memory_space<vmem>>, vector<1x16xf32>,
        %get3A_1343 = vector.shape_cast %get3A_1342 : vector<1x16xf32> to vector<16xf32>
        %mul3A_1344 = arith.mulf %get3A_1339, %get3A_1343 : vector<16xf32>
        %add3A_1345 = arith.addf %add3A_1331, %mul3A_1344 : vector<16xf32>
        %mul3A_1346 = arith.mulf %get3A_1339, %get3A_1339 : vector<16xf32>
        %add3A_1347 = arith.addf %add3A_1333, %mul3A_1346 : vector<16xf32>
        %mul3A_1348 = arith.mulf %get3A_1343, %get3A_1343 : vector<16xf32>
        %add3A_1349 = arith.addf %add3A_1335, %mul3A_1348 : vector<16xf32>
        %iota3A_1350 = tpu.iota {dimensions = array<i32: 0>} : vector<16xi32>
        %xor3A_1351 = arith.constant 8 : i32
        %xor3A_1352 = vector.broadcast %xor3A_1351 : i32 to vector<16xi32>
        %xor3A_1353 = arith.xori %iota3A_1350, %xor3A_1352 : vector<16xi32>
        %reshape3A_1354 = vector.shape_cast %xor3A_1353 : vector<16xi32> to vector<16x1xi32>
        %gather3A_1355 = vector.shape_cast %reshape3A_1354 : vector<16x1xi32> to vector<16xi32>
        %gather3A_1356 = tpu.dynamic_gather %add3A_1223[%gather3A_1355] in [0] : vector<16xf32>, vector<16xi32> -> vector<16xf32>
        %add3A_1357 = arith.addf %add3A_1223, %gather3A_1356 : vector<16xf32>
        %iota3A_1358 = tpu.iota {dimensions = array<i32: 0>} : vector<16xi32>
        %xor3A_1359 = arith.constant 8 : i32
        %xor3A_1360 = vector.broadcast %xor3A_1359 : i32 to vector<16xi32>
        %xor3A_1361 = arith.xori %iota3A_1358, %xor3A_1360 : vector<16xi32>
        %reshape3A_1362 = vector.shape_cast %xor3A_1361 : vector<16xi32> to vector<16x1xi32>
        %gather3A_1363 = vector.shape_cast %reshape3A_1362 : vector<16x1xi32> to vector<16xi32>
        %gather3A_1364 = tpu.dynamic_gather %add3A_1345[%gather3A_1363] in [0] : vector<16xf32>, vector<16xi32> -> vector<16xf32>
        %add3A_1365 = arith.addf %add3A_1345, %gather3A_1364 : vector<16xf32>
        %select_n3A_1366 = arith.select %eq3A_6, %add3A_1357, %add3A_1365 : vector<16xi1>, vector<16xf32>
        %iota3A_1367 = tpu.iota {dimensions = array<i32: 0>} : vector<16xi32>
        %xor3A_1368 = arith.constant 8 : i32
        %xor3A_1369 = vector.broadcast %xor3A_1368 : i32 to vector<16xi32>
        %xor3A_1370 = arith.xori %iota3A_1367, %xor3A_1369 : vector<16xi32>
        %reshape3A_1371 = vector.shape_cast %xor3A_1370 : vector<16xi32> to vector<16x1xi32>
        %gather3A_1372 = vector.shape_cast %reshape3A_1371 : vector<16x1xi32> to vector<16xi32>
        %gather3A_1373 = tpu.dynamic_gather %add3A_1225[%gather3A_1372] in [0] : vector<16xf32>, vector<16xi32> -> vector<16xf32>
        %add3A_1374 = arith.addf %add3A_1225, %gather3A_1373 : vector<16xf32>
        %iota3A_1375 = tpu.iota {dimensions = array<i32: 0>} : vector<16xi32>
        %xor3A_1376 = arith.constant 8 : i32
        %xor3A_1377 = vector.broadcast %xor3A_1376 : i32 to vector<16xi32>
        %xor3A_1378 = arith.xori %iota3A_1375, %xor3A_1377 : vector<16xi32>
        %reshape3A_1379 = vector.shape_cast %xor3A_1378 : vector<16xi32> to vector<16x1xi32>
        %gather3A_1380 = vector.shape_cast %reshape3A_1379 : vector<16x1xi32> to vector<16xi32>
        %gather3A_1381 = tpu.dynamic_gather %add3A_1347[%gather3A_1380] in [0] : vector<16xf32>, vector<16xi32> -> vector<16xf32>
        %add3A_1382 = arith.addf %add3A_1347, %gather3A_1381 : vector<16xf32>
        %select_n3A_1383 = arith.select %eq3A_6, %add3A_1374, %add3A_1382 : vector<16xi1>, vector<16xf32>
        %iota3A_1384 = tpu.iota {dimensions = array<i32: 0>} : vector<16xi32>
        %xor3A_1385 = arith.constant 8 : i32
        %xor3A_1386 = vector.broadcast %xor3A_1385 : i32 to vector<16xi32>
        %xor3A_1387 = arith.xori %iota3A_1384, %xor3A_1386 : vector<16xi32>
        %reshape3A_1388 = vector.shape_cast %xor3A_1387 : vector<16xi32> to vector<16x1xi32>
        %gather3A_1389 = vector.shape_cast %reshape3A_1388 : vector<16x1xi32> to vector<16xi32>
        %gather3A_1390 = tpu.dynamic_gather %add3A_1227[%gather3A_1389] in [0] : vector<16xf32>, vector<16xi32> -> vector<16xf32>
        %add3A_1391 = arith.addf %add3A_1227, %gather3A_1390 : vector<16xf32>
        %iota3A_1392 = tpu.iota {dimensions = array<i32: 0>} : vector<16xi32>
        %xor3A_1393 = arith.constant 8 : i32
        %xor3A_1394 = vector.broadcast %xor3A_1393 : i32 to vector<16xi32>
        %xor3A_1395 = arith.xori %iota3A_1392, %xor3A_1394 : vector<16xi32>
        %reshape3A_1396 = vector.shape_cast %xor3A_1395 : vector<16xi32> to vector<16x1xi32>
        %gather3A_1397 = vector.shape_cast %reshape3A_1396 : vector<16x1xi32> to vector<16xi32>
        %gather3A_1398 = tpu.dynamic_gather %add3A_1349[%gather3A_1397] in [0] : vector<16xf32>, vector<16xi32> -> vector<16xf32>
        %add3A_1399 = arith.addf %add3A_1349, %gather3A_1398 : vector<16xf32>
        %select_n3A_1400 = arith.select %eq3A_6, %add3A_1391, %add3A_1399 : vector<16xi1>, vector<16xf32>
        %add3A_1401 = arith.constant 3 : i32
        %add3A_1402 = arith.addi %add3A_526, %add3A_1401 : i32
        %broadcast_in_dim3A_1403 = arith.constant 0.000000e+00 : f32
        %broadcast_in_dim3A_1404 = vector.broadcast %broadcast_in_dim3A_1403 : f32 to vector<16xf32>
        %broadcast_in_dim3A_1405 = arith.constant 0.000000e+00 : f32
        %broadcast_in_dim3A_1406 = vector.broadcast %broadcast_in_dim3A_1405 : f32 to vector<16xf32>
        %broadcast_in_dim3A_1407 = arith.constant 0.000000e+00 : f32
        %broadcast_in_dim3A_1408 = vector.broadcast %broadcast_in_dim3A_1407 : f32 to vector<16xf32>
        %get3A_1409 = arith.index_cast %add3A_1402 : i32 to index
        %get3A_1410 = arith.constant 0 : index
        %get3A_1411 = tpu.vector_load %arg9[%get3A_1409, %get3A_1410] {strides = array<i32>} : memref<256x128xf32, #tpu.memory_space<vmem>>, vector<1x16xf32>,
        %get3A_1412 = vector.shape_cast %get3A_1411 : vector<1x16xf32> to vector<16xf32>
        %get3A_1413 = arith.index_cast %add3A_1402 : i32 to index
        %get3A_1414 = arith.constant 0 : index
        %get3A_1415 = tpu.vector_load %arg10[%get3A_1413, %get3A_1414] {strides = array<i32>} : memref<256x128xf32, #tpu.memory_space<vmem>>, vector<1x16xf32>,
        %get3A_1416 = vector.shape_cast %get3A_1415 : vector<1x16xf32> to vector<16xf32>
        %mul3A_1417 = arith.mulf %get3A_1412, %get3A_1416 : vector<16xf32>
        %add3A_1418 = arith.addf %broadcast_in_dim3A_1404, %mul3A_1417 : vector<16xf32>
        %mul3A_1419 = arith.mulf %get3A_1412, %get3A_1412 : vector<16xf32>
        %add3A_1420 = arith.addf %broadcast_in_dim3A_1406, %mul3A_1419 : vector<16xf32>
        %mul3A_1421 = arith.mulf %get3A_1416, %get3A_1416 : vector<16xf32>
        %add3A_1422 = arith.addf %broadcast_in_dim3A_1408, %mul3A_1421 : vector<16xf32>
        %get3A_1423 = arith.index_cast %add3A_1402 : i32 to index
        %get3A_1424 = arith.constant 16 : index
        %get3A_1425 = tpu.vector_load %arg9[%get3A_1423, %get3A_1424] {strides = array<i32>} : memref<256x128xf32, #tpu.memory_space<vmem>>, vector<1x16xf32>,
        %get3A_1426 = vector.shape_cast %get3A_1425 : vector<1x16xf32> to vector<16xf32>
        %get3A_1427 = arith.index_cast %add3A_1402 : i32 to index
        %get3A_1428 = arith.constant 16 : index
        %get3A_1429 = tpu.vector_load %arg10[%get3A_1427, %get3A_1428] {strides = array<i32>} : memref<256x128xf32, #tpu.memory_space<vmem>>, vector<1x16xf32>,
        %get3A_1430 = vector.shape_cast %get3A_1429 : vector<1x16xf32> to vector<16xf32>
        %mul3A_1431 = arith.mulf %get3A_1426, %get3A_1430 : vector<16xf32>
        %add3A_1432 = arith.addf %add3A_1418, %mul3A_1431 : vector<16xf32>
        %mul3A_1433 = arith.mulf %get3A_1426, %get3A_1426 : vector<16xf32>
        %add3A_1434 = arith.addf %add3A_1420, %mul3A_1433 : vector<16xf32>
        %mul3A_1435 = arith.mulf %get3A_1430, %get3A_1430 : vector<16xf32>
        %add3A_1436 = arith.addf %add3A_1422, %mul3A_1435 : vector<16xf32>
        %get3A_1437 = arith.index_cast %add3A_1402 : i32 to index
        %get3A_1438 = arith.constant 32 : index
        %get3A_1439 = tpu.vector_load %arg9[%get3A_1437, %get3A_1438] {strides = array<i32>} : memref<256x128xf32, #tpu.memory_space<vmem>>, vector<1x16xf32>,
        %get3A_1440 = vector.shape_cast %get3A_1439 : vector<1x16xf32> to vector<16xf32>
        %get3A_1441 = arith.index_cast %add3A_1402 : i32 to index
        %get3A_1442 = arith.constant 32 : index
        %get3A_1443 = tpu.vector_load %arg10[%get3A_1441, %get3A_1442] {strides = array<i32>} : memref<256x128xf32, #tpu.memory_space<vmem>>, vector<1x16xf32>,
        %get3A_1444 = vector.shape_cast %get3A_1443 : vector<1x16xf32> to vector<16xf32>
        %mul3A_1445 = arith.mulf %get3A_1440, %get3A_1444 : vector<16xf32>
        %add3A_1446 = arith.addf %add3A_1432, %mul3A_1445 : vector<16xf32>
        %mul3A_1447 = arith.mulf %get3A_1440, %get3A_1440 : vector<16xf32>
        %add3A_1448 = arith.addf %add3A_1434, %mul3A_1447 : vector<16xf32>
        %mul3A_1449 = arith.mulf %get3A_1444, %get3A_1444 : vector<16xf32>
        %add3A_1450 = arith.addf %add3A_1436, %mul3A_1449 : vector<16xf32>
        %get3A_1451 = arith.index_cast %add3A_1402 : i32 to index
        %get3A_1452 = arith.constant 48 : index
        %get3A_1453 = tpu.vector_load %arg9[%get3A_1451, %get3A_1452] {strides = array<i32>} : memref<256x128xf32, #tpu.memory_space<vmem>>, vector<1x16xf32>,
        %get3A_1454 = vector.shape_cast %get3A_1453 : vector<1x16xf32> to vector<16xf32>
        %get3A_1455 = arith.index_cast %add3A_1402 : i32 to index
        %get3A_1456 = arith.constant 48 : index
        %get3A_1457 = tpu.vector_load %arg10[%get3A_1455, %get3A_1456] {strides = array<i32>} : memref<256x128xf32, #tpu.memory_space<vmem>>, vector<1x16xf32>,
        %get3A_1458 = vector.shape_cast %get3A_1457 : vector<1x16xf32> to vector<16xf32>
        %mul3A_1459 = arith.mulf %get3A_1454, %get3A_1458 : vector<16xf32>
        %add3A_1460 = arith.addf %add3A_1446, %mul3A_1459 : vector<16xf32>
        %mul3A_1461 = arith.mulf %get3A_1454, %get3A_1454 : vector<16xf32>
        %add3A_1462 = arith.addf %add3A_1448, %mul3A_1461 : vector<16xf32>
        %mul3A_1463 = arith.mulf %get3A_1458, %get3A_1458 : vector<16xf32>
        %add3A_1464 = arith.addf %add3A_1450, %mul3A_1463 : vector<16xf32>
        %get3A_1465 = arith.index_cast %add3A_1402 : i32 to index
        %get3A_1466 = arith.constant 64 : index
        %get3A_1467 = tpu.vector_load %arg9[%get3A_1465, %get3A_1466] {strides = array<i32>} : memref<256x128xf32, #tpu.memory_space<vmem>>, vector<1x16xf32>,
        %get3A_1468 = vector.shape_cast %get3A_1467 : vector<1x16xf32> to vector<16xf32>
        %get3A_1469 = arith.index_cast %add3A_1402 : i32 to index
        %get3A_1470 = arith.constant 64 : index
        %get3A_1471 = tpu.vector_load %arg10[%get3A_1469, %get3A_1470] {strides = array<i32>} : memref<256x128xf32, #tpu.memory_space<vmem>>, vector<1x16xf32>,
        %get3A_1472 = vector.shape_cast %get3A_1471 : vector<1x16xf32> to vector<16xf32>
        %mul3A_1473 = arith.mulf %get3A_1468, %get3A_1472 : vector<16xf32>
        %add3A_1474 = arith.addf %add3A_1460, %mul3A_1473 : vector<16xf32>
        %mul3A_1475 = arith.mulf %get3A_1468, %get3A_1468 : vector<16xf32>
        %add3A_1476 = arith.addf %add3A_1462, %mul3A_1475 : vector<16xf32>
        %mul3A_1477 = arith.mulf %get3A_1472, %get3A_1472 : vector<16xf32>
        %add3A_1478 = arith.addf %add3A_1464, %mul3A_1477 : vector<16xf32>
        %get3A_1479 = arith.index_cast %add3A_1402 : i32 to index
        %get3A_1480 = arith.constant 80 : index
        %get3A_1481 = tpu.vector_load %arg9[%get3A_1479, %get3A_1480] {strides = array<i32>} : memref<256x128xf32, #tpu.memory_space<vmem>>, vector<1x16xf32>,
        %get3A_1482 = vector.shape_cast %get3A_1481 : vector<1x16xf32> to vector<16xf32>
        %get3A_1483 = arith.index_cast %add3A_1402 : i32 to index
        %get3A_1484 = arith.constant 80 : index
        %get3A_1485 = tpu.vector_load %arg10[%get3A_1483, %get3A_1484] {strides = array<i32>} : memref<256x128xf32, #tpu.memory_space<vmem>>, vector<1x16xf32>,
        %get3A_1486 = vector.shape_cast %get3A_1485 : vector<1x16xf32> to vector<16xf32>
        %mul3A_1487 = arith.mulf %get3A_1482, %get3A_1486 : vector<16xf32>
        %add3A_1488 = arith.addf %add3A_1474, %mul3A_1487 : vector<16xf32>
        %mul3A_1489 = arith.mulf %get3A_1482, %get3A_1482 : vector<16xf32>
        %add3A_1490 = arith.addf %add3A_1476, %mul3A_1489 : vector<16xf32>
        %mul3A_1491 = arith.mulf %get3A_1486, %get3A_1486 : vector<16xf32>
        %add3A_1492 = arith.addf %add3A_1478, %mul3A_1491 : vector<16xf32>
        %get3A_1493 = arith.index_cast %add3A_1402 : i32 to index
        %get3A_1494 = arith.constant 96 : index
        %get3A_1495 = tpu.vector_load %arg9[%get3A_1493, %get3A_1494] {strides = array<i32>} : memref<256x128xf32, #tpu.memory_space<vmem>>, vector<1x16xf32>,
        %get3A_1496 = vector.shape_cast %get3A_1495 : vector<1x16xf32> to vector<16xf32>
        %get3A_1497 = arith.index_cast %add3A_1402 : i32 to index
        %get3A_1498 = arith.constant 96 : index
        %get3A_1499 = tpu.vector_load %arg10[%get3A_1497, %get3A_1498] {strides = array<i32>} : memref<256x128xf32, #tpu.memory_space<vmem>>, vector<1x16xf32>,
        %get3A_1500 = vector.shape_cast %get3A_1499 : vector<1x16xf32> to vector<16xf32>
        %mul3A_1501 = arith.mulf %get3A_1496, %get3A_1500 : vector<16xf32>
        %add3A_1502 = arith.addf %add3A_1488, %mul3A_1501 : vector<16xf32>
        %mul3A_1503 = arith.mulf %get3A_1496, %get3A_1496 : vector<16xf32>
        %add3A_1504 = arith.addf %add3A_1490, %mul3A_1503 : vector<16xf32>
        %mul3A_1505 = arith.mulf %get3A_1500, %get3A_1500 : vector<16xf32>
        %add3A_1506 = arith.addf %add3A_1492, %mul3A_1505 : vector<16xf32>
        %get3A_1507 = arith.index_cast %add3A_1402 : i32 to index
        %get3A_1508 = arith.constant 112 : index
        %get3A_1509 = tpu.vector_load %arg9[%get3A_1507, %get3A_1508] {strides = array<i32>} : memref<256x128xf32, #tpu.memory_space<vmem>>, vector<1x16xf32>,
        %get3A_1510 = vector.shape_cast %get3A_1509 : vector<1x16xf32> to vector<16xf32>
        %get3A_1511 = arith.index_cast %add3A_1402 : i32 to index
        %get3A_1512 = arith.constant 112 : index
        %get3A_1513 = tpu.vector_load %arg10[%get3A_1511, %get3A_1512] {strides = array<i32>} : memref<256x128xf32, #tpu.memory_space<vmem>>, vector<1x16xf32>,
        %get3A_1514 = vector.shape_cast %get3A_1513 : vector<1x16xf32> to vector<16xf32>
        %mul3A_1515 = arith.mulf %get3A_1510, %get3A_1514 : vector<16xf32>
        %add3A_1516 = arith.addf %add3A_1502, %mul3A_1515 : vector<16xf32>
        %mul3A_1517 = arith.mulf %get3A_1510, %get3A_1510 : vector<16xf32>
        %add3A_1518 = arith.addf %add3A_1504, %mul3A_1517 : vector<16xf32>
        %mul3A_1519 = arith.mulf %get3A_1514, %get3A_1514 : vector<16xf32>
        %add3A_1520 = arith.addf %add3A_1506, %mul3A_1519 : vector<16xf32>
        %add3A_1521 = arith.constant 3 : i32
        %add3A_1522 = arith.addi %add3A_526, %add3A_1521 : i32
        %add3A_1523 = arith.constant 8 : i32
        %add3A_1524 = arith.addi %add3A_1522, %add3A_1523 : i32
        %broadcast_in_dim3A_1525 = arith.constant 0.000000e+00 : f32
        %broadcast_in_dim3A_1526 = vector.broadcast %broadcast_in_dim3A_1525 : f32 to vector<16xf32>
        %broadcast_in_dim3A_1527 = arith.constant 0.000000e+00 : f32
        %broadcast_in_dim3A_1528 = vector.broadcast %broadcast_in_dim3A_1527 : f32 to vector<16xf32>
        %broadcast_in_dim3A_1529 = arith.constant 0.000000e+00 : f32
        %broadcast_in_dim3A_1530 = vector.broadcast %broadcast_in_dim3A_1529 : f32 to vector<16xf32>
        %get3A_1531 = arith.index_cast %add3A_1524 : i32 to index
        %get3A_1532 = arith.constant 0 : index
        %get3A_1533 = tpu.vector_load %arg9[%get3A_1531, %get3A_1532] {strides = array<i32>} : memref<256x128xf32, #tpu.memory_space<vmem>>, vector<1x16xf32>,
        %get3A_1534 = vector.shape_cast %get3A_1533 : vector<1x16xf32> to vector<16xf32>
        %get3A_1535 = arith.index_cast %add3A_1524 : i32 to index
        %get3A_1536 = arith.constant 0 : index
        %get3A_1537 = tpu.vector_load %arg10[%get3A_1535, %get3A_1536] {strides = array<i32>} : memref<256x128xf32, #tpu.memory_space<vmem>>, vector<1x16xf32>,
        %get3A_1538 = vector.shape_cast %get3A_1537 : vector<1x16xf32> to vector<16xf32>
        %mul3A_1539 = arith.mulf %get3A_1534, %get3A_1538 : vector<16xf32>
        %add3A_1540 = arith.addf %broadcast_in_dim3A_1526, %mul3A_1539 : vector<16xf32>
        %mul3A_1541 = arith.mulf %get3A_1534, %get3A_1534 : vector<16xf32>
        %add3A_1542 = arith.addf %broadcast_in_dim3A_1528, %mul3A_1541 : vector<16xf32>
        %mul3A_1543 = arith.mulf %get3A_1538, %get3A_1538 : vector<16xf32>
        %add3A_1544 = arith.addf %broadcast_in_dim3A_1530, %mul3A_1543 : vector<16xf32>
        %get3A_1545 = arith.index_cast %add3A_1524 : i32 to index
        %get3A_1546 = arith.constant 16 : index
        %get3A_1547 = tpu.vector_load %arg9[%get3A_1545, %get3A_1546] {strides = array<i32>} : memref<256x128xf32, #tpu.memory_space<vmem>>, vector<1x16xf32>,
        %get3A_1548 = vector.shape_cast %get3A_1547 : vector<1x16xf32> to vector<16xf32>
        %get3A_1549 = arith.index_cast %add3A_1524 : i32 to index
        %get3A_1550 = arith.constant 16 : index
        %get3A_1551 = tpu.vector_load %arg10[%get3A_1549, %get3A_1550] {strides = array<i32>} : memref<256x128xf32, #tpu.memory_space<vmem>>, vector<1x16xf32>,
        %get3A_1552 = vector.shape_cast %get3A_1551 : vector<1x16xf32> to vector<16xf32>
        %mul3A_1553 = arith.mulf %get3A_1548, %get3A_1552 : vector<16xf32>
        %add3A_1554 = arith.addf %add3A_1540, %mul3A_1553 : vector<16xf32>
        %mul3A_1555 = arith.mulf %get3A_1548, %get3A_1548 : vector<16xf32>
        %add3A_1556 = arith.addf %add3A_1542, %mul3A_1555 : vector<16xf32>
        %mul3A_1557 = arith.mulf %get3A_1552, %get3A_1552 : vector<16xf32>
        %add3A_1558 = arith.addf %add3A_1544, %mul3A_1557 : vector<16xf32>
        %get3A_1559 = arith.index_cast %add3A_1524 : i32 to index
        %get3A_1560 = arith.constant 32 : index
        %get3A_1561 = tpu.vector_load %arg9[%get3A_1559, %get3A_1560] {strides = array<i32>} : memref<256x128xf32, #tpu.memory_space<vmem>>, vector<1x16xf32>,
        %get3A_1562 = vector.shape_cast %get3A_1561 : vector<1x16xf32> to vector<16xf32>
        %get3A_1563 = arith.index_cast %add3A_1524 : i32 to index
        %get3A_1564 = arith.constant 32 : index
        %get3A_1565 = tpu.vector_load %arg10[%get3A_1563, %get3A_1564] {strides = array<i32>} : memref<256x128xf32, #tpu.memory_space<vmem>>, vector<1x16xf32>,
        %get3A_1566 = vector.shape_cast %get3A_1565 : vector<1x16xf32> to vector<16xf32>
        %mul3A_1567 = arith.mulf %get3A_1562, %get3A_1566 : vector<16xf32>
        %add3A_1568 = arith.addf %add3A_1554, %mul3A_1567 : vector<16xf32>
        %mul3A_1569 = arith.mulf %get3A_1562, %get3A_1562 : vector<16xf32>
        %add3A_1570 = arith.addf %add3A_1556, %mul3A_1569 : vector<16xf32>
        %mul3A_1571 = arith.mulf %get3A_1566, %get3A_1566 : vector<16xf32>
        %add3A_1572 = arith.addf %add3A_1558, %mul3A_1571 : vector<16xf32>
        %get3A_1573 = arith.index_cast %add3A_1524 : i32 to index
        %get3A_1574 = arith.constant 48 : index
        %get3A_1575 = tpu.vector_load %arg9[%get3A_1573, %get3A_1574] {strides = array<i32>} : memref<256x128xf32, #tpu.memory_space<vmem>>, vector<1x16xf32>,
        %get3A_1576 = vector.shape_cast %get3A_1575 : vector<1x16xf32> to vector<16xf32>
        %get3A_1577 = arith.index_cast %add3A_1524 : i32 to index
        %get3A_1578 = arith.constant 48 : index
        %get3A_1579 = tpu.vector_load %arg10[%get3A_1577, %get3A_1578] {strides = array<i32>} : memref<256x128xf32, #tpu.memory_space<vmem>>, vector<1x16xf32>,
        %get3A_1580 = vector.shape_cast %get3A_1579 : vector<1x16xf32> to vector<16xf32>
        %mul3A_1581 = arith.mulf %get3A_1576, %get3A_1580 : vector<16xf32>
        %add3A_1582 = arith.addf %add3A_1568, %mul3A_1581 : vector<16xf32>
        %mul3A_1583 = arith.mulf %get3A_1576, %get3A_1576 : vector<16xf32>
        %add3A_1584 = arith.addf %add3A_1570, %mul3A_1583 : vector<16xf32>
        %mul3A_1585 = arith.mulf %get3A_1580, %get3A_1580 : vector<16xf32>
        %add3A_1586 = arith.addf %add3A_1572, %mul3A_1585 : vector<16xf32>
        %get3A_1587 = arith.index_cast %add3A_1524 : i32 to index
        %get3A_1588 = arith.constant 64 : index
        %get3A_1589 = tpu.vector_load %arg9[%get3A_1587, %get3A_1588] {strides = array<i32>} : memref<256x128xf32, #tpu.memory_space<vmem>>, vector<1x16xf32>,
        %get3A_1590 = vector.shape_cast %get3A_1589 : vector<1x16xf32> to vector<16xf32>
        %get3A_1591 = arith.index_cast %add3A_1524 : i32 to index
        %get3A_1592 = arith.constant 64 : index
        %get3A_1593 = tpu.vector_load %arg10[%get3A_1591, %get3A_1592] {strides = array<i32>} : memref<256x128xf32, #tpu.memory_space<vmem>>, vector<1x16xf32>,
        %get3A_1594 = vector.shape_cast %get3A_1593 : vector<1x16xf32> to vector<16xf32>
        %mul3A_1595 = arith.mulf %get3A_1590, %get3A_1594 : vector<16xf32>
        %add3A_1596 = arith.addf %add3A_1582, %mul3A_1595 : vector<16xf32>
        %mul3A_1597 = arith.mulf %get3A_1590, %get3A_1590 : vector<16xf32>
        %add3A_1598 = arith.addf %add3A_1584, %mul3A_1597 : vector<16xf32>
        %mul3A_1599 = arith.mulf %get3A_1594, %get3A_1594 : vector<16xf32>
        %add3A_1600 = arith.addf %add3A_1586, %mul3A_1599 : vector<16xf32>
        %get3A_1601 = arith.index_cast %add3A_1524 : i32 to index
        %get3A_1602 = arith.constant 80 : index
        %get3A_1603 = tpu.vector_load %arg9[%get3A_1601, %get3A_1602] {strides = array<i32>} : memref<256x128xf32, #tpu.memory_space<vmem>>, vector<1x16xf32>,
        %get3A_1604 = vector.shape_cast %get3A_1603 : vector<1x16xf32> to vector<16xf32>
        %get3A_1605 = arith.index_cast %add3A_1524 : i32 to index
        %get3A_1606 = arith.constant 80 : index
        %get3A_1607 = tpu.vector_load %arg10[%get3A_1605, %get3A_1606] {strides = array<i32>} : memref<256x128xf32, #tpu.memory_space<vmem>>, vector<1x16xf32>,
        %get3A_1608 = vector.shape_cast %get3A_1607 : vector<1x16xf32> to vector<16xf32>
        %mul3A_1609 = arith.mulf %get3A_1604, %get3A_1608 : vector<16xf32>
        %add3A_1610 = arith.addf %add3A_1596, %mul3A_1609 : vector<16xf32>
        %mul3A_1611 = arith.mulf %get3A_1604, %get3A_1604 : vector<16xf32>
        %add3A_1612 = arith.addf %add3A_1598, %mul3A_1611 : vector<16xf32>
        %mul3A_1613 = arith.mulf %get3A_1608, %get3A_1608 : vector<16xf32>
        %add3A_1614 = arith.addf %add3A_1600, %mul3A_1613 : vector<16xf32>
        %get3A_1615 = arith.index_cast %add3A_1524 : i32 to index
        %get3A_1616 = arith.constant 96 : index
        %get3A_1617 = tpu.vector_load %arg9[%get3A_1615, %get3A_1616] {strides = array<i32>} : memref<256x128xf32, #tpu.memory_space<vmem>>, vector<1x16xf32>,
        %get3A_1618 = vector.shape_cast %get3A_1617 : vector<1x16xf32> to vector<16xf32>
        %get3A_1619 = arith.index_cast %add3A_1524 : i32 to index
        %get3A_1620 = arith.constant 96 : index
        %get3A_1621 = tpu.vector_load %arg10[%get3A_1619, %get3A_1620] {strides = array<i32>} : memref<256x128xf32, #tpu.memory_space<vmem>>, vector<1x16xf32>,
        %get3A_1622 = vector.shape_cast %get3A_1621 : vector<1x16xf32> to vector<16xf32>
        %mul3A_1623 = arith.mulf %get3A_1618, %get3A_1622 : vector<16xf32>
        %add3A_1624 = arith.addf %add3A_1610, %mul3A_1623 : vector<16xf32>
        %mul3A_1625 = arith.mulf %get3A_1618, %get3A_1618 : vector<16xf32>
        %add3A_1626 = arith.addf %add3A_1612, %mul3A_1625 : vector<16xf32>
        %mul3A_1627 = arith.mulf %get3A_1622, %get3A_1622 : vector<16xf32>
        %add3A_1628 = arith.addf %add3A_1614, %mul3A_1627 : vector<16xf32>
        %get3A_1629 = arith.index_cast %add3A_1524 : i32 to index
        %get3A_1630 = arith.constant 112 : index
        %get3A_1631 = tpu.vector_load %arg9[%get3A_1629, %get3A_1630] {strides = array<i32>} : memref<256x128xf32, #tpu.memory_space<vmem>>, vector<1x16xf32>,
        %get3A_1632 = vector.shape_cast %get3A_1631 : vector<1x16xf32> to vector<16xf32>
        %get3A_1633 = arith.index_cast %add3A_1524 : i32 to index
        %get3A_1634 = arith.constant 112 : index
        %get3A_1635 = tpu.vector_load %arg10[%get3A_1633, %get3A_1634] {strides = array<i32>} : memref<256x128xf32, #tpu.memory_space<vmem>>, vector<1x16xf32>,
        %get3A_1636 = vector.shape_cast %get3A_1635 : vector<1x16xf32> to vector<16xf32>
        %mul3A_1637 = arith.mulf %get3A_1632, %get3A_1636 : vector<16xf32>
        %add3A_1638 = arith.addf %add3A_1624, %mul3A_1637 : vector<16xf32>
        %mul3A_1639 = arith.mulf %get3A_1632, %get3A_1632 : vector<16xf32>
        %add3A_1640 = arith.addf %add3A_1626, %mul3A_1639 : vector<16xf32>
        %mul3A_1641 = arith.mulf %get3A_1636, %get3A_1636 : vector<16xf32>
        %add3A_1642 = arith.addf %add3A_1628, %mul3A_1641 : vector<16xf32>
        %iota3A_1643 = tpu.iota {dimensions = array<i32: 0>} : vector<16xi32>
        %xor3A_1644 = arith.constant 8 : i32
        %xor3A_1645 = vector.broadcast %xor3A_1644 : i32 to vector<16xi32>
        %xor3A_1646 = arith.xori %iota3A_1643, %xor3A_1645 : vector<16xi32>
        %reshape3A_1647 = vector.shape_cast %xor3A_1646 : vector<16xi32> to vector<16x1xi32>
        %gather3A_1648 = vector.shape_cast %reshape3A_1647 : vector<16x1xi32> to vector<16xi32>
        %gather3A_1649 = tpu.dynamic_gather %add3A_1516[%gather3A_1648] in [0] : vector<16xf32>, vector<16xi32> -> vector<16xf32>
        %add3A_1650 = arith.addf %add3A_1516, %gather3A_1649 : vector<16xf32>
        %iota3A_1651 = tpu.iota {dimensions = array<i32: 0>} : vector<16xi32>
        %xor3A_1652 = arith.constant 8 : i32
        %xor3A_1653 = vector.broadcast %xor3A_1652 : i32 to vector<16xi32>
        %xor3A_1654 = arith.xori %iota3A_1651, %xor3A_1653 : vector<16xi32>
        %reshape3A_1655 = vector.shape_cast %xor3A_1654 : vector<16xi32> to vector<16x1xi32>
        %gather3A_1656 = vector.shape_cast %reshape3A_1655 : vector<16x1xi32> to vector<16xi32>
        %gather3A_1657 = tpu.dynamic_gather %add3A_1638[%gather3A_1656] in [0] : vector<16xf32>, vector<16xi32> -> vector<16xf32>
        %add3A_1658 = arith.addf %add3A_1638, %gather3A_1657 : vector<16xf32>
        %select_n3A_1659 = arith.select %eq3A_6, %add3A_1650, %add3A_1658 : vector<16xi1>, vector<16xf32>
        %iota3A_1660 = tpu.iota {dimensions = array<i32: 0>} : vector<16xi32>
        %xor3A_1661 = arith.constant 8 : i32
        %xor3A_1662 = vector.broadcast %xor3A_1661 : i32 to vector<16xi32>
        %xor3A_1663 = arith.xori %iota3A_1660, %xor3A_1662 : vector<16xi32>
        %reshape3A_1664 = vector.shape_cast %xor3A_1663 : vector<16xi32> to vector<16x1xi32>
        %gather3A_1665 = vector.shape_cast %reshape3A_1664 : vector<16x1xi32> to vector<16xi32>
        %gather3A_1666 = tpu.dynamic_gather %add3A_1518[%gather3A_1665] in [0] : vector<16xf32>, vector<16xi32> -> vector<16xf32>
        %add3A_1667 = arith.addf %add3A_1518, %gather3A_1666 : vector<16xf32>
        %iota3A_1668 = tpu.iota {dimensions = array<i32: 0>} : vector<16xi32>
        %xor3A_1669 = arith.constant 8 : i32
        %xor3A_1670 = vector.broadcast %xor3A_1669 : i32 to vector<16xi32>
        %xor3A_1671 = arith.xori %iota3A_1668, %xor3A_1670 : vector<16xi32>
        %reshape3A_1672 = vector.shape_cast %xor3A_1671 : vector<16xi32> to vector<16x1xi32>
        %gather3A_1673 = vector.shape_cast %reshape3A_1672 : vector<16x1xi32> to vector<16xi32>
        %gather3A_1674 = tpu.dynamic_gather %add3A_1640[%gather3A_1673] in [0] : vector<16xf32>, vector<16xi32> -> vector<16xf32>
        %add3A_1675 = arith.addf %add3A_1640, %gather3A_1674 : vector<16xf32>
        %select_n3A_1676 = arith.select %eq3A_6, %add3A_1667, %add3A_1675 : vector<16xi1>, vector<16xf32>
        %iota3A_1677 = tpu.iota {dimensions = array<i32: 0>} : vector<16xi32>
        %xor3A_1678 = arith.constant 8 : i32
        %xor3A_1679 = vector.broadcast %xor3A_1678 : i32 to vector<16xi32>
        %xor3A_1680 = arith.xori %iota3A_1677, %xor3A_1679 : vector<16xi32>
        %reshape3A_1681 = vector.shape_cast %xor3A_1680 : vector<16xi32> to vector<16x1xi32>
        %gather3A_1682 = vector.shape_cast %reshape3A_1681 : vector<16x1xi32> to vector<16xi32>
        %gather3A_1683 = tpu.dynamic_gather %add3A_1520[%gather3A_1682] in [0] : vector<16xf32>, vector<16xi32> -> vector<16xf32>
        %add3A_1684 = arith.addf %add3A_1520, %gather3A_1683 : vector<16xf32>
        %iota3A_1685 = tpu.iota {dimensions = array<i32: 0>} : vector<16xi32>
        %xor3A_1686 = arith.constant 8 : i32
        %xor3A_1687 = vector.broadcast %xor3A_1686 : i32 to vector<16xi32>
        %xor3A_1688 = arith.xori %iota3A_1685, %xor3A_1687 : vector<16xi32>
        %reshape3A_1689 = vector.shape_cast %xor3A_1688 : vector<16xi32> to vector<16x1xi32>
        %gather3A_1690 = vector.shape_cast %reshape3A_1689 : vector<16x1xi32> to vector<16xi32>
        %gather3A_1691 = tpu.dynamic_gather %add3A_1642[%gather3A_1690] in [0] : vector<16xf32>, vector<16xi32> -> vector<16xf32>
        %add3A_1692 = arith.addf %add3A_1642, %gather3A_1691 : vector<16xf32>
        %select_n3A_1693 = arith.select %eq3A_6, %add3A_1684, %add3A_1692 : vector<16xi1>, vector<16xf32>
        %add3A_1694 = arith.constant 4 : i32
        %add3A_1695 = arith.addi %add3A_526, %add3A_1694 : i32
        %broadcast_in_dim3A_1696 = arith.constant 0.000000e+00 : f32
        %broadcast_in_dim3A_1697 = vector.broadcast %broadcast_in_dim3A_1696 : f32 to vector<16xf32>
        %broadcast_in_dim3A_1698 = arith.constant 0.000000e+00 : f32
        %broadcast_in_dim3A_1699 = vector.broadcast %broadcast_in_dim3A_1698 : f32 to vector<16xf32>
        %broadcast_in_dim3A_1700 = arith.constant 0.000000e+00 : f32
        %broadcast_in_dim3A_1701 = vector.broadcast %broadcast_in_dim3A_1700 : f32 to vector<16xf32>
        %get3A_1702 = arith.index_cast %add3A_1695 : i32 to index
        %get3A_1703 = arith.constant 0 : index
        %get3A_1704 = tpu.vector_load %arg9[%get3A_1702, %get3A_1703] {strides = array<i32>} : memref<256x128xf32, #tpu.memory_space<vmem>>, vector<1x16xf32>,
        %get3A_1705 = vector.shape_cast %get3A_1704 : vector<1x16xf32> to vector<16xf32>
        %get3A_1706 = arith.index_cast %add3A_1695 : i32 to index
        %get3A_1707 = arith.constant 0 : index
        %get3A_1708 = tpu.vector_load %arg10[%get3A_1706, %get3A_1707] {strides = array<i32>} : memref<256x128xf32, #tpu.memory_space<vmem>>, vector<1x16xf32>,
        %get3A_1709 = vector.shape_cast %get3A_1708 : vector<1x16xf32> to vector<16xf32>
        %mul3A_1710 = arith.mulf %get3A_1705, %get3A_1709 : vector<16xf32>
        %add3A_1711 = arith.addf %broadcast_in_dim3A_1697, %mul3A_1710 : vector<16xf32>
        %mul3A_1712 = arith.mulf %get3A_1705, %get3A_1705 : vector<16xf32>
        %add3A_1713 = arith.addf %broadcast_in_dim3A_1699, %mul3A_1712 : vector<16xf32>
        %mul3A_1714 = arith.mulf %get3A_1709, %get3A_1709 : vector<16xf32>
        %add3A_1715 = arith.addf %broadcast_in_dim3A_1701, %mul3A_1714 : vector<16xf32>
        %get3A_1716 = arith.index_cast %add3A_1695 : i32 to index
        %get3A_1717 = arith.constant 16 : index
        %get3A_1718 = tpu.vector_load %arg9[%get3A_1716, %get3A_1717] {strides = array<i32>} : memref<256x128xf32, #tpu.memory_space<vmem>>, vector<1x16xf32>,
        %get3A_1719 = vector.shape_cast %get3A_1718 : vector<1x16xf32> to vector<16xf32>
        %get3A_1720 = arith.index_cast %add3A_1695 : i32 to index
        %get3A_1721 = arith.constant 16 : index
        %get3A_1722 = tpu.vector_load %arg10[%get3A_1720, %get3A_1721] {strides = array<i32>} : memref<256x128xf32, #tpu.memory_space<vmem>>, vector<1x16xf32>,
        %get3A_1723 = vector.shape_cast %get3A_1722 : vector<1x16xf32> to vector<16xf32>
        %mul3A_1724 = arith.mulf %get3A_1719, %get3A_1723 : vector<16xf32>
        %add3A_1725 = arith.addf %add3A_1711, %mul3A_1724 : vector<16xf32>
        %mul3A_1726 = arith.mulf %get3A_1719, %get3A_1719 : vector<16xf32>
        %add3A_1727 = arith.addf %add3A_1713, %mul3A_1726 : vector<16xf32>
        %mul3A_1728 = arith.mulf %get3A_1723, %get3A_1723 : vector<16xf32>
        %add3A_1729 = arith.addf %add3A_1715, %mul3A_1728 : vector<16xf32>
        %get3A_1730 = arith.index_cast %add3A_1695 : i32 to index
        %get3A_1731 = arith.constant 32 : index
        %get3A_1732 = tpu.vector_load %arg9[%get3A_1730, %get3A_1731] {strides = array<i32>} : memref<256x128xf32, #tpu.memory_space<vmem>>, vector<1x16xf32>,
        %get3A_1733 = vector.shape_cast %get3A_1732 : vector<1x16xf32> to vector<16xf32>
        %get3A_1734 = arith.index_cast %add3A_1695 : i32 to index
        %get3A_1735 = arith.constant 32 : index
        %get3A_1736 = tpu.vector_load %arg10[%get3A_1734, %get3A_1735] {strides = array<i32>} : memref<256x128xf32, #tpu.memory_space<vmem>>, vector<1x16xf32>,
        %get3A_1737 = vector.shape_cast %get3A_1736 : vector<1x16xf32> to vector<16xf32>
        %mul3A_1738 = arith.mulf %get3A_1733, %get3A_1737 : vector<16xf32>
        %add3A_1739 = arith.addf %add3A_1725, %mul3A_1738 : vector<16xf32>
        %mul3A_1740 = arith.mulf %get3A_1733, %get3A_1733 : vector<16xf32>
        %add3A_1741 = arith.addf %add3A_1727, %mul3A_1740 : vector<16xf32>
        %mul3A_1742 = arith.mulf %get3A_1737, %get3A_1737 : vector<16xf32>
        %add3A_1743 = arith.addf %add3A_1729, %mul3A_1742 : vector<16xf32>
        %get3A_1744 = arith.index_cast %add3A_1695 : i32 to index
        %get3A_1745 = arith.constant 48 : index
        %get3A_1746 = tpu.vector_load %arg9[%get3A_1744, %get3A_1745] {strides = array<i32>} : memref<256x128xf32, #tpu.memory_space<vmem>>, vector<1x16xf32>,
        %get3A_1747 = vector.shape_cast %get3A_1746 : vector<1x16xf32> to vector<16xf32>
        %get3A_1748 = arith.index_cast %add3A_1695 : i32 to index
        %get3A_1749 = arith.constant 48 : index
        %get3A_1750 = tpu.vector_load %arg10[%get3A_1748, %get3A_1749] {strides = array<i32>} : memref<256x128xf32, #tpu.memory_space<vmem>>, vector<1x16xf32>,
        %get3A_1751 = vector.shape_cast %get3A_1750 : vector<1x16xf32> to vector<16xf32>
        %mul3A_1752 = arith.mulf %get3A_1747, %get3A_1751 : vector<16xf32>
        %add3A_1753 = arith.addf %add3A_1739, %mul3A_1752 : vector<16xf32>
        %mul3A_1754 = arith.mulf %get3A_1747, %get3A_1747 : vector<16xf32>
        %add3A_1755 = arith.addf %add3A_1741, %mul3A_1754 : vector<16xf32>
        %mul3A_1756 = arith.mulf %get3A_1751, %get3A_1751 : vector<16xf32>
        %add3A_1757 = arith.addf %add3A_1743, %mul3A_1756 : vector<16xf32>
        %get3A_1758 = arith.index_cast %add3A_1695 : i32 to index
        %get3A_1759 = arith.constant 64 : index
        %get3A_1760 = tpu.vector_load %arg9[%get3A_1758, %get3A_1759] {strides = array<i32>} : memref<256x128xf32, #tpu.memory_space<vmem>>, vector<1x16xf32>,
        %get3A_1761 = vector.shape_cast %get3A_1760 : vector<1x16xf32> to vector<16xf32>
        %get3A_1762 = arith.index_cast %add3A_1695 : i32 to index
        %get3A_1763 = arith.constant 64 : index
        %get3A_1764 = tpu.vector_load %arg10[%get3A_1762, %get3A_1763] {strides = array<i32>} : memref<256x128xf32, #tpu.memory_space<vmem>>, vector<1x16xf32>,
        %get3A_1765 = vector.shape_cast %get3A_1764 : vector<1x16xf32> to vector<16xf32>
        %mul3A_1766 = arith.mulf %get3A_1761, %get3A_1765 : vector<16xf32>
        %add3A_1767 = arith.addf %add3A_1753, %mul3A_1766 : vector<16xf32>
        %mul3A_1768 = arith.mulf %get3A_1761, %get3A_1761 : vector<16xf32>
        %add3A_1769 = arith.addf %add3A_1755, %mul3A_1768 : vector<16xf32>
        %mul3A_1770 = arith.mulf %get3A_1765, %get3A_1765 : vector<16xf32>
        %add3A_1771 = arith.addf %add3A_1757, %mul3A_1770 : vector<16xf32>
        %get3A_1772 = arith.index_cast %add3A_1695 : i32 to index
        %get3A_1773 = arith.constant 80 : index
        %get3A_1774 = tpu.vector_load %arg9[%get3A_1772, %get3A_1773] {strides = array<i32>} : memref<256x128xf32, #tpu.memory_space<vmem>>, vector<1x16xf32>,
        %get3A_1775 = vector.shape_cast %get3A_1774 : vector<1x16xf32> to vector<16xf32>
        %get3A_1776 = arith.index_cast %add3A_1695 : i32 to index
        %get3A_1777 = arith.constant 80 : index
        %get3A_1778 = tpu.vector_load %arg10[%get3A_1776, %get3A_1777] {strides = array<i32>} : memref<256x128xf32, #tpu.memory_space<vmem>>, vector<1x16xf32>,
        %get3A_1779 = vector.shape_cast %get3A_1778 : vector<1x16xf32> to vector<16xf32>
        %mul3A_1780 = arith.mulf %get3A_1775, %get3A_1779 : vector<16xf32>
        %add3A_1781 = arith.addf %add3A_1767, %mul3A_1780 : vector<16xf32>
        %mul3A_1782 = arith.mulf %get3A_1775, %get3A_1775 : vector<16xf32>
        %add3A_1783 = arith.addf %add3A_1769, %mul3A_1782 : vector<16xf32>
        %mul3A_1784 = arith.mulf %get3A_1779, %get3A_1779 : vector<16xf32>
        %add3A_1785 = arith.addf %add3A_1771, %mul3A_1784 : vector<16xf32>
        %get3A_1786 = arith.index_cast %add3A_1695 : i32 to index
        %get3A_1787 = arith.constant 96 : index
        %get3A_1788 = tpu.vector_load %arg9[%get3A_1786, %get3A_1787] {strides = array<i32>} : memref<256x128xf32, #tpu.memory_space<vmem>>, vector<1x16xf32>,
        %get3A_1789 = vector.shape_cast %get3A_1788 : vector<1x16xf32> to vector<16xf32>
        %get3A_1790 = arith.index_cast %add3A_1695 : i32 to index
        %get3A_1791 = arith.constant 96 : index
        %get3A_1792 = tpu.vector_load %arg10[%get3A_1790, %get3A_1791] {strides = array<i32>} : memref<256x128xf32, #tpu.memory_space<vmem>>, vector<1x16xf32>,
        %get3A_1793 = vector.shape_cast %get3A_1792 : vector<1x16xf32> to vector<16xf32>
        %mul3A_1794 = arith.mulf %get3A_1789, %get3A_1793 : vector<16xf32>
        %add3A_1795 = arith.addf %add3A_1781, %mul3A_1794 : vector<16xf32>
        %mul3A_1796 = arith.mulf %get3A_1789, %get3A_1789 : vector<16xf32>
        %add3A_1797 = arith.addf %add3A_1783, %mul3A_1796 : vector<16xf32>
        %mul3A_1798 = arith.mulf %get3A_1793, %get3A_1793 : vector<16xf32>
        %add3A_1799 = arith.addf %add3A_1785, %mul3A_1798 : vector<16xf32>
        %get3A_1800 = arith.index_cast %add3A_1695 : i32 to index
        %get3A_1801 = arith.constant 112 : index
        %get3A_1802 = tpu.vector_load %arg9[%get3A_1800, %get3A_1801] {strides = array<i32>} : memref<256x128xf32, #tpu.memory_space<vmem>>, vector<1x16xf32>,
        %get3A_1803 = vector.shape_cast %get3A_1802 : vector<1x16xf32> to vector<16xf32>
        %get3A_1804 = arith.index_cast %add3A_1695 : i32 to index
        %get3A_1805 = arith.constant 112 : index
        %get3A_1806 = tpu.vector_load %arg10[%get3A_1804, %get3A_1805] {strides = array<i32>} : memref<256x128xf32, #tpu.memory_space<vmem>>, vector<1x16xf32>,
        %get3A_1807 = vector.shape_cast %get3A_1806 : vector<1x16xf32> to vector<16xf32>
        %mul3A_1808 = arith.mulf %get3A_1803, %get3A_1807 : vector<16xf32>
        %add3A_1809 = arith.addf %add3A_1795, %mul3A_1808 : vector<16xf32>
        %mul3A_1810 = arith.mulf %get3A_1803, %get3A_1803 : vector<16xf32>
        %add3A_1811 = arith.addf %add3A_1797, %mul3A_1810 : vector<16xf32>
        %mul3A_1812 = arith.mulf %get3A_1807, %get3A_1807 : vector<16xf32>
        %add3A_1813 = arith.addf %add3A_1799, %mul3A_1812 : vector<16xf32>
        %add3A_1814 = arith.constant 4 : i32
        %add3A_1815 = arith.addi %add3A_526, %add3A_1814 : i32
        %add3A_1816 = arith.constant 8 : i32
        %add3A_1817 = arith.addi %add3A_1815, %add3A_1816 : i32
        %broadcast_in_dim3A_1818 = arith.constant 0.000000e+00 : f32
        %broadcast_in_dim3A_1819 = vector.broadcast %broadcast_in_dim3A_1818 : f32 to vector<16xf32>
        %broadcast_in_dim3A_1820 = arith.constant 0.000000e+00 : f32
        %broadcast_in_dim3A_1821 = vector.broadcast %broadcast_in_dim3A_1820 : f32 to vector<16xf32>
        %broadcast_in_dim3A_1822 = arith.constant 0.000000e+00 : f32
        %broadcast_in_dim3A_1823 = vector.broadcast %broadcast_in_dim3A_1822 : f32 to vector<16xf32>
        %get3A_1824 = arith.index_cast %add3A_1817 : i32 to index
        %get3A_1825 = arith.constant 0 : index
        %get3A_1826 = tpu.vector_load %arg9[%get3A_1824, %get3A_1825] {strides = array<i32>} : memref<256x128xf32, #tpu.memory_space<vmem>>, vector<1x16xf32>,
        %get3A_1827 = vector.shape_cast %get3A_1826 : vector<1x16xf32> to vector<16xf32>
        %get3A_1828 = arith.index_cast %add3A_1817 : i32 to index
        %get3A_1829 = arith.constant 0 : index
        %get3A_1830 = tpu.vector_load %arg10[%get3A_1828, %get3A_1829] {strides = array<i32>} : memref<256x128xf32, #tpu.memory_space<vmem>>, vector<1x16xf32>,
        %get3A_1831 = vector.shape_cast %get3A_1830 : vector<1x16xf32> to vector<16xf32>
        %mul3A_1832 = arith.mulf %get3A_1827, %get3A_1831 : vector<16xf32>
        %add3A_1833 = arith.addf %broadcast_in_dim3A_1819, %mul3A_1832 : vector<16xf32>
        %mul3A_1834 = arith.mulf %get3A_1827, %get3A_1827 : vector<16xf32>
        %add3A_1835 = arith.addf %broadcast_in_dim3A_1821, %mul3A_1834 : vector<16xf32>
        %mul3A_1836 = arith.mulf %get3A_1831, %get3A_1831 : vector<16xf32>
        %add3A_1837 = arith.addf %broadcast_in_dim3A_1823, %mul3A_1836 : vector<16xf32>
        %get3A_1838 = arith.index_cast %add3A_1817 : i32 to index
        %get3A_1839 = arith.constant 16 : index
        %get3A_1840 = tpu.vector_load %arg9[%get3A_1838, %get3A_1839] {strides = array<i32>} : memref<256x128xf32, #tpu.memory_space<vmem>>, vector<1x16xf32>,
        %get3A_1841 = vector.shape_cast %get3A_1840 : vector<1x16xf32> to vector<16xf32>
        %get3A_1842 = arith.index_cast %add3A_1817 : i32 to index
        %get3A_1843 = arith.constant 16 : index
        %get3A_1844 = tpu.vector_load %arg10[%get3A_1842, %get3A_1843] {strides = array<i32>} : memref<256x128xf32, #tpu.memory_space<vmem>>, vector<1x16xf32>,
        %get3A_1845 = vector.shape_cast %get3A_1844 : vector<1x16xf32> to vector<16xf32>
        %mul3A_1846 = arith.mulf %get3A_1841, %get3A_1845 : vector<16xf32>
        %add3A_1847 = arith.addf %add3A_1833, %mul3A_1846 : vector<16xf32>
        %mul3A_1848 = arith.mulf %get3A_1841, %get3A_1841 : vector<16xf32>
        %add3A_1849 = arith.addf %add3A_1835, %mul3A_1848 : vector<16xf32>
        %mul3A_1850 = arith.mulf %get3A_1845, %get3A_1845 : vector<16xf32>
        %add3A_1851 = arith.addf %add3A_1837, %mul3A_1850 : vector<16xf32>
        %get3A_1852 = arith.index_cast %add3A_1817 : i32 to index
        %get3A_1853 = arith.constant 32 : index
        %get3A_1854 = tpu.vector_load %arg9[%get3A_1852, %get3A_1853] {strides = array<i32>} : memref<256x128xf32, #tpu.memory_space<vmem>>, vector<1x16xf32>,
        %get3A_1855 = vector.shape_cast %get3A_1854 : vector<1x16xf32> to vector<16xf32>
        %get3A_1856 = arith.index_cast %add3A_1817 : i32 to index
        %get3A_1857 = arith.constant 32 : index
        %get3A_1858 = tpu.vector_load %arg10[%get3A_1856, %get3A_1857] {strides = array<i32>} : memref<256x128xf32, #tpu.memory_space<vmem>>, vector<1x16xf32>,
        %get3A_1859 = vector.shape_cast %get3A_1858 : vector<1x16xf32> to vector<16xf32>
        %mul3A_1860 = arith.mulf %get3A_1855, %get3A_1859 : vector<16xf32>
        %add3A_1861 = arith.addf %add3A_1847, %mul3A_1860 : vector<16xf32>
        %mul3A_1862 = arith.mulf %get3A_1855, %get3A_1855 : vector<16xf32>
        %add3A_1863 = arith.addf %add3A_1849, %mul3A_1862 : vector<16xf32>
        %mul3A_1864 = arith.mulf %get3A_1859, %get3A_1859 : vector<16xf32>
        %add3A_1865 = arith.addf %add3A_1851, %mul3A_1864 : vector<16xf32>
        %get3A_1866 = arith.index_cast %add3A_1817 : i32 to index
        %get3A_1867 = arith.constant 48 : index
        %get3A_1868 = tpu.vector_load %arg9[%get3A_1866, %get3A_1867] {strides = array<i32>} : memref<256x128xf32, #tpu.memory_space<vmem>>, vector<1x16xf32>,
        %get3A_1869 = vector.shape_cast %get3A_1868 : vector<1x16xf32> to vector<16xf32>
        %get3A_1870 = arith.index_cast %add3A_1817 : i32 to index
        %get3A_1871 = arith.constant 48 : index
        %get3A_1872 = tpu.vector_load %arg10[%get3A_1870, %get3A_1871] {strides = array<i32>} : memref<256x128xf32, #tpu.memory_space<vmem>>, vector<1x16xf32>,
        %get3A_1873 = vector.shape_cast %get3A_1872 : vector<1x16xf32> to vector<16xf32>
        %mul3A_1874 = arith.mulf %get3A_1869, %get3A_1873 : vector<16xf32>
        %add3A_1875 = arith.addf %add3A_1861, %mul3A_1874 : vector<16xf32>
        %mul3A_1876 = arith.mulf %get3A_1869, %get3A_1869 : vector<16xf32>
        %add3A_1877 = arith.addf %add3A_1863, %mul3A_1876 : vector<16xf32>
        %mul3A_1878 = arith.mulf %get3A_1873, %get3A_1873 : vector<16xf32>
        %add3A_1879 = arith.addf %add3A_1865, %mul3A_1878 : vector<16xf32>
        %get3A_1880 = arith.index_cast %add3A_1817 : i32 to index
        %get3A_1881 = arith.constant 64 : index
        %get3A_1882 = tpu.vector_load %arg9[%get3A_1880, %get3A_1881] {strides = array<i32>} : memref<256x128xf32, #tpu.memory_space<vmem>>, vector<1x16xf32>,
        %get3A_1883 = vector.shape_cast %get3A_1882 : vector<1x16xf32> to vector<16xf32>
        %get3A_1884 = arith.index_cast %add3A_1817 : i32 to index
        %get3A_1885 = arith.constant 64 : index
        %get3A_1886 = tpu.vector_load %arg10[%get3A_1884, %get3A_1885] {strides = array<i32>} : memref<256x128xf32, #tpu.memory_space<vmem>>, vector<1x16xf32>,
        %get3A_1887 = vector.shape_cast %get3A_1886 : vector<1x16xf32> to vector<16xf32>
        %mul3A_1888 = arith.mulf %get3A_1883, %get3A_1887 : vector<16xf32>
        %add3A_1889 = arith.addf %add3A_1875, %mul3A_1888 : vector<16xf32>
        %mul3A_1890 = arith.mulf %get3A_1883, %get3A_1883 : vector<16xf32>
        %add3A_1891 = arith.addf %add3A_1877, %mul3A_1890 : vector<16xf32>
        %mul3A_1892 = arith.mulf %get3A_1887, %get3A_1887 : vector<16xf32>
        %add3A_1893 = arith.addf %add3A_1879, %mul3A_1892 : vector<16xf32>
        %get3A_1894 = arith.index_cast %add3A_1817 : i32 to index
        %get3A_1895 = arith.constant 80 : index
        %get3A_1896 = tpu.vector_load %arg9[%get3A_1894, %get3A_1895] {strides = array<i32>} : memref<256x128xf32, #tpu.memory_space<vmem>>, vector<1x16xf32>,
        %get3A_1897 = vector.shape_cast %get3A_1896 : vector<1x16xf32> to vector<16xf32>
        %get3A_1898 = arith.index_cast %add3A_1817 : i32 to index
        %get3A_1899 = arith.constant 80 : index
        %get3A_1900 = tpu.vector_load %arg10[%get3A_1898, %get3A_1899] {strides = array<i32>} : memref<256x128xf32, #tpu.memory_space<vmem>>, vector<1x16xf32>,
        %get3A_1901 = vector.shape_cast %get3A_1900 : vector<1x16xf32> to vector<16xf32>
        %mul3A_1902 = arith.mulf %get3A_1897, %get3A_1901 : vector<16xf32>
        %add3A_1903 = arith.addf %add3A_1889, %mul3A_1902 : vector<16xf32>
        %mul3A_1904 = arith.mulf %get3A_1897, %get3A_1897 : vector<16xf32>
        %add3A_1905 = arith.addf %add3A_1891, %mul3A_1904 : vector<16xf32>
        %mul3A_1906 = arith.mulf %get3A_1901, %get3A_1901 : vector<16xf32>
        %add3A_1907 = arith.addf %add3A_1893, %mul3A_1906 : vector<16xf32>
        %get3A_1908 = arith.index_cast %add3A_1817 : i32 to index
        %get3A_1909 = arith.constant 96 : index
        %get3A_1910 = tpu.vector_load %arg9[%get3A_1908, %get3A_1909] {strides = array<i32>} : memref<256x128xf32, #tpu.memory_space<vmem>>, vector<1x16xf32>,
        %get3A_1911 = vector.shape_cast %get3A_1910 : vector<1x16xf32> to vector<16xf32>
        %get3A_1912 = arith.index_cast %add3A_1817 : i32 to index
        %get3A_1913 = arith.constant 96 : index
        %get3A_1914 = tpu.vector_load %arg10[%get3A_1912, %get3A_1913] {strides = array<i32>} : memref<256x128xf32, #tpu.memory_space<vmem>>, vector<1x16xf32>,
        %get3A_1915 = vector.shape_cast %get3A_1914 : vector<1x16xf32> to vector<16xf32>
        %mul3A_1916 = arith.mulf %get3A_1911, %get3A_1915 : vector<16xf32>
        %add3A_1917 = arith.addf %add3A_1903, %mul3A_1916 : vector<16xf32>
        %mul3A_1918 = arith.mulf %get3A_1911, %get3A_1911 : vector<16xf32>
        %add3A_1919 = arith.addf %add3A_1905, %mul3A_1918 : vector<16xf32>
        %mul3A_1920 = arith.mulf %get3A_1915, %get3A_1915 : vector<16xf32>
        %add3A_1921 = arith.addf %add3A_1907, %mul3A_1920 : vector<16xf32>
        %get3A_1922 = arith.index_cast %add3A_1817 : i32 to index
        %get3A_1923 = arith.constant 112 : index
        %get3A_1924 = tpu.vector_load %arg9[%get3A_1922, %get3A_1923] {strides = array<i32>} : memref<256x128xf32, #tpu.memory_space<vmem>>, vector<1x16xf32>,
        %get3A_1925 = vector.shape_cast %get3A_1924 : vector<1x16xf32> to vector<16xf32>
        %get3A_1926 = arith.index_cast %add3A_1817 : i32 to index
        %get3A_1927 = arith.constant 112 : index
        %get3A_1928 = tpu.vector_load %arg10[%get3A_1926, %get3A_1927] {strides = array<i32>} : memref<256x128xf32, #tpu.memory_space<vmem>>, vector<1x16xf32>,
        %get3A_1929 = vector.shape_cast %get3A_1928 : vector<1x16xf32> to vector<16xf32>
        %mul3A_1930 = arith.mulf %get3A_1925, %get3A_1929 : vector<16xf32>
        %add3A_1931 = arith.addf %add3A_1917, %mul3A_1930 : vector<16xf32>
        %mul3A_1932 = arith.mulf %get3A_1925, %get3A_1925 : vector<16xf32>
        %add3A_1933 = arith.addf %add3A_1919, %mul3A_1932 : vector<16xf32>
        %mul3A_1934 = arith.mulf %get3A_1929, %get3A_1929 : vector<16xf32>
        %add3A_1935 = arith.addf %add3A_1921, %mul3A_1934 : vector<16xf32>
        %iota3A_1936 = tpu.iota {dimensions = array<i32: 0>} : vector<16xi32>
        %xor3A_1937 = arith.constant 8 : i32
        %xor3A_1938 = vector.broadcast %xor3A_1937 : i32 to vector<16xi32>
        %xor3A_1939 = arith.xori %iota3A_1936, %xor3A_1938 : vector<16xi32>
        %reshape3A_1940 = vector.shape_cast %xor3A_1939 : vector<16xi32> to vector<16x1xi32>
        %gather3A_1941 = vector.shape_cast %reshape3A_1940 : vector<16x1xi32> to vector<16xi32>
        %gather3A_1942 = tpu.dynamic_gather %add3A_1809[%gather3A_1941] in [0] : vector<16xf32>, vector<16xi32> -> vector<16xf32>
        %add3A_1943 = arith.addf %add3A_1809, %gather3A_1942 : vector<16xf32>
        %iota3A_1944 = tpu.iota {dimensions = array<i32: 0>} : vector<16xi32>
        %xor3A_1945 = arith.constant 8 : i32
        %xor3A_1946 = vector.broadcast %xor3A_1945 : i32 to vector<16xi32>
        %xor3A_1947 = arith.xori %iota3A_1944, %xor3A_1946 : vector<16xi32>
        %reshape3A_1948 = vector.shape_cast %xor3A_1947 : vector<16xi32> to vector<16x1xi32>
        %gather3A_1949 = vector.shape_cast %reshape3A_1948 : vector<16x1xi32> to vector<16xi32>
        %gather3A_1950 = tpu.dynamic_gather %add3A_1931[%gather3A_1949] in [0] : vector<16xf32>, vector<16xi32> -> vector<16xf32>
        %add3A_1951 = arith.addf %add3A_1931, %gather3A_1950 : vector<16xf32>
        %select_n3A_1952 = arith.select %eq3A_6, %add3A_1943, %add3A_1951 : vector<16xi1>, vector<16xf32>
        %iota3A_1953 = tpu.iota {dimensions = array<i32: 0>} : vector<16xi32>
        %xor3A_1954 = arith.constant 8 : i32
        %xor3A_1955 = vector.broadcast %xor3A_1954 : i32 to vector<16xi32>
        %xor3A_1956 = arith.xori %iota3A_1953, %xor3A_1955 : vector<16xi32>
        %reshape3A_1957 = vector.shape_cast %xor3A_1956 : vector<16xi32> to vector<16x1xi32>
        %gather3A_1958 = vector.shape_cast %reshape3A_1957 : vector<16x1xi32> to vector<16xi32>
        %gather3A_1959 = tpu.dynamic_gather %add3A_1811[%gather3A_1958] in [0] : vector<16xf32>, vector<16xi32> -> vector<16xf32>
        %add3A_1960 = arith.addf %add3A_1811, %gather3A_1959 : vector<16xf32>
        %iota3A_1961 = tpu.iota {dimensions = array<i32: 0>} : vector<16xi32>
        %xor3A_1962 = arith.constant 8 : i32
        %xor3A_1963 = vector.broadcast %xor3A_1962 : i32 to vector<16xi32>
        %xor3A_1964 = arith.xori %iota3A_1961, %xor3A_1963 : vector<16xi32>
        %reshape3A_1965 = vector.shape_cast %xor3A_1964 : vector<16xi32> to vector<16x1xi32>
        %gather3A_1966 = vector.shape_cast %reshape3A_1965 : vector<16x1xi32> to vector<16xi32>
        %gather3A_1967 = tpu.dynamic_gather %add3A_1933[%gather3A_1966] in [0] : vector<16xf32>, vector<16xi32> -> vector<16xf32>
        %add3A_1968 = arith.addf %add3A_1933, %gather3A_1967 : vector<16xf32>
        %select_n3A_1969 = arith.select %eq3A_6, %add3A_1960, %add3A_1968 : vector<16xi1>, vector<16xf32>
        %iota3A_1970 = tpu.iota {dimensions = array<i32: 0>} : vector<16xi32>
        %xor3A_1971 = arith.constant 8 : i32
        %xor3A_1972 = vector.broadcast %xor3A_1971 : i32 to vector<16xi32>
        %xor3A_1973 = arith.xori %iota3A_1970, %xor3A_1972 : vector<16xi32>
        %reshape3A_1974 = vector.shape_cast %xor3A_1973 : vector<16xi32> to vector<16x1xi32>
        %gather3A_1975 = vector.shape_cast %reshape3A_1974 : vector<16x1xi32> to vector<16xi32>
        %gather3A_1976 = tpu.dynamic_gather %add3A_1813[%gather3A_1975] in [0] : vector<16xf32>, vector<16xi32> -> vector<16xf32>
        %add3A_1977 = arith.addf %add3A_1813, %gather3A_1976 : vector<16xf32>
        %iota3A_1978 = tpu.iota {dimensions = array<i32: 0>} : vector<16xi32>
        %xor3A_1979 = arith.constant 8 : i32
        %xor3A_1980 = vector.broadcast %xor3A_1979 : i32 to vector<16xi32>
        %xor3A_1981 = arith.xori %iota3A_1978, %xor3A_1980 : vector<16xi32>
        %reshape3A_1982 = vector.shape_cast %xor3A_1981 : vector<16xi32> to vector<16x1xi32>
        %gather3A_1983 = vector.shape_cast %reshape3A_1982 : vector<16x1xi32> to vector<16xi32>
        %gather3A_1984 = tpu.dynamic_gather %add3A_1935[%gather3A_1983] in [0] : vector<16xf32>, vector<16xi32> -> vector<16xf32>
        %add3A_1985 = arith.addf %add3A_1935, %gather3A_1984 : vector<16xf32>
        %select_n3A_1986 = arith.select %eq3A_6, %add3A_1977, %add3A_1985 : vector<16xi1>, vector<16xf32>
        %add3A_1987 = arith.constant 5 : i32
        %add3A_1988 = arith.addi %add3A_526, %add3A_1987 : i32
        %broadcast_in_dim3A_1989 = arith.constant 0.000000e+00 : f32
        %broadcast_in_dim3A_1990 = vector.broadcast %broadcast_in_dim3A_1989 : f32 to vector<16xf32>
        %broadcast_in_dim3A_1991 = arith.constant 0.000000e+00 : f32
        %broadcast_in_dim3A_1992 = vector.broadcast %broadcast_in_dim3A_1991 : f32 to vector<16xf32>
        %broadcast_in_dim3A_1993 = arith.constant 0.000000e+00 : f32
        %broadcast_in_dim3A_1994 = vector.broadcast %broadcast_in_dim3A_1993 : f32 to vector<16xf32>
        %get3A_1995 = arith.index_cast %add3A_1988 : i32 to index
        %get3A_1996 = arith.constant 0 : index
        %get3A_1997 = tpu.vector_load %arg9[%get3A_1995, %get3A_1996] {strides = array<i32>} : memref<256x128xf32, #tpu.memory_space<vmem>>, vector<1x16xf32>,
        %get3A_1998 = vector.shape_cast %get3A_1997 : vector<1x16xf32> to vector<16xf32>
        %get3A_1999 = arith.index_cast %add3A_1988 : i32 to index
        %get3A_2000 = arith.constant 0 : index
        %get3A_2001 = tpu.vector_load %arg10[%get3A_1999, %get3A_2000] {strides = array<i32>} : memref<256x128xf32, #tpu.memory_space<vmem>>, vector<1x16xf32>,
        %get3A_2002 = vector.shape_cast %get3A_2001 : vector<1x16xf32> to vector<16xf32>
        %mul3A_2003 = arith.mulf %get3A_1998, %get3A_2002 : vector<16xf32>
        %add3A_2004 = arith.addf %broadcast_in_dim3A_1990, %mul3A_2003 : vector<16xf32>
        %mul3A_2005 = arith.mulf %get3A_1998, %get3A_1998 : vector<16xf32>
        %add3A_2006 = arith.addf %broadcast_in_dim3A_1992, %mul3A_2005 : vector<16xf32>
        %mul3A_2007 = arith.mulf %get3A_2002, %get3A_2002 : vector<16xf32>
        %add3A_2008 = arith.addf %broadcast_in_dim3A_1994, %mul3A_2007 : vector<16xf32>
        %get3A_2009 = arith.index_cast %add3A_1988 : i32 to index
        %get3A_2010 = arith.constant 16 : index
        %get3A_2011 = tpu.vector_load %arg9[%get3A_2009, %get3A_2010] {strides = array<i32>} : memref<256x128xf32, #tpu.memory_space<vmem>>, vector<1x16xf32>,
        %get3A_2012 = vector.shape_cast %get3A_2011 : vector<1x16xf32> to vector<16xf32>
        %get3A_2013 = arith.index_cast %add3A_1988 : i32 to index
        %get3A_2014 = arith.constant 16 : index
        %get3A_2015 = tpu.vector_load %arg10[%get3A_2013, %get3A_2014] {strides = array<i32>} : memref<256x128xf32, #tpu.memory_space<vmem>>, vector<1x16xf32>,
        %get3A_2016 = vector.shape_cast %get3A_2015 : vector<1x16xf32> to vector<16xf32>
        %mul3A_2017 = arith.mulf %get3A_2012, %get3A_2016 : vector<16xf32>
        %add3A_2018 = arith.addf %add3A_2004, %mul3A_2017 : vector<16xf32>
        %mul3A_2019 = arith.mulf %get3A_2012, %get3A_2012 : vector<16xf32>
        %add3A_2020 = arith.addf %add3A_2006, %mul3A_2019 : vector<16xf32>
        %mul3A_2021 = arith.mulf %get3A_2016, %get3A_2016 : vector<16xf32>
        %add3A_2022 = arith.addf %add3A_2008, %mul3A_2021 : vector<16xf32>
        %get3A_2023 = arith.index_cast %add3A_1988 : i32 to index
        %get3A_2024 = arith.constant 32 : index
        %get3A_2025 = tpu.vector_load %arg9[%get3A_2023, %get3A_2024] {strides = array<i32>} : memref<256x128xf32, #tpu.memory_space<vmem>>, vector<1x16xf32>,
        %get3A_2026 = vector.shape_cast %get3A_2025 : vector<1x16xf32> to vector<16xf32>
        %get3A_2027 = arith.index_cast %add3A_1988 : i32 to index
        %get3A_2028 = arith.constant 32 : index
        %get3A_2029 = tpu.vector_load %arg10[%get3A_2027, %get3A_2028] {strides = array<i32>} : memref<256x128xf32, #tpu.memory_space<vmem>>, vector<1x16xf32>,
        %get3A_2030 = vector.shape_cast %get3A_2029 : vector<1x16xf32> to vector<16xf32>
        %mul3A_2031 = arith.mulf %get3A_2026, %get3A_2030 : vector<16xf32>
        %add3A_2032 = arith.addf %add3A_2018, %mul3A_2031 : vector<16xf32>
        %mul3A_2033 = arith.mulf %get3A_2026, %get3A_2026 : vector<16xf32>
        %add3A_2034 = arith.addf %add3A_2020, %mul3A_2033 : vector<16xf32>
        %mul3A_2035 = arith.mulf %get3A_2030, %get3A_2030 : vector<16xf32>
        %add3A_2036 = arith.addf %add3A_2022, %mul3A_2035 : vector<16xf32>
        %get3A_2037 = arith.index_cast %add3A_1988 : i32 to index
        %get3A_2038 = arith.constant 48 : index
        %get3A_2039 = tpu.vector_load %arg9[%get3A_2037, %get3A_2038] {strides = array<i32>} : memref<256x128xf32, #tpu.memory_space<vmem>>, vector<1x16xf32>,
        %get3A_2040 = vector.shape_cast %get3A_2039 : vector<1x16xf32> to vector<16xf32>
        %get3A_2041 = arith.index_cast %add3A_1988 : i32 to index
        %get3A_2042 = arith.constant 48 : index
        %get3A_2043 = tpu.vector_load %arg10[%get3A_2041, %get3A_2042] {strides = array<i32>} : memref<256x128xf32, #tpu.memory_space<vmem>>, vector<1x16xf32>,
        %get3A_2044 = vector.shape_cast %get3A_2043 : vector<1x16xf32> to vector<16xf32>
        %mul3A_2045 = arith.mulf %get3A_2040, %get3A_2044 : vector<16xf32>
        %add3A_2046 = arith.addf %add3A_2032, %mul3A_2045 : vector<16xf32>
        %mul3A_2047 = arith.mulf %get3A_2040, %get3A_2040 : vector<16xf32>
        %add3A_2048 = arith.addf %add3A_2034, %mul3A_2047 : vector<16xf32>
        %mul3A_2049 = arith.mulf %get3A_2044, %get3A_2044 : vector<16xf32>
        %add3A_2050 = arith.addf %add3A_2036, %mul3A_2049 : vector<16xf32>
        %get3A_2051 = arith.index_cast %add3A_1988 : i32 to index
        %get3A_2052 = arith.constant 64 : index
        %get3A_2053 = tpu.vector_load %arg9[%get3A_2051, %get3A_2052] {strides = array<i32>} : memref<256x128xf32, #tpu.memory_space<vmem>>, vector<1x16xf32>,
        %get3A_2054 = vector.shape_cast %get3A_2053 : vector<1x16xf32> to vector<16xf32>
        %get3A_2055 = arith.index_cast %add3A_1988 : i32 to index
        %get3A_2056 = arith.constant 64 : index
        %get3A_2057 = tpu.vector_load %arg10[%get3A_2055, %get3A_2056] {strides = array<i32>} : memref<256x128xf32, #tpu.memory_space<vmem>>, vector<1x16xf32>,
        %get3A_2058 = vector.shape_cast %get3A_2057 : vector<1x16xf32> to vector<16xf32>
        %mul3A_2059 = arith.mulf %get3A_2054, %get3A_2058 : vector<16xf32>
        %add3A_2060 = arith.addf %add3A_2046, %mul3A_2059 : vector<16xf32>
        %mul3A_2061 = arith.mulf %get3A_2054, %get3A_2054 : vector<16xf32>
        %add3A_2062 = arith.addf %add3A_2048, %mul3A_2061 : vector<16xf32>
        %mul3A_2063 = arith.mulf %get3A_2058, %get3A_2058 : vector<16xf32>
        %add3A_2064 = arith.addf %add3A_2050, %mul3A_2063 : vector<16xf32>
        %get3A_2065 = arith.index_cast %add3A_1988 : i32 to index
        %get3A_2066 = arith.constant 80 : index
        %get3A_2067 = tpu.vector_load %arg9[%get3A_2065, %get3A_2066] {strides = array<i32>} : memref<256x128xf32, #tpu.memory_space<vmem>>, vector<1x16xf32>,
        %get3A_2068 = vector.shape_cast %get3A_2067 : vector<1x16xf32> to vector<16xf32>
        %get3A_2069 = arith.index_cast %add3A_1988 : i32 to index
        %get3A_2070 = arith.constant 80 : index
        %get3A_2071 = tpu.vector_load %arg10[%get3A_2069, %get3A_2070] {strides = array<i32>} : memref<256x128xf32, #tpu.memory_space<vmem>>, vector<1x16xf32>,
        %get3A_2072 = vector.shape_cast %get3A_2071 : vector<1x16xf32> to vector<16xf32>
        %mul3A_2073 = arith.mulf %get3A_2068, %get3A_2072 : vector<16xf32>
        %add3A_2074 = arith.addf %add3A_2060, %mul3A_2073 : vector<16xf32>
        %mul3A_2075 = arith.mulf %get3A_2068, %get3A_2068 : vector<16xf32>
        %add3A_2076 = arith.addf %add3A_2062, %mul3A_2075 : vector<16xf32>
        %mul3A_2077 = arith.mulf %get3A_2072, %get3A_2072 : vector<16xf32>
        %add3A_2078 = arith.addf %add3A_2064, %mul3A_2077 : vector<16xf32>
        %get3A_2079 = arith.index_cast %add3A_1988 : i32 to index
        %get3A_2080 = arith.constant 96 : index
        %get3A_2081 = tpu.vector_load %arg9[%get3A_2079, %get3A_2080] {strides = array<i32>} : memref<256x128xf32, #tpu.memory_space<vmem>>, vector<1x16xf32>,
        %get3A_2082 = vector.shape_cast %get3A_2081 : vector<1x16xf32> to vector<16xf32>
        %get3A_2083 = arith.index_cast %add3A_1988 : i32 to index
        %get3A_2084 = arith.constant 96 : index
        %get3A_2085 = tpu.vector_load %arg10[%get3A_2083, %get3A_2084] {strides = array<i32>} : memref<256x128xf32, #tpu.memory_space<vmem>>, vector<1x16xf32>,
        %get3A_2086 = vector.shape_cast %get3A_2085 : vector<1x16xf32> to vector<16xf32>
        %mul3A_2087 = arith.mulf %get3A_2082, %get3A_2086 : vector<16xf32>
        %add3A_2088 = arith.addf %add3A_2074, %mul3A_2087 : vector<16xf32>
        %mul3A_2089 = arith.mulf %get3A_2082, %get3A_2082 : vector<16xf32>
        %add3A_2090 = arith.addf %add3A_2076, %mul3A_2089 : vector<16xf32>
        %mul3A_2091 = arith.mulf %get3A_2086, %get3A_2086 : vector<16xf32>
        %add3A_2092 = arith.addf %add3A_2078, %mul3A_2091 : vector<16xf32>
        %get3A_2093 = arith.index_cast %add3A_1988 : i32 to index
        %get3A_2094 = arith.constant 112 : index
        %get3A_2095 = tpu.vector_load %arg9[%get3A_2093, %get3A_2094] {strides = array<i32>} : memref<256x128xf32, #tpu.memory_space<vmem>>, vector<1x16xf32>,
        %get3A_2096 = vector.shape_cast %get3A_2095 : vector<1x16xf32> to vector<16xf32>
        %get3A_2097 = arith.index_cast %add3A_1988 : i32 to index
        %get3A_2098 = arith.constant 112 : index
        %get3A_2099 = tpu.vector_load %arg10[%get3A_2097, %get3A_2098] {strides = array<i32>} : memref<256x128xf32, #tpu.memory_space<vmem>>, vector<1x16xf32>,
        %get3A_2100 = vector.shape_cast %get3A_2099 : vector<1x16xf32> to vector<16xf32>
        %mul3A_2101 = arith.mulf %get3A_2096, %get3A_2100 : vector<16xf32>
        %add3A_2102 = arith.addf %add3A_2088, %mul3A_2101 : vector<16xf32>
        %mul3A_2103 = arith.mulf %get3A_2096, %get3A_2096 : vector<16xf32>
        %add3A_2104 = arith.addf %add3A_2090, %mul3A_2103 : vector<16xf32>
        %mul3A_2105 = arith.mulf %get3A_2100, %get3A_2100 : vector<16xf32>
        %add3A_2106 = arith.addf %add3A_2092, %mul3A_2105 : vector<16xf32>
        %add3A_2107 = arith.constant 5 : i32
        %add3A_2108 = arith.addi %add3A_526, %add3A_2107 : i32
        %add3A_2109 = arith.constant 8 : i32
        %add3A_2110 = arith.addi %add3A_2108, %add3A_2109 : i32
        %broadcast_in_dim3A_2111 = arith.constant 0.000000e+00 : f32
        %broadcast_in_dim3A_2112 = vector.broadcast %broadcast_in_dim3A_2111 : f32 to vector<16xf32>
        %broadcast_in_dim3A_2113 = arith.constant 0.000000e+00 : f32
        %broadcast_in_dim3A_2114 = vector.broadcast %broadcast_in_dim3A_2113 : f32 to vector<16xf32>
        %broadcast_in_dim3A_2115 = arith.constant 0.000000e+00 : f32
        %broadcast_in_dim3A_2116 = vector.broadcast %broadcast_in_dim3A_2115 : f32 to vector<16xf32>
        %get3A_2117 = arith.index_cast %add3A_2110 : i32 to index
        %get3A_2118 = arith.constant 0 : index
        %get3A_2119 = tpu.vector_load %arg9[%get3A_2117, %get3A_2118] {strides = array<i32>} : memref<256x128xf32, #tpu.memory_space<vmem>>, vector<1x16xf32>,
        %get3A_2120 = vector.shape_cast %get3A_2119 : vector<1x16xf32> to vector<16xf32>
        %get3A_2121 = arith.index_cast %add3A_2110 : i32 to index
        %get3A_2122 = arith.constant 0 : index
        %get3A_2123 = tpu.vector_load %arg10[%get3A_2121, %get3A_2122] {strides = array<i32>} : memref<256x128xf32, #tpu.memory_space<vmem>>, vector<1x16xf32>,
        %get3A_2124 = vector.shape_cast %get3A_2123 : vector<1x16xf32> to vector<16xf32>
        %mul3A_2125 = arith.mulf %get3A_2120, %get3A_2124 : vector<16xf32>
        %add3A_2126 = arith.addf %broadcast_in_dim3A_2112, %mul3A_2125 : vector<16xf32>
        %mul3A_2127 = arith.mulf %get3A_2120, %get3A_2120 : vector<16xf32>
        %add3A_2128 = arith.addf %broadcast_in_dim3A_2114, %mul3A_2127 : vector<16xf32>
        %mul3A_2129 = arith.mulf %get3A_2124, %get3A_2124 : vector<16xf32>
        %add3A_2130 = arith.addf %broadcast_in_dim3A_2116, %mul3A_2129 : vector<16xf32>
        %get3A_2131 = arith.index_cast %add3A_2110 : i32 to index
        %get3A_2132 = arith.constant 16 : index
        %get3A_2133 = tpu.vector_load %arg9[%get3A_2131, %get3A_2132] {strides = array<i32>} : memref<256x128xf32, #tpu.memory_space<vmem>>, vector<1x16xf32>,
        %get3A_2134 = vector.shape_cast %get3A_2133 : vector<1x16xf32> to vector<16xf32>
        %get3A_2135 = arith.index_cast %add3A_2110 : i32 to index
        %get3A_2136 = arith.constant 16 : index
        %get3A_2137 = tpu.vector_load %arg10[%get3A_2135, %get3A_2136] {strides = array<i32>} : memref<256x128xf32, #tpu.memory_space<vmem>>, vector<1x16xf32>,
        %get3A_2138 = vector.shape_cast %get3A_2137 : vector<1x16xf32> to vector<16xf32>
        %mul3A_2139 = arith.mulf %get3A_2134, %get3A_2138 : vector<16xf32>
        %add3A_2140 = arith.addf %add3A_2126, %mul3A_2139 : vector<16xf32>
        %mul3A_2141 = arith.mulf %get3A_2134, %get3A_2134 : vector<16xf32>
        %add3A_2142 = arith.addf %add3A_2128, %mul3A_2141 : vector<16xf32>
        %mul3A_2143 = arith.mulf %get3A_2138, %get3A_2138 : vector<16xf32>
        %add3A_2144 = arith.addf %add3A_2130, %mul3A_2143 : vector<16xf32>
        %get3A_2145 = arith.index_cast %add3A_2110 : i32 to index
        %get3A_2146 = arith.constant 32 : index
        %get3A_2147 = tpu.vector_load %arg9[%get3A_2145, %get3A_2146] {strides = array<i32>} : memref<256x128xf32, #tpu.memory_space<vmem>>, vector<1x16xf32>,
        %get3A_2148 = vector.shape_cast %get3A_2147 : vector<1x16xf32> to vector<16xf32>
        %get3A_2149 = arith.index_cast %add3A_2110 : i32 to index
        %get3A_2150 = arith.constant 32 : index
        %get3A_2151 = tpu.vector_load %arg10[%get3A_2149, %get3A_2150] {strides = array<i32>} : memref<256x128xf32, #tpu.memory_space<vmem>>, vector<1x16xf32>,
        %get3A_2152 = vector.shape_cast %get3A_2151 : vector<1x16xf32> to vector<16xf32>
        %mul3A_2153 = arith.mulf %get3A_2148, %get3A_2152 : vector<16xf32>
        %add3A_2154 = arith.addf %add3A_2140, %mul3A_2153 : vector<16xf32>
        %mul3A_2155 = arith.mulf %get3A_2148, %get3A_2148 : vector<16xf32>
        %add3A_2156 = arith.addf %add3A_2142, %mul3A_2155 : vector<16xf32>
        %mul3A_2157 = arith.mulf %get3A_2152, %get3A_2152 : vector<16xf32>
        %add3A_2158 = arith.addf %add3A_2144, %mul3A_2157 : vector<16xf32>
        %get3A_2159 = arith.index_cast %add3A_2110 : i32 to index
        %get3A_2160 = arith.constant 48 : index
        %get3A_2161 = tpu.vector_load %arg9[%get3A_2159, %get3A_2160] {strides = array<i32>} : memref<256x128xf32, #tpu.memory_space<vmem>>, vector<1x16xf32>,
        %get3A_2162 = vector.shape_cast %get3A_2161 : vector<1x16xf32> to vector<16xf32>
        %get3A_2163 = arith.index_cast %add3A_2110 : i32 to index
        %get3A_2164 = arith.constant 48 : index
        %get3A_2165 = tpu.vector_load %arg10[%get3A_2163, %get3A_2164] {strides = array<i32>} : memref<256x128xf32, #tpu.memory_space<vmem>>, vector<1x16xf32>,
        %get3A_2166 = vector.shape_cast %get3A_2165 : vector<1x16xf32> to vector<16xf32>
        %mul3A_2167 = arith.mulf %get3A_2162, %get3A_2166 : vector<16xf32>
        %add3A_2168 = arith.addf %add3A_2154, %mul3A_2167 : vector<16xf32>
        %mul3A_2169 = arith.mulf %get3A_2162, %get3A_2162 : vector<16xf32>
        %add3A_2170 = arith.addf %add3A_2156, %mul3A_2169 : vector<16xf32>
        %mul3A_2171 = arith.mulf %get3A_2166, %get3A_2166 : vector<16xf32>
        %add3A_2172 = arith.addf %add3A_2158, %mul3A_2171 : vector<16xf32>
        %get3A_2173 = arith.index_cast %add3A_2110 : i32 to index
        %get3A_2174 = arith.constant 64 : index
        %get3A_2175 = tpu.vector_load %arg9[%get3A_2173, %get3A_2174] {strides = array<i32>} : memref<256x128xf32, #tpu.memory_space<vmem>>, vector<1x16xf32>,
        %get3A_2176 = vector.shape_cast %get3A_2175 : vector<1x16xf32> to vector<16xf32>
        %get3A_2177 = arith.index_cast %add3A_2110 : i32 to index
        %get3A_2178 = arith.constant 64 : index
        %get3A_2179 = tpu.vector_load %arg10[%get3A_2177, %get3A_2178] {strides = array<i32>} : memref<256x128xf32, #tpu.memory_space<vmem>>, vector<1x16xf32>,
        %get3A_2180 = vector.shape_cast %get3A_2179 : vector<1x16xf32> to vector<16xf32>
        %mul3A_2181 = arith.mulf %get3A_2176, %get3A_2180 : vector<16xf32>
        %add3A_2182 = arith.addf %add3A_2168, %mul3A_2181 : vector<16xf32>
        %mul3A_2183 = arith.mulf %get3A_2176, %get3A_2176 : vector<16xf32>
        %add3A_2184 = arith.addf %add3A_2170, %mul3A_2183 : vector<16xf32>
        %mul3A_2185 = arith.mulf %get3A_2180, %get3A_2180 : vector<16xf32>
        %add3A_2186 = arith.addf %add3A_2172, %mul3A_2185 : vector<16xf32>
        %get3A_2187 = arith.index_cast %add3A_2110 : i32 to index
        %get3A_2188 = arith.constant 80 : index
        %get3A_2189 = tpu.vector_load %arg9[%get3A_2187, %get3A_2188] {strides = array<i32>} : memref<256x128xf32, #tpu.memory_space<vmem>>, vector<1x16xf32>,
        %get3A_2190 = vector.shape_cast %get3A_2189 : vector<1x16xf32> to vector<16xf32>
        %get3A_2191 = arith.index_cast %add3A_2110 : i32 to index
        %get3A_2192 = arith.constant 80 : index
        %get3A_2193 = tpu.vector_load %arg10[%get3A_2191, %get3A_2192] {strides = array<i32>} : memref<256x128xf32, #tpu.memory_space<vmem>>, vector<1x16xf32>,
        %get3A_2194 = vector.shape_cast %get3A_2193 : vector<1x16xf32> to vector<16xf32>
        %mul3A_2195 = arith.mulf %get3A_2190, %get3A_2194 : vector<16xf32>
        %add3A_2196 = arith.addf %add3A_2182, %mul3A_2195 : vector<16xf32>
        %mul3A_2197 = arith.mulf %get3A_2190, %get3A_2190 : vector<16xf32>
        %add3A_2198 = arith.addf %add3A_2184, %mul3A_2197 : vector<16xf32>
        %mul3A_2199 = arith.mulf %get3A_2194, %get3A_2194 : vector<16xf32>
        %add3A_2200 = arith.addf %add3A_2186, %mul3A_2199 : vector<16xf32>
        %get3A_2201 = arith.index_cast %add3A_2110 : i32 to index
        %get3A_2202 = arith.constant 96 : index
        %get3A_2203 = tpu.vector_load %arg9[%get3A_2201, %get3A_2202] {strides = array<i32>} : memref<256x128xf32, #tpu.memory_space<vmem>>, vector<1x16xf32>,
        %get3A_2204 = vector.shape_cast %get3A_2203 : vector<1x16xf32> to vector<16xf32>
        %get3A_2205 = arith.index_cast %add3A_2110 : i32 to index
        %get3A_2206 = arith.constant 96 : index
        %get3A_2207 = tpu.vector_load %arg10[%get3A_2205, %get3A_2206] {strides = array<i32>} : memref<256x128xf32, #tpu.memory_space<vmem>>, vector<1x16xf32>,
        %get3A_2208 = vector.shape_cast %get3A_2207 : vector<1x16xf32> to vector<16xf32>
        %mul3A_2209 = arith.mulf %get3A_2204, %get3A_2208 : vector<16xf32>
        %add3A_2210 = arith.addf %add3A_2196, %mul3A_2209 : vector<16xf32>
        %mul3A_2211 = arith.mulf %get3A_2204, %get3A_2204 : vector<16xf32>
        %add3A_2212 = arith.addf %add3A_2198, %mul3A_2211 : vector<16xf32>
        %mul3A_2213 = arith.mulf %get3A_2208, %get3A_2208 : vector<16xf32>
        %add3A_2214 = arith.addf %add3A_2200, %mul3A_2213 : vector<16xf32>
        %get3A_2215 = arith.index_cast %add3A_2110 : i32 to index
        %get3A_2216 = arith.constant 112 : index
        %get3A_2217 = tpu.vector_load %arg9[%get3A_2215, %get3A_2216] {strides = array<i32>} : memref<256x128xf32, #tpu.memory_space<vmem>>, vector<1x16xf32>,
        %get3A_2218 = vector.shape_cast %get3A_2217 : vector<1x16xf32> to vector<16xf32>
        %get3A_2219 = arith.index_cast %add3A_2110 : i32 to index
        %get3A_2220 = arith.constant 112 : index
        %get3A_2221 = tpu.vector_load %arg10[%get3A_2219, %get3A_2220] {strides = array<i32>} : memref<256x128xf32, #tpu.memory_space<vmem>>, vector<1x16xf32>,
        %get3A_2222 = vector.shape_cast %get3A_2221 : vector<1x16xf32> to vector<16xf32>
        %mul3A_2223 = arith.mulf %get3A_2218, %get3A_2222 : vector<16xf32>
        %add3A_2224 = arith.addf %add3A_2210, %mul3A_2223 : vector<16xf32>
        %mul3A_2225 = arith.mulf %get3A_2218, %get3A_2218 : vector<16xf32>
        %add3A_2226 = arith.addf %add3A_2212, %mul3A_2225 : vector<16xf32>
        %mul3A_2227 = arith.mulf %get3A_2222, %get3A_2222 : vector<16xf32>
        %add3A_2228 = arith.addf %add3A_2214, %mul3A_2227 : vector<16xf32>
        %iota3A_2229 = tpu.iota {dimensions = array<i32: 0>} : vector<16xi32>
        %xor3A_2230 = arith.constant 8 : i32
        %xor3A_2231 = vector.broadcast %xor3A_2230 : i32 to vector<16xi32>
        %xor3A_2232 = arith.xori %iota3A_2229, %xor3A_2231 : vector<16xi32>
        %reshape3A_2233 = vector.shape_cast %xor3A_2232 : vector<16xi32> to vector<16x1xi32>
        %gather3A_2234 = vector.shape_cast %reshape3A_2233 : vector<16x1xi32> to vector<16xi32>
        %gather3A_2235 = tpu.dynamic_gather %add3A_2102[%gather3A_2234] in [0] : vector<16xf32>, vector<16xi32> -> vector<16xf32>
        %add3A_2236 = arith.addf %add3A_2102, %gather3A_2235 : vector<16xf32>
        %iota3A_2237 = tpu.iota {dimensions = array<i32: 0>} : vector<16xi32>
        %xor3A_2238 = arith.constant 8 : i32
        %xor3A_2239 = vector.broadcast %xor3A_2238 : i32 to vector<16xi32>
        %xor3A_2240 = arith.xori %iota3A_2237, %xor3A_2239 : vector<16xi32>
        %reshape3A_2241 = vector.shape_cast %xor3A_2240 : vector<16xi32> to vector<16x1xi32>
        %gather3A_2242 = vector.shape_cast %reshape3A_2241 : vector<16x1xi32> to vector<16xi32>
        %gather3A_2243 = tpu.dynamic_gather %add3A_2224[%gather3A_2242] in [0] : vector<16xf32>, vector<16xi32> -> vector<16xf32>
        %add3A_2244 = arith.addf %add3A_2224, %gather3A_2243 : vector<16xf32>
        %select_n3A_2245 = arith.select %eq3A_6, %add3A_2236, %add3A_2244 : vector<16xi1>, vector<16xf32>
        %iota3A_2246 = tpu.iota {dimensions = array<i32: 0>} : vector<16xi32>
        %xor3A_2247 = arith.constant 8 : i32
        %xor3A_2248 = vector.broadcast %xor3A_2247 : i32 to vector<16xi32>
        %xor3A_2249 = arith.xori %iota3A_2246, %xor3A_2248 : vector<16xi32>
        %reshape3A_2250 = vector.shape_cast %xor3A_2249 : vector<16xi32> to vector<16x1xi32>
        %gather3A_2251 = vector.shape_cast %reshape3A_2250 : vector<16x1xi32> to vector<16xi32>
        %gather3A_2252 = tpu.dynamic_gather %add3A_2104[%gather3A_2251] in [0] : vector<16xf32>, vector<16xi32> -> vector<16xf32>
        %add3A_2253 = arith.addf %add3A_2104, %gather3A_2252 : vector<16xf32>
        %iota3A_2254 = tpu.iota {dimensions = array<i32: 0>} : vector<16xi32>
        %xor3A_2255 = arith.constant 8 : i32
        %xor3A_2256 = vector.broadcast %xor3A_2255 : i32 to vector<16xi32>
        %xor3A_2257 = arith.xori %iota3A_2254, %xor3A_2256 : vector<16xi32>
        %reshape3A_2258 = vector.shape_cast %xor3A_2257 : vector<16xi32> to vector<16x1xi32>
        %gather3A_2259 = vector.shape_cast %reshape3A_2258 : vector<16x1xi32> to vector<16xi32>
        %gather3A_2260 = tpu.dynamic_gather %add3A_2226[%gather3A_2259] in [0] : vector<16xf32>, vector<16xi32> -> vector<16xf32>
        %add3A_2261 = arith.addf %add3A_2226, %gather3A_2260 : vector<16xf32>
        %select_n3A_2262 = arith.select %eq3A_6, %add3A_2253, %add3A_2261 : vector<16xi1>, vector<16xf32>
        %iota3A_2263 = tpu.iota {dimensions = array<i32: 0>} : vector<16xi32>
        %xor3A_2264 = arith.constant 8 : i32
        %xor3A_2265 = vector.broadcast %xor3A_2264 : i32 to vector<16xi32>
        %xor3A_2266 = arith.xori %iota3A_2263, %xor3A_2265 : vector<16xi32>
        %reshape3A_2267 = vector.shape_cast %xor3A_2266 : vector<16xi32> to vector<16x1xi32>
        %gather3A_2268 = vector.shape_cast %reshape3A_2267 : vector<16x1xi32> to vector<16xi32>
        %gather3A_2269 = tpu.dynamic_gather %add3A_2106[%gather3A_2268] in [0] : vector<16xf32>, vector<16xi32> -> vector<16xf32>
        %add3A_2270 = arith.addf %add3A_2106, %gather3A_2269 : vector<16xf32>
        %iota3A_2271 = tpu.iota {dimensions = array<i32: 0>} : vector<16xi32>
        %xor3A_2272 = arith.constant 8 : i32
        %xor3A_2273 = vector.broadcast %xor3A_2272 : i32 to vector<16xi32>
        %xor3A_2274 = arith.xori %iota3A_2271, %xor3A_2273 : vector<16xi32>
        %reshape3A_2275 = vector.shape_cast %xor3A_2274 : vector<16xi32> to vector<16x1xi32>
        %gather3A_2276 = vector.shape_cast %reshape3A_2275 : vector<16x1xi32> to vector<16xi32>
        %gather3A_2277 = tpu.dynamic_gather %add3A_2228[%gather3A_2276] in [0] : vector<16xf32>, vector<16xi32> -> vector<16xf32>
        %add3A_2278 = arith.addf %add3A_2228, %gather3A_2277 : vector<16xf32>
        %select_n3A_2279 = arith.select %eq3A_6, %add3A_2270, %add3A_2278 : vector<16xi1>, vector<16xf32>
        %add3A_2280 = arith.constant 6 : i32
        %add3A_2281 = arith.addi %add3A_526, %add3A_2280 : i32
        %broadcast_in_dim3A_2282 = arith.constant 0.000000e+00 : f32
        %broadcast_in_dim3A_2283 = vector.broadcast %broadcast_in_dim3A_2282 : f32 to vector<16xf32>
        %broadcast_in_dim3A_2284 = arith.constant 0.000000e+00 : f32
        %broadcast_in_dim3A_2285 = vector.broadcast %broadcast_in_dim3A_2284 : f32 to vector<16xf32>
        %broadcast_in_dim3A_2286 = arith.constant 0.000000e+00 : f32
        %broadcast_in_dim3A_2287 = vector.broadcast %broadcast_in_dim3A_2286 : f32 to vector<16xf32>
        %get3A_2288 = arith.index_cast %add3A_2281 : i32 to index
        %get3A_2289 = arith.constant 0 : index
        %get3A_2290 = tpu.vector_load %arg9[%get3A_2288, %get3A_2289] {strides = array<i32>} : memref<256x128xf32, #tpu.memory_space<vmem>>, vector<1x16xf32>,
        %get3A_2291 = vector.shape_cast %get3A_2290 : vector<1x16xf32> to vector<16xf32>
        %get3A_2292 = arith.index_cast %add3A_2281 : i32 to index
        %get3A_2293 = arith.constant 0 : index
        %get3A_2294 = tpu.vector_load %arg10[%get3A_2292, %get3A_2293] {strides = array<i32>} : memref<256x128xf32, #tpu.memory_space<vmem>>, vector<1x16xf32>,
        %get3A_2295 = vector.shape_cast %get3A_2294 : vector<1x16xf32> to vector<16xf32>
        %mul3A_2296 = arith.mulf %get3A_2291, %get3A_2295 : vector<16xf32>
        %add3A_2297 = arith.addf %broadcast_in_dim3A_2283, %mul3A_2296 : vector<16xf32>
        %mul3A_2298 = arith.mulf %get3A_2291, %get3A_2291 : vector<16xf32>
        %add3A_2299 = arith.addf %broadcast_in_dim3A_2285, %mul3A_2298 : vector<16xf32>
        %mul3A_2300 = arith.mulf %get3A_2295, %get3A_2295 : vector<16xf32>
        %add3A_2301 = arith.addf %broadcast_in_dim3A_2287, %mul3A_2300 : vector<16xf32>
        %get3A_2302 = arith.index_cast %add3A_2281 : i32 to index
        %get3A_2303 = arith.constant 16 : index
        %get3A_2304 = tpu.vector_load %arg9[%get3A_2302, %get3A_2303] {strides = array<i32>} : memref<256x128xf32, #tpu.memory_space<vmem>>, vector<1x16xf32>,
        %get3A_2305 = vector.shape_cast %get3A_2304 : vector<1x16xf32> to vector<16xf32>
        %get3A_2306 = arith.index_cast %add3A_2281 : i32 to index
        %get3A_2307 = arith.constant 16 : index
        %get3A_2308 = tpu.vector_load %arg10[%get3A_2306, %get3A_2307] {strides = array<i32>} : memref<256x128xf32, #tpu.memory_space<vmem>>, vector<1x16xf32>,
        %get3A_2309 = vector.shape_cast %get3A_2308 : vector<1x16xf32> to vector<16xf32>
        %mul3A_2310 = arith.mulf %get3A_2305, %get3A_2309 : vector<16xf32>
        %add3A_2311 = arith.addf %add3A_2297, %mul3A_2310 : vector<16xf32>
        %mul3A_2312 = arith.mulf %get3A_2305, %get3A_2305 : vector<16xf32>
        %add3A_2313 = arith.addf %add3A_2299, %mul3A_2312 : vector<16xf32>
        %mul3A_2314 = arith.mulf %get3A_2309, %get3A_2309 : vector<16xf32>
        %add3A_2315 = arith.addf %add3A_2301, %mul3A_2314 : vector<16xf32>
        %get3A_2316 = arith.index_cast %add3A_2281 : i32 to index
        %get3A_2317 = arith.constant 32 : index
        %get3A_2318 = tpu.vector_load %arg9[%get3A_2316, %get3A_2317] {strides = array<i32>} : memref<256x128xf32, #tpu.memory_space<vmem>>, vector<1x16xf32>,
        %get3A_2319 = vector.shape_cast %get3A_2318 : vector<1x16xf32> to vector<16xf32>
        %get3A_2320 = arith.index_cast %add3A_2281 : i32 to index
        %get3A_2321 = arith.constant 32 : index
        %get3A_2322 = tpu.vector_load %arg10[%get3A_2320, %get3A_2321] {strides = array<i32>} : memref<256x128xf32, #tpu.memory_space<vmem>>, vector<1x16xf32>,
        %get3A_2323 = vector.shape_cast %get3A_2322 : vector<1x16xf32> to vector<16xf32>
        %mul3A_2324 = arith.mulf %get3A_2319, %get3A_2323 : vector<16xf32>
        %add3A_2325 = arith.addf %add3A_2311, %mul3A_2324 : vector<16xf32>
        %mul3A_2326 = arith.mulf %get3A_2319, %get3A_2319 : vector<16xf32>
        %add3A_2327 = arith.addf %add3A_2313, %mul3A_2326 : vector<16xf32>
        %mul3A_2328 = arith.mulf %get3A_2323, %get3A_2323 : vector<16xf32>
        %add3A_2329 = arith.addf %add3A_2315, %mul3A_2328 : vector<16xf32>
        %get3A_2330 = arith.index_cast %add3A_2281 : i32 to index
        %get3A_2331 = arith.constant 48 : index
        %get3A_2332 = tpu.vector_load %arg9[%get3A_2330, %get3A_2331] {strides = array<i32>} : memref<256x128xf32, #tpu.memory_space<vmem>>, vector<1x16xf32>,
        %get3A_2333 = vector.shape_cast %get3A_2332 : vector<1x16xf32> to vector<16xf32>
        %get3A_2334 = arith.index_cast %add3A_2281 : i32 to index
        %get3A_2335 = arith.constant 48 : index
        %get3A_2336 = tpu.vector_load %arg10[%get3A_2334, %get3A_2335] {strides = array<i32>} : memref<256x128xf32, #tpu.memory_space<vmem>>, vector<1x16xf32>,
        %get3A_2337 = vector.shape_cast %get3A_2336 : vector<1x16xf32> to vector<16xf32>
        %mul3A_2338 = arith.mulf %get3A_2333, %get3A_2337 : vector<16xf32>
        %add3A_2339 = arith.addf %add3A_2325, %mul3A_2338 : vector<16xf32>
        %mul3A_2340 = arith.mulf %get3A_2333, %get3A_2333 : vector<16xf32>
        %add3A_2341 = arith.addf %add3A_2327, %mul3A_2340 : vector<16xf32>
        %mul3A_2342 = arith.mulf %get3A_2337, %get3A_2337 : vector<16xf32>
        %add3A_2343 = arith.addf %add3A_2329, %mul3A_2342 : vector<16xf32>
        %get3A_2344 = arith.index_cast %add3A_2281 : i32 to index
        %get3A_2345 = arith.constant 64 : index
        %get3A_2346 = tpu.vector_load %arg9[%get3A_2344, %get3A_2345] {strides = array<i32>} : memref<256x128xf32, #tpu.memory_space<vmem>>, vector<1x16xf32>,
        %get3A_2347 = vector.shape_cast %get3A_2346 : vector<1x16xf32> to vector<16xf32>
        %get3A_2348 = arith.index_cast %add3A_2281 : i32 to index
        %get3A_2349 = arith.constant 64 : index
        %get3A_2350 = tpu.vector_load %arg10[%get3A_2348, %get3A_2349] {strides = array<i32>} : memref<256x128xf32, #tpu.memory_space<vmem>>, vector<1x16xf32>,
        %get3A_2351 = vector.shape_cast %get3A_2350 : vector<1x16xf32> to vector<16xf32>
        %mul3A_2352 = arith.mulf %get3A_2347, %get3A_2351 : vector<16xf32>
        %add3A_2353 = arith.addf %add3A_2339, %mul3A_2352 : vector<16xf32>
        %mul3A_2354 = arith.mulf %get3A_2347, %get3A_2347 : vector<16xf32>
        %add3A_2355 = arith.addf %add3A_2341, %mul3A_2354 : vector<16xf32>
        %mul3A_2356 = arith.mulf %get3A_2351, %get3A_2351 : vector<16xf32>
        %add3A_2357 = arith.addf %add3A_2343, %mul3A_2356 : vector<16xf32>
        %get3A_2358 = arith.index_cast %add3A_2281 : i32 to index
        %get3A_2359 = arith.constant 80 : index
        %get3A_2360 = tpu.vector_load %arg9[%get3A_2358, %get3A_2359] {strides = array<i32>} : memref<256x128xf32, #tpu.memory_space<vmem>>, vector<1x16xf32>,
        %get3A_2361 = vector.shape_cast %get3A_2360 : vector<1x16xf32> to vector<16xf32>
        %get3A_2362 = arith.index_cast %add3A_2281 : i32 to index
        %get3A_2363 = arith.constant 80 : index
        %get3A_2364 = tpu.vector_load %arg10[%get3A_2362, %get3A_2363] {strides = array<i32>} : memref<256x128xf32, #tpu.memory_space<vmem>>, vector<1x16xf32>,
        %get3A_2365 = vector.shape_cast %get3A_2364 : vector<1x16xf32> to vector<16xf32>
        %mul3A_2366 = arith.mulf %get3A_2361, %get3A_2365 : vector<16xf32>
        %add3A_2367 = arith.addf %add3A_2353, %mul3A_2366 : vector<16xf32>
        %mul3A_2368 = arith.mulf %get3A_2361, %get3A_2361 : vector<16xf32>
        %add3A_2369 = arith.addf %add3A_2355, %mul3A_2368 : vector<16xf32>
        %mul3A_2370 = arith.mulf %get3A_2365, %get3A_2365 : vector<16xf32>
        %add3A_2371 = arith.addf %add3A_2357, %mul3A_2370 : vector<16xf32>
        %get3A_2372 = arith.index_cast %add3A_2281 : i32 to index
        %get3A_2373 = arith.constant 96 : index
        %get3A_2374 = tpu.vector_load %arg9[%get3A_2372, %get3A_2373] {strides = array<i32>} : memref<256x128xf32, #tpu.memory_space<vmem>>, vector<1x16xf32>,
        %get3A_2375 = vector.shape_cast %get3A_2374 : vector<1x16xf32> to vector<16xf32>
        %get3A_2376 = arith.index_cast %add3A_2281 : i32 to index
        %get3A_2377 = arith.constant 96 : index
        %get3A_2378 = tpu.vector_load %arg10[%get3A_2376, %get3A_2377] {strides = array<i32>} : memref<256x128xf32, #tpu.memory_space<vmem>>, vector<1x16xf32>,
        %get3A_2379 = vector.shape_cast %get3A_2378 : vector<1x16xf32> to vector<16xf32>
        %mul3A_2380 = arith.mulf %get3A_2375, %get3A_2379 : vector<16xf32>
        %add3A_2381 = arith.addf %add3A_2367, %mul3A_2380 : vector<16xf32>
        %mul3A_2382 = arith.mulf %get3A_2375, %get3A_2375 : vector<16xf32>
        %add3A_2383 = arith.addf %add3A_2369, %mul3A_2382 : vector<16xf32>
        %mul3A_2384 = arith.mulf %get3A_2379, %get3A_2379 : vector<16xf32>
        %add3A_2385 = arith.addf %add3A_2371, %mul3A_2384 : vector<16xf32>
        %get3A_2386 = arith.index_cast %add3A_2281 : i32 to index
        %get3A_2387 = arith.constant 112 : index
        %get3A_2388 = tpu.vector_load %arg9[%get3A_2386, %get3A_2387] {strides = array<i32>} : memref<256x128xf32, #tpu.memory_space<vmem>>, vector<1x16xf32>,
        %get3A_2389 = vector.shape_cast %get3A_2388 : vector<1x16xf32> to vector<16xf32>
        %get3A_2390 = arith.index_cast %add3A_2281 : i32 to index
        %get3A_2391 = arith.constant 112 : index
        %get3A_2392 = tpu.vector_load %arg10[%get3A_2390, %get3A_2391] {strides = array<i32>} : memref<256x128xf32, #tpu.memory_space<vmem>>, vector<1x16xf32>,
        %get3A_2393 = vector.shape_cast %get3A_2392 : vector<1x16xf32> to vector<16xf32>
        %mul3A_2394 = arith.mulf %get3A_2389, %get3A_2393 : vector<16xf32>
        %add3A_2395 = arith.addf %add3A_2381, %mul3A_2394 : vector<16xf32>
        %mul3A_2396 = arith.mulf %get3A_2389, %get3A_2389 : vector<16xf32>
        %add3A_2397 = arith.addf %add3A_2383, %mul3A_2396 : vector<16xf32>
        %mul3A_2398 = arith.mulf %get3A_2393, %get3A_2393 : vector<16xf32>
        %add3A_2399 = arith.addf %add3A_2385, %mul3A_2398 : vector<16xf32>
        %add3A_2400 = arith.constant 6 : i32
        %add3A_2401 = arith.addi %add3A_526, %add3A_2400 : i32
        %add3A_2402 = arith.constant 8 : i32
        %add3A_2403 = arith.addi %add3A_2401, %add3A_2402 : i32
        %broadcast_in_dim3A_2404 = arith.constant 0.000000e+00 : f32
        %broadcast_in_dim3A_2405 = vector.broadcast %broadcast_in_dim3A_2404 : f32 to vector<16xf32>
        %broadcast_in_dim3A_2406 = arith.constant 0.000000e+00 : f32
        %broadcast_in_dim3A_2407 = vector.broadcast %broadcast_in_dim3A_2406 : f32 to vector<16xf32>
        %broadcast_in_dim3A_2408 = arith.constant 0.000000e+00 : f32
        %broadcast_in_dim3A_2409 = vector.broadcast %broadcast_in_dim3A_2408 : f32 to vector<16xf32>
        %get3A_2410 = arith.index_cast %add3A_2403 : i32 to index
        %get3A_2411 = arith.constant 0 : index
        %get3A_2412 = tpu.vector_load %arg9[%get3A_2410, %get3A_2411] {strides = array<i32>} : memref<256x128xf32, #tpu.memory_space<vmem>>, vector<1x16xf32>,
        %get3A_2413 = vector.shape_cast %get3A_2412 : vector<1x16xf32> to vector<16xf32>
        %get3A_2414 = arith.index_cast %add3A_2403 : i32 to index
        %get3A_2415 = arith.constant 0 : index
        %get3A_2416 = tpu.vector_load %arg10[%get3A_2414, %get3A_2415] {strides = array<i32>} : memref<256x128xf32, #tpu.memory_space<vmem>>, vector<1x16xf32>,
        %get3A_2417 = vector.shape_cast %get3A_2416 : vector<1x16xf32> to vector<16xf32>
        %mul3A_2418 = arith.mulf %get3A_2413, %get3A_2417 : vector<16xf32>
        %add3A_2419 = arith.addf %broadcast_in_dim3A_2405, %mul3A_2418 : vector<16xf32>
        %mul3A_2420 = arith.mulf %get3A_2413, %get3A_2413 : vector<16xf32>
        %add3A_2421 = arith.addf %broadcast_in_dim3A_2407, %mul3A_2420 : vector<16xf32>
        %mul3A_2422 = arith.mulf %get3A_2417, %get3A_2417 : vector<16xf32>
        %add3A_2423 = arith.addf %broadcast_in_dim3A_2409, %mul3A_2422 : vector<16xf32>
        %get3A_2424 = arith.index_cast %add3A_2403 : i32 to index
        %get3A_2425 = arith.constant 16 : index
        %get3A_2426 = tpu.vector_load %arg9[%get3A_2424, %get3A_2425] {strides = array<i32>} : memref<256x128xf32, #tpu.memory_space<vmem>>, vector<1x16xf32>,
        %get3A_2427 = vector.shape_cast %get3A_2426 : vector<1x16xf32> to vector<16xf32>
        %get3A_2428 = arith.index_cast %add3A_2403 : i32 to index
        %get3A_2429 = arith.constant 16 : index
        %get3A_2430 = tpu.vector_load %arg10[%get3A_2428, %get3A_2429] {strides = array<i32>} : memref<256x128xf32, #tpu.memory_space<vmem>>, vector<1x16xf32>,
        %get3A_2431 = vector.shape_cast %get3A_2430 : vector<1x16xf32> to vector<16xf32>
        %mul3A_2432 = arith.mulf %get3A_2427, %get3A_2431 : vector<16xf32>
        %add3A_2433 = arith.addf %add3A_2419, %mul3A_2432 : vector<16xf32>
        %mul3A_2434 = arith.mulf %get3A_2427, %get3A_2427 : vector<16xf32>
        %add3A_2435 = arith.addf %add3A_2421, %mul3A_2434 : vector<16xf32>
        %mul3A_2436 = arith.mulf %get3A_2431, %get3A_2431 : vector<16xf32>
        %add3A_2437 = arith.addf %add3A_2423, %mul3A_2436 : vector<16xf32>
        %get3A_2438 = arith.index_cast %add3A_2403 : i32 to index
        %get3A_2439 = arith.constant 32 : index
        %get3A_2440 = tpu.vector_load %arg9[%get3A_2438, %get3A_2439] {strides = array<i32>} : memref<256x128xf32, #tpu.memory_space<vmem>>, vector<1x16xf32>,
        %get3A_2441 = vector.shape_cast %get3A_2440 : vector<1x16xf32> to vector<16xf32>
        %get3A_2442 = arith.index_cast %add3A_2403 : i32 to index
        %get3A_2443 = arith.constant 32 : index
        %get3A_2444 = tpu.vector_load %arg10[%get3A_2442, %get3A_2443] {strides = array<i32>} : memref<256x128xf32, #tpu.memory_space<vmem>>, vector<1x16xf32>,
        %get3A_2445 = vector.shape_cast %get3A_2444 : vector<1x16xf32> to vector<16xf32>
        %mul3A_2446 = arith.mulf %get3A_2441, %get3A_2445 : vector<16xf32>
        %add3A_2447 = arith.addf %add3A_2433, %mul3A_2446 : vector<16xf32>
        %mul3A_2448 = arith.mulf %get3A_2441, %get3A_2441 : vector<16xf32>
        %add3A_2449 = arith.addf %add3A_2435, %mul3A_2448 : vector<16xf32>
        %mul3A_2450 = arith.mulf %get3A_2445, %get3A_2445 : vector<16xf32>
        %add3A_2451 = arith.addf %add3A_2437, %mul3A_2450 : vector<16xf32>
        %get3A_2452 = arith.index_cast %add3A_2403 : i32 to index
        %get3A_2453 = arith.constant 48 : index
        %get3A_2454 = tpu.vector_load %arg9[%get3A_2452, %get3A_2453] {strides = array<i32>} : memref<256x128xf32, #tpu.memory_space<vmem>>, vector<1x16xf32>,
        %get3A_2455 = vector.shape_cast %get3A_2454 : vector<1x16xf32> to vector<16xf32>
        %get3A_2456 = arith.index_cast %add3A_2403 : i32 to index
        %get3A_2457 = arith.constant 48 : index
        %get3A_2458 = tpu.vector_load %arg10[%get3A_2456, %get3A_2457] {strides = array<i32>} : memref<256x128xf32, #tpu.memory_space<vmem>>, vector<1x16xf32>,
        %get3A_2459 = vector.shape_cast %get3A_2458 : vector<1x16xf32> to vector<16xf32>
        %mul3A_2460 = arith.mulf %get3A_2455, %get3A_2459 : vector<16xf32>
        %add3A_2461 = arith.addf %add3A_2447, %mul3A_2460 : vector<16xf32>
        %mul3A_2462 = arith.mulf %get3A_2455, %get3A_2455 : vector<16xf32>
        %add3A_2463 = arith.addf %add3A_2449, %mul3A_2462 : vector<16xf32>
        %mul3A_2464 = arith.mulf %get3A_2459, %get3A_2459 : vector<16xf32>
        %add3A_2465 = arith.addf %add3A_2451, %mul3A_2464 : vector<16xf32>
        %get3A_2466 = arith.index_cast %add3A_2403 : i32 to index
        %get3A_2467 = arith.constant 64 : index
        %get3A_2468 = tpu.vector_load %arg9[%get3A_2466, %get3A_2467] {strides = array<i32>} : memref<256x128xf32, #tpu.memory_space<vmem>>, vector<1x16xf32>,
        %get3A_2469 = vector.shape_cast %get3A_2468 : vector<1x16xf32> to vector<16xf32>
        %get3A_2470 = arith.index_cast %add3A_2403 : i32 to index
        %get3A_2471 = arith.constant 64 : index
        %get3A_2472 = tpu.vector_load %arg10[%get3A_2470, %get3A_2471] {strides = array<i32>} : memref<256x128xf32, #tpu.memory_space<vmem>>, vector<1x16xf32>,
        %get3A_2473 = vector.shape_cast %get3A_2472 : vector<1x16xf32> to vector<16xf32>
        %mul3A_2474 = arith.mulf %get3A_2469, %get3A_2473 : vector<16xf32>
        %add3A_2475 = arith.addf %add3A_2461, %mul3A_2474 : vector<16xf32>
        %mul3A_2476 = arith.mulf %get3A_2469, %get3A_2469 : vector<16xf32>
        %add3A_2477 = arith.addf %add3A_2463, %mul3A_2476 : vector<16xf32>
        %mul3A_2478 = arith.mulf %get3A_2473, %get3A_2473 : vector<16xf32>
        %add3A_2479 = arith.addf %add3A_2465, %mul3A_2478 : vector<16xf32>
        %get3A_2480 = arith.index_cast %add3A_2403 : i32 to index
        %get3A_2481 = arith.constant 80 : index
        %get3A_2482 = tpu.vector_load %arg9[%get3A_2480, %get3A_2481] {strides = array<i32>} : memref<256x128xf32, #tpu.memory_space<vmem>>, vector<1x16xf32>,
        %get3A_2483 = vector.shape_cast %get3A_2482 : vector<1x16xf32> to vector<16xf32>
        %get3A_2484 = arith.index_cast %add3A_2403 : i32 to index
        %get3A_2485 = arith.constant 80 : index
        %get3A_2486 = tpu.vector_load %arg10[%get3A_2484, %get3A_2485] {strides = array<i32>} : memref<256x128xf32, #tpu.memory_space<vmem>>, vector<1x16xf32>,
        %get3A_2487 = vector.shape_cast %get3A_2486 : vector<1x16xf32> to vector<16xf32>
        %mul3A_2488 = arith.mulf %get3A_2483, %get3A_2487 : vector<16xf32>
        %add3A_2489 = arith.addf %add3A_2475, %mul3A_2488 : vector<16xf32>
        %mul3A_2490 = arith.mulf %get3A_2483, %get3A_2483 : vector<16xf32>
        %add3A_2491 = arith.addf %add3A_2477, %mul3A_2490 : vector<16xf32>
        %mul3A_2492 = arith.mulf %get3A_2487, %get3A_2487 : vector<16xf32>
        %add3A_2493 = arith.addf %add3A_2479, %mul3A_2492 : vector<16xf32>
        %get3A_2494 = arith.index_cast %add3A_2403 : i32 to index
        %get3A_2495 = arith.constant 96 : index
        %get3A_2496 = tpu.vector_load %arg9[%get3A_2494, %get3A_2495] {strides = array<i32>} : memref<256x128xf32, #tpu.memory_space<vmem>>, vector<1x16xf32>,
        %get3A_2497 = vector.shape_cast %get3A_2496 : vector<1x16xf32> to vector<16xf32>
        %get3A_2498 = arith.index_cast %add3A_2403 : i32 to index
        %get3A_2499 = arith.constant 96 : index
        %get3A_2500 = tpu.vector_load %arg10[%get3A_2498, %get3A_2499] {strides = array<i32>} : memref<256x128xf32, #tpu.memory_space<vmem>>, vector<1x16xf32>,
        %get3A_2501 = vector.shape_cast %get3A_2500 : vector<1x16xf32> to vector<16xf32>
        %mul3A_2502 = arith.mulf %get3A_2497, %get3A_2501 : vector<16xf32>
        %add3A_2503 = arith.addf %add3A_2489, %mul3A_2502 : vector<16xf32>
        %mul3A_2504 = arith.mulf %get3A_2497, %get3A_2497 : vector<16xf32>
        %add3A_2505 = arith.addf %add3A_2491, %mul3A_2504 : vector<16xf32>
        %mul3A_2506 = arith.mulf %get3A_2501, %get3A_2501 : vector<16xf32>
        %add3A_2507 = arith.addf %add3A_2493, %mul3A_2506 : vector<16xf32>
        %get3A_2508 = arith.index_cast %add3A_2403 : i32 to index
        %get3A_2509 = arith.constant 112 : index
        %get3A_2510 = tpu.vector_load %arg9[%get3A_2508, %get3A_2509] {strides = array<i32>} : memref<256x128xf32, #tpu.memory_space<vmem>>, vector<1x16xf32>,
        %get3A_2511 = vector.shape_cast %get3A_2510 : vector<1x16xf32> to vector<16xf32>
        %get3A_2512 = arith.index_cast %add3A_2403 : i32 to index
        %get3A_2513 = arith.constant 112 : index
        %get3A_2514 = tpu.vector_load %arg10[%get3A_2512, %get3A_2513] {strides = array<i32>} : memref<256x128xf32, #tpu.memory_space<vmem>>, vector<1x16xf32>,
        %get3A_2515 = vector.shape_cast %get3A_2514 : vector<1x16xf32> to vector<16xf32>
        %mul3A_2516 = arith.mulf %get3A_2511, %get3A_2515 : vector<16xf32>
        %add3A_2517 = arith.addf %add3A_2503, %mul3A_2516 : vector<16xf32>
        %mul3A_2518 = arith.mulf %get3A_2511, %get3A_2511 : vector<16xf32>
        %add3A_2519 = arith.addf %add3A_2505, %mul3A_2518 : vector<16xf32>
        %mul3A_2520 = arith.mulf %get3A_2515, %get3A_2515 : vector<16xf32>
        %add3A_2521 = arith.addf %add3A_2507, %mul3A_2520 : vector<16xf32>
        %iota3A_2522 = tpu.iota {dimensions = array<i32: 0>} : vector<16xi32>
        %xor3A_2523 = arith.constant 8 : i32
        %xor3A_2524 = vector.broadcast %xor3A_2523 : i32 to vector<16xi32>
        %xor3A_2525 = arith.xori %iota3A_2522, %xor3A_2524 : vector<16xi32>
        %reshape3A_2526 = vector.shape_cast %xor3A_2525 : vector<16xi32> to vector<16x1xi32>
        %gather3A_2527 = vector.shape_cast %reshape3A_2526 : vector<16x1xi32> to vector<16xi32>
        %gather3A_2528 = tpu.dynamic_gather %add3A_2395[%gather3A_2527] in [0] : vector<16xf32>, vector<16xi32> -> vector<16xf32>
        %add3A_2529 = arith.addf %add3A_2395, %gather3A_2528 : vector<16xf32>
        %iota3A_2530 = tpu.iota {dimensions = array<i32: 0>} : vector<16xi32>
        %xor3A_2531 = arith.constant 8 : i32
        %xor3A_2532 = vector.broadcast %xor3A_2531 : i32 to vector<16xi32>
        %xor3A_2533 = arith.xori %iota3A_2530, %xor3A_2532 : vector<16xi32>
        %reshape3A_2534 = vector.shape_cast %xor3A_2533 : vector<16xi32> to vector<16x1xi32>
        %gather3A_2535 = vector.shape_cast %reshape3A_2534 : vector<16x1xi32> to vector<16xi32>
        %gather3A_2536 = tpu.dynamic_gather %add3A_2517[%gather3A_2535] in [0] : vector<16xf32>, vector<16xi32> -> vector<16xf32>
        %add3A_2537 = arith.addf %add3A_2517, %gather3A_2536 : vector<16xf32>
        %select_n3A_2538 = arith.select %eq3A_6, %add3A_2529, %add3A_2537 : vector<16xi1>, vector<16xf32>
        %iota3A_2539 = tpu.iota {dimensions = array<i32: 0>} : vector<16xi32>
        %xor3A_2540 = arith.constant 8 : i32
        %xor3A_2541 = vector.broadcast %xor3A_2540 : i32 to vector<16xi32>
        %xor3A_2542 = arith.xori %iota3A_2539, %xor3A_2541 : vector<16xi32>
        %reshape3A_2543 = vector.shape_cast %xor3A_2542 : vector<16xi32> to vector<16x1xi32>
        %gather3A_2544 = vector.shape_cast %reshape3A_2543 : vector<16x1xi32> to vector<16xi32>
        %gather3A_2545 = tpu.dynamic_gather %add3A_2397[%gather3A_2544] in [0] : vector<16xf32>, vector<16xi32> -> vector<16xf32>
        %add3A_2546 = arith.addf %add3A_2397, %gather3A_2545 : vector<16xf32>
        %iota3A_2547 = tpu.iota {dimensions = array<i32: 0>} : vector<16xi32>
        %xor3A_2548 = arith.constant 8 : i32
        %xor3A_2549 = vector.broadcast %xor3A_2548 : i32 to vector<16xi32>
        %xor3A_2550 = arith.xori %iota3A_2547, %xor3A_2549 : vector<16xi32>
        %reshape3A_2551 = vector.shape_cast %xor3A_2550 : vector<16xi32> to vector<16x1xi32>
        %gather3A_2552 = vector.shape_cast %reshape3A_2551 : vector<16x1xi32> to vector<16xi32>
        %gather3A_2553 = tpu.dynamic_gather %add3A_2519[%gather3A_2552] in [0] : vector<16xf32>, vector<16xi32> -> vector<16xf32>
        %add3A_2554 = arith.addf %add3A_2519, %gather3A_2553 : vector<16xf32>
        %select_n3A_2555 = arith.select %eq3A_6, %add3A_2546, %add3A_2554 : vector<16xi1>, vector<16xf32>
        %iota3A_2556 = tpu.iota {dimensions = array<i32: 0>} : vector<16xi32>
        %xor3A_2557 = arith.constant 8 : i32
        %xor3A_2558 = vector.broadcast %xor3A_2557 : i32 to vector<16xi32>
        %xor3A_2559 = arith.xori %iota3A_2556, %xor3A_2558 : vector<16xi32>
        %reshape3A_2560 = vector.shape_cast %xor3A_2559 : vector<16xi32> to vector<16x1xi32>
        %gather3A_2561 = vector.shape_cast %reshape3A_2560 : vector<16x1xi32> to vector<16xi32>
        %gather3A_2562 = tpu.dynamic_gather %add3A_2399[%gather3A_2561] in [0] : vector<16xf32>, vector<16xi32> -> vector<16xf32>
        %add3A_2563 = arith.addf %add3A_2399, %gather3A_2562 : vector<16xf32>
        %iota3A_2564 = tpu.iota {dimensions = array<i32: 0>} : vector<16xi32>
        %xor3A_2565 = arith.constant 8 : i32
        %xor3A_2566 = vector.broadcast %xor3A_2565 : i32 to vector<16xi32>
        %xor3A_2567 = arith.xori %iota3A_2564, %xor3A_2566 : vector<16xi32>
        %reshape3A_2568 = vector.shape_cast %xor3A_2567 : vector<16xi32> to vector<16x1xi32>
        %gather3A_2569 = vector.shape_cast %reshape3A_2568 : vector<16x1xi32> to vector<16xi32>
        %gather3A_2570 = tpu.dynamic_gather %add3A_2521[%gather3A_2569] in [0] : vector<16xf32>, vector<16xi32> -> vector<16xf32>
        %add3A_2571 = arith.addf %add3A_2521, %gather3A_2570 : vector<16xf32>
        %select_n3A_2572 = arith.select %eq3A_6, %add3A_2563, %add3A_2571 : vector<16xi1>, vector<16xf32>
        %add3A_2573 = arith.constant 7 : i32
        %add3A_2574 = arith.addi %add3A_526, %add3A_2573 : i32
        %broadcast_in_dim3A_2575 = arith.constant 0.000000e+00 : f32
        %broadcast_in_dim3A_2576 = vector.broadcast %broadcast_in_dim3A_2575 : f32 to vector<16xf32>
        %broadcast_in_dim3A_2577 = arith.constant 0.000000e+00 : f32
        %broadcast_in_dim3A_2578 = vector.broadcast %broadcast_in_dim3A_2577 : f32 to vector<16xf32>
        %broadcast_in_dim3A_2579 = arith.constant 0.000000e+00 : f32
        %broadcast_in_dim3A_2580 = vector.broadcast %broadcast_in_dim3A_2579 : f32 to vector<16xf32>
        %get3A_2581 = arith.index_cast %add3A_2574 : i32 to index
        %get3A_2582 = arith.constant 0 : index
        %get3A_2583 = tpu.vector_load %arg9[%get3A_2581, %get3A_2582] {strides = array<i32>} : memref<256x128xf32, #tpu.memory_space<vmem>>, vector<1x16xf32>,
        %get3A_2584 = vector.shape_cast %get3A_2583 : vector<1x16xf32> to vector<16xf32>
        %get3A_2585 = arith.index_cast %add3A_2574 : i32 to index
        %get3A_2586 = arith.constant 0 : index
        %get3A_2587 = tpu.vector_load %arg10[%get3A_2585, %get3A_2586] {strides = array<i32>} : memref<256x128xf32, #tpu.memory_space<vmem>>, vector<1x16xf32>,
        %get3A_2588 = vector.shape_cast %get3A_2587 : vector<1x16xf32> to vector<16xf32>
        %mul3A_2589 = arith.mulf %get3A_2584, %get3A_2588 : vector<16xf32>
        %add3A_2590 = arith.addf %broadcast_in_dim3A_2576, %mul3A_2589 : vector<16xf32>
        %mul3A_2591 = arith.mulf %get3A_2584, %get3A_2584 : vector<16xf32>
        %add3A_2592 = arith.addf %broadcast_in_dim3A_2578, %mul3A_2591 : vector<16xf32>
        %mul3A_2593 = arith.mulf %get3A_2588, %get3A_2588 : vector<16xf32>
        %add3A_2594 = arith.addf %broadcast_in_dim3A_2580, %mul3A_2593 : vector<16xf32>
        %get3A_2595 = arith.index_cast %add3A_2574 : i32 to index
        %get3A_2596 = arith.constant 16 : index
        %get3A_2597 = tpu.vector_load %arg9[%get3A_2595, %get3A_2596] {strides = array<i32>} : memref<256x128xf32, #tpu.memory_space<vmem>>, vector<1x16xf32>,
        %get3A_2598 = vector.shape_cast %get3A_2597 : vector<1x16xf32> to vector<16xf32>
        %get3A_2599 = arith.index_cast %add3A_2574 : i32 to index
        %get3A_2600 = arith.constant 16 : index
        %get3A_2601 = tpu.vector_load %arg10[%get3A_2599, %get3A_2600] {strides = array<i32>} : memref<256x128xf32, #tpu.memory_space<vmem>>, vector<1x16xf32>,
        %get3A_2602 = vector.shape_cast %get3A_2601 : vector<1x16xf32> to vector<16xf32>
        %mul3A_2603 = arith.mulf %get3A_2598, %get3A_2602 : vector<16xf32>
        %add3A_2604 = arith.addf %add3A_2590, %mul3A_2603 : vector<16xf32>
        %mul3A_2605 = arith.mulf %get3A_2598, %get3A_2598 : vector<16xf32>
        %add3A_2606 = arith.addf %add3A_2592, %mul3A_2605 : vector<16xf32>
        %mul3A_2607 = arith.mulf %get3A_2602, %get3A_2602 : vector<16xf32>
        %add3A_2608 = arith.addf %add3A_2594, %mul3A_2607 : vector<16xf32>
        %get3A_2609 = arith.index_cast %add3A_2574 : i32 to index
        %get3A_2610 = arith.constant 32 : index
        %get3A_2611 = tpu.vector_load %arg9[%get3A_2609, %get3A_2610] {strides = array<i32>} : memref<256x128xf32, #tpu.memory_space<vmem>>, vector<1x16xf32>,
        %get3A_2612 = vector.shape_cast %get3A_2611 : vector<1x16xf32> to vector<16xf32>
        %get3A_2613 = arith.index_cast %add3A_2574 : i32 to index
        %get3A_2614 = arith.constant 32 : index
        %get3A_2615 = tpu.vector_load %arg10[%get3A_2613, %get3A_2614] {strides = array<i32>} : memref<256x128xf32, #tpu.memory_space<vmem>>, vector<1x16xf32>,
        %get3A_2616 = vector.shape_cast %get3A_2615 : vector<1x16xf32> to vector<16xf32>
        %mul3A_2617 = arith.mulf %get3A_2612, %get3A_2616 : vector<16xf32>
        %add3A_2618 = arith.addf %add3A_2604, %mul3A_2617 : vector<16xf32>
        %mul3A_2619 = arith.mulf %get3A_2612, %get3A_2612 : vector<16xf32>
        %add3A_2620 = arith.addf %add3A_2606, %mul3A_2619 : vector<16xf32>
        %mul3A_2621 = arith.mulf %get3A_2616, %get3A_2616 : vector<16xf32>
        %add3A_2622 = arith.addf %add3A_2608, %mul3A_2621 : vector<16xf32>
        %get3A_2623 = arith.index_cast %add3A_2574 : i32 to index
        %get3A_2624 = arith.constant 48 : index
        %get3A_2625 = tpu.vector_load %arg9[%get3A_2623, %get3A_2624] {strides = array<i32>} : memref<256x128xf32, #tpu.memory_space<vmem>>, vector<1x16xf32>,
        %get3A_2626 = vector.shape_cast %get3A_2625 : vector<1x16xf32> to vector<16xf32>
        %get3A_2627 = arith.index_cast %add3A_2574 : i32 to index
        %get3A_2628 = arith.constant 48 : index
        %get3A_2629 = tpu.vector_load %arg10[%get3A_2627, %get3A_2628] {strides = array<i32>} : memref<256x128xf32, #tpu.memory_space<vmem>>, vector<1x16xf32>,
        %get3A_2630 = vector.shape_cast %get3A_2629 : vector<1x16xf32> to vector<16xf32>
        %mul3A_2631 = arith.mulf %get3A_2626, %get3A_2630 : vector<16xf32>
        %add3A_2632 = arith.addf %add3A_2618, %mul3A_2631 : vector<16xf32>
        %mul3A_2633 = arith.mulf %get3A_2626, %get3A_2626 : vector<16xf32>
        %add3A_2634 = arith.addf %add3A_2620, %mul3A_2633 : vector<16xf32>
        %mul3A_2635 = arith.mulf %get3A_2630, %get3A_2630 : vector<16xf32>
        %add3A_2636 = arith.addf %add3A_2622, %mul3A_2635 : vector<16xf32>
        %get3A_2637 = arith.index_cast %add3A_2574 : i32 to index
        %get3A_2638 = arith.constant 64 : index
        %get3A_2639 = tpu.vector_load %arg9[%get3A_2637, %get3A_2638] {strides = array<i32>} : memref<256x128xf32, #tpu.memory_space<vmem>>, vector<1x16xf32>,
        %get3A_2640 = vector.shape_cast %get3A_2639 : vector<1x16xf32> to vector<16xf32>
        %get3A_2641 = arith.index_cast %add3A_2574 : i32 to index
        %get3A_2642 = arith.constant 64 : index
        %get3A_2643 = tpu.vector_load %arg10[%get3A_2641, %get3A_2642] {strides = array<i32>} : memref<256x128xf32, #tpu.memory_space<vmem>>, vector<1x16xf32>,
        %get3A_2644 = vector.shape_cast %get3A_2643 : vector<1x16xf32> to vector<16xf32>
        %mul3A_2645 = arith.mulf %get3A_2640, %get3A_2644 : vector<16xf32>
        %add3A_2646 = arith.addf %add3A_2632, %mul3A_2645 : vector<16xf32>
        %mul3A_2647 = arith.mulf %get3A_2640, %get3A_2640 : vector<16xf32>
        %add3A_2648 = arith.addf %add3A_2634, %mul3A_2647 : vector<16xf32>
        %mul3A_2649 = arith.mulf %get3A_2644, %get3A_2644 : vector<16xf32>
        %add3A_2650 = arith.addf %add3A_2636, %mul3A_2649 : vector<16xf32>
        %get3A_2651 = arith.index_cast %add3A_2574 : i32 to index
        %get3A_2652 = arith.constant 80 : index
        %get3A_2653 = tpu.vector_load %arg9[%get3A_2651, %get3A_2652] {strides = array<i32>} : memref<256x128xf32, #tpu.memory_space<vmem>>, vector<1x16xf32>,
        %get3A_2654 = vector.shape_cast %get3A_2653 : vector<1x16xf32> to vector<16xf32>
        %get3A_2655 = arith.index_cast %add3A_2574 : i32 to index
        %get3A_2656 = arith.constant 80 : index
        %get3A_2657 = tpu.vector_load %arg10[%get3A_2655, %get3A_2656] {strides = array<i32>} : memref<256x128xf32, #tpu.memory_space<vmem>>, vector<1x16xf32>,
        %get3A_2658 = vector.shape_cast %get3A_2657 : vector<1x16xf32> to vector<16xf32>
        %mul3A_2659 = arith.mulf %get3A_2654, %get3A_2658 : vector<16xf32>
        %add3A_2660 = arith.addf %add3A_2646, %mul3A_2659 : vector<16xf32>
        %mul3A_2661 = arith.mulf %get3A_2654, %get3A_2654 : vector<16xf32>
        %add3A_2662 = arith.addf %add3A_2648, %mul3A_2661 : vector<16xf32>
        %mul3A_2663 = arith.mulf %get3A_2658, %get3A_2658 : vector<16xf32>
        %add3A_2664 = arith.addf %add3A_2650, %mul3A_2663 : vector<16xf32>
        %get3A_2665 = arith.index_cast %add3A_2574 : i32 to index
        %get3A_2666 = arith.constant 96 : index
        %get3A_2667 = tpu.vector_load %arg9[%get3A_2665, %get3A_2666] {strides = array<i32>} : memref<256x128xf32, #tpu.memory_space<vmem>>, vector<1x16xf32>,
        %get3A_2668 = vector.shape_cast %get3A_2667 : vector<1x16xf32> to vector<16xf32>
        %get3A_2669 = arith.index_cast %add3A_2574 : i32 to index
        %get3A_2670 = arith.constant 96 : index
        %get3A_2671 = tpu.vector_load %arg10[%get3A_2669, %get3A_2670] {strides = array<i32>} : memref<256x128xf32, #tpu.memory_space<vmem>>, vector<1x16xf32>,
        %get3A_2672 = vector.shape_cast %get3A_2671 : vector<1x16xf32> to vector<16xf32>
        %mul3A_2673 = arith.mulf %get3A_2668, %get3A_2672 : vector<16xf32>
        %add3A_2674 = arith.addf %add3A_2660, %mul3A_2673 : vector<16xf32>
        %mul3A_2675 = arith.mulf %get3A_2668, %get3A_2668 : vector<16xf32>
        %add3A_2676 = arith.addf %add3A_2662, %mul3A_2675 : vector<16xf32>
        %mul3A_2677 = arith.mulf %get3A_2672, %get3A_2672 : vector<16xf32>
        %add3A_2678 = arith.addf %add3A_2664, %mul3A_2677 : vector<16xf32>
        %get3A_2679 = arith.index_cast %add3A_2574 : i32 to index
        %get3A_2680 = arith.constant 112 : index
        %get3A_2681 = tpu.vector_load %arg9[%get3A_2679, %get3A_2680] {strides = array<i32>} : memref<256x128xf32, #tpu.memory_space<vmem>>, vector<1x16xf32>,
        %get3A_2682 = vector.shape_cast %get3A_2681 : vector<1x16xf32> to vector<16xf32>
        %get3A_2683 = arith.index_cast %add3A_2574 : i32 to index
        %get3A_2684 = arith.constant 112 : index
        %get3A_2685 = tpu.vector_load %arg10[%get3A_2683, %get3A_2684] {strides = array<i32>} : memref<256x128xf32, #tpu.memory_space<vmem>>, vector<1x16xf32>,
        %get3A_2686 = vector.shape_cast %get3A_2685 : vector<1x16xf32> to vector<16xf32>
        %mul3A_2687 = arith.mulf %get3A_2682, %get3A_2686 : vector<16xf32>
        %add3A_2688 = arith.addf %add3A_2674, %mul3A_2687 : vector<16xf32>
        %mul3A_2689 = arith.mulf %get3A_2682, %get3A_2682 : vector<16xf32>
        %add3A_2690 = arith.addf %add3A_2676, %mul3A_2689 : vector<16xf32>
        %mul3A_2691 = arith.mulf %get3A_2686, %get3A_2686 : vector<16xf32>
        %add3A_2692 = arith.addf %add3A_2678, %mul3A_2691 : vector<16xf32>
        %add3A_2693 = arith.constant 7 : i32
        %add3A_2694 = arith.addi %add3A_526, %add3A_2693 : i32
        %add3A_2695 = arith.constant 8 : i32
        %add3A_2696 = arith.addi %add3A_2694, %add3A_2695 : i32
        %broadcast_in_dim3A_2697 = arith.constant 0.000000e+00 : f32
        %broadcast_in_dim3A_2698 = vector.broadcast %broadcast_in_dim3A_2697 : f32 to vector<16xf32>
        %broadcast_in_dim3A_2699 = arith.constant 0.000000e+00 : f32
        %broadcast_in_dim3A_2700 = vector.broadcast %broadcast_in_dim3A_2699 : f32 to vector<16xf32>
        %broadcast_in_dim3A_2701 = arith.constant 0.000000e+00 : f32
        %broadcast_in_dim3A_2702 = vector.broadcast %broadcast_in_dim3A_2701 : f32 to vector<16xf32>
        %get3A_2703 = arith.index_cast %add3A_2696 : i32 to index
        %get3A_2704 = arith.constant 0 : index
        %get3A_2705 = tpu.vector_load %arg9[%get3A_2703, %get3A_2704] {strides = array<i32>} : memref<256x128xf32, #tpu.memory_space<vmem>>, vector<1x16xf32>,
        %get3A_2706 = vector.shape_cast %get3A_2705 : vector<1x16xf32> to vector<16xf32>
        %get3A_2707 = arith.index_cast %add3A_2696 : i32 to index
        %get3A_2708 = arith.constant 0 : index
        %get3A_2709 = tpu.vector_load %arg10[%get3A_2707, %get3A_2708] {strides = array<i32>} : memref<256x128xf32, #tpu.memory_space<vmem>>, vector<1x16xf32>,
        %get3A_2710 = vector.shape_cast %get3A_2709 : vector<1x16xf32> to vector<16xf32>
        %mul3A_2711 = arith.mulf %get3A_2706, %get3A_2710 : vector<16xf32>
        %add3A_2712 = arith.addf %broadcast_in_dim3A_2698, %mul3A_2711 : vector<16xf32>
        %mul3A_2713 = arith.mulf %get3A_2706, %get3A_2706 : vector<16xf32>
        %add3A_2714 = arith.addf %broadcast_in_dim3A_2700, %mul3A_2713 : vector<16xf32>
        %mul3A_2715 = arith.mulf %get3A_2710, %get3A_2710 : vector<16xf32>
        %add3A_2716 = arith.addf %broadcast_in_dim3A_2702, %mul3A_2715 : vector<16xf32>
        %get3A_2717 = arith.index_cast %add3A_2696 : i32 to index
        %get3A_2718 = arith.constant 16 : index
        %get3A_2719 = tpu.vector_load %arg9[%get3A_2717, %get3A_2718] {strides = array<i32>} : memref<256x128xf32, #tpu.memory_space<vmem>>, vector<1x16xf32>,
        %get3A_2720 = vector.shape_cast %get3A_2719 : vector<1x16xf32> to vector<16xf32>
        %get3A_2721 = arith.index_cast %add3A_2696 : i32 to index
        %get3A_2722 = arith.constant 16 : index
        %get3A_2723 = tpu.vector_load %arg10[%get3A_2721, %get3A_2722] {strides = array<i32>} : memref<256x128xf32, #tpu.memory_space<vmem>>, vector<1x16xf32>,
        %get3A_2724 = vector.shape_cast %get3A_2723 : vector<1x16xf32> to vector<16xf32>
        %mul3A_2725 = arith.mulf %get3A_2720, %get3A_2724 : vector<16xf32>
        %add3A_2726 = arith.addf %add3A_2712, %mul3A_2725 : vector<16xf32>
        %mul3A_2727 = arith.mulf %get3A_2720, %get3A_2720 : vector<16xf32>
        %add3A_2728 = arith.addf %add3A_2714, %mul3A_2727 : vector<16xf32>
        %mul3A_2729 = arith.mulf %get3A_2724, %get3A_2724 : vector<16xf32>
        %add3A_2730 = arith.addf %add3A_2716, %mul3A_2729 : vector<16xf32>
        %get3A_2731 = arith.index_cast %add3A_2696 : i32 to index
        %get3A_2732 = arith.constant 32 : index
        %get3A_2733 = tpu.vector_load %arg9[%get3A_2731, %get3A_2732] {strides = array<i32>} : memref<256x128xf32, #tpu.memory_space<vmem>>, vector<1x16xf32>,
        %get3A_2734 = vector.shape_cast %get3A_2733 : vector<1x16xf32> to vector<16xf32>
        %get3A_2735 = arith.index_cast %add3A_2696 : i32 to index
        %get3A_2736 = arith.constant 32 : index
        %get3A_2737 = tpu.vector_load %arg10[%get3A_2735, %get3A_2736] {strides = array<i32>} : memref<256x128xf32, #tpu.memory_space<vmem>>, vector<1x16xf32>,
        %get3A_2738 = vector.shape_cast %get3A_2737 : vector<1x16xf32> to vector<16xf32>
        %mul3A_2739 = arith.mulf %get3A_2734, %get3A_2738 : vector<16xf32>
        %add3A_2740 = arith.addf %add3A_2726, %mul3A_2739 : vector<16xf32>
        %mul3A_2741 = arith.mulf %get3A_2734, %get3A_2734 : vector<16xf32>
        %add3A_2742 = arith.addf %add3A_2728, %mul3A_2741 : vector<16xf32>
        %mul3A_2743 = arith.mulf %get3A_2738, %get3A_2738 : vector<16xf32>
        %add3A_2744 = arith.addf %add3A_2730, %mul3A_2743 : vector<16xf32>
        %get3A_2745 = arith.index_cast %add3A_2696 : i32 to index
        %get3A_2746 = arith.constant 48 : index
        %get3A_2747 = tpu.vector_load %arg9[%get3A_2745, %get3A_2746] {strides = array<i32>} : memref<256x128xf32, #tpu.memory_space<vmem>>, vector<1x16xf32>,
        %get3A_2748 = vector.shape_cast %get3A_2747 : vector<1x16xf32> to vector<16xf32>
        %get3A_2749 = arith.index_cast %add3A_2696 : i32 to index
        %get3A_2750 = arith.constant 48 : index
        %get3A_2751 = tpu.vector_load %arg10[%get3A_2749, %get3A_2750] {strides = array<i32>} : memref<256x128xf32, #tpu.memory_space<vmem>>, vector<1x16xf32>,
        %get3A_2752 = vector.shape_cast %get3A_2751 : vector<1x16xf32> to vector<16xf32>
        %mul3A_2753 = arith.mulf %get3A_2748, %get3A_2752 : vector<16xf32>
        %add3A_2754 = arith.addf %add3A_2740, %mul3A_2753 : vector<16xf32>
        %mul3A_2755 = arith.mulf %get3A_2748, %get3A_2748 : vector<16xf32>
        %add3A_2756 = arith.addf %add3A_2742, %mul3A_2755 : vector<16xf32>
        %mul3A_2757 = arith.mulf %get3A_2752, %get3A_2752 : vector<16xf32>
        %add3A_2758 = arith.addf %add3A_2744, %mul3A_2757 : vector<16xf32>
        %get3A_2759 = arith.index_cast %add3A_2696 : i32 to index
        %get3A_2760 = arith.constant 64 : index
        %get3A_2761 = tpu.vector_load %arg9[%get3A_2759, %get3A_2760] {strides = array<i32>} : memref<256x128xf32, #tpu.memory_space<vmem>>, vector<1x16xf32>,
        %get3A_2762 = vector.shape_cast %get3A_2761 : vector<1x16xf32> to vector<16xf32>
        %get3A_2763 = arith.index_cast %add3A_2696 : i32 to index
        %get3A_2764 = arith.constant 64 : index
        %get3A_2765 = tpu.vector_load %arg10[%get3A_2763, %get3A_2764] {strides = array<i32>} : memref<256x128xf32, #tpu.memory_space<vmem>>, vector<1x16xf32>,
        %get3A_2766 = vector.shape_cast %get3A_2765 : vector<1x16xf32> to vector<16xf32>
        %mul3A_2767 = arith.mulf %get3A_2762, %get3A_2766 : vector<16xf32>
        %add3A_2768 = arith.addf %add3A_2754, %mul3A_2767 : vector<16xf32>
        %mul3A_2769 = arith.mulf %get3A_2762, %get3A_2762 : vector<16xf32>
        %add3A_2770 = arith.addf %add3A_2756, %mul3A_2769 : vector<16xf32>
        %mul3A_2771 = arith.mulf %get3A_2766, %get3A_2766 : vector<16xf32>
        %add3A_2772 = arith.addf %add3A_2758, %mul3A_2771 : vector<16xf32>
        %get3A_2773 = arith.index_cast %add3A_2696 : i32 to index
        %get3A_2774 = arith.constant 80 : index
        %get3A_2775 = tpu.vector_load %arg9[%get3A_2773, %get3A_2774] {strides = array<i32>} : memref<256x128xf32, #tpu.memory_space<vmem>>, vector<1x16xf32>,
        %get3A_2776 = vector.shape_cast %get3A_2775 : vector<1x16xf32> to vector<16xf32>
        %get3A_2777 = arith.index_cast %add3A_2696 : i32 to index
        %get3A_2778 = arith.constant 80 : index
        %get3A_2779 = tpu.vector_load %arg10[%get3A_2777, %get3A_2778] {strides = array<i32>} : memref<256x128xf32, #tpu.memory_space<vmem>>, vector<1x16xf32>,
        %get3A_2780 = vector.shape_cast %get3A_2779 : vector<1x16xf32> to vector<16xf32>
        %mul3A_2781 = arith.mulf %get3A_2776, %get3A_2780 : vector<16xf32>
        %add3A_2782 = arith.addf %add3A_2768, %mul3A_2781 : vector<16xf32>
        %mul3A_2783 = arith.mulf %get3A_2776, %get3A_2776 : vector<16xf32>
        %add3A_2784 = arith.addf %add3A_2770, %mul3A_2783 : vector<16xf32>
        %mul3A_2785 = arith.mulf %get3A_2780, %get3A_2780 : vector<16xf32>
        %add3A_2786 = arith.addf %add3A_2772, %mul3A_2785 : vector<16xf32>
        %get3A_2787 = arith.index_cast %add3A_2696 : i32 to index
        %get3A_2788 = arith.constant 96 : index
        %get3A_2789 = tpu.vector_load %arg9[%get3A_2787, %get3A_2788] {strides = array<i32>} : memref<256x128xf32, #tpu.memory_space<vmem>>, vector<1x16xf32>,
        %get3A_2790 = vector.shape_cast %get3A_2789 : vector<1x16xf32> to vector<16xf32>
        %get3A_2791 = arith.index_cast %add3A_2696 : i32 to index
        %get3A_2792 = arith.constant 96 : index
        %get3A_2793 = tpu.vector_load %arg10[%get3A_2791, %get3A_2792] {strides = array<i32>} : memref<256x128xf32, #tpu.memory_space<vmem>>, vector<1x16xf32>,
        %get3A_2794 = vector.shape_cast %get3A_2793 : vector<1x16xf32> to vector<16xf32>
        %mul3A_2795 = arith.mulf %get3A_2790, %get3A_2794 : vector<16xf32>
        %add3A_2796 = arith.addf %add3A_2782, %mul3A_2795 : vector<16xf32>
        %mul3A_2797 = arith.mulf %get3A_2790, %get3A_2790 : vector<16xf32>
        %add3A_2798 = arith.addf %add3A_2784, %mul3A_2797 : vector<16xf32>
        %mul3A_2799 = arith.mulf %get3A_2794, %get3A_2794 : vector<16xf32>
        %add3A_2800 = arith.addf %add3A_2786, %mul3A_2799 : vector<16xf32>
        %get3A_2801 = arith.index_cast %add3A_2696 : i32 to index
        %get3A_2802 = arith.constant 112 : index
        %get3A_2803 = tpu.vector_load %arg9[%get3A_2801, %get3A_2802] {strides = array<i32>} : memref<256x128xf32, #tpu.memory_space<vmem>>, vector<1x16xf32>,
        %get3A_2804 = vector.shape_cast %get3A_2803 : vector<1x16xf32> to vector<16xf32>
        %get3A_2805 = arith.index_cast %add3A_2696 : i32 to index
        %get3A_2806 = arith.constant 112 : index
        %get3A_2807 = tpu.vector_load %arg10[%get3A_2805, %get3A_2806] {strides = array<i32>} : memref<256x128xf32, #tpu.memory_space<vmem>>, vector<1x16xf32>,
        %get3A_2808 = vector.shape_cast %get3A_2807 : vector<1x16xf32> to vector<16xf32>
        %mul3A_2809 = arith.mulf %get3A_2804, %get3A_2808 : vector<16xf32>
        %add3A_2810 = arith.addf %add3A_2796, %mul3A_2809 : vector<16xf32>
        %mul3A_2811 = arith.mulf %get3A_2804, %get3A_2804 : vector<16xf32>
        %add3A_2812 = arith.addf %add3A_2798, %mul3A_2811 : vector<16xf32>
        %mul3A_2813 = arith.mulf %get3A_2808, %get3A_2808 : vector<16xf32>
        %add3A_2814 = arith.addf %add3A_2800, %mul3A_2813 : vector<16xf32>
        %iota3A_2815 = tpu.iota {dimensions = array<i32: 0>} : vector<16xi32>
        %xor3A_2816 = arith.constant 8 : i32
        %xor3A_2817 = vector.broadcast %xor3A_2816 : i32 to vector<16xi32>
        %xor3A_2818 = arith.xori %iota3A_2815, %xor3A_2817 : vector<16xi32>
        %reshape3A_2819 = vector.shape_cast %xor3A_2818 : vector<16xi32> to vector<16x1xi32>
        %gather3A_2820 = vector.shape_cast %reshape3A_2819 : vector<16x1xi32> to vector<16xi32>
        %gather3A_2821 = tpu.dynamic_gather %add3A_2688[%gather3A_2820] in [0] : vector<16xf32>, vector<16xi32> -> vector<16xf32>
        %add3A_2822 = arith.addf %add3A_2688, %gather3A_2821 : vector<16xf32>
        %iota3A_2823 = tpu.iota {dimensions = array<i32: 0>} : vector<16xi32>
        %xor3A_2824 = arith.constant 8 : i32
        %xor3A_2825 = vector.broadcast %xor3A_2824 : i32 to vector<16xi32>
        %xor3A_2826 = arith.xori %iota3A_2823, %xor3A_2825 : vector<16xi32>
        %reshape3A_2827 = vector.shape_cast %xor3A_2826 : vector<16xi32> to vector<16x1xi32>
        %gather3A_2828 = vector.shape_cast %reshape3A_2827 : vector<16x1xi32> to vector<16xi32>
        %gather3A_2829 = tpu.dynamic_gather %add3A_2810[%gather3A_2828] in [0] : vector<16xf32>, vector<16xi32> -> vector<16xf32>
        %add3A_2830 = arith.addf %add3A_2810, %gather3A_2829 : vector<16xf32>
        %select_n3A_2831 = arith.select %eq3A_6, %add3A_2822, %add3A_2830 : vector<16xi1>, vector<16xf32>
        %iota3A_2832 = tpu.iota {dimensions = array<i32: 0>} : vector<16xi32>
        %xor3A_2833 = arith.constant 8 : i32
        %xor3A_2834 = vector.broadcast %xor3A_2833 : i32 to vector<16xi32>
        %xor3A_2835 = arith.xori %iota3A_2832, %xor3A_2834 : vector<16xi32>
        %reshape3A_2836 = vector.shape_cast %xor3A_2835 : vector<16xi32> to vector<16x1xi32>
        %gather3A_2837 = vector.shape_cast %reshape3A_2836 : vector<16x1xi32> to vector<16xi32>
        %gather3A_2838 = tpu.dynamic_gather %add3A_2690[%gather3A_2837] in [0] : vector<16xf32>, vector<16xi32> -> vector<16xf32>
        %add3A_2839 = arith.addf %add3A_2690, %gather3A_2838 : vector<16xf32>
        %iota3A_2840 = tpu.iota {dimensions = array<i32: 0>} : vector<16xi32>
        %xor3A_2841 = arith.constant 8 : i32
        %xor3A_2842 = vector.broadcast %xor3A_2841 : i32 to vector<16xi32>
        %xor3A_2843 = arith.xori %iota3A_2840, %xor3A_2842 : vector<16xi32>
        %reshape3A_2844 = vector.shape_cast %xor3A_2843 : vector<16xi32> to vector<16x1xi32>
        %gather3A_2845 = vector.shape_cast %reshape3A_2844 : vector<16x1xi32> to vector<16xi32>
        %gather3A_2846 = tpu.dynamic_gather %add3A_2812[%gather3A_2845] in [0] : vector<16xf32>, vector<16xi32> -> vector<16xf32>
        %add3A_2847 = arith.addf %add3A_2812, %gather3A_2846 : vector<16xf32>
        %select_n3A_2848 = arith.select %eq3A_6, %add3A_2839, %add3A_2847 : vector<16xi1>, vector<16xf32>
        %iota3A_2849 = tpu.iota {dimensions = array<i32: 0>} : vector<16xi32>
        %xor3A_2850 = arith.constant 8 : i32
        %xor3A_2851 = vector.broadcast %xor3A_2850 : i32 to vector<16xi32>
        %xor3A_2852 = arith.xori %iota3A_2849, %xor3A_2851 : vector<16xi32>
        %reshape3A_2853 = vector.shape_cast %xor3A_2852 : vector<16xi32> to vector<16x1xi32>
        %gather3A_2854 = vector.shape_cast %reshape3A_2853 : vector<16x1xi32> to vector<16xi32>
        %gather3A_2855 = tpu.dynamic_gather %add3A_2692[%gather3A_2854] in [0] : vector<16xf32>, vector<16xi32> -> vector<16xf32>
        %add3A_2856 = arith.addf %add3A_2692, %gather3A_2855 : vector<16xf32>
        %iota3A_2857 = tpu.iota {dimensions = array<i32: 0>} : vector<16xi32>
        %xor3A_2858 = arith.constant 8 : i32
        %xor3A_2859 = vector.broadcast %xor3A_2858 : i32 to vector<16xi32>
        %xor3A_2860 = arith.xori %iota3A_2857, %xor3A_2859 : vector<16xi32>
        %reshape3A_2861 = vector.shape_cast %xor3A_2860 : vector<16xi32> to vector<16x1xi32>
        %gather3A_2862 = vector.shape_cast %reshape3A_2861 : vector<16x1xi32> to vector<16xi32>
        %gather3A_2863 = tpu.dynamic_gather %add3A_2814[%gather3A_2862] in [0] : vector<16xf32>, vector<16xi32> -> vector<16xf32>
        %add3A_2864 = arith.addf %add3A_2814, %gather3A_2863 : vector<16xf32>
        %select_n3A_2865 = arith.select %eq3A_6, %add3A_2856, %add3A_2864 : vector<16xi1>, vector<16xf32>
        %iota3A_2866 = tpu.iota {dimensions = array<i32: 0>} : vector<16xi32>
        %xor3A_2867 = arith.constant 4 : i32
        %xor3A_2868 = vector.broadcast %xor3A_2867 : i32 to vector<16xi32>
        %xor3A_2869 = arith.xori %iota3A_2866, %xor3A_2868 : vector<16xi32>
        %reshape3A_2870 = vector.shape_cast %xor3A_2869 : vector<16xi32> to vector<16x1xi32>
        %gather3A_2871 = vector.shape_cast %reshape3A_2870 : vector<16x1xi32> to vector<16xi32>
        %gather3A_2872 = tpu.dynamic_gather %select_n3A_780[%gather3A_2871] in [0] : vector<16xf32>, vector<16xi32> -> vector<16xf32>
        %add3A_2873 = arith.addf %select_n3A_780, %gather3A_2872 : vector<16xf32>
        %iota3A_2874 = tpu.iota {dimensions = array<i32: 0>} : vector<16xi32>
        %xor3A_2875 = arith.constant 4 : i32
        %xor3A_2876 = vector.broadcast %xor3A_2875 : i32 to vector<16xi32>
        %xor3A_2877 = arith.xori %iota3A_2874, %xor3A_2876 : vector<16xi32>
        %reshape3A_2878 = vector.shape_cast %xor3A_2877 : vector<16xi32> to vector<16x1xi32>
        %gather3A_2879 = vector.shape_cast %reshape3A_2878 : vector<16x1xi32> to vector<16xi32>
        %gather3A_2880 = tpu.dynamic_gather %select_n3A_1952[%gather3A_2879] in [0] : vector<16xf32>, vector<16xi32> -> vector<16xf32>
        %add3A_2881 = arith.addf %select_n3A_1952, %gather3A_2880 : vector<16xf32>
        %select_n3A_2882 = arith.select %eq3A_12, %add3A_2873, %add3A_2881 : vector<16xi1>, vector<16xf32>
        %iota3A_2883 = tpu.iota {dimensions = array<i32: 0>} : vector<16xi32>
        %xor3A_2884 = arith.constant 4 : i32
        %xor3A_2885 = vector.broadcast %xor3A_2884 : i32 to vector<16xi32>
        %xor3A_2886 = arith.xori %iota3A_2883, %xor3A_2885 : vector<16xi32>
        %reshape3A_2887 = vector.shape_cast %xor3A_2886 : vector<16xi32> to vector<16x1xi32>
        %gather3A_2888 = vector.shape_cast %reshape3A_2887 : vector<16x1xi32> to vector<16xi32>
        %gather3A_2889 = tpu.dynamic_gather %select_n3A_797[%gather3A_2888] in [0] : vector<16xf32>, vector<16xi32> -> vector<16xf32>
        %add3A_2890 = arith.addf %select_n3A_797, %gather3A_2889 : vector<16xf32>
        %iota3A_2891 = tpu.iota {dimensions = array<i32: 0>} : vector<16xi32>
        %xor3A_2892 = arith.constant 4 : i32
        %xor3A_2893 = vector.broadcast %xor3A_2892 : i32 to vector<16xi32>
        %xor3A_2894 = arith.xori %iota3A_2891, %xor3A_2893 : vector<16xi32>
        %reshape3A_2895 = vector.shape_cast %xor3A_2894 : vector<16xi32> to vector<16x1xi32>
        %gather3A_2896 = vector.shape_cast %reshape3A_2895 : vector<16x1xi32> to vector<16xi32>
        %gather3A_2897 = tpu.dynamic_gather %select_n3A_1969[%gather3A_2896] in [0] : vector<16xf32>, vector<16xi32> -> vector<16xf32>
        %add3A_2898 = arith.addf %select_n3A_1969, %gather3A_2897 : vector<16xf32>
        %select_n3A_2899 = arith.select %eq3A_12, %add3A_2890, %add3A_2898 : vector<16xi1>, vector<16xf32>
        %iota3A_2900 = tpu.iota {dimensions = array<i32: 0>} : vector<16xi32>
        %xor3A_2901 = arith.constant 4 : i32
        %xor3A_2902 = vector.broadcast %xor3A_2901 : i32 to vector<16xi32>
        %xor3A_2903 = arith.xori %iota3A_2900, %xor3A_2902 : vector<16xi32>
        %reshape3A_2904 = vector.shape_cast %xor3A_2903 : vector<16xi32> to vector<16x1xi32>
        %gather3A_2905 = vector.shape_cast %reshape3A_2904 : vector<16x1xi32> to vector<16xi32>
        %gather3A_2906 = tpu.dynamic_gather %select_n3A_814[%gather3A_2905] in [0] : vector<16xf32>, vector<16xi32> -> vector<16xf32>
        %add3A_2907 = arith.addf %select_n3A_814, %gather3A_2906 : vector<16xf32>
        %iota3A_2908 = tpu.iota {dimensions = array<i32: 0>} : vector<16xi32>
        %xor3A_2909 = arith.constant 4 : i32
        %xor3A_2910 = vector.broadcast %xor3A_2909 : i32 to vector<16xi32>
        %xor3A_2911 = arith.xori %iota3A_2908, %xor3A_2910 : vector<16xi32>
        %reshape3A_2912 = vector.shape_cast %xor3A_2911 : vector<16xi32> to vector<16x1xi32>
        %gather3A_2913 = vector.shape_cast %reshape3A_2912 : vector<16x1xi32> to vector<16xi32>
        %gather3A_2914 = tpu.dynamic_gather %select_n3A_1986[%gather3A_2913] in [0] : vector<16xf32>, vector<16xi32> -> vector<16xf32>
        %add3A_2915 = arith.addf %select_n3A_1986, %gather3A_2914 : vector<16xf32>
        %select_n3A_2916 = arith.select %eq3A_12, %add3A_2907, %add3A_2915 : vector<16xi1>, vector<16xf32>
        %iota3A_2917 = tpu.iota {dimensions = array<i32: 0>} : vector<16xi32>
        %xor3A_2918 = arith.constant 4 : i32
        %xor3A_2919 = vector.broadcast %xor3A_2918 : i32 to vector<16xi32>
        %xor3A_2920 = arith.xori %iota3A_2917, %xor3A_2919 : vector<16xi32>
        %reshape3A_2921 = vector.shape_cast %xor3A_2920 : vector<16xi32> to vector<16x1xi32>
        %gather3A_2922 = vector.shape_cast %reshape3A_2921 : vector<16x1xi32> to vector<16xi32>
        %gather3A_2923 = tpu.dynamic_gather %select_n3A_1073[%gather3A_2922] in [0] : vector<16xf32>, vector<16xi32> -> vector<16xf32>
        %add3A_2924 = arith.addf %select_n3A_1073, %gather3A_2923 : vector<16xf32>
        %iota3A_2925 = tpu.iota {dimensions = array<i32: 0>} : vector<16xi32>
        %xor3A_2926 = arith.constant 4 : i32
        %xor3A_2927 = vector.broadcast %xor3A_2926 : i32 to vector<16xi32>
        %xor3A_2928 = arith.xori %iota3A_2925, %xor3A_2927 : vector<16xi32>
        %reshape3A_2929 = vector.shape_cast %xor3A_2928 : vector<16xi32> to vector<16x1xi32>
        %gather3A_2930 = vector.shape_cast %reshape3A_2929 : vector<16x1xi32> to vector<16xi32>
        %gather3A_2931 = tpu.dynamic_gather %select_n3A_2245[%gather3A_2930] in [0] : vector<16xf32>, vector<16xi32> -> vector<16xf32>
        %add3A_2932 = arith.addf %select_n3A_2245, %gather3A_2931 : vector<16xf32>
        %select_n3A_2933 = arith.select %eq3A_12, %add3A_2924, %add3A_2932 : vector<16xi1>, vector<16xf32>
        %iota3A_2934 = tpu.iota {dimensions = array<i32: 0>} : vector<16xi32>
        %xor3A_2935 = arith.constant 4 : i32
        %xor3A_2936 = vector.broadcast %xor3A_2935 : i32 to vector<16xi32>
        %xor3A_2937 = arith.xori %iota3A_2934, %xor3A_2936 : vector<16xi32>
        %reshape3A_2938 = vector.shape_cast %xor3A_2937 : vector<16xi32> to vector<16x1xi32>
        %gather3A_2939 = vector.shape_cast %reshape3A_2938 : vector<16x1xi32> to vector<16xi32>
        %gather3A_2940 = tpu.dynamic_gather %select_n3A_1090[%gather3A_2939] in [0] : vector<16xf32>, vector<16xi32> -> vector<16xf32>
        %add3A_2941 = arith.addf %select_n3A_1090, %gather3A_2940 : vector<16xf32>
        %iota3A_2942 = tpu.iota {dimensions = array<i32: 0>} : vector<16xi32>
        %xor3A_2943 = arith.constant 4 : i32
        %xor3A_2944 = vector.broadcast %xor3A_2943 : i32 to vector<16xi32>
        %xor3A_2945 = arith.xori %iota3A_2942, %xor3A_2944 : vector<16xi32>
        %reshape3A_2946 = vector.shape_cast %xor3A_2945 : vector<16xi32> to vector<16x1xi32>
        %gather3A_2947 = vector.shape_cast %reshape3A_2946 : vector<16x1xi32> to vector<16xi32>
        %gather3A_2948 = tpu.dynamic_gather %select_n3A_2262[%gather3A_2947] in [0] : vector<16xf32>, vector<16xi32> -> vector<16xf32>
        %add3A_2949 = arith.addf %select_n3A_2262, %gather3A_2948 : vector<16xf32>
        %select_n3A_2950 = arith.select %eq3A_12, %add3A_2941, %add3A_2949 : vector<16xi1>, vector<16xf32>
        %iota3A_2951 = tpu.iota {dimensions = array<i32: 0>} : vector<16xi32>
        %xor3A_2952 = arith.constant 4 : i32
        %xor3A_2953 = vector.broadcast %xor3A_2952 : i32 to vector<16xi32>
        %xor3A_2954 = arith.xori %iota3A_2951, %xor3A_2953 : vector<16xi32>
        %reshape3A_2955 = vector.shape_cast %xor3A_2954 : vector<16xi32> to vector<16x1xi32>
        %gather3A_2956 = vector.shape_cast %reshape3A_2955 : vector<16x1xi32> to vector<16xi32>
        %gather3A_2957 = tpu.dynamic_gather %select_n3A_1107[%gather3A_2956] in [0] : vector<16xf32>, vector<16xi32> -> vector<16xf32>
        %add3A_2958 = arith.addf %select_n3A_1107, %gather3A_2957 : vector<16xf32>
        %iota3A_2959 = tpu.iota {dimensions = array<i32: 0>} : vector<16xi32>
        %xor3A_2960 = arith.constant 4 : i32
        %xor3A_2961 = vector.broadcast %xor3A_2960 : i32 to vector<16xi32>
        %xor3A_2962 = arith.xori %iota3A_2959, %xor3A_2961 : vector<16xi32>
        %reshape3A_2963 = vector.shape_cast %xor3A_2962 : vector<16xi32> to vector<16x1xi32>
        %gather3A_2964 = vector.shape_cast %reshape3A_2963 : vector<16x1xi32> to vector<16xi32>
        %gather3A_2965 = tpu.dynamic_gather %select_n3A_2279[%gather3A_2964] in [0] : vector<16xf32>, vector<16xi32> -> vector<16xf32>
        %add3A_2966 = arith.addf %select_n3A_2279, %gather3A_2965 : vector<16xf32>
        %select_n3A_2967 = arith.select %eq3A_12, %add3A_2958, %add3A_2966 : vector<16xi1>, vector<16xf32>
        %iota3A_2968 = tpu.iota {dimensions = array<i32: 0>} : vector<16xi32>
        %xor3A_2969 = arith.constant 4 : i32
        %xor3A_2970 = vector.broadcast %xor3A_2969 : i32 to vector<16xi32>
        %xor3A_2971 = arith.xori %iota3A_2968, %xor3A_2970 : vector<16xi32>
        %reshape3A_2972 = vector.shape_cast %xor3A_2971 : vector<16xi32> to vector<16x1xi32>
        %gather3A_2973 = vector.shape_cast %reshape3A_2972 : vector<16x1xi32> to vector<16xi32>
        %gather3A_2974 = tpu.dynamic_gather %select_n3A_1366[%gather3A_2973] in [0] : vector<16xf32>, vector<16xi32> -> vector<16xf32>
        %add3A_2975 = arith.addf %select_n3A_1366, %gather3A_2974 : vector<16xf32>
        %iota3A_2976 = tpu.iota {dimensions = array<i32: 0>} : vector<16xi32>
        %xor3A_2977 = arith.constant 4 : i32
        %xor3A_2978 = vector.broadcast %xor3A_2977 : i32 to vector<16xi32>
        %xor3A_2979 = arith.xori %iota3A_2976, %xor3A_2978 : vector<16xi32>
        %reshape3A_2980 = vector.shape_cast %xor3A_2979 : vector<16xi32> to vector<16x1xi32>
        %gather3A_2981 = vector.shape_cast %reshape3A_2980 : vector<16x1xi32> to vector<16xi32>
        %gather3A_2982 = tpu.dynamic_gather %select_n3A_2538[%gather3A_2981] in [0] : vector<16xf32>, vector<16xi32> -> vector<16xf32>
        %add3A_2983 = arith.addf %select_n3A_2538, %gather3A_2982 : vector<16xf32>
        %select_n3A_2984 = arith.select %eq3A_12, %add3A_2975, %add3A_2983 : vector<16xi1>, vector<16xf32>
        %iota3A_2985 = tpu.iota {dimensions = array<i32: 0>} : vector<16xi32>
        %xor3A_2986 = arith.constant 4 : i32
        %xor3A_2987 = vector.broadcast %xor3A_2986 : i32 to vector<16xi32>
        %xor3A_2988 = arith.xori %iota3A_2985, %xor3A_2987 : vector<16xi32>
        %reshape3A_2989 = vector.shape_cast %xor3A_2988 : vector<16xi32> to vector<16x1xi32>
        %gather3A_2990 = vector.shape_cast %reshape3A_2989 : vector<16x1xi32> to vector<16xi32>
        %gather3A_2991 = tpu.dynamic_gather %select_n3A_1383[%gather3A_2990] in [0] : vector<16xf32>, vector<16xi32> -> vector<16xf32>
        %add3A_2992 = arith.addf %select_n3A_1383, %gather3A_2991 : vector<16xf32>
        %iota3A_2993 = tpu.iota {dimensions = array<i32: 0>} : vector<16xi32>
        %xor3A_2994 = arith.constant 4 : i32
        %xor3A_2995 = vector.broadcast %xor3A_2994 : i32 to vector<16xi32>
        %xor3A_2996 = arith.xori %iota3A_2993, %xor3A_2995 : vector<16xi32>
        %reshape3A_2997 = vector.shape_cast %xor3A_2996 : vector<16xi32> to vector<16x1xi32>
        %gather3A_2998 = vector.shape_cast %reshape3A_2997 : vector<16x1xi32> to vector<16xi32>
        %gather3A_2999 = tpu.dynamic_gather %select_n3A_2555[%gather3A_2998] in [0] : vector<16xf32>, vector<16xi32> -> vector<16xf32>
        %add3A_3000 = arith.addf %select_n3A_2555, %gather3A_2999 : vector<16xf32>
        %select_n3A_3001 = arith.select %eq3A_12, %add3A_2992, %add3A_3000 : vector<16xi1>, vector<16xf32>
        %iota3A_3002 = tpu.iota {dimensions = array<i32: 0>} : vector<16xi32>
        %xor3A_3003 = arith.constant 4 : i32
        %xor3A_3004 = vector.broadcast %xor3A_3003 : i32 to vector<16xi32>
        %xor3A_3005 = arith.xori %iota3A_3002, %xor3A_3004 : vector<16xi32>
        %reshape3A_3006 = vector.shape_cast %xor3A_3005 : vector<16xi32> to vector<16x1xi32>
        %gather3A_3007 = vector.shape_cast %reshape3A_3006 : vector<16x1xi32> to vector<16xi32>
        %gather3A_3008 = tpu.dynamic_gather %select_n3A_1400[%gather3A_3007] in [0] : vector<16xf32>, vector<16xi32> -> vector<16xf32>
        %add3A_3009 = arith.addf %select_n3A_1400, %gather3A_3008 : vector<16xf32>
        %iota3A_3010 = tpu.iota {dimensions = array<i32: 0>} : vector<16xi32>
        %xor3A_3011 = arith.constant 4 : i32
        %xor3A_3012 = vector.broadcast %xor3A_3011 : i32 to vector<16xi32>
        %xor3A_3013 = arith.xori %iota3A_3010, %xor3A_3012 : vector<16xi32>
        %reshape3A_3014 = vector.shape_cast %xor3A_3013 : vector<16xi32> to vector<16x1xi32>
        %gather3A_3015 = vector.shape_cast %reshape3A_3014 : vector<16x1xi32> to vector<16xi32>
        %gather3A_3016 = tpu.dynamic_gather %select_n3A_2572[%gather3A_3015] in [0] : vector<16xf32>, vector<16xi32> -> vector<16xf32>
        %add3A_3017 = arith.addf %select_n3A_2572, %gather3A_3016 : vector<16xf32>
        %select_n3A_3018 = arith.select %eq3A_12, %add3A_3009, %add3A_3017 : vector<16xi1>, vector<16xf32>
        %iota3A_3019 = tpu.iota {dimensions = array<i32: 0>} : vector<16xi32>
        %xor3A_3020 = arith.constant 4 : i32
        %xor3A_3021 = vector.broadcast %xor3A_3020 : i32 to vector<16xi32>
        %xor3A_3022 = arith.xori %iota3A_3019, %xor3A_3021 : vector<16xi32>
        %reshape3A_3023 = vector.shape_cast %xor3A_3022 : vector<16xi32> to vector<16x1xi32>
        %gather3A_3024 = vector.shape_cast %reshape3A_3023 : vector<16x1xi32> to vector<16xi32>
        %gather3A_3025 = tpu.dynamic_gather %select_n3A_1659[%gather3A_3024] in [0] : vector<16xf32>, vector<16xi32> -> vector<16xf32>
        %add3A_3026 = arith.addf %select_n3A_1659, %gather3A_3025 : vector<16xf32>
        %iota3A_3027 = tpu.iota {dimensions = array<i32: 0>} : vector<16xi32>
        %xor3A_3028 = arith.constant 4 : i32
        %xor3A_3029 = vector.broadcast %xor3A_3028 : i32 to vector<16xi32>
        %xor3A_3030 = arith.xori %iota3A_3027, %xor3A_3029 : vector<16xi32>
        %reshape3A_3031 = vector.shape_cast %xor3A_3030 : vector<16xi32> to vector<16x1xi32>
        %gather3A_3032 = vector.shape_cast %reshape3A_3031 : vector<16x1xi32> to vector<16xi32>
        %gather3A_3033 = tpu.dynamic_gather %select_n3A_2831[%gather3A_3032] in [0] : vector<16xf32>, vector<16xi32> -> vector<16xf32>
        %add3A_3034 = arith.addf %select_n3A_2831, %gather3A_3033 : vector<16xf32>
        %select_n3A_3035 = arith.select %eq3A_12, %add3A_3026, %add3A_3034 : vector<16xi1>, vector<16xf32>
        %iota3A_3036 = tpu.iota {dimensions = array<i32: 0>} : vector<16xi32>
        %xor3A_3037 = arith.constant 4 : i32
        %xor3A_3038 = vector.broadcast %xor3A_3037 : i32 to vector<16xi32>
        %xor3A_3039 = arith.xori %iota3A_3036, %xor3A_3038 : vector<16xi32>
        %reshape3A_3040 = vector.shape_cast %xor3A_3039 : vector<16xi32> to vector<16x1xi32>
        %gather3A_3041 = vector.shape_cast %reshape3A_3040 : vector<16x1xi32> to vector<16xi32>
        %gather3A_3042 = tpu.dynamic_gather %select_n3A_1676[%gather3A_3041] in [0] : vector<16xf32>, vector<16xi32> -> vector<16xf32>
        %add3A_3043 = arith.addf %select_n3A_1676, %gather3A_3042 : vector<16xf32>
        %iota3A_3044 = tpu.iota {dimensions = array<i32: 0>} : vector<16xi32>
        %xor3A_3045 = arith.constant 4 : i32
        %xor3A_3046 = vector.broadcast %xor3A_3045 : i32 to vector<16xi32>
        %xor3A_3047 = arith.xori %iota3A_3044, %xor3A_3046 : vector<16xi32>
        %reshape3A_3048 = vector.shape_cast %xor3A_3047 : vector<16xi32> to vector<16x1xi32>
        %gather3A_3049 = vector.shape_cast %reshape3A_3048 : vector<16x1xi32> to vector<16xi32>
        %gather3A_3050 = tpu.dynamic_gather %select_n3A_2848[%gather3A_3049] in [0] : vector<16xf32>, vector<16xi32> -> vector<16xf32>
        %add3A_3051 = arith.addf %select_n3A_2848, %gather3A_3050 : vector<16xf32>
        %select_n3A_3052 = arith.select %eq3A_12, %add3A_3043, %add3A_3051 : vector<16xi1>, vector<16xf32>
        %iota3A_3053 = tpu.iota {dimensions = array<i32: 0>} : vector<16xi32>
        %xor3A_3054 = arith.constant 4 : i32
        %xor3A_3055 = vector.broadcast %xor3A_3054 : i32 to vector<16xi32>
        %xor3A_3056 = arith.xori %iota3A_3053, %xor3A_3055 : vector<16xi32>
        %reshape3A_3057 = vector.shape_cast %xor3A_3056 : vector<16xi32> to vector<16x1xi32>
        %gather3A_3058 = vector.shape_cast %reshape3A_3057 : vector<16x1xi32> to vector<16xi32>
        %gather3A_3059 = tpu.dynamic_gather %select_n3A_1693[%gather3A_3058] in [0] : vector<16xf32>, vector<16xi32> -> vector<16xf32>
        %add3A_3060 = arith.addf %select_n3A_1693, %gather3A_3059 : vector<16xf32>
        %iota3A_3061 = tpu.iota {dimensions = array<i32: 0>} : vector<16xi32>
        %xor3A_3062 = arith.constant 4 : i32
        %xor3A_3063 = vector.broadcast %xor3A_3062 : i32 to vector<16xi32>
        %xor3A_3064 = arith.xori %iota3A_3061, %xor3A_3063 : vector<16xi32>
        %reshape3A_3065 = vector.shape_cast %xor3A_3064 : vector<16xi32> to vector<16x1xi32>
        %gather3A_3066 = vector.shape_cast %reshape3A_3065 : vector<16x1xi32> to vector<16xi32>
        %gather3A_3067 = tpu.dynamic_gather %select_n3A_2865[%gather3A_3066] in [0] : vector<16xf32>, vector<16xi32> -> vector<16xf32>
        %add3A_3068 = arith.addf %select_n3A_2865, %gather3A_3067 : vector<16xf32>
        %select_n3A_3069 = arith.select %eq3A_12, %add3A_3060, %add3A_3068 : vector<16xi1>, vector<16xf32>
        %iota3A_3070 = tpu.iota {dimensions = array<i32: 0>} : vector<16xi32>
        %xor3A_3071 = arith.constant 2 : i32
        %xor3A_3072 = vector.broadcast %xor3A_3071 : i32 to vector<16xi32>
        %xor3A_3073 = arith.xori %iota3A_3070, %xor3A_3072 : vector<16xi32>
        %reshape3A_3074 = vector.shape_cast %xor3A_3073 : vector<16xi32> to vector<16x1xi32>
        %gather3A_3075 = vector.shape_cast %reshape3A_3074 : vector<16x1xi32> to vector<16xi32>
        %gather3A_3076 = tpu.dynamic_gather %select_n3A_2882[%gather3A_3075] in [0] : vector<16xf32>, vector<16xi32> -> vector<16xf32>
        %add3A_3077 = arith.addf %select_n3A_2882, %gather3A_3076 : vector<16xf32>
        %iota3A_3078 = tpu.iota {dimensions = array<i32: 0>} : vector<16xi32>
        %xor3A_3079 = arith.constant 2 : i32
        %xor3A_3080 = vector.broadcast %xor3A_3079 : i32 to vector<16xi32>
        %xor3A_3081 = arith.xori %iota3A_3078, %xor3A_3080 : vector<16xi32>
        %reshape3A_3082 = vector.shape_cast %xor3A_3081 : vector<16xi32> to vector<16x1xi32>
        %gather3A_3083 = vector.shape_cast %reshape3A_3082 : vector<16x1xi32> to vector<16xi32>
        %gather3A_3084 = tpu.dynamic_gather %select_n3A_2984[%gather3A_3083] in [0] : vector<16xf32>, vector<16xi32> -> vector<16xf32>
        %add3A_3085 = arith.addf %select_n3A_2984, %gather3A_3084 : vector<16xf32>
        %select_n3A_3086 = arith.select %eq3A_18, %add3A_3077, %add3A_3085 : vector<16xi1>, vector<16xf32>
        %iota3A_3087 = tpu.iota {dimensions = array<i32: 0>} : vector<16xi32>
        %xor3A_3088 = arith.constant 2 : i32
        %xor3A_3089 = vector.broadcast %xor3A_3088 : i32 to vector<16xi32>
        %xor3A_3090 = arith.xori %iota3A_3087, %xor3A_3089 : vector<16xi32>
        %reshape3A_3091 = vector.shape_cast %xor3A_3090 : vector<16xi32> to vector<16x1xi32>
        %gather3A_3092 = vector.shape_cast %reshape3A_3091 : vector<16x1xi32> to vector<16xi32>
        %gather3A_3093 = tpu.dynamic_gather %select_n3A_2899[%gather3A_3092] in [0] : vector<16xf32>, vector<16xi32> -> vector<16xf32>
        %add3A_3094 = arith.addf %select_n3A_2899, %gather3A_3093 : vector<16xf32>
        %iota3A_3095 = tpu.iota {dimensions = array<i32: 0>} : vector<16xi32>
        %xor3A_3096 = arith.constant 2 : i32
        %xor3A_3097 = vector.broadcast %xor3A_3096 : i32 to vector<16xi32>
        %xor3A_3098 = arith.xori %iota3A_3095, %xor3A_3097 : vector<16xi32>
        %reshape3A_3099 = vector.shape_cast %xor3A_3098 : vector<16xi32> to vector<16x1xi32>
        %gather3A_3100 = vector.shape_cast %reshape3A_3099 : vector<16x1xi32> to vector<16xi32>
        %gather3A_3101 = tpu.dynamic_gather %select_n3A_3001[%gather3A_3100] in [0] : vector<16xf32>, vector<16xi32> -> vector<16xf32>
        %add3A_3102 = arith.addf %select_n3A_3001, %gather3A_3101 : vector<16xf32>
        %select_n3A_3103 = arith.select %eq3A_18, %add3A_3094, %add3A_3102 : vector<16xi1>, vector<16xf32>
        %iota3A_3104 = tpu.iota {dimensions = array<i32: 0>} : vector<16xi32>
        %xor3A_3105 = arith.constant 2 : i32
        %xor3A_3106 = vector.broadcast %xor3A_3105 : i32 to vector<16xi32>
        %xor3A_3107 = arith.xori %iota3A_3104, %xor3A_3106 : vector<16xi32>
        %reshape3A_3108 = vector.shape_cast %xor3A_3107 : vector<16xi32> to vector<16x1xi32>
        %gather3A_3109 = vector.shape_cast %reshape3A_3108 : vector<16x1xi32> to vector<16xi32>
        %gather3A_3110 = tpu.dynamic_gather %select_n3A_2916[%gather3A_3109] in [0] : vector<16xf32>, vector<16xi32> -> vector<16xf32>
        %add3A_3111 = arith.addf %select_n3A_2916, %gather3A_3110 : vector<16xf32>
        %iota3A_3112 = tpu.iota {dimensions = array<i32: 0>} : vector<16xi32>
        %xor3A_3113 = arith.constant 2 : i32
        %xor3A_3114 = vector.broadcast %xor3A_3113 : i32 to vector<16xi32>
        %xor3A_3115 = arith.xori %iota3A_3112, %xor3A_3114 : vector<16xi32>
        %reshape3A_3116 = vector.shape_cast %xor3A_3115 : vector<16xi32> to vector<16x1xi32>
        %gather3A_3117 = vector.shape_cast %reshape3A_3116 : vector<16x1xi32> to vector<16xi32>
        %gather3A_3118 = tpu.dynamic_gather %select_n3A_3018[%gather3A_3117] in [0] : vector<16xf32>, vector<16xi32> -> vector<16xf32>
        %add3A_3119 = arith.addf %select_n3A_3018, %gather3A_3118 : vector<16xf32>
        %select_n3A_3120 = arith.select %eq3A_18, %add3A_3111, %add3A_3119 : vector<16xi1>, vector<16xf32>
        %iota3A_3121 = tpu.iota {dimensions = array<i32: 0>} : vector<16xi32>
        %xor3A_3122 = arith.constant 2 : i32
        %xor3A_3123 = vector.broadcast %xor3A_3122 : i32 to vector<16xi32>
        %xor3A_3124 = arith.xori %iota3A_3121, %xor3A_3123 : vector<16xi32>
        %reshape3A_3125 = vector.shape_cast %xor3A_3124 : vector<16xi32> to vector<16x1xi32>
        %gather3A_3126 = vector.shape_cast %reshape3A_3125 : vector<16x1xi32> to vector<16xi32>
        %gather3A_3127 = tpu.dynamic_gather %select_n3A_2933[%gather3A_3126] in [0] : vector<16xf32>, vector<16xi32> -> vector<16xf32>
        %add3A_3128 = arith.addf %select_n3A_2933, %gather3A_3127 : vector<16xf32>
        %iota3A_3129 = tpu.iota {dimensions = array<i32: 0>} : vector<16xi32>
        %xor3A_3130 = arith.constant 2 : i32
        %xor3A_3131 = vector.broadcast %xor3A_3130 : i32 to vector<16xi32>
        %xor3A_3132 = arith.xori %iota3A_3129, %xor3A_3131 : vector<16xi32>
        %reshape3A_3133 = vector.shape_cast %xor3A_3132 : vector<16xi32> to vector<16x1xi32>
        %gather3A_3134 = vector.shape_cast %reshape3A_3133 : vector<16x1xi32> to vector<16xi32>
        %gather3A_3135 = tpu.dynamic_gather %select_n3A_3035[%gather3A_3134] in [0] : vector<16xf32>, vector<16xi32> -> vector<16xf32>
        %add3A_3136 = arith.addf %select_n3A_3035, %gather3A_3135 : vector<16xf32>
        %select_n3A_3137 = arith.select %eq3A_18, %add3A_3128, %add3A_3136 : vector<16xi1>, vector<16xf32>
        %iota3A_3138 = tpu.iota {dimensions = array<i32: 0>} : vector<16xi32>
        %xor3A_3139 = arith.constant 2 : i32
        %xor3A_3140 = vector.broadcast %xor3A_3139 : i32 to vector<16xi32>
        %xor3A_3141 = arith.xori %iota3A_3138, %xor3A_3140 : vector<16xi32>
        %reshape3A_3142 = vector.shape_cast %xor3A_3141 : vector<16xi32> to vector<16x1xi32>
        %gather3A_3143 = vector.shape_cast %reshape3A_3142 : vector<16x1xi32> to vector<16xi32>
        %gather3A_3144 = tpu.dynamic_gather %select_n3A_2950[%gather3A_3143] in [0] : vector<16xf32>, vector<16xi32> -> vector<16xf32>
        %add3A_3145 = arith.addf %select_n3A_2950, %gather3A_3144 : vector<16xf32>
        %iota3A_3146 = tpu.iota {dimensions = array<i32: 0>} : vector<16xi32>
        %xor3A_3147 = arith.constant 2 : i32
        %xor3A_3148 = vector.broadcast %xor3A_3147 : i32 to vector<16xi32>
        %xor3A_3149 = arith.xori %iota3A_3146, %xor3A_3148 : vector<16xi32>
        %reshape3A_3150 = vector.shape_cast %xor3A_3149 : vector<16xi32> to vector<16x1xi32>
        %gather3A_3151 = vector.shape_cast %reshape3A_3150 : vector<16x1xi32> to vector<16xi32>
        %gather3A_3152 = tpu.dynamic_gather %select_n3A_3052[%gather3A_3151] in [0] : vector<16xf32>, vector<16xi32> -> vector<16xf32>
        %add3A_3153 = arith.addf %select_n3A_3052, %gather3A_3152 : vector<16xf32>
        %select_n3A_3154 = arith.select %eq3A_18, %add3A_3145, %add3A_3153 : vector<16xi1>, vector<16xf32>
        %iota3A_3155 = tpu.iota {dimensions = array<i32: 0>} : vector<16xi32>
        %xor3A_3156 = arith.constant 2 : i32
        %xor3A_3157 = vector.broadcast %xor3A_3156 : i32 to vector<16xi32>
        %xor3A_3158 = arith.xori %iota3A_3155, %xor3A_3157 : vector<16xi32>
        %reshape3A_3159 = vector.shape_cast %xor3A_3158 : vector<16xi32> to vector<16x1xi32>
        %gather3A_3160 = vector.shape_cast %reshape3A_3159 : vector<16x1xi32> to vector<16xi32>
        %gather3A_3161 = tpu.dynamic_gather %select_n3A_2967[%gather3A_3160] in [0] : vector<16xf32>, vector<16xi32> -> vector<16xf32>
        %add3A_3162 = arith.addf %select_n3A_2967, %gather3A_3161 : vector<16xf32>
        %iota3A_3163 = tpu.iota {dimensions = array<i32: 0>} : vector<16xi32>
        %xor3A_3164 = arith.constant 2 : i32
        %xor3A_3165 = vector.broadcast %xor3A_3164 : i32 to vector<16xi32>
        %xor3A_3166 = arith.xori %iota3A_3163, %xor3A_3165 : vector<16xi32>
        %reshape3A_3167 = vector.shape_cast %xor3A_3166 : vector<16xi32> to vector<16x1xi32>
        %gather3A_3168 = vector.shape_cast %reshape3A_3167 : vector<16x1xi32> to vector<16xi32>
        %gather3A_3169 = tpu.dynamic_gather %select_n3A_3069[%gather3A_3168] in [0] : vector<16xf32>, vector<16xi32> -> vector<16xf32>
        %add3A_3170 = arith.addf %select_n3A_3069, %gather3A_3169 : vector<16xf32>
        %select_n3A_3171 = arith.select %eq3A_18, %add3A_3162, %add3A_3170 : vector<16xi1>, vector<16xf32>
        %iota3A_3172 = tpu.iota {dimensions = array<i32: 0>} : vector<16xi32>
        %xor3A_3173 = arith.constant 1 : i32
        %xor3A_3174 = vector.broadcast %xor3A_3173 : i32 to vector<16xi32>
        %xor3A_3175 = arith.xori %iota3A_3172, %xor3A_3174 : vector<16xi32>
        %reshape3A_3176 = vector.shape_cast %xor3A_3175 : vector<16xi32> to vector<16x1xi32>
        %gather3A_3177 = vector.shape_cast %reshape3A_3176 : vector<16x1xi32> to vector<16xi32>
        %gather3A_3178 = tpu.dynamic_gather %select_n3A_3086[%gather3A_3177] in [0] : vector<16xf32>, vector<16xi32> -> vector<16xf32>
        %add3A_3179 = arith.addf %select_n3A_3086, %gather3A_3178 : vector<16xf32>
        %iota3A_3180 = tpu.iota {dimensions = array<i32: 0>} : vector<16xi32>
        %xor3A_3181 = arith.constant 1 : i32
        %xor3A_3182 = vector.broadcast %xor3A_3181 : i32 to vector<16xi32>
        %xor3A_3183 = arith.xori %iota3A_3180, %xor3A_3182 : vector<16xi32>
        %reshape3A_3184 = vector.shape_cast %xor3A_3183 : vector<16xi32> to vector<16x1xi32>
        %gather3A_3185 = vector.shape_cast %reshape3A_3184 : vector<16x1xi32> to vector<16xi32>
        %gather3A_3186 = tpu.dynamic_gather %select_n3A_3137[%gather3A_3185] in [0] : vector<16xf32>, vector<16xi32> -> vector<16xf32>
        %add3A_3187 = arith.addf %select_n3A_3137, %gather3A_3186 : vector<16xf32>
        %select_n3A_3188 = arith.select %eq3A_24, %add3A_3179, %add3A_3187 : vector<16xi1>, vector<16xf32>
        %iota3A_3189 = tpu.iota {dimensions = array<i32: 0>} : vector<16xi32>
        %xor3A_3190 = arith.constant 1 : i32
        %xor3A_3191 = vector.broadcast %xor3A_3190 : i32 to vector<16xi32>
        %xor3A_3192 = arith.xori %iota3A_3189, %xor3A_3191 : vector<16xi32>
        %reshape3A_3193 = vector.shape_cast %xor3A_3192 : vector<16xi32> to vector<16x1xi32>
        %gather3A_3194 = vector.shape_cast %reshape3A_3193 : vector<16x1xi32> to vector<16xi32>
        %gather3A_3195 = tpu.dynamic_gather %select_n3A_3103[%gather3A_3194] in [0] : vector<16xf32>, vector<16xi32> -> vector<16xf32>
        %add3A_3196 = arith.addf %select_n3A_3103, %gather3A_3195 : vector<16xf32>
        %iota3A_3197 = tpu.iota {dimensions = array<i32: 0>} : vector<16xi32>
        %xor3A_3198 = arith.constant 1 : i32
        %xor3A_3199 = vector.broadcast %xor3A_3198 : i32 to vector<16xi32>
        %xor3A_3200 = arith.xori %iota3A_3197, %xor3A_3199 : vector<16xi32>
        %reshape3A_3201 = vector.shape_cast %xor3A_3200 : vector<16xi32> to vector<16x1xi32>
        %gather3A_3202 = vector.shape_cast %reshape3A_3201 : vector<16x1xi32> to vector<16xi32>
        %gather3A_3203 = tpu.dynamic_gather %select_n3A_3154[%gather3A_3202] in [0] : vector<16xf32>, vector<16xi32> -> vector<16xf32>
        %add3A_3204 = arith.addf %select_n3A_3154, %gather3A_3203 : vector<16xf32>
        %select_n3A_3205 = arith.select %eq3A_24, %add3A_3196, %add3A_3204 : vector<16xi1>, vector<16xf32>
        %iota3A_3206 = tpu.iota {dimensions = array<i32: 0>} : vector<16xi32>
        %xor3A_3207 = arith.constant 1 : i32
        %xor3A_3208 = vector.broadcast %xor3A_3207 : i32 to vector<16xi32>
        %xor3A_3209 = arith.xori %iota3A_3206, %xor3A_3208 : vector<16xi32>
        %reshape3A_3210 = vector.shape_cast %xor3A_3209 : vector<16xi32> to vector<16x1xi32>
        %gather3A_3211 = vector.shape_cast %reshape3A_3210 : vector<16x1xi32> to vector<16xi32>
        %gather3A_3212 = tpu.dynamic_gather %select_n3A_3120[%gather3A_3211] in [0] : vector<16xf32>, vector<16xi32> -> vector<16xf32>
        %add3A_3213 = arith.addf %select_n3A_3120, %gather3A_3212 : vector<16xf32>
        %iota3A_3214 = tpu.iota {dimensions = array<i32: 0>} : vector<16xi32>
        %xor3A_3215 = arith.constant 1 : i32
        %xor3A_3216 = vector.broadcast %xor3A_3215 : i32 to vector<16xi32>
        %xor3A_3217 = arith.xori %iota3A_3214, %xor3A_3216 : vector<16xi32>
        %reshape3A_3218 = vector.shape_cast %xor3A_3217 : vector<16xi32> to vector<16x1xi32>
        %gather3A_3219 = vector.shape_cast %reshape3A_3218 : vector<16x1xi32> to vector<16xi32>
        %gather3A_3220 = tpu.dynamic_gather %select_n3A_3171[%gather3A_3219] in [0] : vector<16xf32>, vector<16xi32> -> vector<16xf32>
        %add3A_3221 = arith.addf %select_n3A_3171, %gather3A_3220 : vector<16xf32>
        %select_n3A_3222 = arith.select %eq3A_24, %add3A_3213, %add3A_3221 : vector<16xi1>, vector<16xf32>
        %mul3A_3223 = arith.mulf %select_n3A_3205, %select_n3A_3222 : vector<16xf32>
        %ge3A = arith.constant 1.000000e-16 : f32
        %ge3A_3224 = vector.broadcast %ge3A : f32 to vector<16xf32>
        %ge3A_3225 = arith.cmpf oge, %mul3A_3223, %ge3A_3224 : vector<16xf32>
        %bitcast_convert_type3A = tpu.bitcast %mul3A_3223 : vector<16xf32> -> vector<16xi32>
        %shift_right_arithmetic3A = arith.constant 1 : i32
        %shift_right_arithmetic3A_3226 = vector.broadcast %shift_right_arithmetic3A : i32 to vector<16xi32>
        %shift_right_arithmetic3A_3227 = arith.shrsi %bitcast_convert_type3A, %shift_right_arithmetic3A_3226 : vector<16xi32>
        %sub3A_3228 = arith.constant 1597463007 : i32
        %sub3A_3229 = vector.broadcast %sub3A_3228 : i32 to vector<16xi32>
        %sub3A_3230 = arith.subi %sub3A_3229, %shift_right_arithmetic3A_3227 : vector<16xi32>
        %bitcast_convert_type3A_3231 = tpu.bitcast %sub3A_3230 : vector<16xi32> -> vector<16xf32>
        %mul3A_3232 = arith.constant 5.000000e-01 : f32
        %mul3A_3233 = vector.broadcast %mul3A_3232 : f32 to vector<16xf32>
        %mul3A_3234 = arith.mulf %mul3A_3233, %mul3A_3223 : vector<16xf32>
        %mul3A_3235 = arith.mulf %mul3A_3234, %bitcast_convert_type3A_3231 : vector<16xf32>
        %mul3A_3236 = arith.mulf %mul3A_3235, %bitcast_convert_type3A_3231 : vector<16xf32>
        %sub3A_3237 = arith.constant 1.500000e+00 : f32
        %sub3A_3238 = vector.broadcast %sub3A_3237 : f32 to vector<16xf32>
        %sub3A_3239 = arith.subf %sub3A_3238, %mul3A_3236 : vector<16xf32>
        %mul3A_3240 = arith.mulf %bitcast_convert_type3A_3231, %sub3A_3239 : vector<16xf32>
        %mul3A_3241 = arith.constant 5.000000e-01 : f32
        %mul3A_3242 = vector.broadcast %mul3A_3241 : f32 to vector<16xf32>
        %mul3A_3243 = arith.mulf %mul3A_3242, %mul3A_3223 : vector<16xf32>
        %mul3A_3244 = arith.mulf %mul3A_3243, %mul3A_3240 : vector<16xf32>
        %mul3A_3245 = arith.mulf %mul3A_3244, %mul3A_3240 : vector<16xf32>
        %sub3A_3246 = arith.constant 1.500000e+00 : f32
        %sub3A_3247 = vector.broadcast %sub3A_3246 : f32 to vector<16xf32>
        %sub3A_3248 = arith.subf %sub3A_3247, %mul3A_3245 : vector<16xf32>
        %mul3A_3249 = arith.mulf %mul3A_3240, %sub3A_3248 : vector<16xf32>
        %mul3A_3250 = arith.constant 5.000000e-01 : f32
        %mul3A_3251 = vector.broadcast %mul3A_3250 : f32 to vector<16xf32>
        %mul3A_3252 = arith.mulf %mul3A_3251, %mul3A_3223 : vector<16xf32>
        %mul3A_3253 = arith.mulf %mul3A_3252, %mul3A_3249 : vector<16xf32>
        %mul3A_3254 = arith.mulf %mul3A_3253, %mul3A_3249 : vector<16xf32>
        %sub3A_3255 = arith.constant 1.500000e+00 : f32
        %sub3A_3256 = vector.broadcast %sub3A_3255 : f32 to vector<16xf32>
        %sub3A_3257 = arith.subf %sub3A_3256, %mul3A_3254 : vector<16xf32>
        %mul3A_3258 = arith.mulf %mul3A_3249, %sub3A_3257 : vector<16xf32>
        %jit3A_3259 = arith.constant 1.000000e+08 : f32
        %broadcast_in_dim3A_3260 = vector.broadcast %jit3A_3259 : f32 to vector<16xf32>
        %select_n3A_3261 = arith.select %ge3A_3225, %mul3A_3258, %broadcast_in_dim3A_3260 : vector<16xi1>, vector<16xf32>
        %mul3A_3262 = arith.mulf %select_n3A_3188, %select_n3A_3261 : vector<16xf32>
        %mul3A_3263 = arith.constant 32 : i32
        %mul3A_3264 = arith.muli %scan3A_449, %mul3A_3263 : i32
        %mul3A_3265 = arith.constant 16 : i32
        %mul3A_3266 = arith.muli %scan3A_522, %mul3A_3265 : i32
        %add3A_3267 = arith.addi %mul3A_3264, %mul3A_3266 : i32
        %swap3A = arith.index_cast %add3A_3267 : i32 to index
        %swap3A_3268 = tpu.vector_load %arg11[%swap3A] {strides = array<i32>} : memref<512xf32, #tpu.memory_space<vmem>>, vector<16xf32>,
        %swap3A_3269 = vector.shape_cast %swap3A_3268 : vector<16xf32> to vector<16xf32>
        %swap3A_3270 = vector.shape_cast %mul3A_3262 : vector<16xf32> to vector<16xf32>
        tpu.vector_store %arg11[%swap3A], %swap3A_3270 {strides = array<i32>} : memref<512xf32, #tpu.memory_space<vmem>>, vector<16xf32>,
        %scan3A_3271 = arith.constant 0 : i32
        scf.yield %scan3A_3271 : i32
      }
      %scan3A_515 = arith.constant 2 : i32
      %add3A_516 = arith.constant 8 : i32
      %add3A_517 = arith.addi %scan3A_449, %add3A_516 : i32
      %lt3A_518 = arith.constant 16 : i32
      %lt3A_519 = arith.cmpi slt, %add3A_517, %lt3A_518 : i32
      %convert_element_type3A = arith.extui %lt3A_519 : i1 to i32
      %cond3A = arith.constant 0 : i32
      %cond3A_520 = arith.cmpi ne, %convert_element_type3A, %cond3A : i32
      scf.if %cond3A_520 {
        %add3A_522 = arith.constant 8 : i32
        %add3A_523 = arith.addi %scan3A_449, %add3A_522 : i32
        %jit3A_524 = arith.constant 4 : i32
        %div3A_525 = arith.divsi %add3A_523, %jit3A_524 : i32
        %sign3A_526 = arith.constant 0 : i32
        %sign3A_527 = arith.cmpi sgt, %add3A_523, %sign3A_526 : i32
        %sign3A_528 = arith.extui %sign3A_527 : i1 to i32
        %sign3A_529 = arith.constant 0 : i32
        %sign3A_530 = arith.cmpi slt, %add3A_523, %sign3A_529 : i32
        %sign3A_531 = arith.extui %sign3A_530 : i1 to i32
        %sign3A_532 = arith.subi %sign3A_528, %sign3A_531 : i32
        %sign3A_533 = arith.constant 0 : i32
        %sign3A_534 = arith.cmpi sgt, %jit3A_524, %sign3A_533 : i32
        %sign3A_535 = arith.extui %sign3A_534 : i1 to i32
        %sign3A_536 = arith.constant 0 : i32
        %sign3A_537 = arith.cmpi slt, %jit3A_524, %sign3A_536 : i32
        %sign3A_538 = arith.extui %sign3A_537 : i1 to i32
        %sign3A_539 = arith.subi %sign3A_535, %sign3A_538 : i32
        %ne3A_540 = arith.cmpi ne, %sign3A_532, %sign3A_539 : i32
        %rem3A_541 = arith.remsi %add3A_523, %jit3A_524 : i32
        %ne3A_542 = arith.constant 0 : i32
        %ne3A_543 = arith.cmpi ne, %rem3A_541, %ne3A_542 : i32
        %and3A_544 = arith.andi %ne3A_540, %ne3A_543 : i1
        %sub3A_545 = arith.constant 1 : i32
        %sub3A_546 = arith.subi %div3A_525, %sub3A_545 : i32
        %select_n3A_547 = arith.select %and3A_544, %sub3A_546, %div3A_525 : i32
        %jit3A_548 = arith.constant 4 : i32
        %eq3A_549 = arith.constant 0 : i32
        %eq3A_550 = arith.cmpi eq, %jit3A_548, %eq3A_549 : i32
        %jit3A_551 = arith.constant 1 : i32
        %select_n3A_552 = arith.select %eq3A_550, %jit3A_551, %jit3A_548 : i32
        %rem3A_553 = arith.remsi %add3A_523, %select_n3A_552 : i32
        %ne3A_554 = arith.constant 0 : i32
        %ne3A_555 = arith.cmpi ne, %rem3A_553, %ne3A_554 : i32
        %lt3A_556 = arith.constant 0 : i32
        %lt3A_557 = arith.cmpi slt, %rem3A_553, %lt3A_556 : i32
        %lt3A_558 = arith.constant 0 : i32
        %lt3A_559 = arith.cmpi slt, %select_n3A_552, %lt3A_558 : i32
        %ne3A_560 = arith.xori %lt3A_557, %lt3A_559 : i1
        %and3A_561 = arith.andi %ne3A_560, %ne3A_555 : i1
        %add3A_562 = arith.addi %rem3A_553, %select_n3A_552 : i32
        %select_n3A_563 = arith.select %and3A_561, %add3A_562, %rem3A_553 : i32
        %mul3A_564 = arith.constant 32 : i32
        %mul3A_565 = arith.muli %select_n3A_563, %mul3A_564 : i32
        %mul3A_566 = arith.constant 32 : i32
        %mul3A_567 = arith.muli %rem3A_451, %mul3A_566 : i32
        %dma_start3A_568 = arith.constant 0 : i32
        %dma_start3A_569 = tpu.memref_slice %arg9[%mul3A_567, %dma_start3A_568] : memref<256x128xf32, #tpu.memory_space<vmem>> -> memref<32x128xf32, #tpu.memory_space<vmem>>
        %dma_start3A_570 = tpu.memref_slice %arg7[%select_n3A_547, %mul3A_565] : memref<4x128xi32, #tpu.memory_space<vmem>> -> memref<1x32xi32, #tpu.memory_space<vmem>>
        %dma_start3A_571 = tpu.memref_squeeze %dma_start3A_570 : memref<1x32xi32, #tpu.memory_space<vmem>> -> memref<32xi32, #tpu.memory_space<vmem>>
        %dma_start3A_572 = arith.constant 0 : i32
        %dma_start3A_573 = arith.constant 0 : i32
        %dma_start3A_574 = tpu.memref_slice %arg4[%dma_start3A_572, %dma_start3A_573] : memref<100000x128xf32, #tpu.memory_space<hbm>> -> memref<100000x128xf32, #tpu.memory_space<hbm>>
        %dma_start3A_575 = tpu.memref_slice %arg13[%rem3A_451] : memref<8x!tpu.dma_semaphore, #tpu.memory_space<semaphore_mem>> -> memref<1x!tpu.dma_semaphore, #tpu.memory_space<semaphore_mem>>
        %dma_start3A_576 = tpu.memref_squeeze %dma_start3A_575 : memref<1x!tpu.dma_semaphore, #tpu.memory_space<semaphore_mem>> -> memref<!tpu.dma_semaphore, #tpu.memory_space<semaphore_mem>>
        tpu.enqueue_indirect_dma source(%dma_start3A_574 : memref<100000x128xf32, #tpu.memory_space<hbm>>) target(%dma_start3A_569 : memref<32x128xf32, #tpu.memory_space<vmem>>) offsets(%dma_start3A_571 : memref<32xi32, #tpu.memory_space<vmem>>) semaphore(%dma_start3A_576 : memref<!tpu.dma_semaphore, #tpu.memory_space<semaphore_mem>>)
        %dma_start3A_577 = arith.constant 0 : i32
        %dma_start3A_578 = tpu.memref_slice %arg10[%mul3A_567, %dma_start3A_577] : memref<256x128xf32, #tpu.memory_space<vmem>> -> memref<32x128xf32, #tpu.memory_space<vmem>>
        %dma_start3A_579 = tpu.memref_slice %arg8[%select_n3A_547, %mul3A_565] : memref<4x128xi32, #tpu.memory_space<vmem>> -> memref<1x32xi32, #tpu.memory_space<vmem>>
        %dma_start3A_580 = tpu.memref_squeeze %dma_start3A_579 : memref<1x32xi32, #tpu.memory_space<vmem>> -> memref<32xi32, #tpu.memory_space<vmem>>
        %dma_start3A_581 = arith.constant 0 : i32
        %dma_start3A_582 = arith.constant 0 : i32
        %dma_start3A_583 = tpu.memref_slice %arg5[%dma_start3A_581, %dma_start3A_582] : memref<100000x128xf32, #tpu.memory_space<hbm>> -> memref<100000x128xf32, #tpu.memory_space<hbm>>
        %dma_start3A_584 = tpu.memref_slice %arg14[%rem3A_451] : memref<8x!tpu.dma_semaphore, #tpu.memory_space<semaphore_mem>> -> memref<1x!tpu.dma_semaphore, #tpu.memory_space<semaphore_mem>>
        %dma_start3A_585 = tpu.memref_squeeze %dma_start3A_584 : memref<1x!tpu.dma_semaphore, #tpu.memory_space<semaphore_mem>> -> memref<!tpu.dma_semaphore, #tpu.memory_space<semaphore_mem>>
        tpu.enqueue_indirect_dma source(%dma_start3A_583 : memref<100000x128xf32, #tpu.memory_space<hbm>>) target(%dma_start3A_578 : memref<32x128xf32, #tpu.memory_space<vmem>>) offsets(%dma_start3A_580 : memref<32xi32, #tpu.memory_space<vmem>>) semaphore(%dma_start3A_585 : memref<!tpu.dma_semaphore, #tpu.memory_space<semaphore_mem>>)
      } else {
      }
      %scan3A_521 = arith.constant 0 : i32
      scf.yield %scan3A_521 : i32
    }
    %scan3A_444 = arith.constant 16 : i32
    %dma_start3A_445 = tpu.memref_slice %arg6[%mul3A_2] : memref<16384xf32, #tpu.memory_space<hbm>> -> memref<512xf32, #tpu.memory_space<hbm>>
    %dma_start3A_446 = tpu.memref_slice %arg6[%mul3A_2] : memref<16384xf32, #tpu.memory_space<hbm>> -> memref<512xf32, #tpu.memory_space<hbm>>
    tpu.enqueue_dma source(%arg11 : memref<512xf32, #tpu.memory_space<vmem>>) target(%dma_start3A_446 : memref<512xf32, #tpu.memory_space<hbm>>) target_semaphore(%arg15 : memref<!tpu.dma_semaphore, #tpu.memory_space<semaphore_mem>>)
    %dma_wait3A_447 = tpu.memref_slice %arg6[%mul3A_2] : memref<16384xf32, #tpu.memory_space<hbm>> -> memref<512xf32, #tpu.memory_space<hbm>>
    %dma_wait3A_448 = tpu.memref_slice %arg6[%mul3A_2] : memref<16384xf32, #tpu.memory_space<hbm>> -> memref<512xf32, #tpu.memory_space<hbm>>
    tpu.wait_dma2 semaphore(%arg15 : memref<!tpu.dma_semaphore, #tpu.memory_space<semaphore_mem>>) src(%arg11 : memref<512xf32, #tpu.memory_space<vmem>>) dst(%dma_wait3A_448 : memref<512xf32, #tpu.memory_space<hbm>>)
    return
  }
}

</mosaic_0001>

<sc_bundles>
// kernel: kernel.3.cloned.1.call-start
scs
__scs_entry_jumppad:
0x0: {  	(pc) =	sbr.rel $0x88, $3  }
0x1: {  	(tag) =	ssettag $0x0;
	lr =	simm.s32 $0x1  }
0x2: {  	[smem:$0x3F9D] =	sst lr;
	_ =	strace $0xD0000000  }
0x3: {  	_ = 	snop  }
0x4: {  	_ = 	snop  }
0x5: {  	_ = 	snop  }
0x6: {  	_ = 	snop  }
0x7: {  	_ = 	snop  }
__scs_overlays_trampoline_lowered:
0x8: {  	[smem:$0x3FAC] =	sst s0  }
0x9: {  	[smem:$0x3FAD] =	sst s1  }
0xa: {  	[smem:$0x3FAE] =	sst s2  }
0xb: {  	[smem:$0x3FAF] =	sst s3  }
0xc: {  	[smem:$0x3FB0] =	sst s4  }
0xd: {  	[smem:$0x3FB1] =	sst s5  }
0xe: {  	[smem:$0x3FB2] =	sst s6  }
0xf: {  	[smem:$0x3FB3] =	sst s7  }
0x10: {  	[smem:$0x3FB4] =	sst s8  }
0x11: {  	[smem:$0x3FB5] =	sst s9;
	s0 =	simm.s32 @!p0 $0x0  }
0x12: {  	s1 =	sld [smem:$0x3F9B];
	s0 =	simm.s32 @p0 $0x1  }
0x13: {  	[smem:$0x3FB6] =	sst s0;
	s0 =	simm.s32 @!p1 $0x0  }
0x14: {  	s2 =	sld [smem:$0x3F9A];
	s0 =	simm.s32 @p1 $0x1  }
0x15: {  	[smem:$0x3FB7] =	sst s0;
	s0 =	simm.s32 @!p2 $0x0  }
0x16: {  	s3 =	sld [smem:$0x3FDB];
	s0 =	simm.s32 @p2 $0x1  }
0x17: {  	s4 =	simm.s32 $0x1BF5;
	[smem:$0x3FB9] =	sst s0  }
0x18: {  	s0 =	sld [smem:$0x3F9C];
	_ =	swait.ge [sflag:s4], $0x0  }
0x19: {  	s7 =	sld [smem:$0x3F9D]  }
0x1a: {  	s8 =	sadd.s32 $0xFFFFE003, lr  }
0x1b: {  	s9 =	sadd.s32 $0xFFFFFEF7, lr;
	s5 =	simm.s32 $0xFFFFFFFF;
	p2 =	slt.u32 s8, $0xFFFFF086  }
0x1c: {  	p1 =	slt.u32 s9, $0xF7A;
	s5 =	simm.s32 @!p2 $0x0  }
0x1d: {  	s5 =	simm.s32 @p1 $0x1;
	p0 =	seq.s32 s7, s2  }
0x1e: {  	s7 =	smul.u32 @!p0 $0xF7A, s2;
	p2 =	seq.s32 @!p0 s5, $0x0  }
0x1f: {  	s9 =	smul.u32 $0xF7A, s1;
	s8 =	simm.s32 @!p0 $0x1BF5;
	p2 =	por !p2, p0  }
0x20: {  	[sflag:s8] =	ssyncset.s32 @!p0 $0xFFFFF086;
	s6 =	sadd.s32 @!p0 s3, s7;
	s7 =	simm.s32 @!p0 $0x108  }
0x21: {  	s3 =	sadd.s32 s3, s9;
	s6 =	sadd.s32 @!p0 $0x88, s6;
	s7 =	simm.s32 @p2 $0x1082  }
0x22: {  	[simem:s7], [sflag:s8] =	dma.local @!p0 [hbm:s6], $0xF7A  }
0x23: {  	s9 =	sor.u32 $0xD0000000, s2;
	s6 =	simm.s32 $0x108;
	_ =	swait.ge @!p0 [sflag:s8], $0x0  }
0x24: {  	s3 =	sadd.s32 $0x88, s3;
	s6 =	simm.s32 @!p1 $0x1082;
	[sflag:s4] =	ssyncset.s32 $0xFFFFF086  }
0x25: {  	[simem:s6], [sflag:s4] =	dma.local [hbm:s3], $0xF7A  }
0x26: {  	[smem:$0x3F9D] =	sst s1;
	(tag) =	ssettag s2;
	_ =	strace s9  }
0x27: {  	s1 =	sld [smem:$0x3FAD]  }
0x28: {  	s2 =	sld [smem:$0x3FAE]  }
0x29: {  	s4 =	sld [smem:$0x3FB0]  }
0x2a: {  	p0 =	seq.s32 s5, $0x0;
	s5 =	sld [smem:$0x3FB1]  }
0x2b: {  	s6 =	sld [smem:$0x3FB2]  }
0x2c: {  	s7 =	sld [smem:$0x3FB3]  }
0x2d: {  	s3 =	simm.s32 $0x108;
	s8 =	sld [smem:$0x3FB4]  }
0x2e: {  	s3 =	simm.s32 @!p0 $0x1082;
	s9 =	sld [smem:$0x3FB5]  }
0x2f: {  	lr =	sadd.s32 s0, s3;
	s0 =	sld [smem:$0x3FAC]  }
0x30: {  	s3 =	sld [smem:$0x3FAF]  }
0x31: {  	[smem:$0x3FB8] =	sst s10  }
0x32: {  	s10 =	sld [smem:$0x3FB6];
	_ =	sdelay $0x3  }
0x33: {  	p0 =	seq.s32 s10, $0x1;
	s10 =	sld [smem:$0x3FB8];
	_ =	sdelay $0x3  }
0x34: {  	[smem:$0x3FB8] =	sst s10  }
0x35: {  	s10 =	sld [smem:$0x3FB7];
	_ =	sdelay $0x3  }
0x36: {  	p1 =	seq.s32 s10, $0x1;
	s10 =	sld [smem:$0x3FB8];
	_ =	sdelay $0x3  }
0x37: {  	[smem:$0x3FB8] =	sst s10  }
0x38: {  	s10 =	sld [smem:$0x3FB9]  }
0x39: {  	_ = 	snop;
	(pc) =	sbr.ind lr, $3  }
0x3a: {  	_ = 	snop  }
0x3b: {  	_ = 	snop  }
0x3c: {  	p2 =	seq.s32 s10, $0x1;
	s10 =	sld [smem:$0x3FB8]  }
0x3d: {  	_ =	shalt  }
0x3e: {  	_ =	shalt  }
0x3f: {  	_ =	shalt  }
0x40: {  	_ =	shalt  }
0x41: {  	_ =	shalt  }
0x42: {  	_ =	shalt  }
0x43: {  	_ =	shalt  }
0x44: {  	_ =	shalt  }
0x45: {  	_ =	shalt  }
0x46: {  	_ =	shalt  }
0x47: {  	_ =	shalt  }
0x48: {  	_ =	shalt  }
0x49: {  	_ =	shalt  }
0x4a: {  	_ =	shalt  }
0x4b: {  	_ =	shalt  }
0x4c: {  	_ =	shalt  }
0x4d: {  	_ =	shalt  }
0x4e: {  	_ =	shalt  }
0x4f: {  	_ =	shalt  }
0x50: {  	_ =	shalt  }
0x51: {  	_ =	shalt  }
0x52: {  	_ =	shalt  }
0x53: {  	_ =	shalt  }
0x54: {  	_ =	shalt  }
0x55: {  	_ =	shalt  }
0x56: {  	_ =	shalt  }
0x57: {  	_ =	shalt  }
0x58: {  	_ =	shalt  }
0x59: {  	_ =	shalt  }
0x5a: {  	_ =	shalt  }
0x5b: {  	_ =	shalt  }
0x5c: {  	_ =	shalt  }
0x5d: {  	_ =	shalt  }
0x5e: {  	_ =	shalt  }
0x5f: {  	_ =	shalt  }
0x60: {  	_ =	shalt  }
0x61: {  	_ =	shalt  }
0x62: {  	_ =	shalt  }
0x63: {  	_ =	shalt  }
0x64: {  	_ =	shalt  }
0x65: {  	_ =	shalt  }
0x66: {  	_ =	shalt  }
0x67: {  	_ =	shalt  }
0x68: {  	_ =	shalt  }
0x69: {  	_ =	shalt  }
0x6a: {  	_ =	shalt  }
0x6b: {  	_ =	shalt  }
0x6c: {  	_ =	shalt  }
0x6d: {  	_ =	shalt  }
0x6e: {  	_ =	shalt  }
0x6f: {  	_ =	shalt  }
0x70: {  	_ =	shalt  }
0x71: {  	_ =	shalt  }
0x72: {  	_ =	shalt  }
0x73: {  	_ =	shalt  }
0x74: {  	_ =	shalt  }
0x75: {  	_ =	shalt  }
0x76: {  	_ =	shalt  }
0x77: {  	_ =	shalt  }
0x78: {  	_ =	shalt  }
0x79: {  	_ =	shalt  }
0x7a: {  	_ =	shalt  }
0x7b: {  	_ =	shalt  }
0x7c: {  	_ =	shalt  }
0x7d: {  	_ =	shalt  }
0x7e: {  	_ =	shalt  }
0x7f: {  	_ =	shalt  }
0x80: {  	_ =	shalt  }
0x81: {  	_ =	shalt  }
0x82: {  	_ =	shalt  }
0x83: {  	_ =	shalt  }
0x84: {  	_ =	shalt  }
0x85: {  	_ =	shalt  }
0x86: {  	_ =	shalt  }
0x87: {  	_ =	shalt  }
.Lfunc_end0:
.L_simem_size_0:
called_computation_lowered:
.L_overlay_start_0:
0x88: {  	s2 =	sld [smem:$0x3FD9]  }
0x89: {  	s3 =	sld [smem:$0x3FFE];
	_ =	sdelay $0x1  }
0x8a: {  	s1 =	srdreg.scid  }
0x8b: {  	s0 =	sand.u32 $0x1, s1  }
0x8c: {  	s18 =	sshll.u32 s0, $0xA;
	s2 =	sadd.s32 s3, s2  }
0x8d: {  	s2 =	sadd.s32 s2, s18  }
0x8e: {  	[smem:$0x3FC4] =	sst s2  }
0x8f: {  	_ = 	snop  }
0x90: {  	s2 =	sld [smem:$0x3FC9]  }
0x91: {  	s19 =	sld [smem:$0x3FC8]  }
0x92: {  	s4 =	sld [smem:$0x3FC7]  }
0x93: {  	s5 =	sld [smem:$0x3FC6]  }
0x94: {  	s6 =	sld [smem:$0x3FD0];
	(tm) =	ssettm $0x1  }
0x95: {  	s7 =	sld [smem:$0x3FFB];
	_ =	sdelay $0x3  }
0x96: {  	_ =	strace s7  }
0x97: {  	s7 =	sld [smem:$0x3FFC];
	_ =	sdelay $0x3  }
0x98: {  	_ =	strace s7  }
0x99: {  	s7 =	sld [smem:$0x3FFD];
	_ =	sdelay $0x3  }
0x9a: {  	_ =	strace s7  }
0x9b: {  	_ =	strace $0x8FFFFFFF  }
0x9c: {  	s20 =	sld [smem:$0x3FDB];
	_ =	sdelay $0x1  }
0x9d: {  	s8 =	simm.s32 $_scs_section_size  }
0x9e: {  	s9 =	simm.s32 $_size__tile_overlayer_lowered;
	s10 =	simm.s32 $_tile_overlayer_lowered  }
0x9f: {  	s23 =	simm.s32 $0x1BFF;
	s22 =	sshll.u32 s10, $0x1;
	s7 =	sadd.s32 s8, s20  }
0xa0: {  	s11 =	simm.s32 $0x0;
	s21 =	sshll.u32 s9, $0x1;
	s9 =	sadd.s32 s22, s7  }
0xa1: {  	[timem:s11], [sflag:s23] =	dma.local [hbm:s9], s21  }
0xa2: {  	_ =	swait.ge [sflag:s23], s21  }
0xa3: {  	s8 =	ssub.s32 $0x0, s21;
	[sflag:s23] =	ssyncset.done $0x0  }
0xa4: {  	[sflag:s23] =	ssyncadd.s32 s8;
	_ =	sdelay $0x1  }
0xa5: {  	s24 =	simm.s32 $0x1B8B  }
0xa6: {  	_ =	swait.ge [sflag:s24], $0x1  }
0xa7: {  	[sflag:s24] =	ssyncset.done $0x0  }
0xa8: {  	s25 =	simm.s32 $0x1B8E;
	[sflag:s24] =	ssyncadd.s32 $0xFFFFFFFF  }
0xa9: {  	s26 =	simm.s32 $execute0_lowered;
	[smem:$0x3FD2] =	sst s25  }
0xaa: {  	s8 =	sshll.u32 s26, $0x1;
	_ =	strace $0x80000046;
	[dreg:$0x1] =	wrdreg $0xFFFFFFFF  }
0xab: {  	s28 =	simm.s32 $_size_execute0_lowered;
	s7 =	sadd.s32 s7, s8;
	[dreg:$0x0] =	wrdreg $0x0  }
0xac: {  	s8 =	sshll.u32 s28, $0x1;
	[dreg:$0x2] =	wrdreg s7  }
0xad: {  	[dreg:$0x3] =	wrdreg s8  }
0xae: {  	[dreg:$0x4] =	wrdreg $0xC0  }
0xaf: {  	_ =	task [dreg:s11], $0x5FFFF  }
0xb0: {  	[dreg:$0x1] =	wrdreg $0xFFFFFFFF  }
0xb1: {  	[dreg:$0x0] =	wrdreg $0x60  }
0xb2: {  	[dreg:$0x2] =	wrdreg s2  }
0xb3: {  	[dreg:$0x3] =	wrdreg s19  }
0xb4: {  	[dreg:$0x4] =	wrdreg s4  }
0xb5: {  	[dreg:$0x5] =	wrdreg s5  }
0xb6: {  	[dreg:$0x6] =	wrdreg s6  }
0xb7: {  	[dreg:$0x7] =	wrdreg $0x9  }
0xb8: {  	_ =	task.clear_ibuf [dreg:s11], $0x8FFFF;
	_ =	strace $0x90000046  }
0xb9: {  	s29 =	simm.s32 $0x9;
	_ =	strace $0x80000048  }
0xba: {  	_ =	swait.ge [sflag:s29], $0x1  }
0xbb: {  	[sflag:s29] =	ssyncadd.s32 $0xFFFFFFFF  }
0xbc: {  	_ =	strace $0x90000048  }
0xbd: {  	_ =	sfence  }
0xbe: {  	s30 =	sld [smem:$0x0];
	_ =	sdelay $0x2  }
0xbf: {  	s31 =	sshll.u32 s1, $0xD;
	s1 =	sshrl.u32 s1, $0x2  }
0xc0: {  	s3 =	sand.u32 $0x4000, s31;
	s1 =	sadd.s32 s1, s30  }
0xc1: {  	s0 =	sor.u32 s3, s0;
	s1 =	sshll.u32 s1, $0x11  }
0xc2: {  	s0 =	sor.u32 s1, s0  }
0xc3: {  	s0 =	sadd.s32 $0x8F2B, s0  }
0xc4: {  	[sflag:s0] =	ssyncadd.remote.s32 $0x1  }
0xc5: {  	_ =	sfence.sel $0xFFFF  }
0xc6: {  	[dreg:$0x0] =	wrdreg $0xFFFFFFFF;
	(pc) =	sbr.abs _section_cstart, $3  }
0xc7: {  	[dreg:$0x1] =	wrdreg $0xFFFFFFFF  }
0xc8: {  	_ =	task.clear_ibuf [dreg:s11], $0x2FFFF;
	_ =	strace $0x9FFFFFFF  }
0xc9: {  	(tm) =	ssettm $0x7FFFFFFF  }
tec
execute0_lowered:
.L_overlay_start_1:
0x0: {  	(tag) =	ssettag $0x1  }
0x1: {  	v0 =	vimm.s32 $0x76543210;
	v1 =	vimm.s32 $0xFEDCBA98;
	v2 =	vimm.s32 $0xBA98FEDC  }
0x2: {  	v3 =	vimm.s32 $0x32107654;
	v4 =	vimm.s32 $0xDCFE98BA;
	v5 =	vimm.s32 $0x54761032  }
0x3: {  	vm0 =	vcmask $0x2F20;
	vm1 =	vcmask $0xF00;
	vm2 =	vcmask $0x1710  }
0x4: {  	vm3 =	vcmask $0x700;
	vm4 =	vcmask $0x300;
	v1 =	vunpack.c.l.s4.s8 v1  }
0x5: {  	s0 =	rddreg [dreg:$0x0];
	v0 =	vunpack.c.l.s4.s8 v0;
	v2 =	vunpack.c.l.s4.s8 v2;
	v3 =	vunpack.c.l.s4.s8 v3  }
0x6: {  	s3 =	rddreg [dreg:$0x1];
	v4 =	vunpack.c.l.s4.s8 v4;
	vm0 =	vmor vm1, vm0;
	v1 =	vunpack.c.0.s8.s32 v1  }
0x7: {  	s1 =	rddreg [dreg:$0x2];
	v0 =	vunpack.c.0.s8.s32 v0;
	v2 =	vunpack.c.0.s8.s32 v2;
	v3 =	vunpack.c.0.s8.s32 v3  }
0x8: {  	s2 =	rddreg [dreg:$0x3];
	vm1 =	vmor vm3, vm2;
	vm3 =	vcmask $0xB08;
	v1 =	vand.u32 $0xF, v1  }
0x9: {  	s13 =	rddreg [dreg:$0x4];
	s5 =	srdreg.scid;
	s4 =	simm.s32 $0x0;
	v0 =	vcombine.low v1, v0;
	v1 =	vcombine.low v3, v2;
	v2 =	vunpack.c.l.s4.s8 v5  }
0xa: {  	s7 =	stileid.u32;
	s16 =	simm.s32 $0x80;
	s17 =	simm.s32 $0x280;
	vm2 =	vcmask $0x2720;
	vm3 =	vmor vm4, vm3  }
0xb: {  	s22 =	simm.s32 $0x1;
	s23 =	simm.s32 $0x20;
	s24 =	simm.s32 $0x2;
	vm4 =	vcmask $0x1310;
	v3 =	vunpack.c.0.s8.s32 v4;
	v2 =	vunpack.c.0.s8.s32 v2  }
0xc: {  	s28 =	simm.s32 $0x3;
	s29 =	simm.s32 $0x4;
	s5 =	sand.u32 $0x1, s5;
	vm1 =	vmor vm1, vm2;
	vm2 =	vcmask $0x3730;
	vm3 =	vmor vm3, vm4  }
0xd: {  	s31 =	simm.s32 $0x15;
	s7 =	sshll.u32 s7, $0x7;
	s6 =	ssub.s32 $0x2, s5;
	v4 =	vimm.s32 $0x67452301;
	v2 =	vcombine.low v2, v3;
	v3 =	vimm.s32 $0xEFCDAB89  }
0xe: {  	[smem:$0x7FF] =	sst s4;
	s5 =	sshll.u32 s5, $0x6;
	s8 =	sshrl.u32 s6, $0x1;
	vm4 =	vcmask $0x1B18;
	v4 =	vunpack.c.l.s4.s8 v4;
	v3 =	vunpack.c.l.s4.s8 v3  }
0xf: {  	_ =	strace $0x80000047;
	s14 =	sor.u32 s5, s7;
	vm1 =	vmor vm1, vm2;
	s15 =	ssub.s32 s6, s8;
	vm2 =	vmor vm3, vm4  }
0x10: {  	s30 =	sor.u32 $0x10, s14;
	s5 =	sadd.s32 s0, s14;
	s6 =	sadd.s32 s3, s14;
	vm3 =	vcmask $0x2320;
	v4 =	vunpack.c.0.s8.s32 v4;
	v3 =	vunpack.c.0.s8.s32 v3  }
0x11: {  	s10 =	sor.u32 $0x20, s14;
	s12 =	sor.u32 $0x30, s14;
	s13 =	sadd.s32 s13, s14;
	vm4 =	vcmask $0x2B28;
	vm3 =	vmor vm2, vm3;
	vm2 =	vmmov $0xff  }
0x12: {  	s7 =	sadd.s32 s0, s30;
	s8 =	sadd.s32 s3, s30;
	s9 =	sadd.s32 s0, s10;
	vm3 =	vmor vm3, vm4;
	vm4 =	vcmask $0x3330;
	v3 =	vcombine.low v4, v3  }
0x13: {  	s10 =	sadd.s32 s3, s10;
	s11 =	sadd.s32 s0, s12;
	s12 =	sadd.s32 s3, s12;
	vm3 =	vmor vm3, vm4;
	vm4 =	vcmask $0x3B38;
	v1 =	vand.u32 $0xF, v1  }
0x14: {  	s14 =	smax.u32 s15, $0x1;
	s15 =	simm.s32 $0x200;
	s0 =	simm.s32 $0x0;
	vm3 =	vmor vm3, vm4;
	v2 =	vand.u32 $0xF, v2;
	v3 =	vand.u32 $0xF, v3  }
.LBB2_1:
0x15: {  	[tilespmem:s4], [sflag:$0x1] =	stream.linear.gather [hbm4b:s5+s4], $0x80, $0x38;
	[tilespmem:$0x10600] =	vst v63  }
0x16: {  	_ = 	snop  }
0x17: {  	[tilespmem:s15], [sflag:$0x1] =	stream.linear.gather [hbm4b:s6+s4], $0x80, $0x38;
	[tilespmem:$0x10600] =	vst v63  }
0x18: {  	_ = 	snop  }
0x19: {  	[tilespmem:s16], [sflag:$0x2] =	stream.linear.gather [hbm4b:s7+s4], $0x80, $0x38;
	[tilespmem:$0x10600] =	vst v63  }
0x1a: {  	_ = 	snop  }
0x1b: {  	[tilespmem:s17], [sflag:$0x2] =	stream.linear.gather [hbm4b:s8+s4], $0x80, $0x38;
	[tilespmem:$0x10600] =	vst v63  }
0x1c: {  	s3 =	simm.s32 $0x100  }
0x1d: {  	[tilespmem:s3], [sflag:$0x3] =	stream.linear.gather [hbm4b:s9+s4], $0x80, $0x38;
	[tilespmem:$0x10600] =	vst v63  }
0x1e: {  	s26 =	simm.s32 $0x300  }
0x1f: {  	[tilespmem:s26], [sflag:$0x3] =	stream.linear.gather [hbm4b:s10+s4], $0x80, $0x38;
	[tilespmem:$0x10600] =	vst v63  }
0x20: {  	s30 =	simm.s32 $0x180  }
0x21: {  	[tilespmem:s30], [sflag:$0x4] =	stream.linear.gather [hbm4b:s11+s4], $0x80, $0x38;
	[tilespmem:$0x10600] =	vst v63  }
0x22: {  	s18 =	simm.s32 $0x380  }
0x23: {  	[tilespmem:s18], [sflag:$0x4] =	stream.linear.gather [hbm4b:s12+s4], $0x80, $0x38;
	[tilespmem:$0x10600] =	vst v63  }
0x24: {  	_ =	swait.ge [sflag:s22], $0x80  }
0x25: {  	[sflag:s22] =	ssyncset.done $0x0  }
0x26: {  	[sflag:s22] =	ssyncadd.s32 $0xFFFFFF80  }
0x27: {  	_ =	swait.ge [sflag:s22], $0x80  }
0x28: {  	[sflag:s22] =	ssyncset.done $0x0  }
0x29: {  	s19 =	simm.s32 $0x400;
	[sflag:s22] =	ssyncadd.s32 $0xFFFFFF80  }
0x2a: {  	[tilespmem:s19], [sflag:$0x5] =	stream.indirect.gather [hbm4b:s1+s23], $0x80, s4, s23, $0xb8;
	[tilespmem:$0x10600] =	vst v63  }
0x2b: {  	s20 =	simm.s32 $0x8400  }
0x2c: {  	[tilespmem:s20], [sflag:$0xD] =	stream.indirect.gather [hbm4b:s2+s23], $0x80, s15, s23, $0xb8;
	[tilespmem:$0x10600] =	vst v63  }
0x2d: {  	s21 =	simm.s32 $0x1400  }
0x2e: {  	[tilespmem:s21], [sflag:$0x6] =	stream.indirect.gather [hbm4b:s1+s23], $0x80, s23, s23, $0xb8;
	[tilespmem:$0x10600] =	vst v63  }
0x2f: {  	s25 =	simm.s32 $0x220;
	s18 =	simm.s32 $0x9400  }
0x30: {  	[tilespmem:s18], [sflag:$0xE] =	stream.indirect.gather [hbm4b:s2+s23], $0x80, s25, s23, $0xb8;
	[tilespmem:$0x10600] =	vst v63  }
0x31: {  	s26 =	simm.s32 $0x40;
	s30 =	simm.s32 $0x2400  }
0x32: {  	[tilespmem:s30], [sflag:$0x7] =	stream.indirect.gather [hbm4b:s1+s23], $0x80, s26, s23, $0xb8;
	[tilespmem:$0x10600] =	vst v63  }
0x33: {  	s19 =	simm.s32 $0xA400;
	s18 =	simm.s32 $0x240  }
0x34: {  	[tilespmem:s19], [sflag:$0xF] =	stream.indirect.gather [hbm4b:s2+s23], $0x80, s18, s23, $0xb8;
	[tilespmem:$0x10600] =	vst v63  }
0x35: {  	s20 =	simm.s32 $0x60;
	s21 =	simm.s32 $0x3400  }
0x36: {  	[tilespmem:s21], [sflag:$0x8] =	stream.indirect.gather [hbm4b:s1+s23], $0x80, s20, s23, $0xb8;
	[tilespmem:$0x10600] =	vst v63  }
0x37: {  	s25 =	simm.s32 $0x260;
	s26 =	simm.s32 $0xB400  }
0x38: {  	[tilespmem:s26], [sflag:$0x10] =	stream.indirect.gather [hbm4b:s2+s23], $0x80, s25, s23, $0xb8;
	[tilespmem:$0x10600] =	vst v63  }
0x39: {  	_ =	swait.ge [sflag:s24], $0x80  }
0x3a: {  	[sflag:s24] =	ssyncset.done $0x0  }
0x3b: {  	[sflag:s24] =	ssyncadd.s32 $0xFFFFFF80  }
0x3c: {  	_ =	swait.ge [sflag:s24], $0x80  }
0x3d: {  	[sflag:s24] =	ssyncset.done $0x0  }
0x3e: {  	s30 =	simm.s32 $0x4400;
	[sflag:s24] =	ssyncadd.s32 $0xFFFFFF80  }
0x3f: {  	[tilespmem:s30], [sflag:$0x9] =	stream.indirect.gather [hbm4b:s1+s23], $0x80, s16, s23, $0xb8;
	[tilespmem:$0x10600] =	vst v63  }
0x40: {  	s18 =	simm.s32 $0xC400  }
0x41: {  	[tilespmem:s18], [sflag:$0x11] =	stream.indirect.gather [hbm4b:s2+s23], $0x80, s17, s23, $0xb8;
	[tilespmem:$0x10600] =	vst v63  }
0x42: {  	s19 =	simm.s32 $0xA0;
	s20 =	simm.s32 $0x5400  }
0x43: {  	[tilespmem:s20], [sflag:$0xA] =	stream.indirect.gather [hbm4b:s1+s23], $0x80, s19, s23, $0xb8;
	[tilespmem:$0x10600] =	vst v63  }
0x44: {  	s21 =	simm.s32 $0x2A0;
	s25 =	simm.s32 $0xD400  }
0x45: {  	[tilespmem:s25], [sflag:$0x12] =	stream.indirect.gather [hbm4b:s2+s23], $0x80, s21, s23, $0xb8;
	[tilespmem:$0x10600] =	vst v63  }
0x46: {  	s26 =	simm.s32 $0xC0;
	s30 =	simm.s32 $0x6400  }
0x47: {  	[tilespmem:s30], [sflag:$0xB] =	stream.indirect.gather [hbm4b:s1+s23], $0x80, s26, s23, $0xb8;
	[tilespmem:$0x10600] =	vst v63  }
0x48: {  	s19 =	simm.s32 $0x2C0;
	s20 =	simm.s32 $0xE400  }
0x49: {  	[tilespmem:s20], [sflag:$0x13] =	stream.indirect.gather [hbm4b:s2+s23], $0x80, s19, s23, $0xb8;
	[tilespmem:$0x10600] =	vst v63  }
0x4a: {  	s21 =	simm.s32 $0xE0;
	s25 =	simm.s32 $0x7400  }
0x4b: {  	[tilespmem:s25], [sflag:$0xC] =	stream.indirect.gather [hbm4b:s1+s23], $0x80, s21, s23, $0xb8;
	[tilespmem:$0x10600] =	vst v63  }
0x4c: {  	s26 =	simm.s32 $0x2E0;
	s30 =	simm.s32 $0xF400  }
0x4d: {  	[tilespmem:s30], [sflag:$0x14] =	stream.indirect.gather [hbm4b:s2+s23], $0x80, s26, s23, $0xb8;
	[tilespmem:$0x10600] =	vst v63  }
0x4e: {  	_ =	swait.ge [sflag:s28], $0x80  }
0x4f: {  	[sflag:s28] =	ssyncset.done $0x0  }
0x50: {  	[sflag:s28] =	ssyncadd.s32 $0xFFFFFF80  }
0x51: {  	_ =	swait.ge [sflag:s28], $0x80  }
0x52: {  	[sflag:s28] =	ssyncset.done $0x0  }
0x53: {  	[sflag:s28] =	ssyncadd.s32 $0xFFFFFF80  }
0x54: {  	_ =	swait.ge [sflag:s29], $0x80  }
0x55: {  	[sflag:s29] =	ssyncset.done $0x0  }
0x56: {  	[sflag:s29] =	ssyncadd.s32 $0xFFFFFF80  }
0x57: {  	_ =	swait.ge [sflag:s29], $0x80  }
0x58: {  	[sflag:s29] =	ssyncset.done $0x0  }
0x59: {  	s3 =	simm.s32 $0x0;
	[sflag:s29] =	ssyncadd.s32 $0xFFFFFF80  }
.LBB2_2:
0x5a: {  	s20 =	sand.u32 $0x7, s3  }
0x5b: {  	s18 =	sadd.s32 $0x5, s20  }
0x5c: {  	_ =	swait.ge [sflag:s18], $0x1000  }
0x5d: {  	[sflag:s18] =	ssyncset.done $0x0  }
0x5e: {  	s21 =	sshll.u32 s3, $0x5;
	s19 =	sadd.s32 $0xD, s20;
	[sflag:s18] =	ssyncadd.s32 $0xFFFFF000  }
0x5f: {  	s21 =	sand.u32 $0x3FFFFFE0, s21;
	_ =	swait.ge [sflag:s19], $0x1000  }
0x60: {  	p0 =	por $0x1, $0x1;
	s25 =	sadd.s32 $0x10400, s21;
	[sflag:s19] =	ssyncset.done $0x0  }
0x61: {  	s20 =	sshll.u32 s20, $0xC;
	s21 =	simm.s32 $0x0;
	v4 =	vmov s25;
	[sflag:s19] =	ssyncadd.s32 $0xFFFFF000  }
.LBB2_3:
0x62: {  	s25 =	sshll.u32 s21, $0xB  }
0x63: {  	s25 =	sor.u32 s20, s25  }
0x64: {  	v5 =	vld [tilespmem:s25+$0x400]  }
0x65: {  	v6 =	vld [tilespmem:s25+$0x8400]  }
0x66: {  	v7 =	vld [tilespmem:s25+$0x410]  }
0x67: {  	v8 =	vld [tilespmem:s25+$0x8410]  }
0x68: {  	v9 =	vld [tilespmem:s25+$0x420]  }
0x69: {  	v10 =	vld [tilespmem:s25+$0x8420]  }
0x6a: {  	v11 =	vld [tilespmem:s25+$0x430]  }
0x6b: {  	v12 =	vld [tilespmem:s25+$0x8430]  }
0x6c: {  	v15 =	vld [tilespmem:s25+$0x8440]  }
0x6d: {  	v16 =	vld [tilespmem:s25+$0x450]  }
0x6e: {  	v18 =	vld [tilespmem:s25+$0x8450]  }
0x6f: {  	v19 =	vld [tilespmem:s25+$0x460]  }
0x70: {  	v20 =	vld [tilespmem:s25+$0x8460]  }
0x71: {  	v38 =	vld [tilespmem:s25+$0x800]  }
0x72: {  	v40 =	vld [tilespmem:s25+$0x8800]  }
0x73: {  	v41 =	vld [tilespmem:s25+$0x810]  }
0x74: {  	v43 =	vld [tilespmem:s25+$0x8810];
	v14 =	vmul.f32 v6, v5;
	v5 =	vmul.f32 v5, v5  }
0x75: {  	v45 =	vld [tilespmem:s25+$0x820];
	v6 =	vmul.f32 v6, v6;
	v17 =	vmul.f32 v8, v7  }
0x76: {  	v48 =	vld [tilespmem:s25+$0x8820];
	v7 =	vmul.f32 v7, v7;
	v8 =	vmul.f32 v8, v8  }
0x77: {  	v22 =	vld [tilespmem:s25+$0x830];
	v35 =	vmul.f32 v10, v9;
	v10 =	vmul.f32 v10, v10  }
0x78: {  	v51 =	vld [tilespmem:s25+$0x8830];
	v37 =	vmul.f32 v12, v11;
	v39 =	vmul.f32 v12, v12  }
0x79: {  	v54 =	vld [tilespmem:s25+$0x840];
	v42 =	vmul.f32 v15, v15;
	v44 =	vmul.f32 v18, v16  }
0x7a: {  	v57 =	vld [tilespmem:s25+$0x8840];
	v46 =	vmul.f32 v16, v16;
	v47 =	vmul.f32 v18, v18  }
0x7b: {  	v23 =	vld [tilespmem:s25+$0x850];
	v49 =	vmul.f32 v20, v19;
	v21 =	vmul.f32 v40, v38  }
0x7c: {  	v60 =	vld [tilespmem:s25+$0x8850];
	v50 =	vmul.f32 v19, v19;
	v53 =	vmul.f32 v43, v41  }
0x7d: {  	v24 =	vld [tilespmem:s25+$0x860];
	v55 =	vmul.f32 v38, v38;
	v56 =	vmul.f32 v41, v41  }
0x7e: {  	v63 =	vld [tilespmem:s25+$0x8860];
	v12 =	vmul.f32 v40, v40;
	v58 =	vmul.f32 v48, v45  }
0x7f: {  	v59 =	vmul.f32 v43, v43;
	v20 =	vmul.f32 v20, v20  }
0x80: {  	v61 =	vmul.f32 v51, v22;
	v62 =	vmul.f32 v48, v48  }
0x81: {  	v25 =	vmul.f32 v22, v22;
	v26 =	vmul.f32 v57, v54  }
0x82: {  	v28 =	vmul.f32 v51, v51;
	v30 =	vmul.f32 v60, v23;
	v40 =	vld [tilespmem:s25+$0x490]  }
0x83: {  	v31 =	vmul.f32 v54, v54;
	v33 =	vmul.f32 v63, v24;
	v43 =	vld [tilespmem:s25+$0x8490]  }
0x84: {  	v13 =	vld [tilespmem:s25+$0x440];
	v34 =	vmul.f32 v23, v23;
	v38 =	vmul.f32 v24, v24;
	v14 =	vadd.f32 $0.0e+00, v14  }
0x85: {  	v27 =	vld [tilespmem:s25+$0x870];
	v5 =	vadd.f32 v7, v5;
	v6 =	vadd.f32 v8, v6;
	v7 =	vmul.f32 v9, v9  }
0x86: {  	v29 =	vld [tilespmem:s25+$0x8870];
	v41 =	vmul.f32 v63, v63;
	v52 =	vadd.f32 $0.0e+00, v21;
	v14 =	vadd.f32 v17, v14  }
0x87: {  	v51 =	vld [tilespmem:s25+$0x84B0];
	v5 =	vadd.f32 v7, v5;
	v7 =	vmul.f32 v11, v11;
	v6 =	vadd.f32 v10, v6  }
0x88: {  	v8 =	vld [tilespmem:s25+$0x470];
	v10 =	vadd.f32 v56, v55;
	v11 =	vadd.f32 v59, v12;
	v56 =	vmul.f32 v43, v40  }
0x89: {  	v17 =	vld [tilespmem:s25+$0x8470];
	v36 =	vadd.f32 v35, v14;
	v5 =	vadd.f32 v7, v5;
	v7 =	vmul.f32 v15, v13  }
0x8a: {  	v13 =	vmul.f32 v13, v13;
	v6 =	vadd.f32 v39, v6;
	v14 =	vmul.f32 v57, v57  }
0x8b: {  	v11 =	vadd.f32 v62, v11;
	v35 =	vmul.f32 v60, v60;
	v15 =	vmul.f32 v43, v43  }
0x8c: {  	v48 =	vld [tilespmem:s25+$0x4B0];
	v9 =	vadd.f32 v37, v36;
	v5 =	vadd.f32 v13, v5;
	v13 =	vmul.f32 v45, v45  }
0x8d: {  	v63 =	vld [tilespmem:s25+$0x84E0];
	v6 =	vadd.f32 v42, v6;
	v36 =	vmul.f32 v29, v27;
	v42 =	vmul.f32 v27, v27  }
0x8e: {  	v59 =	vld [tilespmem:s25+$0x84D0];
	v11 =	vadd.f32 v28, v11;
	v28 =	vmul.f32 v51, v51;
	v32 =	vmul.f32 v17, v8  }
0x8f: {  	v39 =	vld [tilespmem:s25+$0x8480];
	v8 =	vmul.f32 v8, v8;
	v7 =	vadd.f32 v7, v9;
	v5 =	vadd.f32 v46, v5  }
0x90: {  	v57 =	vld [tilespmem:s25+$0x4D0];
	v17 =	vmul.f32 v17, v17;
	v6 =	vadd.f32 v47, v6;
	v9 =	vadd.f32 v53, v52  }
0x91: {  	v37 =	vld [tilespmem:s25+$0x480];
	v10 =	vadd.f32 v13, v10;
	v11 =	vadd.f32 v14, v11;
	v47 =	vmul.f32 v29, v29  }
0x92: {  	v45 =	vld [tilespmem:s25+$0x4A0];
	v14 =	vmul.f32 v40, v40;
	v7 =	vadd.f32 v44, v7;
	v5 =	vadd.f32 v50, v5  }
0x93: {  	v46 =	vld [tilespmem:s25+$0x84A0];
	v40 =	vmul.f32 v59, v59;
	v9 =	vadd.f32 v58, v9;
	v6 =	vadd.f32 v20, v6  }
0x94: {  	v21 =	vld [tilespmem:s25+$0x84F0];
	v10 =	vadd.f32 v25, v10;
	v11 =	vadd.f32 v35, v11;
	v58 =	vmul.f32 v39, v39  }
0x95: {  	v55 =	vld [tilespmem:s25+$0x84C0];
	v35 =	vmul.f32 v59, v57;
	v7 =	vadd.f32 v49, v7;
	v9 =	vadd.f32 v61, v9  }
0x96: {  	v43 =	vld [tilespmem:s25+$0x8B0];
	v18 =	vmul.f32 v37, v37;
	v10 =	vadd.f32 v31, v10;
	v8 =	vadd.f32 v8, v5  }
0x97: {  	v52 =	vld [tilespmem:s25+$0x4C0];
	v62 =	vmul.f32 v45, v45;
	v11 =	vadd.f32 v41, v11;
	v49 =	vadd.f32 v17, v6  }
0x98: {  	v29 =	vld [tilespmem:s25+$0x880];
	v60 =	vmul.f32 v46, v45;
	v14 =	vadd.f32 v14, v18;
	v12 =	vmul.f32 v46, v46  }
0x99: {  	v61 =	vld [tilespmem:s25+$0x4E0];
	v18 =	vmul.f32 v63, v63;
	v9 =	vadd.f32 v26, v9;
	v7 =	vadd.f32 v32, v7  }
0x9a: {  	v31 =	vld [tilespmem:s25+$0x8880];
	v10 =	vadd.f32 v34, v10;
	v6 =	vperm.xlane v8, v0;
	v11 =	vadd.f32 v47, v11  }
0x9b: {  	v45 =	vld [tilespmem:s25+$0x88B0];
	v54 =	vperm.xlane v49, v0;
	v26 =	vmul.f32 v51, v48;
	v14 =	vadd.f32 v62, v14  }
0x9c: {  	v32 =	vmul.f32 v52, v52;
	v34 =	vld [tilespmem:s25+$0x890];
	v9 =	vadd.f32 v30, v9;
	v10 =	vadd.f32 v38, v10  }
0x9d: {  	v47 =	vld [tilespmem:s25+$0x8C0];
	v5 =	vperm.xlane v7, v0;
	v6 =	vadd.f32 v6, v8;
	v27 =	vperm.xlane v11, v0  }
0x9e: {  	v8 =	vadd.f32 v15, v58;
	v15 =	vld [tilespmem:s25+$0x4F0];
	v30 =	vmul.f32 v55, v52;
	v38 =	vmul.f32 v57, v57  }
0x9f: {  	v57 =	vld [tilespmem:s25+$0x88E0];
	v41 =	vmul.f32 v63, v61;
	v16 =	vmul.f32 v31, v31;
	v9 =	vadd.f32 v33, v9  }
0xa0: {  	v10 =	vadd.f32 v42, v10;
	v5 =	vadd.f32 v5, v7;
	v33 =	vmul.f32 v55, v55;
	v55 =	vld [tilespmem:s25+$0x8E0]  }
0xa1: {  	v8 =	vadd.f32 v12, v8;
	v42 =	vmul.f32 v31, v29;
	v17 =	vmul.f32 v34, v34  }
0xa2: {  	v62 =	vmul.f32 v47, v47;
	v9 =	vadd.f32 v36, v9;
	v50 =	vperm.xlane v10, v0  }
0xa3: {  	v11 =	vadd.f32 v27, v11;
	v36 =	vld [tilespmem:s25+$0x8890];
	v27 =	vmul.f32 v21, v15;
	v15 =	vmul.f32 v15, v15  }
0xa4: {  	v21 =	vmul.f32 v21, v21;
	v44 =	vperm.xlane v9, v0;
	v53 =	vadd.f32 v50, v10  }
0xa5: {  	v10 =	vadd.f32 v54, v49;
	v54 =	vmul.f32 v45, v43;
	v24 =	vmul.f32 v57, v55  }
0xa6: {  	v31 =	vmul.f32 v55, v55;
	v7 =	vadd.f32 v44, v9;
	v9 =	vmul.f32 v48, v48  }
0xa7: {  	v25 =	vld [tilespmem:s25+$0x88A0];
	v8 =	vadd.f32 v28, v8;
	v44 =	vmul.f32 v61, v61;
	v48 =	vmul.f32 v29, v29  }
0xa8: {  	v59 =	vld [tilespmem:s25+$0x8F0];
	v6 =	vsel vm2, v6, v53;
	v46 =	vmul.f32 v36, v34;
	v51 =	vmul.f32 v36, v36  }
0xa9: {  	v49 =	vld [tilespmem:s25+$0x88C0];
	v5 =	vsel vm2, v5, v7;
	v7 =	vmul.f32 v39, v37;
	v9 =	vadd.f32 v9, v14  }
0xaa: {  	v37 =	vadd.f32 v33, v8;
	v39 =	vld [tilespmem:s25+$0x8A0];
	v8 =	vsel vm2, v10, v11;
	v10 =	vadd.f32 $0.0e+00, v42  }
0xab: {  	v53 =	vld [tilespmem:s25+$0x88D0];
	v34 =	vmul.f32 v57, v57;
	v13 =	vadd.f32 v17, v48;
	v16 =	vadd.f32 v51, v16  }
0xac: {  	v36 =	vld [tilespmem:s25+$0x8510];
	v11 =	vmul.f32 v43, v43;
	v7 =	vadd.f32 $0.0e+00, v7;
	v9 =	vadd.f32 v32, v9  }
0xad: {  	v14 =	vmul.f32 v45, v45;
	v33 =	vld [tilespmem:s25+$0x510];
	v12 =	vadd.f32 v40, v37;
	v10 =	vadd.f32 v46, v10  }
0xae: {  	v58 =	vmul.f32 v49, v47;
	v32 =	vld [tilespmem:s25+$0x8500];
	v7 =	vadd.f32 v56, v7;
	v9 =	vadd.f32 v38, v9  }
0xaf: {  	v43 =	vld [tilespmem:s25+$0x530];
	v12 =	vadd.f32 v18, v12;
	v56 =	vmul.f32 v25, v25;
	v50 =	vmul.f32 v25, v39  }
0xb0: {  	v47 =	vld [tilespmem:s25+$0x540];
	v52 =	vmul.f32 v39, v39;
	v7 =	vadd.f32 v60, v7;
	v9 =	vadd.f32 v44, v9  }
0xb1: {  	v45 =	vld [tilespmem:s25+$0x8530];
	v63 =	vmul.f32 v49, v49;
	v16 =	vadd.f32 v56, v16;
	v12 =	vadd.f32 v21, v12  }
0xb2: {  	v28 =	vmul.f32 v53, v53;
	v39 =	vld [tilespmem:s25+$0x520];
	v10 =	vadd.f32 v50, v10;
	v13 =	vadd.f32 v52, v13  }
0xb3: {  	v60 =	vld [tilespmem:s25+$0x88F0];
	v50 =	vmul.f32 v36, v33;
	v52 =	vmul.f32 v32, v32;
	v7 =	vadd.f32 v26, v7  }
0xb4: {  	v49 =	vld [tilespmem:s25+$0x8540];
	v14 =	vadd.f32 v14, v16;
	v9 =	vadd.f32 v15, v9;
	v48 =	vperm.xlane v12, v0  }
0xb5: {  	v51 =	vld [tilespmem:s25+$0x550];
	v15 =	vmul.f32 v47, v47;
	v10 =	vadd.f32 v54, v10;
	v11 =	vadd.f32 v11, v13  }
0xb6: {  	v26 =	vld [tilespmem:s25+$0x8D0];
	v13 =	vmul.f32 v33, v33;
	v7 =	vadd.f32 v30, v7;
	v14 =	vadd.f32 v63, v14  }
0xb7: {  	v54 =	vld [tilespmem:s25+$0x8550];
	v42 =	vperm.xlane v9, v0;
	v57 =	vmul.f32 v39, v39;
	v12 =	vadd.f32 v48, v12  }
0xb8: {  	v30 =	vld [tilespmem:s25+$0x500];
	v10 =	vadd.f32 v58, v10;
	v29 =	vmul.f32 v60, v59;
	v40 =	vmul.f32 v60, v60  }
0xb9: {  	v11 =	vadd.f32 v62, v11;
	v60 =	vmul.f32 v43, v43;
	v62 =	vmul.f32 v49, v47  }
0xba: {  	v56 =	vld [tilespmem:s25+$0x560];
	v7 =	vadd.f32 v35, v7;
	v14 =	vadd.f32 v28, v14;
	v35 =	vmul.f32 v59, v59  }
0xbb: {  	v63 =	vld [tilespmem:s25+$0x900];
	v9 =	vadd.f32 v42, v9;
	v59 =	vmul.f32 v45, v43;
	v61 =	vmul.f32 v53, v26  }
0xbc: {  	v33 =	vld [tilespmem:s25+$0x910];
	v53 =	vmul.f32 v36, v36;
	v14 =	vadd.f32 v34, v14;
	v34 =	vmul.f32 v54, v51  }
0xbd: {  	v36 =	vld [tilespmem:s25+$0x8910];
	v7 =	vadd.f32 v41, v7;
	v46 =	vmul.f32 v32, v30;
	v20 =	vmul.f32 v30, v30  }
0xbe: {  	v41 =	vld [tilespmem:s25+$0x8520];
	v10 =	vadd.f32 v61, v10;
	v61 =	vmul.f32 v45, v45;
	v32 =	vmul.f32 v49, v49  }
0xbf: {  	v58 =	vld [tilespmem:s25+$0x8560];
	v7 =	vadd.f32 v27, v7;
	v27 =	vmul.f32 v26, v26;
	v14 =	vadd.f32 v40, v14  }
0xc0: {  	v43 =	vld [tilespmem:s25+$0x930];
	v21 =	vmul.f32 v63, v63;
	v10 =	vadd.f32 v24, v10;
	v13 =	vadd.f32 v13, v20  }
0xc1: {  	v18 =	vld [tilespmem:s25+$0x8570];
	v11 =	vadd.f32 v27, v11;
	v37 =	vperm.xlane v7, v0;
	v30 =	vperm.xlane v14, v0  }
0xc2: {  	v40 =	vld [tilespmem:s25+$0x8920];
	v28 =	vmul.f32 v36, v33;
	v47 =	vmul.f32 v36, v36;
	v10 =	vadd.f32 v29, v10  }
0xc3: {  	v20 =	vld [tilespmem:s25+$0x570];
	v55 =	vmul.f32 v41, v39;
	v17 =	vmul.f32 v41, v41;
	v13 =	vadd.f32 v57, v13  }
0xc4: {  	v39 =	vmul.f32 v58, v56;
	v41 =	vmul.f32 v56, v56;
	v11 =	vadd.f32 v31, v11  }
0xc5: {  	v57 =	vmul.f32 v43, v43;
	v7 =	vadd.f32 v37, v7;
	v31 =	vld [tilespmem:s25+$0x8900];
	v14 =	vadd.f32 v30, v14  }
0xc6: {  	v48 =	vld [tilespmem:s25+$0x8940];
	v37 =	vmul.f32 v54, v54;
	v38 =	vperm.xlane v10, v0;
	v13 =	vadd.f32 v60, v13  }
0xc7: {  	v45 =	vld [tilespmem:s25+$0x8930];
	v54 =	vmul.f32 v40, v40;
	v11 =	vadd.f32 v35, v11;
	v35 =	vmul.f32 v51, v51  }
0xc8: {  	v29 =	vld [tilespmem:s25+$0x940];
	v30 =	vmul.f32 v18, v20;
	v20 =	vmul.f32 v20, v20;
	v10 =	vadd.f32 v38, v10  }
0xc9: {  	v18 =	vmul.f32 v18, v18;
	v13 =	vadd.f32 v15, v13;
	v38 =	vld [tilespmem:s25+$0x920];
	v44 =	vperm.xlane v11, v0  }
0xca: {  	v60 =	vld [tilespmem:s25+$0x970];
	v7 =	vsel vm2, v7, v10;
	v10 =	vadd.f32 $0.0e+00, v46;
	v42 =	vmul.f32 v31, v63  }
0xcb: {  	v56 =	vld [tilespmem:s25+$0x960];
	v13 =	vadd.f32 v35, v13;
	v46 =	vmul.f32 v33, v33;
	v11 =	vadd.f32 v44, v11  }
0xcc: {  	v51 =	vld [tilespmem:s25+$0x950];
	v44 =	vmul.f32 v58, v58;
	v10 =	vadd.f32 v50, v10;
	v25 =	vadd.f32 $0.0e+00, v42  }
0xcd: {  	v63 =	vld [tilespmem:s25+$0x8970];
	v13 =	vadd.f32 v41, v13;
	v16 =	vadd.f32 v46, v21;
	v9 =	vsel vm2, v9, v11  }
0xce: {  	v58 =	vld [tilespmem:s25+$0x8960];
	v11 =	vadd.f32 v53, v52;
	v50 =	vmul.f32 v40, v38;
	v52 =	vmul.f32 v38, v38  }
0xcf: {  	v38 =	vmul.f32 v60, v60;
	v10 =	vadd.f32 v55, v10;
	v49 =	vadd.f32 v28, v25  }
0xd0: {  	v42 =	vld [tilespmem:s25+$0x5A0];
	v55 =	vmul.f32 v45, v43;
	v13 =	vadd.f32 v20, v13;
	v11 =	vadd.f32 v17, v11  }
0xd1: {  	v17 =	vmul.f32 v31, v31;
	v16 =	vadd.f32 v52, v16;
	v31 =	vmul.f32 v51, v51  }
0xd2: {  	v53 =	vld [tilespmem:s25+$0x8950];
	v36 =	vmul.f32 v63, v60;
	v10 =	vadd.f32 v59, v10;
	v59 =	vmul.f32 v48, v29  }
0xd3: {  	v40 =	vld [tilespmem:s25+$0x8590];
	v15 =	vadd.f32 v50, v49;
	v33 =	vmul.f32 v58, v56;
	v41 =	vmul.f32 v58, v58  }
0xd4: {  	v11 =	vadd.f32 v61, v11;
	v17 =	vadd.f32 v47, v17;
	v61 =	vmul.f32 v45, v45  }
0xd5: {  	v16 =	vadd.f32 v57, v16;
	v45 =	vperm.xlane v13, v0;
	v19 =	vmul.f32 v42, v42  }
0xd6: {  	v35 =	vld [tilespmem:s25+$0x580];
	v10 =	vadd.f32 v62, v10;
	v15 =	vadd.f32 v55, v15;
	v62 =	vmul.f32 v29, v29  }
0xd7: {  	v57 =	vld [tilespmem:s25+$0x5D0];
	v21 =	vmul.f32 v53, v53;
	v29 =	vmul.f32 v63, v63;
	v11 =	vadd.f32 v32, v11  }
0xd8: {  	v27 =	vld [tilespmem:s25+$0x85F0];
	v20 =	vmul.f32 v40, v40;
	v17 =	vadd.f32 v54, v17;
	v49 =	vadd.f32 v45, v13  }
0xd9: {  	v47 =	vld [tilespmem:s25+$0x5B0];
	v32 =	vmul.f32 v48, v48;
	v10 =	vadd.f32 v34, v10;
	v15 =	vadd.f32 v59, v15  }
0xda: {  	v48 =	vld [tilespmem:s25+$0x85B0];
	v16 =	vadd.f32 v62, v16;
	v34 =	vmul.f32 v56, v56;
	v17 =	vadd.f32 v61, v17  }
0xdb: {  	v56 =	vmul.f32 v35, v35;
	v11 =	vadd.f32 v37, v11;
	v37 =	vld [tilespmem:s25+$0x8580];
	v10 =	vadd.f32 v39, v10  }
0xdc: {  	v16 =	vadd.f32 v31, v16;
	v39 =	vld [tilespmem:s25+$0x590];
	v45 =	vmul.f32 v57, v57;
	v17 =	vadd.f32 v32, v17  }
0xdd: {  	v54 =	vld [tilespmem:s25+$0x85C0];
	v11 =	vadd.f32 v44, v11;
	v10 =	vadd.f32 v30, v10;
	v30 =	vmul.f32 v53, v51  }
0xde: {  	v59 =	vld [tilespmem:s25+$0x85D0];
	v16 =	vadd.f32 v34, v16;
	v34 =	vmul.f32 v47, v47;
	v17 =	vadd.f32 v21, v17  }
0xdf: {  	v44 =	vld [tilespmem:s25+$0x85A0];
	v18 =	vadd.f32 v18, v11;
	v11 =	vsel vm2, v12, v14;
	v43 =	vperm.xlane v10, v0  }
0xe0: {  	v61 =	vld [tilespmem:s25+$0x5E0];
	v15 =	vadd.f32 v30, v15;
	v53 =	vmul.f32 v37, v35;
	v24 =	vmul.f32 v37, v37  }
0xe1: {  	v51 =	vld [tilespmem:s25+$0x5C0];
	v16 =	vadd.f32 v38, v16;
	v55 =	vperm.xlane v18, v0;
	v58 =	vmul.f32 v40, v39  }
0xe2: {  	v35 =	vld [tilespmem:s25+$0x980];
	v17 =	vadd.f32 v41, v17;
	v60 =	vmul.f32 v39, v39;
	v41 =	vmul.f32 v54, v54  }
0xe3: {  	v39 =	vld [tilespmem:s25+$0x990];
	v15 =	vadd.f32 v33, v15;
	v46 =	vperm.xlane v16, v0;
	v10 =	vadd.f32 v43, v10  }
0xe4: {  	v63 =	vmul.f32 v44, v42;
	v20 =	vadd.f32 v20, v24;
	v32 =	vmul.f32 v44, v44;
	v42 =	vld [tilespmem:s25+$0x8990]  }
0xe5: {  	v33 =	vmul.f32 v48, v47;
	v43 =	vmul.f32 v59, v57;
	v44 =	vld [tilespmem:s25+$0x9A0];
	v52 =	vadd.f32 v29, v17  }
0xe6: {  	v47 =	vld [tilespmem:s25+$0x89A0];
	v13 =	vadd.f32 v55, v18;
	v18 =	vadd.f32 v60, v56;
	v37 =	vmul.f32 v54, v51  }
0xe7: {  	v21 =	vld [tilespmem:s25+$0x5F0];
	v38 =	vmul.f32 v51, v51;
	v51 =	vmul.f32 v61, v61;
	v15 =	vadd.f32 v36, v15  }
0xe8: {  	v31 =	vld [tilespmem:s25+$0x85E0];
	v50 =	vadd.f32 v46, v16;
	v46 =	vmul.f32 v59, v59;
	v62 =	vperm.xlane v52, v0  }
0xe9: {  	v60 =	vld [tilespmem:s25+$0x89D0];
	v20 =	vadd.f32 v32, v20;
	v56 =	vmul.f32 v35, v35;
	v22 =	vperm.xlane v15, v0  }
0xea: {  	v36 =	vld [tilespmem:s25+$0x8980];
	v18 =	vadd.f32 v19, v18;
	v57 =	vmul.f32 v39, v39;
	v54 =	vmul.f32 v42, v39  }
0xeb: {  	v32 =	vld [tilespmem:s25+$0x9D0];
	v12 =	vsel vm2, v49, v50;
	v59 =	vmul.f32 v47, v44;
	v17 =	vmul.f32 v42, v42  }
0xec: {  	v16 =	vadd.f32 v62, v52;
	v62 =	vmul.f32 v47, v47;
	v42 =	vmul.f32 v27, v21  }
0xed: {  	v18 =	vadd.f32 v34, v18;
	v21 =	vmul.f32 v21, v21;
	v27 =	vmul.f32 v27, v27  }
0xee: {  	v15 =	vadd.f32 v22, v15;
	v22 =	vmul.f32 v48, v48;
	v48 =	vmul.f32 v31, v61  }
0xef: {  	v50 =	vld [tilespmem:s25+$0x9B0];
	v31 =	vmul.f32 v31, v31;
	v14 =	vsel vm2, v13, v16;
	v49 =	vmul.f32 v36, v35  }
0xf0: {  	v55 =	vld [tilespmem:s25+$0x9C0];
	v18 =	vadd.f32 v38, v18;
	v24 =	vmul.f32 v36, v36;
	v39 =	vmul.f32 v60, v32  }
0xf1: {  	v52 =	vld [tilespmem:s25+$0x89B0];
	v10 =	vsel vm2, v10, v15;
	v15 =	vadd.f32 $0.0e+00, v53;
	v40 =	vadd.f32 v22, v20  }
0xf2: {  	v36 =	vld [tilespmem:s25+$0x9F0];
	v20 =	vmul.f32 v44, v44;
	v16 =	vadd.f32 v45, v18;
	v53 =	vadd.f32 $0.0e+00, v49  }
0xf3: {  	v38 =	vld [tilespmem:s25+$0x89F0];
	v44 =	vmul.f32 v32, v32;
	v18 =	vadd.f32 v57, v56;
	v17 =	vadd.f32 v17, v24  }
0xf4: {  	v34 =	vmul.f32 v50, v50;
	v49 =	vld [tilespmem:s25+$0x8600];
	v15 =	vadd.f32 v58, v15;
	v13 =	vadd.f32 v41, v40  }
0xf5: {  	v45 =	vmul.f32 v60, v60;
	v56 =	vld [tilespmem:s25+$0x620];
	v16 =	vadd.f32 v51, v16;
	v19 =	vadd.f32 v54, v53  }
0xf6: {  	v57 =	vld [tilespmem:s25+$0x8620];
	v61 =	vmul.f32 v52, v50;
	v18 =	vadd.f32 v20, v18;
	v17 =	vadd.f32 v62, v17  }
0xf7: {  	v58 =	vld [tilespmem:s25+$0x89C0];
	v40 =	vmul.f32 v55, v55;
	v15 =	vadd.f32 v63, v15;
	v13 =	vadd.f32 v46, v13  }
0xf8: {  	v46 =	vmul.f32 v38, v36;
	v51 =	vmul.f32 v36, v36;
	v19 =	vadd.f32 v59, v19  }
0xf9: {  	v22 =	vmul.f32 v38, v38;
	v18 =	vadd.f32 v34, v18;
	v16 =	vadd.f32 v21, v16  }
0xfa: {  	v63 =	vld [tilespmem:s25+$0x89E0];
	v15 =	vadd.f32 v33, v15;
	v13 =	vadd.f32 v31, v13;
	v23 =	vmul.f32 v49, v49  }
0xfb: {  	v33 =	vld [tilespmem:s25+$0x9E0];
	v20 =	vmul.f32 v56, v56;
	v21 =	vmul.f32 v57, v57;
	v19 =	vadd.f32 v61, v19  }
0xfc: {  	v35 =	vmul.f32 v58, v55;
	v41 =	vmul.f32 v58, v58;
	v18 =	vadd.f32 v40, v18;
	v55 =	vld [tilespmem:s25+$0x8610]  }
0xfd: {  	v15 =	vadd.f32 v37, v15;
	v37 =	vmul.f32 v52, v52;
	v52 =	vld [tilespmem:s25+$0x610];
	v58 =	vadd.f32 v27, v13  }
0xfe: {  	v59 =	vperm.xlane v16, v0;
	v19 =	vadd.f32 v35, v19;
	v18 =	vadd.f32 v44, v18  }
0xff: {  	v40 =	vld [tilespmem:s25+$0x8640];
	v50 =	vmul.f32 v63, v63;
	v15 =	vadd.f32 v43, v15;
	v17 =	vadd.f32 v37, v17  }
0x100: {  	v61 =	vld [tilespmem:s25+$0x630];
	v19 =	vadd.f32 v39, v19;
	v43 =	vmul.f32 v63, v33;
	v47 =	vmul.f32 v33, v33  }
0x101: {  	v37 =	vld [tilespmem:s25+$0x640];
	v44 =	vperm.xlane v58, v0;
	v15 =	vadd.f32 v48, v15;
	v17 =	vadd.f32 v41, v17  }
0x102: {  	v63 =	vld [tilespmem:s25+$0x8630];
	v19 =	vadd.f32 v43, v19;
	v18 =	vadd.f32 v47, v18;
	v39 =	vmul.f32 v55, v52  }
0x103: {  	v48 =	vld [tilespmem:s25+$0x600];
	v41 =	vmul.f32 v52, v52;
	v15 =	vadd.f32 v42, v15;
	v42 =	vmul.f32 v55, v55  }
0x104: {  	v43 =	vld [tilespmem:s25+$0x650];
	v17 =	vadd.f32 v45, v17;
	v45 =	vmul.f32 v57, v56;
	v57 =	vmul.f32 v40, v40  }
0x105: {  	v47 =	vld [tilespmem:s25+$0x660];
	v19 =	vadd.f32 v46, v19;
	v18 =	vadd.f32 v51, v18;
	v51 =	vmul.f32 v61, v61  }
0x106: {  	v16 =	vadd.f32 v59, v16;
	v55 =	vld [tilespmem:s25+$0x8A00];
	v26 =	vmul.f32 v37, v37;
	v53 =	vperm.xlane v15, v0  }
0x107: {  	v46 =	vld [tilespmem:s25+$0x8650];
	v17 =	vadd.f32 v50, v17;
	v54 =	vperm.xlane v19, v0;
	v60 =	vperm.xlane v18, v0  }
0x108: {  	v29 =	vld [tilespmem:s25+$0x670];
	v24 =	vadd.f32 v44, v58;
	v62 =	vmul.f32 v49, v48;
	v36 =	vmul.f32 v48, v48  }
0x109: {  	v34 =	vld [tilespmem:s25+$0x8A30];
	v49 =	vmul.f32 v63, v61;
	v15 =	vadd.f32 v53, v15;
	v17 =	vadd.f32 v22, v17  }
0x10a: {  	v50 =	vld [tilespmem:s25+$0x8660];
	v61 =	vmul.f32 v43, v43;
	v19 =	vadd.f32 v54, v19;
	v54 =	vmul.f32 v40, v37  }
0x10b: {  	v58 =	vld [tilespmem:s25+$0xA10];
	v18 =	vadd.f32 v60, v18;
	v40 =	vmul.f32 v47, v47;
	v44 =	vmul.f32 v55, v55  }
0x10c: {  	v53 =	vld [tilespmem:s25+$0xA00];
	v38 =	vadd.f32 $0.0e+00, v62;
	v56 =	vperm.xlane v17, v0;
	v59 =	vmul.f32 v46, v43  }
0x10d: {  	v60 =	vld [tilespmem:s25+$0x8A10];
	v62 =	vmul.f32 v46, v46;
	v13 =	vsel vm2, v15, v19;
	v15 =	vsel vm2, v16, v18  }
0x10e: {  	v27 =	vadd.f32 v39, v38;
	v16 =	vadd.f32 v41, v36;
	v19 =	vmul.f32 v63, v63;
	v63 =	vld [tilespmem:s25+$0xA20]  }
0x10f: {  	v18 =	vadd.f32 v42, v23;
	v37 =	vmul.f32 v50, v47;
	v38 =	vld [tilespmem:s25+$0x8A20];
	v30 =	vadd.f32 v56, v17  }
0x110: {  	v41 =	vmul.f32 v50, v50;
	v42 =	vld [tilespmem:s25+$0xA30];
	v48 =	vadd.f32 v45, v27;
	v16 =	vadd.f32 v20, v16  }
0x111: {  	v50 =	vld [tilespmem:s25+$0xA50];
	v18 =	vadd.f32 v21, v18;
	v39 =	vmul.f32 v55, v53;
	v23 =	vmul.f32 v53, v53  }
0x112: {  	v35 =	vld [tilespmem:s25+$0x8A40];
	v45 =	vmul.f32 v58, v58;
	v55 =	vmul.f32 v34, v34;
	v52 =	vadd.f32 v49, v48  }
0x113: {  	v46 =	vld [tilespmem:s25+$0xA40];
	v43 =	vmul.f32 v60, v58;
	v16 =	vadd.f32 v51, v16;
	v18 =	vadd.f32 v19, v18  }
0x114: {  	v56 =	vld [tilespmem:s25+$0x8A60];
	v25 =	vadd.f32 $0.0e+00, v39;
	v47 =	vmul.f32 v38, v63;
	v49 =	vmul.f32 v63, v63  }
0x115: {  	v53 =	vld [tilespmem:s25+$0xA60];
	v48 =	vadd.f32 v45, v23;
	v21 =	vmul.f32 v38, v38;
	v28 =	vmul.f32 v42, v42  }
0x116: {  	v19 =	vld [tilespmem:s25+$0x8670];
	v63 =	vmul.f32 v50, v50;
	v20 =	vadd.f32 v54, v52;
	v16 =	vadd.f32 v26, v16  }
0x117: {  	v51 =	vld [tilespmem:s25+$0x8A50];
	v18 =	vadd.f32 v57, v18;
	v25 =	vadd.f32 v43, v25;
	v26 =	vmul.f32 v60, v60  }
0x118: {  	v58 =	vld [tilespmem:s25+$0xA70];
	v52 =	vmul.f32 v34, v42;
	v57 =	vmul.f32 v35, v46;
	v22 =	vadd.f32 v49, v48  }
0x119: {  	v60 =	vmul.f32 v35, v35;
	v36 =	vadd.f32 v59, v20;
	v16 =	vadd.f32 v61, v16  }
0x11a: {  	v33 =	vmul.f32 v56, v53;
	v18 =	vadd.f32 v62, v18;
	v20 =	vadd.f32 v26, v44  }
0x11b: {  	v39 =	vld [tilespmem:s25+$0x680];
	v25 =	vadd.f32 v47, v25;
	v59 =	vmul.f32 v46, v46;
	v54 =	vmul.f32 v19, v29  }
0x11c: {  	v61 =	vld [tilespmem:s25+$0x8A70];
	v22 =	vadd.f32 v28, v22;
	v62 =	vmul.f32 v51, v50;
	v31 =	vmul.f32 v51, v51  }
0x11d: {  	v44 =	vld [tilespmem:s25+$0x690];
	v28 =	vmul.f32 v58, v58;
	v17 =	vadd.f32 v37, v36;
	v16 =	vadd.f32 v40, v16  }
0x11e: {  	v46 =	vld [tilespmem:s25+$0x8690];
	v42 =	vmul.f32 v19, v19;
	v18 =	vadd.f32 v41, v18;
	v20 =	vadd.f32 v21, v20  }
0x11f: {  	v50 =	vld [tilespmem:s25+$0x6A0];
	v23 =	vadd.f32 v52, v25;
	v36 =	vmul.f32 v29, v29;
	v21 =	vadd.f32 v59, v22  }
0x120: {  	v37 =	vmul.f32 v53, v53;
	v41 =	vld [tilespmem:s25+$0x8680];
	v20 =	vadd.f32 v55, v20;
	v17 =	vadd.f32 v54, v17  }
0x121: {  	v40 =	vmul.f32 v56, v56;
	v53 =	vld [tilespmem:s25+$0x86A0];
	v23 =	vadd.f32 v57, v23;
	v27 =	vadd.f32 v36, v16  }
0x122: {  	v56 =	vld [tilespmem:s25+$0x86B0];
	v47 =	vadd.f32 v42, v18;
	v18 =	vsel vm2, v24, v30;
	v38 =	vmul.f32 v61, v58  }
0x123: {  	v55 =	vld [tilespmem:s25+$0x6B0];
	v21 =	vadd.f32 v63, v21;
	v45 =	vmul.f32 v61, v61;
	v59 =	vmul.f32 v46, v44  }
0x124: {  	v42 =	vld [tilespmem:s25+$0x86D0];
	v61 =	vmul.f32 v39, v39;
	v25 =	vmul.f32 v46, v46;
	v20 =	vadd.f32 v60, v20  }
0x125: {  	v63 =	vld [tilespmem:s25+$0x86C0];
	v23 =	vadd.f32 v62, v23;
	v48 =	vperm.xlane v17, v0;
	v51 =	vperm.xlane v27, v0  }
0x126: {  	v46 =	vld [tilespmem:s25+$0x86E0];
	v57 =	vperm.xlane v47, v0;
	v62 =	vmul.f32 v44, v44;
	v21 =	vadd.f32 v37, v21  }
0x127: {  	v60 =	vld [tilespmem:s25+$0x6C0];
	v54 =	vmul.f32 v41, v39;
	v20 =	vadd.f32 v31, v20;
	v23 =	vadd.f32 v33, v23  }
0x128: {  	v44 =	vld [tilespmem:s25+$0x6E0];
	v24 =	vmul.f32 v56, v56;
	v16 =	vadd.f32 v48, v17;
	v22 =	vadd.f32 v51, v27  }
0x129: {  	v36 =	vld [tilespmem:s25+$0x86F0];
	v31 =	vmul.f32 v50, v50;
	v27 =	vadd.f32 v57, v47;
	v21 =	vadd.f32 v28, v21  }
0x12a: {  	v33 =	vld [tilespmem:s25+$0x6F0];
	v58 =	vadd.f32 $0.0e+00, v54;
	v47 =	vmul.f32 v55, v55;
	v57 =	vmul.f32 v42, v42  }
0x12b: {  	v43 =	vadd.f32 v38, v23;
	v38 =	vmul.f32 v41, v41;
	v41 =	vmul.f32 v53, v50  }
0x12c: {  	v20 =	vadd.f32 v40, v20;
	v23 =	vmul.f32 v63, v63;
	v52 =	vperm.xlane v21, v0  }
0x12d: {  	v51 =	vld [tilespmem:s25+$0xA80];
	v39 =	vadd.f32 v59, v58;
	v50 =	vmul.f32 v60, v60;
	v59 =	vmul.f32 v46, v44  }
0x12e: {  	v40 =	vld [tilespmem:s25+$0x6D0];
	v28 =	vmul.f32 v44, v44;
	v49 =	vperm.xlane v43, v0;
	v20 =	vadd.f32 v45, v20  }
0x12f: {  	v58 =	vld [tilespmem:s25+$0x8A90];
	v25 =	vadd.f32 v25, v38;
	v45 =	vmul.f32 v56, v55;
	v44 =	vmul.f32 v36, v33  }
0x130: {  	v55 =	vld [tilespmem:s25+$0xA90];
	v21 =	vadd.f32 v52, v21;
	v33 =	vmul.f32 v33, v33;
	v36 =	vmul.f32 v36, v36  }
0x131: {  	v38 =	vld [tilespmem:s25+$0x8AC0];
	v17 =	vadd.f32 v49, v43;
	v43 =	vmul.f32 v53, v53;
	v48 =	vperm.xlane v20, v0  }
0x132: {  	v49 =	vmul.f32 v63, v60;
	v53 =	vld [tilespmem:s25+$0x8A80];
	v19 =	vsel vm2, v22, v21;
	v21 =	vadd.f32 v62, v61  }
0x133: {  	v60 =	vld [tilespmem:s25+$0xAA0];
	v22 =	vadd.f32 v41, v39;
	v52 =	vmul.f32 v42, v40;
	v54 =	vmul.f32 v40, v40  }
0x134: {  	v63 =	vld [tilespmem:s25+$0x8AA0];
	v62 =	vmul.f32 v46, v46;
	v41 =	vmul.f32 v51, v51;
	v25 =	vadd.f32 v43, v25  }
0x135: {  	v40 =	vld [tilespmem:s25+$0xAB0];
	v20 =	vadd.f32 v48, v20;
	v46 =	vmul.f32 v58, v58;
	v21 =	vadd.f32 v31, v21  }
0x136: {  	v22 =	vadd.f32 v45, v22;
	v42 =	vmul.f32 v55, v55;
	v30 =	vmul.f32 v58, v55  }
0x137: {  	v37 =	vld [tilespmem:s25+$0xAC0];
	v58 =	vmul.f32 v38, v38;
	v24 =	vadd.f32 v24, v25;
	v21 =	vadd.f32 v47, v21  }
0x138: {  	v43 =	vld [tilespmem:s25+$0x8AB0];
	v22 =	vadd.f32 v49, v22;
	v39 =	vmul.f32 v53, v51;
	v35 =	vmul.f32 v53, v53  }
0x139: {  	v48 =	vld [tilespmem:s25+$0xAD0];
	v45 =	vmul.f32 v60, v60;
	v47 =	vmul.f32 v63, v60;
	v23 =	vadd.f32 v23, v24  }
0x13a: {  	v51 =	vld [tilespmem:s25+$0xAE0];
	v49 =	vmul.f32 v40, v40;
	v21 =	vadd.f32 v50, v21;
	v56 =	vadd.f32 v52, v22  }
0x13b: {  	v53 =	vld [tilespmem:s25+$0x8AE0];
	v22 =	vsel vm2, v27, v20;
	v25 =	vadd.f32 $0.0e+00, v39;
	v27 =	vmul.f32 v63, v63  }
0x13c: {  	v52 =	vmul.f32 v37, v37;
	v61 =	vadd.f32 v57, v23;
	v23 =	vadd.f32 v42, v41  }
0x13d: {  	v29 =	vmul.f32 v43, v43;
	v21 =	vadd.f32 v54, v21;
	v24 =	vadd.f32 v59, v56  }
0x13e: {  	v50 =	vld [tilespmem:s25+$0x8AD0];
	v55 =	vmul.f32 v48, v48;
	v25 =	vadd.f32 v30, v25;
	v30 =	vadd.f32 v46, v35  }
0x13f: {  	v57 =	vmul.f32 v38, v37;
	v54 =	vld [tilespmem:s25+$0xAF0];
	v20 =	vadd.f32 v62, v61;
	v23 =	vadd.f32 v45, v23  }
0x140: {  	v56 =	vld [tilespmem:s25+$0x8AF0];
	v59 =	vmul.f32 v51, v51;
	v42 =	vmul.f32 v53, v51;
	v21 =	vadd.f32 v28, v21  }
0x141: {  	v63 =	vld [tilespmem:s25+$0x8710];
	v24 =	vadd.f32 v44, v24;
	v25 =	vadd.f32 v47, v25;
	v28 =	vmul.f32 v43, v40  }
0x142: {  	v61 =	vld [tilespmem:s25+$0x710];
	v27 =	vadd.f32 v27, v30;
	v43 =	vmul.f32 v53, v53;
	v23 =	vadd.f32 v49, v23  }
0x143: {  	v32 =	vld [tilespmem:s25+$0x720];
	v60 =	vmul.f32 v50, v48;
	v31 =	vmul.f32 v50, v50;
	v44 =	vadd.f32 v36, v20  }
0x144: {  	v26 =	vld [tilespmem:s25+$0x8720];
	v25 =	vadd.f32 v28, v25;
	v27 =	vadd.f32 v29, v27;
	v62 =	vmul.f32 v54, v54  }
0x145: {  	v38 =	vld [tilespmem:s25+$0x700];
	v21 =	vadd.f32 v33, v21;
	v46 =	vmul.f32 v56, v54;
	v51 =	vmul.f32 v56, v56  }
0x146: {  	v47 =	vld [tilespmem:s25+$0x730];
	v23 =	vadd.f32 v52, v23;
	v52 =	vperm.xlane v24, v0;
	v54 =	vperm.xlane v44, v0  }
0x147: {  	v33 =	vld [tilespmem:s25+$0x8700];
	v25 =	vadd.f32 v57, v25;
	v48 =	vperm.xlane v21, v0;
	v57 =	vmul.f32 v63, v61  }
0x148: {  	v39 =	vld [tilespmem:s25+$0x740];
	v34 =	vmul.f32 v61, v61;
	v61 =	vmul.f32 v63, v63  }
0x149: {  	v41 =	vld [tilespmem:s25+$0x770];
	v27 =	vadd.f32 v58, v27;
	v63 =	vmul.f32 v26, v32;
	v32 =	vmul.f32 v32, v32  }
0x14a: {  	v50 =	vld [tilespmem:s25+$0x8730];
	v26 =	vmul.f32 v26, v26;
	v23 =	vadd.f32 v55, v23;
	v25 =	vadd.f32 v60, v25  }
0x14b: {  	v40 =	vld [tilespmem:s25+$0x8740];
	v29 =	vmul.f32 v47, v47;
	v27 =	vadd.f32 v31, v27;
	v30 =	vadd.f32 v48, v21  }
0x14c: {  	v58 =	vld [tilespmem:s25+$0x8750];
	v21 =	vadd.f32 v52, v24;
	v23 =	vadd.f32 v59, v23;
	v53 =	vmul.f32 v33, v38  }
0x14d: {  	v55 =	vld [tilespmem:s25+$0x750];
	v59 =	vmul.f32 v38, v38;
	v45 =	vadd.f32 v42, v25;
	v27 =	vadd.f32 v43, v27  }
0x14e: {  	v60 =	vld [tilespmem:s25+$0x760];
	v33 =	vmul.f32 v33, v33;
	v23 =	vadd.f32 v62, v23;
	v56 =	vadd.f32 $0.0e+00, v53  }
0x14f: {  	v48 =	vld [tilespmem:s25+$0x8B00];
	v34 =	vadd.f32 v34, v59;
	v20 =	vadd.f32 v46, v45;
	v45 =	vmul.f32 v50, v47  }
0x150: {  	v62 =	vld [tilespmem:s25+$0x8760];
	v25 =	vadd.f32 v51, v27;
	v47 =	vmul.f32 v50, v50;
	v50 =	vmul.f32 v39, v39  }
0x151: {  	v31 =	vld [tilespmem:s25+$0xB30];
	v27 =	vadd.f32 v54, v44;
	v51 =	vmul.f32 v40, v40;
	v49 =	vperm.xlane v23, v0  }
0x152: {  	v46 =	vld [tilespmem:s25+$0xB00];
	v52 =	vmul.f32 v58, v55;
	v32 =	vadd.f32 v32, v34;
	v42 =	vperm.xlane v25, v0  }
0x153: {  	v38 =	vld [tilespmem:s25+$0x8B30];
	v28 =	vmul.f32 v55, v55;
	v54 =	vmul.f32 v58, v58;
	v23 =	vadd.f32 v49, v23  }
0x154: {  	v49 =	vmul.f32 v40, v39;
	v29 =	vadd.f32 v29, v32;
	v32 =	vld [tilespmem:s25+$0x8B10];
	v25 =	vadd.f32 v42, v25  }
0x155: {  	v40 =	vld [tilespmem:s25+$0xB20];
	v55 =	vmul.f32 v62, v60;
	v59 =	vmul.f32 v62, v62;
	v24 =	vsel vm2, v30, v23  }
0x156: {  	v42 =	vld [tilespmem:s25+$0xB10];
	v23 =	vadd.f32 v57, v56;
	v30 =	vadd.f32 v61, v33;
	v56 =	vmul.f32 v60, v60  }
0x157: {  	v33 =	vld [tilespmem:s25+$0x8770];
	v53 =	vadd.f32 v50, v29;
	v57 =	vmul.f32 v46, v46;
	v35 =	vmul.f32 v48, v46  }
0x158: {  	v29 =	vld [tilespmem:s25+$0x8B20];
	v61 =	vmul.f32 v48, v48;
	v27 =	vsel vm2, v27, v25;
	v23 =	vadd.f32 v63, v23  }
0x159: {  	v26 =	vadd.f32 v26, v30;
	v25 =	vadd.f32 v28, v53;
	v63 =	vmul.f32 v31, v31  }
0x15a: {  	v35 =	vadd.f32 $0.0e+00, v35;
	v31 =	vmul.f32 v38, v31;
	v60 =	vmul.f32 v40, v40  }
0x15b: {  	v34 =	vld [tilespmem:s25+$0x8B40];
	v62 =	vmul.f32 v32, v32;
	v23 =	vadd.f32 v45, v23;
	v58 =	vmul.f32 v42, v42  }
0x15c: {  	v46 =	vld [tilespmem:s25+$0xB60];
	v26 =	vadd.f32 v47, v26;
	v32 =	vmul.f32 v32, v42;
	v45 =	vmul.f32 v33, v41  }
0x15d: {  	v43 =	vld [tilespmem:s25+$0xB40];
	v28 =	vadd.f32 v56, v25;
	v47 =	vmul.f32 v29, v29;
	v29 =	vmul.f32 v29, v40  }
0x15e: {  	v36 =	vld [tilespmem:s25+$0x8B50];
	v41 =	vmul.f32 v41, v41;
	v23 =	vadd.f32 v49, v23;
	v26 =	vadd.f32 v51, v26  }
0x15f: {  	v39 =	vld [tilespmem:s25+$0xB50];
	v33 =	vmul.f32 v33, v33;
	v30 =	vadd.f32 v58, v57;
	v32 =	vadd.f32 v32, v35  }
0x160: {  	v25 =	vld [tilespmem:s25+$0xB70];
	v57 =	vmul.f32 v34, v34;
	v41 =	vadd.f32 v41, v28;
	v26 =	vadd.f32 v54, v26  }
0x161: {  	v37 =	vld [tilespmem:s25+$0x780];
	v58 =	vmul.f32 v46, v46;
	v23 =	vadd.f32 v52, v23;
	v30 =	vadd.f32 v60, v30  }
0x162: {  	v48 =	vld [tilespmem:s25+$0x8B60];
	v52 =	vmul.f32 v43, v43;
	v29 =	vadd.f32 v29, v32;
	v44 =	vadd.f32 v59, v26  }
0x163: {  	v50 =	vld [tilespmem:s25+$0x7C0];
	v54 =	vmul.f32 v38, v38;
	v26 =	vadd.f32 v62, v61;
	v30 =	vadd.f32 v63, v30  }
0x164: {  	v40 =	vld [tilespmem:s25+$0x87A0];
	v60 =	vmul.f32 v36, v36;
	v23 =	vadd.f32 v55, v23;
	v55 =	vmul.f32 v39, v39  }
0x165: {  	v61 =	vmul.f32 v25, v25;
	v53 =	vadd.f32 v47, v26;
	v26 =	vld [tilespmem:s25+$0x8B70];
	v30 =	vadd.f32 v52, v30  }
0x166: {  	v42 =	vld [tilespmem:s25+$0x8790];
	v29 =	vadd.f32 v31, v29;
	v23 =	vadd.f32 v45, v23;
	v52 =	vmul.f32 v34, v43  }
0x167: {  	v63 =	vmul.f32 v48, v48;
	v45 =	vld [tilespmem:s25+$0x8780];
	v56 =	vadd.f32 v54, v53;
	v30 =	vadd.f32 v55, v30  }
0x168: {  	v49 =	vld [tilespmem:s25+$0x7B0];
	v44 =	vadd.f32 v33, v44;
	v54 =	vperm.xlane v41, v0;
	v29 =	vadd.f32 v52, v29  }
0x169: {  	v47 =	vld [tilespmem:s25+$0x790];
	v59 =	vadd.f32 v57, v56;
	v30 =	vadd.f32 v58, v30;
	v56 =	vmul.f32 v36, v39  }
0x16a: {  	v33 =	vld [tilespmem:s25+$0x7D0];
	v58 =	vadd.f32 v54, v41;
	v54 =	vmul.f32 v40, v40;
	v53 =	vmul.f32 v26, v26  }
0x16b: {  	v39 =	vld [tilespmem:s25+$0x87C0];
	v62 =	vadd.f32 v60, v59;
	v30 =	vadd.f32 v61, v30;
	v59 =	vperm.xlane v44, v0  }
0x16c: {  	v38 =	vld [tilespmem:s25+$0x7A0];
	v29 =	vadd.f32 v56, v29;
	v61 =	vmul.f32 v45, v37;
	v37 =	vmul.f32 v37, v37  }
0x16d: {  	v43 =	vld [tilespmem:s25+$0x87B0];
	v28 =	vadd.f32 v63, v62;
	v55 =	vperm.xlane v30, v0;
	v62 =	vmul.f32 v45, v45  }
0x16e: {  	v34 =	vld [tilespmem:s25+$0x87D0];
	v41 =	vadd.f32 v59, v44;
	v63 =	vmul.f32 v47, v47;
	v47 =	vmul.f32 v42, v47  }
0x16f: {  	v52 =	vadd.f32 $0.0e+00, v61;
	v42 =	vmul.f32 v42, v42;
	v45 =	vld [tilespmem:s25+$0x8B80];
	v61 =	vmul.f32 v33, v33  }
0x170: {  	v44 =	vld [tilespmem:s25+$0xBA0];
	v59 =	vmul.f32 v39, v39;
	v39 =	vmul.f32 v39, v50;
	v57 =	vadd.f32 v53, v28  }
0x171: {  	v28 =	vmul.f32 v48, v46;
	v30 =	vadd.f32 v55, v30;
	v37 =	vadd.f32 v63, v37;
	v46 =	vld [tilespmem:s25+$0xB80]  }
0x172: {  	v53 =	vmul.f32 v38, v38;
	v47 =	vadd.f32 v47, v52;
	v48 =	vld [tilespmem:s25+$0xB90];
	v38 =	vmul.f32 v40, v38  }
0x173: {  	v42 =	vadd.f32 v42, v62;
	v55 =	vmul.f32 v49, v49;
	v40 =	vld [tilespmem:s25+$0x8B90];
	v60 =	vperm.xlane v57, v0  }
0x174: {  	v35 =	vsel vm2, v58, v30;
	v37 =	vadd.f32 v53, v37;
	v58 =	vmul.f32 v50, v50  }
0x175: {  	v32 =	vld [tilespmem:s25+$0x87E0];
	v56 =	vadd.f32 v54, v42;
	v53 =	vmul.f32 v34, v34;
	v62 =	vmul.f32 v44, v44  }
0x176: {  	v52 =	vld [tilespmem:s25+$0x8BA0];
	v63 =	vmul.f32 v45, v45;
	v36 =	vadd.f32 v60, v57;
	v57 =	vmul.f32 v43, v43  }
0x177: {  	v31 =	vld [tilespmem:s25+$0x7E0];
	v38 =	vadd.f32 v38, v47;
	v43 =	vmul.f32 v43, v49;
	v60 =	vmul.f32 v46, v46  }
0x178: {  	v30 =	vld [tilespmem:s25+$0x7F0];
	v37 =	vadd.f32 v55, v37;
	v51 =	vmul.f32 v48, v48;
	v55 =	vmul.f32 v40, v40  }
0x179: {  	v49 =	vld [tilespmem:s25+$0xBB0];
	v45 =	vmul.f32 v45, v46;
	v41 =	vsel vm2, v41, v36;
	v36 =	vadd.f32 v57, v56  }
0x17a: {  	v47 =	vld [tilespmem:s25+$0xBC0];
	v40 =	vmul.f32 v40, v48;
	v38 =	vadd.f32 v43, v38;
	v37 =	vadd.f32 v58, v37  }
0x17b: {  	v54 =	vld [tilespmem:s25+$0x8BB0];
	v44 =	vmul.f32 v52, v44;
	v43 =	vadd.f32 v51, v60;
	v55 =	vadd.f32 v55, v63  }
0x17c: {  	v56 =	vld [tilespmem:s25+$0xBD0];
	v58 =	vmul.f32 v52, v52;
	v45 =	vadd.f32 $0.0e+00, v45;
	v36 =	vadd.f32 v59, v36  }
0x17d: {  	v57 =	vmul.f32 v31, v31;
	v51 =	vld [tilespmem:s25+$0x8BC0];
	v42 =	vadd.f32 v61, v37;
	v38 =	vadd.f32 v39, v38  }
0x17e: {  	v37 =	vld [tilespmem:s25+$0xBE0];
	v60 =	vadd.f32 v62, v43;
	v61 =	vmul.f32 v49, v49;
	v55 =	vadd.f32 v58, v55  }
0x17f: {  	v59 =	vmul.f32 v32, v32;
	v53 =	vadd.f32 v53, v36;
	v42 =	vadd.f32 v57, v42;
	v36 =	vld [tilespmem:s25+$0xBF0]  }
0x180: {  	v57 =	vmul.f32 v54, v54;
	v43 =	vadd.f32 v61, v60;
	v60 =	vmul.f32 v47, v47;
	v61 =	vld [tilespmem:s25+$0x8BD0]  }
0x181: {  	v40 =	vadd.f32 v40, v45;
	v58 =	vmul.f32 v56, v56;
	v53 =	vadd.f32 v59, v53;
	v59 =	vld [tilespmem:s25+$0x8BE0]  }
0x182: {  	v46 =	vadd.f32 v57, v55;
	v62 =	vmul.f32 v51, v51;
	v43 =	vadd.f32 v60, v43;
	v60 =	vld [tilespmem:s25+$0x87F0]  }
0x183: {  	v40 =	vadd.f32 v44, v40;
	v55 =	vperm.xlane v8, v1;
	v63 =	vmul.f32 v37, v37  }
0x184: {  	v57 =	vld [tilespmem:s25+$0x8BF0];
	v46 =	vadd.f32 v62, v46;
	v43 =	vadd.f32 v58, v43;
	v58 =	vmul.f32 v30, v30  }
0x185: {  	v8 =	vadd.f32 v55, v8;
	v55 =	vperm.xlane v15, v1;
	v62 =	vmul.f32 v61, v61  }
0x186: {  	v43 =	vadd.f32 v63, v43;
	v63 =	vmul.f32 v36, v36;
	v42 =	vadd.f32 v58, v42  }
0x187: {  	v58 =	vmul.f32 v59, v59;
	v46 =	vadd.f32 v62, v46;
	v62 =	vmul.f32 v60, v60  }
0x188: {  	v15 =	vadd.f32 v55, v15;
	v43 =	vadd.f32 v63, v43;
	v52 =	vperm.xlane v42, v0  }
0x189: {  	v63 =	vmul.f32 v57, v57;
	v46 =	vadd.f32 v58, v46;
	v45 =	vadd.f32 v62, v53  }
0x18a: {  	v53 =	vperm.xlane v6, v1;
	v58 =	vperm.xlane v43, v0;
	v42 =	vadd.f32 v52, v42  }
0x18b: {  	v62 =	vadd.f32 v63, v46;
	v63 =	vmul.f32 v54, v49;
	v52 =	vperm.xlane v45, v0  }
0x18c: {  	v54 =	vperm.xlane v19, v1;
	v6 =	vadd.f32 v53, v6;
	v46 =	vperm.xlane v27, v1  }
0x18d: {  	v49 =	vperm.xlane v35, v1;
	v43 =	vadd.f32 v58, v43;
	v58 =	vperm.xlane v22, v1  }
0x18e: {  	v48 =	vperm.xlane v62, v0;
	v40 =	vadd.f32 v63, v40;
	v39 =	vadd.f32 v52, v45  }
0x18f: {  	v19 =	vadd.f32 v54, v19;
	v63 =	vperm.xlane v24, v1;
	v45 =	vperm.xlane v11, v1  }
0x190: {  	v50 =	vadd.f32 v46, v27;
	v52 =	vperm.xlane v14, v1;
	v53 =	vadd.f32 v49, v35  }
0x191: {  	v54 =	vperm.xlane v41, v1;
	v42 =	vsel vm2, v42, v43;
	v22 =	vadd.f32 v58, v22  }
0x192: {  	v44 =	vadd.f32 v48, v62;
	v62 =	vperm.xlane v9, v1;
	v6 =	vsel vm0, v6, v19  }
0x193: {  	v48 =	vperm.xlane v12, v1;
	v11 =	vadd.f32 v45, v11;
	v14 =	vadd.f32 v52, v14  }
0x194: {  	v58 =	vperm.xlane v42, v1;
	v27 =	vadd.f32 v54, v41;
	v9 =	vadd.f32 v62, v9  }
0x195: {  	v39 =	vsel vm2, v39, v44;
	v44 =	vadd.f32 v63, v24;
	v12 =	vadd.f32 v48, v12  }
0x196: {  	v62 =	vperm.xlane v18, v1;
	v11 =	vsel vm0, v11, v50;
	v35 =	vadd.f32 v58, v42  }
0x197: {  	v14 =	vsel vm0, v14, v27;
	v42 =	vperm.xlane v6, v2;
	v63 =	vperm.xlane v39, v1  }
0x198: {  	v8 =	vsel vm0, v8, v22;
	v45 =	vperm.xlane v14, v2;
	v49 =	vperm.xlane v11, v2  }
0x199: {  	v9 =	vsel vm0, v9, v44;
	v12 =	vsel vm0, v12, v53;
	v18 =	vadd.f32 v62, v18  }
0x19a: {  	v15 =	vsel vm0, v15, v35;
	v44 =	vperm.xlane v8, v2;
	v41 =	vadd.f32 v63, v39  }
0x19b: {  	v6 =	vadd.f32 v42, v6;
	v43 =	vperm.xlane v12, v2;
	v46 =	vperm.xlane v9, v2  }
0x19c: {  	v48 =	vperm.xlane v15, v2;
	v14 =	vadd.f32 v45, v14;
	v18 =	vsel vm0, v18, v41  }
0x19d: {  	v8 =	vadd.f32 v44, v8;
	v12 =	vadd.f32 v43, v12;
	v50 =	vperm.xlane v18, v2  }
0x19e: {  	v33 =	vmul.f32 v34, v33;
	v9 =	vadd.f32 v46, v9;
	v15 =	vadd.f32 v48, v15  }
0x19f: {  	v36 =	vmul.f32 v57, v36;
	v11 =	vadd.f32 v49, v11;
	v18 =	vadd.f32 v50, v18  }
0x1a0: {  	v8 =	vsel vm1, v8, v14;
	v6 =	vsel vm1, v6, v12;
	v9 =	vsel vm1, v9, v15  }
0x1a1: {  	v55 =	vperm.xlane v8, v3;
	v12 =	vperm.xlane v6, v3;
	v11 =	vsel vm1, v11, v18  }
0x1a2: {  	v16 =	vsel vm2, v16, v17;
	v53 =	vperm.xlane v9, v3;
	v58 =	vperm.xlane v11, v3  }
0x1a3: {  	v52 =	vmul.f32 v51, v47;
	v8 =	vadd.f32 v55, v8;
	v6 =	vadd.f32 v12, v6  }
0x1a4: {  	v47 =	vperm.xlane v16, v1;
	v9 =	vadd.f32 v53, v9;
	v11 =	vadd.f32 v58, v11  }
0x1a5: {  	v51 =	vperm.xlane v10, v1;
	v54 =	vadd.f32 v52, v40;
	v27 =	vmul.f32 v32, v31  }
0x1a6: {  	v31 =	vmul.f32 v59, v37;
	v6 =	vsel vm3, v6, v9;
	v8 =	vsel vm3, v8, v11  }
0x1a7: {  	v24 =	vadd.f32 v33, v38;
	v33 =	vmul.f32 v26, v25;
	v6 =	vmul.f32 v8, v6  }
0x1a8: {  	v32 =	vadd.f32 v28, v29;
	v40 =	vperm.xlane v23, v0;
	v62 =	vmul.f32 v61, v56  }
0x1a9: {  	v10 =	vadd.f32 v51, v10;
	v37 =	vshra.s32 v6, $0x1;
	v38 =	vmul.f32 $5.000000000e-01, v6  }
0x1aa: {  	v35 =	vmul.f32 v60, v30;
	v15 =	vadd.f32 v62, v54;
	v39 =	vsub.s32 $0x5F3759DF, v37  }
0x1ab: {  	v34 =	vadd.f32 v27, v24;
	v63 =	vperm.xlane v20, v0;
	v41 =	vmul.f32 v39, v38  }
0x1ac: {  	v49 =	vadd.f32 v47, v16;
	v46 =	vperm.xlane v5, v1;
	v15 =	vadd.f32 v31, v15  }
0x1ad: {  	v14 =	vadd.f32 v40, v23;
	v9 =	vadd.f32 v33, v32;
	v18 =	vmul.f32 v39, v41  }
0x1ae: {  	v48 =	vperm.xlane v7, v1;
	v15 =	vadd.f32 v36, v15;
	v8 =	vadd.f32 v35, v34  }
0x1af: {  	v5 =	vadd.f32 v46, v5;
	v42 =	vperm.xlane v9, v0;
	v45 =	vsub.f32 $1.500000000e+00, v18  }
0x1b0: {  	v12 =	vadd.f32 v63, v20;
	v44 =	vperm.xlane v15, v0;
	v43 =	vperm.xlane v8, v0  }
0x1b1: {  	v7 =	vadd.f32 v48, v7;
	v9 =	vadd.f32 v42, v9;
	v11 =	vmul.f32 v39, v45  }
0x1b2: {  	v12 =	vsel vm2, v21, v12;
	v15 =	vadd.f32 v44, v15;
	v8 =	vadd.f32 v43, v8  }
0x1b3: {  	v50 =	vperm.xlane v12, v1;
	v9 =	vsel vm2, v14, v9;
	v17 =	vmul.f32 v11, v38  }
0x1b4: {  	v53 =	vperm.xlane v13, v1;
	v52 =	vperm.xlane v9, v1;
	v8 =	vsel vm2, v8, v15  }
0x1b5: {  	v12 =	vadd.f32 v50, v12;
	v54 =	vperm.xlane v8, v1;
	v17 =	vmul.f32 v17, v11  }
0x1b6: {  	v5 =	vsel vm0, v5, v49;
	v13 =	vadd.f32 v53, v13;
	v9 =	vadd.f32 v52, v9  }
0x1b7: {  	v7 =	vsel vm0, v7, v12;
	v8 =	vadd.f32 v54, v8;
	v55 =	vsub.f32 $1.500000000e+00, v17  }
0x1b8: {  	v56 =	vperm.xlane v5, v2;
	v58 =	vperm.xlane v7, v2  }
0x1b9: {  	v9 =	vsel vm0, v10, v9;
	v8 =	vsel vm0, v13, v8;
	v11 =	vmul.f32 v55, v11  }
0x1ba: {  	v57 =	vperm.xlane v9, v2;
	v59 =	vperm.xlane v8, v2  }
0x1bb: {  	v5 =	vadd.f32 v56, v5;
	v7 =	vadd.f32 v58, v7;
	v60 =	vmul.f32 v11, v38  }
0x1bc: {  	v9 =	vadd.f32 v57, v9;
	v8 =	vadd.f32 v59, v8  }
0x1bd: {  	v10 =	vmul.f32 v60, v11  }
0x1be: {  	v5 =	vsel vm1, v5, v9;
	v7 =	vsel vm1, v7, v8  }
0x1bf: {  	v61 =	vperm.xlane v5, v3;
	v62 =	vperm.xlane v7, v3;
	v10 =	vsub.f32 $1.500000000e+00, v10;
	_ =	sdelay $0x1  }
0x1c0: {  	p1 =	por p0, p0;
	v5 =	vadd.f32 v61, v5;
	v7 =	vadd.f32 v62, v7;
	v63 =	vmul.f32 v10, v11  }
.Ltmp0:
0x1c1: {  	vm4 =	vge.f32 v6, $1.000000020e-16;
	(pc) =	sbr.rel @p1 .LBB2_3-.Ltmp0, $4  }
0x1c2: {  	v5 =	vsel vm3, v5, v7;
	v6 =	vnsel vm4, $0x4CBEBC20, v63  }
0x1c3: {  	s30 =	sshll.u32 s21, $0x4;
	v5 =	vmul.f32 v6, v5  }
0x1c4: {  	s21 =	sand.u32 $0x3FFFFFF0, s30  }
0x1c5: {  	p0 =	por $0x0, $0x0;
	[tilespmem:v4+s21+$0x0 ss:$0x1] =	vst.idx.msk $0xffff, v5;
	s21 =	simm.s32 $0x1  }
0x1c6: {  	p0 =	sgt.u32 s3, $0x7  }
0x1c7: {  	s21 =	sshll.u32 @!p0 s3, $0x5  }
0x1c8: {  	s25 =	sadd.s32 @!p0 $0x400, s20;
	s30 =	simm.s32 @!p0 $0x20;
	s26 =	sor.u32 @!p0 $0x100, s21  }
0x1c9: {  	[tilespmem:s25], [sflag:s18] =	stream.indirect.gather @!p0 [hbm4b:s1+s30], $0x80, s26, s30, $0xb8;
	[tilespmem:$0x10600] =	vst v63  }
0x1ca: {  	s3 =	sadd.s32 $0x1, s3;
	s18 =	sadd.s32 @!p0 $0x8400, s20;
	s20 =	sadd.s32 @!p0 $0x300, s21  }
0x1cb: {  	[tilespmem:s18], [sflag:s19] =	stream.indirect.gather @!p0 [hbm4b:s2+s30], $0x80, s20, s30, $0xb8;
	[tilespmem:$0x10600] =	vst v63  }
0x1cc: {  	p0 =	sne.s32 s3, $0x10  }
.Ltmp1:
0x1cd: {  	_ = 	snop;
	(pc) =	sbr.rel @p0 .LBB2_2-.Ltmp1, $1  }
0x1ce: {  	_ =	sdelay $0x3  }
0x1cf: {  	s0 =	sadd.s32 $0x1, s0  }
0x1d0: {  	p0 =	sne.s32 s0, s14  }
.Ltmp2:
0x1d1: {  	s3 =	simm.s32 $0x10400;
	(pc) =	sbr.rel @p0 .LBB2_1-.Ltmp2, $4  }
0x1d2: {  	[hbm4b:s13+s4] =	stream.linear.scatter [tilespmem:s3], [sflag:$0x15], $0x200, $0x38;
	[tilespmem:$0x10600] =	vst v63  }
0x1d3: {  	_ =	swait.ge [sflag:s31], $0x200  }
0x1d4: {  	[sflag:s31] =	ssyncset.done $0x0  }
0x1d5: {  	[sflag:s31] =	ssyncadd.s32 $0xFFFFFE00  }
0x1d6: {  	_ =	sfence.sel $0x180000  }
0x1d7: {  	[bflag:$0x0] =	sbarrier.arrive $0xFFFF  }
0x1d8: {  	_ =	strace $0x90000047  }
0x1d9: {  	s0 =	stileid.u32;
	[bflag:$0x2] =	sbarrier.arrive $0xFFFF  }
0x1da: {  	p0 =	sne.s32 s0, $0x0;
	s0 =	rddreg [dreg:$0x5]  }
0x1db: {  	s0 =	sadd.s32 @!p0 $0x100000, s0  }
0x1dc: {  	[sflag:s0] =	ssyncadd.tile.s32 @!p0 $0x1;
	_ =	shalt  }
.Lfunc_end2:
_tile_overlayer_lowered:
.L_overlay_start_2:
0x1dd: {  	(tag) =	ssettag $0x2  }
0x1de: {  	s0 =	rddreg [dreg:$0x0];
	s2 =	stileid.u32  }
0x1df: {  	s1 =	rddreg [dreg:$0x1];
	p0 =	sne.s32 s2, $0x0  }
0x1e0: {  	s3 =	rddreg [dreg:$0x2];
	[bflag:$0x3] =	sbarrier.arrive $0xFFFF;
	s2 =	simm.s32 @!p0 $0x1C16  }
0x1e1: {  	[timem:s3], [sflag:s2] =	dma.local @!p0 [hbm:s0], s1  }
0x1e2: {  	s0 =	simm.s32 @!p0 $0x16  }
0x1e3: {  	_ =	swait.ge @!p0 [sflag:s0], s1  }
0x1e4: {  	s1 =	ssub.s32 @!p0 $0x0, s1;
	[sflag:s0] =	ssyncset.done @!p0 $0x0  }
0x1e5: {  	[sflag:s0] =	ssyncadd.s32 @!p0 s1  }
0x1e6: {  	[bflag:$0x3] =	sbarrier.arrive $0xFFFF  }
0x1e7: {  	_ =	shalt  }

</sc_bundles>
